<compile_context>
chip_gen: v7x
topology: tpu7x:2x2x1
jax: 0.10.2.dev20260603
libtpu: 0.0.44.dev20260713+nightly
codegen_flags: <defaults>
</compile_context>

<pallas_src>
import functools

import jax
import jax.numpy as jnp
from jax import lax
from jax.experimental import pallas as pl
from jax.experimental.pallas import tpu as pltpu
from jax.experimental.pallas import tpu_sc as plsc

N1, N2, N4, N8, N16 = 500000, 200000, 80000, 30000, 10000
BR = 10000


def _lrelu(x):
    return jnp.where(x >= 0, x, 0.1 * x)



def _bdot(a, b):
    return jnp.dot(a.astype(jnp.bfloat16), b.astype(jnp.bfloat16),
                   preferred_element_type=jnp.float32)


def _mm_stats_body(x_ref, w_ref, b_ref, h_ref, st_ref):
    h = _lrelu(_bdot(x_ref[...], w_ref[...]) + b_ref[...])
    h_ref[...] = h

    @pl.when(pl.program_id(0) == 0)
    def _():
        st_ref[...] = jnp.zeros_like(st_ref)

    st_ref[...] += jnp.stack([jnp.sum(h, axis=0), jnp.sum(h * h, axis=0)])


def _mm_stats(x, w, b):
    n, cin = x.shape
    cout = w.shape[1]
    grid = n // BR
    return pl.pallas_call(
        _mm_stats_body,
        grid=(grid,),
        in_specs=[
            pl.BlockSpec((BR, cin), lambda i: (i, 0)),
            pl.BlockSpec((cin, cout), lambda i: (0, 0)),
            pl.BlockSpec((1, cout), lambda i: (0, 0)),
        ],
        out_specs=[
            pl.BlockSpec((BR, cout), lambda i: (i, 0)),
            pl.BlockSpec((2, cout), lambda i: (0, 0)),
        ],
        out_shape=[
            jax.ShapeDtypeStruct((n, cout), jnp.float32),
            jax.ShapeDtypeStruct((2, cout), jnp.float32),
        ],
    )(x, w, b)


def _mm_affine_body(x_ref, s_ref, t_ref, w_ref, b_ref, o_ref):
    hb = x_ref[...] * s_ref[...] + t_ref[...]
    o_ref[...] = _lrelu(_bdot(hb, w_ref[...]) + b_ref[...])


def _mm_affine(x, s, t, w, b):
    n, cin = x.shape
    cout = w.shape[1]
    return pl.pallas_call(
        _mm_affine_body,
        grid=(n // BR,),
        in_specs=[
            pl.BlockSpec((BR, cin), lambda i: (i, 0)),
            pl.BlockSpec((1, cin), lambda i: (0, 0)),
            pl.BlockSpec((1, cin), lambda i: (0, 0)),
            pl.BlockSpec((cin, cout), lambda i: (0, 0)),
            pl.BlockSpec((1, cout), lambda i: (0, 0)),
        ],
        out_specs=pl.BlockSpec((BR, cout), lambda i: (i, 0)),
        out_shape=jax.ShapeDtypeStruct((n, cout), jnp.float32),
    )(x, s, t, w, b)


def _dec_body(cur_ref, last_ref, mw_ref, mb_ref, dw1_ref, dw2_ref, db_ref,
              f_ref, st_ref):
    skip = _lrelu(_bdot(cur_ref[...], mw_ref[...]) + mb_ref[...])
    f = (_bdot(skip, dw1_ref[...]) + _bdot(last_ref[...], dw2_ref[...])
         + db_ref[...])
    f_ref[...] = f

    @pl.when(pl.program_id(0) == 0)
    def _():
        st_ref[...] = jnp.zeros_like(st_ref)

    st_ref[...] += jnp.stack([jnp.sum(f, axis=0), jnp.sum(f * f, axis=0)])


def _dec_mm(cur, last, mw, mb, dw1, dw2, db):
    n = cur.shape[0]
    c = 64
    return pl.pallas_call(
        _dec_body,
        grid=(n // BR,),
        in_specs=[
            pl.BlockSpec((BR, c), lambda i: (i, 0)),
            pl.BlockSpec((BR, c), lambda i: (i, 0)),
            pl.BlockSpec((c, c), lambda i: (0, 0)),
            pl.BlockSpec((1, c), lambda i: (0, 0)),
            pl.BlockSpec((c, c), lambda i: (0, 0)),
            pl.BlockSpec((c, c), lambda i: (0, 0)),
            pl.BlockSpec((1, c), lambda i: (0, 0)),
        ],
        out_specs=[
            pl.BlockSpec((BR, c), lambda i: (i, 0)),
            pl.BlockSpec((2, c), lambda i: (0, 0)),
        ],
        out_shape=[
            jax.ShapeDtypeStruct((n, c), jnp.float32),
            jax.ShapeDtypeStruct((2, c), jnp.float32),
        ],
    )(cur, last, mw, mb, dw1, dw2, db)


def _affine_body(f_ref, s_ref, t_ref, o_ref):
    o_ref[...] = _lrelu(f_ref[...] * s_ref[...] + t_ref[...])


def _affine(f, s, t):
    n, c = f.shape
    return pl.pallas_call(
        _affine_body,
        grid=(n // BR,),
        in_specs=[
            pl.BlockSpec((BR, c), lambda i: (i, 0)),
            pl.BlockSpec((1, c), lambda i: (0, 0)),
            pl.BlockSpec((1, c), lambda i: (0, 0)),
        ],
        out_specs=pl.BlockSpec((BR, c), lambda i: (i, 0)),
        out_shape=jax.ShapeDtypeStruct((n, c), jnp.float32),
    )(f, s, t)


def _bn_scale_shift(st, n, g, be):
    mean = st[0] / n
    var = st[1] / n - mean * mean
    s = g * lax.rsqrt(var + 1e-5)
    t = be - mean * s
    return s, t



_NW = 32
_CB = 2000
_GS = 1000


def _gather(table, idx):
    b = idx.shape[0]
    v = table.shape[0]
    nblocks = b // _CB

    @functools.partial(
        pl.kernel,
        mesh=plsc.VectorSubcoreMesh(core_axis_name="c", subcore_axis_name="s"),
        compiler_params=pltpu.CompilerParams(use_tc_tiling_on_sc=False),
        out_type=jax.ShapeDtypeStruct((b, 64), jnp.float32),
        scratch_types=[
            pltpu.VMEM((_CB,), jnp.int32),
            pltpu.VMEM((_GS, 64), jnp.float32),
            pltpu.SemaphoreType.DMA,
        ],
    )
    def k(table_hbm, idx_hbm, out_hbm, idx_v, rows_v, sem):
        wid = lax.axis_index("s") * 2 + lax.axis_index("c")

        def block_body(t, _):
            j = wid + t * _NW
            base = pl.multiple_of(j * _CB, 8)
            pltpu.sync_copy(idx_hbm.at[pl.ds(base, _CB)], idx_v)

            def sub(s, __):
                pltpu.async_copy(
                    table_hbm.at[idx_v.at[pl.ds(pl.multiple_of(s * _GS, 8), _GS)]], rows_v,
                    sem).wait()
                pltpu.sync_copy(rows_v,
                                out_hbm.at[pl.ds(base + s * _GS, _GS)])
                return __

            return lax.fori_loop(0, _CB // _GS, sub, _)

        nj = (nblocks - wid + _NW - 1) // _NW
        lax.fori_loop(0, nj, block_body, 0)

    return k(table, idx)


def _segmax(x, idx, num):
    o = jax.ops.segment_max(x, idx, num_segments=num)
    return jnp.where(jnp.isfinite(o), o, 0.0)



def _enc(x, w1, b1, g, be, w2, b2):
    n = x.shape[0]
    h, st = _mm_stats(x, w1, b1.reshape(1, -1))
    s, t = _bn_scale_shift(st, n, g, be)
    return _mm_affine(h, s.reshape(1, -1), t.reshape(1, -1), w2,
                      b2.reshape(1, -1))


def _ur(cur, last, mw, mb, dw, db, g, be):
    n = cur.shape[0]
    f, st = _dec_mm(cur, last, mw, mb.reshape(1, -1), dw[:64], dw[64:],
                    db.reshape(1, -1))
    s, t = _bn_scale_shift(st, n, g, be)
    return _affine(f, s.reshape(1, -1), t.reshape(1, -1))


def kernel(pt_fea, coors_inv_2, coors_inv_4, coors_inv_8, coors_inv_16,
           enc0_W1, encW1, encB1, encG, encBe, encW2, encB2,
           mlpW, mlpB, decW, decB, decG, decBe):
    p1 = _enc(pt_fea, enc0_W1, encB1[0], encG[0], encBe[0], encW2[0], encB2[0])
    o = _segmax(p1, coors_inv_2, N2)
    p2 = _enc(o, encW1[0], encB1[1], encG[1], encBe[1], encW2[1], encB2[1])
    o = _segmax(p2, coors_inv_4, N4)
    p3 = _enc(o, encW1[1], encB1[2], encG[2], encBe[2], encW2[2], encB2[2])
    o = _segmax(p3, coors_inv_8, N8)
    p4 = _enc(o, encW1[2], encB1[3], encG[3], encBe[3], encW2[3], encB2[3])
    o = _segmax(p4, coors_inv_16, N16)
    p5 = _enc(o, encW1[3], encB1[4], encG[4], encBe[4], encW2[4], encB2[4])
    p5f = _ur(p5, p5, mlpW[0], mlpB[0], decW[0], decB[0], decG[0], decBe[0])
    o = _gather(p5f, coors_inv_16)
    p4f = _ur(p4, o, mlpW[1], mlpB[1], decW[1], decB[1], decG[1], decBe[1])
    o = _gather(p4f, coors_inv_8)
    p3f = _ur(p3, o, mlpW[2], mlpB[2], decW[2], decB[2], decG[2], decBe[2])
    o = _gather(p3f, coors_inv_4)
    p2f = _ur(p2, o, mlpW[3], mlpB[3], decW[3], decB[3], decG[3], decBe[3])
    o = _gather(p2f, coors_inv_2)
    p1f = _ur(p1, o, mlpW[4], mlpB[4], decW[4], decB[4], decG[4], decBe[4])
    return (p1f, p2f, p3f, p4f, p5f)

# --- scband reference (transcript-rebuilt; emitter-appended) ---
"""Pipeline reference for scband-peblock-27771258536250 (READ-ONLY COPY).

The authoritative reference and input builder live on the scoring server;
editing this copy changes nothing except your own understanding.
"""

import jax, jax.numpy as jnp
import numpy as np

N, N2, N4, N8, N16 = 500000, 200000, 80000, 30000, 10000
IN_CH = 16

def _lrelu(x):
    return jnp.where(x >= 0, x, 0.1 * x)

def _bn(x, g, b):
    m = jnp.mean(x, axis=0)
    v = jnp.var(x, axis=0)
    return (x - m) * jax.lax.rsqrt(v + 1e-5) * g + b

def _segmax(x, idx, num):
    o = jax.ops.segment_max(x, idx, num_segments=num)
    return jnp.where(jnp.isfinite(o), o, 0.0)

def _enc(x, W1, b1, g, be, W2, b2):
    h = _lrelu(x @ W1 + b1)
    h = _bn(h, g, be)
    return _lrelu(h @ W2 + b2)

def _ur(cur, last, mW, mB, dW, dB, dG, dBe):
    skip = _lrelu(cur @ mW + mB)
    f = jnp.concatenate([skip, last], axis=1)
    f = f @ dW + dB
    return _lrelu(_bn(f, dG, dBe))

def setup_inputs(seed: int = 0):
    key = jax.random.key(seed)
    ks = jax.random.split(key, 12)
    s = 0.05
    inp = {}
    inp["pt_fea"] = jax.random.normal(ks[0], (N, IN_CH), dtype=jnp.float32)
    inp["coors_inv_2"] = jax.random.randint(ks[1], (N,), 0, N2, dtype=jnp.int32)
    inp["coors_inv_4"] = jax.random.randint(ks[2], (N2,), 0, N4, dtype=jnp.int32)
    inp["coors_inv_8"] = jax.random.randint(ks[3], (N4,), 0, N8, dtype=jnp.int32)
    inp["coors_inv_16"] = jax.random.randint(ks[4], (N8,), 0, N16, dtype=jnp.int32)
    inp["enc0_W1"] = jax.random.normal(ks[5], (IN_CH, 32), dtype=jnp.float32) * s
    inp["encW1"] = jax.random.normal(ks[6], (4, 64, 32), dtype=jnp.float32) * s
    inp["encB1"] = jnp.zeros((5, 32), jnp.float32)
    inp["encG"] = jnp.ones((5, 32), jnp.float32)
    inp["encBe"] = jnp.zeros((5, 32), jnp.float32)
    inp["encW2"] = jax.random.normal(ks[7], (5, 32, 64), dtype=jnp.float32) * s
    inp["encB2"] = jnp.zeros((5, 64), jnp.float32)
    inp["mlpW"] = jax.random.normal(ks[8], (5, 64, 64), dtype=jnp.float32) * s
    inp["mlpB"] = jnp.zeros((5, 64), jnp.float32)
    inp["decW"] = jax.random.normal(ks[9], (5, 128, 64), dtype=jnp.float32) * s
    inp["decB"] = jnp.zeros((5, 64), jnp.float32)
    inp["decG"] = jnp.ones((5, 64), jnp.float32)
    inp["decBe"] = jnp.zeros((5, 64), jnp.float32)
    return inp

def reference(pt_fea, coors_inv_2, coors_inv_4, coors_inv_8, coors_inv_16, enc0_W1, encW1, encB1, encG, encBe, encW2, encB2, mlpW, mlpB, decW, decB, decG, decBe):
    p1 = _enc(pt_fea, enc0_W1, encB1[0], encG[0], encBe[0], encW2[0], encB2[0])
    o = _segmax(p1, coors_inv_2, N2)
    p2 = _enc(o, encW1[0], encB1[1], encG[1], encBe[1], encW2[1], encB2[1])
    o = _segmax(p2, coors_inv_4, N4)
    p3 = _enc(o, encW1[1], encB1[2], encG[2], encBe[2], encW2[2], encB2[2])
    o = _segmax(p3, coors_inv_8, N8)
    p4 = _enc(o, encW1[2], encB1[3], encG[3], encBe[3], encW2[3], encB2[3])
    o = _segmax(p4, coors_inv_16, N16)
    p5 = _enc(o, encW1[3], encB1[4], encG[4], encBe[4], encW2[4], encB2[4])
    p5f = _ur(p5, p5, mlpW[0], mlpB[0], decW[0], decB[0], decG[0], decBe[0])
    o = p5f[coors_inv_16]
    p4f = _ur(p4, o, mlpW[1], mlpB[1], decW[1], decB[1], decG[1], decBe[1])
    o = p4f[coors_inv_8]
    p3f = _ur(p3, o, mlpW[2], mlpB[2], decW[2], decB[2], decG[2], decBe[2])
    o = p3f[coors_inv_4]
    p2f = _ur(p2, o, mlpW[3], mlpB[3], decW[3], decB[3], decG[3], decBe[3])
    o = p2f[coors_inv_2]
    p1f = _ur(p1, o, mlpW[4], mlpB[4], decW[4], decB[4], decG[4], decBe[4])
    return (p1f, p2f, p3f, p4f, p5f)

if __name__ == "__main__":
    import jax
    _d = setup_inputs()
    print(jax.jit(kernel)(*tuple(_d.values())))

</pallas_src>

<mosaic_0001>
#map = affine_map<(d0, d1) -> (0, 0)>
#map1 = affine_map<(d0, d1) -> (0)>
module attributes {stable_mosaic.version = 14 : i64} {
  func.func @k(%arg0: i32, %arg1: i32, %arg2: memref<10000x64xf32, #tpu.memory_space<hbm>>, %arg3: memref<30000xi32, #tpu.memory_space<hbm>>, %arg4: memref<30000x64xf32, #tpu.memory_space<hbm>>, %arg5: memref<2000xi32, #tpu.memory_space<vmem>>, %arg6: memref<1000x64xf32, #tpu.memory_space<vmem>>, %arg7: memref<!tpu.dma_semaphore, #tpu.memory_space<semaphore_mem>>) attributes {dimension_semantics = [#tpu.dimension_semantics<core_parallel>, #tpu.dimension_semantics<subcore_parallel>], iteration_bounds = array<i64: 2, 16>, scalar_prefetch = 0 : i64, scratch_operands = 3 : i64, tpu.core_type = #tpu.core_type<sc_vector_subcore>, window_params = [{transform_indices = #map}, {transform_indices = #map1}, {transform_indices = #map}]} {
    %mul3A = arith.constant 2 : i32
    %mul3A_0 = arith.muli %arg1, %mul3A : i32
    %add3A = arith.addi %mul3A_0, %arg0 : i32
    %sub3A = arith.constant 15 : i32
    %sub3A_1 = arith.subi %sub3A, %add3A : i32
    %add3A_2 = arith.constant 32 : i32
    %add3A_3 = arith.addi %sub3A_1, %add3A_2 : i32
    %sub3A_4 = arith.constant 1 : i32
    %sub3A_5 = arith.subi %add3A_3, %sub3A_4 : i32
    %jit3A = arith.constant 32 : i32
    %div3A = arith.divsi %sub3A_5, %jit3A : i32
    %sign3A = arith.constant 0 : i32
    %sign3A_6 = arith.cmpi sgt, %sub3A_5, %sign3A : i32
    %sign3A_7 = arith.extui %sign3A_6 : i1 to i32
    %sign3A_8 = arith.constant 0 : i32
    %sign3A_9 = arith.cmpi slt, %sub3A_5, %sign3A_8 : i32
    %sign3A_10 = arith.extui %sign3A_9 : i1 to i32
    %sign3A_11 = arith.subi %sign3A_7, %sign3A_10 : i32
    %sign3A_12 = arith.constant 0 : i32
    %sign3A_13 = arith.cmpi sgt, %jit3A, %sign3A_12 : i32
    %sign3A_14 = arith.extui %sign3A_13 : i1 to i32
    %sign3A_15 = arith.constant 0 : i32
    %sign3A_16 = arith.cmpi slt, %jit3A, %sign3A_15 : i32
    %sign3A_17 = arith.extui %sign3A_16 : i1 to i32
    %sign3A_18 = arith.subi %sign3A_14, %sign3A_17 : i32
    %ne3A = arith.cmpi ne, %sign3A_11, %sign3A_18 : i32
    %rem3A = arith.remsi %sub3A_5, %jit3A : i32
    %ne3A_19 = arith.constant 0 : i32
    %ne3A_20 = arith.cmpi ne, %rem3A, %ne3A_19 : i32
    %and3A = arith.andi %ne3A, %ne3A_20 : i1
    %sub3A_21 = arith.constant 1 : i32
    %sub3A_22 = arith.subi %div3A, %sub3A_21 : i32
    %select_n3A = arith.select %and3A, %sub3A_22, %div3A : i32
    %while3A = arith.constant 0 : i32
    %while3A_23 = arith.constant 0 : i32
    %while3A_24 = arith.subi %select_n3A, %while3A_23 : i32
    %while3A_25 = arith.addi %while3A_23, %while3A_24 : i32
    %while3A_26 = arith.constant 1 : i32
    %while3A_27 = arith.divsi %while3A_24, %while3A_26 : i32
    %while3A_28 = arith.muli %while3A_27, %while3A_26 : i32
    %while3A_29 = arith.addi %while3A_23, %while3A_28 : i32
    %while3A_30 = arith.constant 1 : i32
    scf.for %while3A_32 = %while3A_23 to %while3A_29 step %while3A_30  : i32 {
      %mul3A_33 = arith.constant 32 : i32
      %mul3A_34 = arith.muli %while3A_32, %mul3A_33 : i32
      %add3A_35 = arith.addi %add3A, %mul3A_34 : i32
      %mul3A_36 = arith.constant 2000 : i32
      %mul3A_37 = arith.muli %add3A_35, %mul3A_36 : i32
      %multiple_of3A = tpu.assume_multiple %mul3A_37, 8 : i32
      "tpu.region"() ({
        %run_scoped3A = tpu.sem_alloc : memref<!tpu.dma_semaphore, #tpu.memory_space<semaphore_mem>>
        %dma_start3A = tpu.memref_slice %arg3[%multiple_of3A] : memref<30000xi32, #tpu.memory_space<hbm>> -> memref<2000xi32, #tpu.memory_space<hbm>>
        %dma_start3A_42 = tpu.memref_slice %arg3[%multiple_of3A] : memref<30000xi32, #tpu.memory_space<hbm>> -> memref<2000xi32, #tpu.memory_space<hbm>>
        tpu.enqueue_dma source(%dma_start3A_42 : memref<2000xi32, #tpu.memory_space<hbm>>) target(%arg5 : memref<2000xi32, #tpu.memory_space<vmem>>) target_semaphore(%run_scoped3A : memref<!tpu.dma_semaphore, #tpu.memory_space<semaphore_mem>>)
        %dma_wait3A = tpu.memref_slice %arg3[%multiple_of3A] : memref<30000xi32, #tpu.memory_space<hbm>> -> memref<2000xi32, #tpu.memory_space<hbm>>
        %dma_wait3A_43 = tpu.memref_slice %arg3[%multiple_of3A] : memref<30000xi32, #tpu.memory_space<hbm>> -> memref<2000xi32, #tpu.memory_space<hbm>>
        tpu.wait_dma2 semaphore(%run_scoped3A : memref<!tpu.dma_semaphore, #tpu.memory_space<semaphore_mem>>) src(%dma_wait3A_43 : memref<2000xi32, #tpu.memory_space<hbm>>) dst(%arg5 : memref<2000xi32, #tpu.memory_space<vmem>>)
        tpu.yield
      }) : () -> ()
      %scan3A = arith.constant 0 : i32
      %scan3A_38 = arith.constant 2 : i32
      %scan3A_39 = arith.addi %scan3A, %scan3A_38 : i32
      %scan3A_40 = arith.constant 1 : i32
      scf.for %scan3A_42 = %scan3A to %scan3A_39 step %scan3A_40  : i32 {
        %mul3A_43 = arith.constant 1000 : i32
        %mul3A_44 = arith.muli %scan3A_42, %mul3A_43 : i32
        %multiple_of3A_45 = tpu.assume_multiple %mul3A_44, 8 : i32
        %dma_start3A = tpu.memref_slice %arg5[%multiple_of3A_45] : memref<2000xi32, #tpu.memory_space<vmem>> -> memref<1000xi32, #tpu.memory_space<vmem>>
        %dma_start3A_46 = arith.constant 0 : i32
        %dma_start3A_47 = arith.constant 0 : i32
        %dma_start3A_48 = tpu.memref_slice %arg2[%dma_start3A_46, %dma_start3A_47] : memref<10000x64xf32, #tpu.memory_space<hbm>> -> memref<10000x64xf32, #tpu.memory_space<hbm>>
        tpu.enqueue_indirect_dma source(%dma_start3A_48 : memref<10000x64xf32, #tpu.memory_space<hbm>>) target(%arg6 : memref<1000x64xf32, #tpu.memory_space<vmem>>) offsets(%dma_start3A : memref<1000xi32, #tpu.memory_space<vmem>>) semaphore(%arg7 : memref<!tpu.dma_semaphore, #tpu.memory_space<semaphore_mem>>)
        %dma_wait3A = tpu.memref_slice %arg5[%multiple_of3A_45] : memref<2000xi32, #tpu.memory_space<vmem>> -> memref<1000xi32, #tpu.memory_space<vmem>>
        %dma_wait3A_49 = arith.constant 0 : i32
        %dma_wait3A_50 = arith.constant 0 : i32
        %dma_wait3A_51 = tpu.memref_slice %arg2[%dma_wait3A_49, %dma_wait3A_50] : memref<10000x64xf32, #tpu.memory_space<hbm>> -> memref<10000x64xf32, #tpu.memory_space<hbm>>
        tpu.wait_indirect_dma semaphore(%arg7 : memref<!tpu.dma_semaphore, #tpu.memory_space<semaphore_mem>>) src(%dma_wait3A_51 : memref<10000x64xf32, #tpu.memory_space<hbm>>) dst(%arg6 : memref<1000x64xf32, #tpu.memory_space<vmem>>)
        %mul3A_52 = arith.constant 1000 : i32
        %mul3A_53 = arith.muli %scan3A_42, %mul3A_52 : i32
        %add3A_54 = arith.addi %multiple_of3A, %mul3A_53 : i32
        "tpu.region"() ({
          %run_scoped3A = tpu.sem_alloc : memref<!tpu.dma_semaphore, #tpu.memory_space<semaphore_mem>>
          %dma_start3A_55 = arith.constant 0 : i32
          %dma_start3A_56 = tpu.memref_slice %arg4[%add3A_54, %dma_start3A_55] : memref<30000x64xf32, #tpu.memory_space<hbm>> -> memref<1000x64xf32, #tpu.memory_space<hbm>>
          %dma_start3A_57 = arith.constant 0 : i32
          %dma_start3A_58 = tpu.memref_slice %arg4[%add3A_54, %dma_start3A_57] : memref<30000x64xf32, #tpu.memory_space<hbm>> -> memref<1000x64xf32, #tpu.memory_space<hbm>>
          tpu.enqueue_dma source(%arg6 : memref<1000x64xf32, #tpu.memory_space<vmem>>) target(%dma_start3A_58 : memref<1000x64xf32, #tpu.memory_space<hbm>>) target_semaphore(%run_scoped3A : memref<!tpu.dma_semaphore, #tpu.memory_space<semaphore_mem>>)
          %dma_wait3A_59 = arith.constant 0 : i32
          %dma_wait3A_60 = tpu.memref_slice %arg4[%add3A_54, %dma_wait3A_59] : memref<30000x64xf32, #tpu.memory_space<hbm>> -> memref<1000x64xf32, #tpu.memory_space<hbm>>
          %dma_wait3A_61 = arith.constant 0 : i32
          %dma_wait3A_62 = tpu.memref_slice %arg4[%add3A_54, %dma_wait3A_61] : memref<30000x64xf32, #tpu.memory_space<hbm>> -> memref<1000x64xf32, #tpu.memory_space<hbm>>
          tpu.wait_dma2 semaphore(%run_scoped3A : memref<!tpu.dma_semaphore, #tpu.memory_space<semaphore_mem>>) src(%arg6 : memref<1000x64xf32, #tpu.memory_space<vmem>>) dst(%dma_wait3A_62 : memref<1000x64xf32, #tpu.memory_space<hbm>>)
          tpu.yield
        }) : () -> ()
      }
      %scan3A_41 = arith.constant 2 : i32
    }
    %while3A_31 = arith.constant 1 : i32
    scf.for %while3A_32 = %while3A_29 to %while3A_25 step %while3A_31  : i32 {
      %mul3A_33 = arith.constant 32 : i32
      %mul3A_34 = arith.muli %while3A_32, %mul3A_33 : i32
      %add3A_35 = arith.addi %add3A, %mul3A_34 : i32
      %mul3A_36 = arith.constant 2000 : i32
      %mul3A_37 = arith.muli %add3A_35, %mul3A_36 : i32
      %multiple_of3A = tpu.assume_multiple %mul3A_37, 8 : i32
      "tpu.region"() ({
        %run_scoped3A = tpu.sem_alloc : memref<!tpu.dma_semaphore, #tpu.memory_space<semaphore_mem>>
        %dma_start3A = tpu.memref_slice %arg3[%multiple_of3A] : memref<30000xi32, #tpu.memory_space<hbm>> -> memref<2000xi32, #tpu.memory_space<hbm>>
        %dma_start3A_42 = tpu.memref_slice %arg3[%multiple_of3A] : memref<30000xi32, #tpu.memory_space<hbm>> -> memref<2000xi32, #tpu.memory_space<hbm>>
        tpu.enqueue_dma source(%dma_start3A_42 : memref<2000xi32, #tpu.memory_space<hbm>>) target(%arg5 : memref<2000xi32, #tpu.memory_space<vmem>>) target_semaphore(%run_scoped3A : memref<!tpu.dma_semaphore, #tpu.memory_space<semaphore_mem>>)
        %dma_wait3A = tpu.memref_slice %arg3[%multiple_of3A] : memref<30000xi32, #tpu.memory_space<hbm>> -> memref<2000xi32, #tpu.memory_space<hbm>>
        %dma_wait3A_43 = tpu.memref_slice %arg3[%multiple_of3A] : memref<30000xi32, #tpu.memory_space<hbm>> -> memref<2000xi32, #tpu.memory_space<hbm>>
        tpu.wait_dma2 semaphore(%run_scoped3A : memref<!tpu.dma_semaphore, #tpu.memory_space<semaphore_mem>>) src(%dma_wait3A_43 : memref<2000xi32, #tpu.memory_space<hbm>>) dst(%arg5 : memref<2000xi32, #tpu.memory_space<vmem>>)
        tpu.yield
      }) : () -> ()
      %scan3A = arith.constant 0 : i32
      %scan3A_38 = arith.constant 2 : i32
      %scan3A_39 = arith.addi %scan3A, %scan3A_38 : i32
      %scan3A_40 = arith.constant 1 : i32
      scf.for %scan3A_42 = %scan3A to %scan3A_39 step %scan3A_40  : i32 {
        %mul3A_43 = arith.constant 1000 : i32
        %mul3A_44 = arith.muli %scan3A_42, %mul3A_43 : i32
        %multiple_of3A_45 = tpu.assume_multiple %mul3A_44, 8 : i32
        %dma_start3A = tpu.memref_slice %arg5[%multiple_of3A_45] : memref<2000xi32, #tpu.memory_space<vmem>> -> memref<1000xi32, #tpu.memory_space<vmem>>
        %dma_start3A_46 = arith.constant 0 : i32
        %dma_start3A_47 = arith.constant 0 : i32
        %dma_start3A_48 = tpu.memref_slice %arg2[%dma_start3A_46, %dma_start3A_47] : memref<10000x64xf32, #tpu.memory_space<hbm>> -> memref<10000x64xf32, #tpu.memory_space<hbm>>
        tpu.enqueue_indirect_dma source(%dma_start3A_48 : memref<10000x64xf32, #tpu.memory_space<hbm>>) target(%arg6 : memref<1000x64xf32, #tpu.memory_space<vmem>>) offsets(%dma_start3A : memref<1000xi32, #tpu.memory_space<vmem>>) semaphore(%arg7 : memref<!tpu.dma_semaphore, #tpu.memory_space<semaphore_mem>>)
        %dma_wait3A = tpu.memref_slice %arg5[%multiple_of3A_45] : memref<2000xi32, #tpu.memory_space<vmem>> -> memref<1000xi32, #tpu.memory_space<vmem>>
        %dma_wait3A_49 = arith.constant 0 : i32
        %dma_wait3A_50 = arith.constant 0 : i32
        %dma_wait3A_51 = tpu.memref_slice %arg2[%dma_wait3A_49, %dma_wait3A_50] : memref<10000x64xf32, #tpu.memory_space<hbm>> -> memref<10000x64xf32, #tpu.memory_space<hbm>>
        tpu.wait_indirect_dma semaphore(%arg7 : memref<!tpu.dma_semaphore, #tpu.memory_space<semaphore_mem>>) src(%dma_wait3A_51 : memref<10000x64xf32, #tpu.memory_space<hbm>>) dst(%arg6 : memref<1000x64xf32, #tpu.memory_space<vmem>>)
        %mul3A_52 = arith.constant 1000 : i32
        %mul3A_53 = arith.muli %scan3A_42, %mul3A_52 : i32
        %add3A_54 = arith.addi %multiple_of3A, %mul3A_53 : i32
        "tpu.region"() ({
          %run_scoped3A = tpu.sem_alloc : memref<!tpu.dma_semaphore, #tpu.memory_space<semaphore_mem>>
          %dma_start3A_55 = arith.constant 0 : i32
          %dma_start3A_56 = tpu.memref_slice %arg4[%add3A_54, %dma_start3A_55] : memref<30000x64xf32, #tpu.memory_space<hbm>> -> memref<1000x64xf32, #tpu.memory_space<hbm>>
          %dma_start3A_57 = arith.constant 0 : i32
          %dma_start3A_58 = tpu.memref_slice %arg4[%add3A_54, %dma_start3A_57] : memref<30000x64xf32, #tpu.memory_space<hbm>> -> memref<1000x64xf32, #tpu.memory_space<hbm>>
          tpu.enqueue_dma source(%arg6 : memref<1000x64xf32, #tpu.memory_space<vmem>>) target(%dma_start3A_58 : memref<1000x64xf32, #tpu.memory_space<hbm>>) target_semaphore(%run_scoped3A : memref<!tpu.dma_semaphore, #tpu.memory_space<semaphore_mem>>)
          %dma_wait3A_59 = arith.constant 0 : i32
          %dma_wait3A_60 = tpu.memref_slice %arg4[%add3A_54, %dma_wait3A_59] : memref<30000x64xf32, #tpu.memory_space<hbm>> -> memref<1000x64xf32, #tpu.memory_space<hbm>>
          %dma_wait3A_61 = arith.constant 0 : i32
          %dma_wait3A_62 = tpu.memref_slice %arg4[%add3A_54, %dma_wait3A_61] : memref<30000x64xf32, #tpu.memory_space<hbm>> -> memref<1000x64xf32, #tpu.memory_space<hbm>>
          tpu.wait_dma2 semaphore(%run_scoped3A : memref<!tpu.dma_semaphore, #tpu.memory_space<semaphore_mem>>) src(%arg6 : memref<1000x64xf32, #tpu.memory_space<vmem>>) dst(%dma_wait3A_62 : memref<1000x64xf32, #tpu.memory_space<hbm>>)
          tpu.yield
        }) : () -> ()
      }
      %scan3A_41 = arith.constant 2 : i32
    }
    return
  }
}

#map = affine_map<(d0, d1) -> (0, 0)>
#map1 = affine_map<(d0, d1) -> (0)>
module attributes {stable_mosaic.version = 14 : i64} {
  func.func @k(%arg0: i32, %arg1: i32, %arg2: memref<30000x64xf32, #tpu.memory_space<hbm>>, %arg3: memref<80000xi32, #tpu.memory_space<hbm>>, %arg4: memref<80000x64xf32, #tpu.memory_space<hbm>>, %arg5: memref<2000xi32, #tpu.memory_space<vmem>>, %arg6: memref<1000x64xf32, #tpu.memory_space<vmem>>, %arg7: memref<!tpu.dma_semaphore, #tpu.memory_space<semaphore_mem>>) attributes {dimension_semantics = [#tpu.dimension_semantics<core_parallel>, #tpu.dimension_semantics<subcore_parallel>], iteration_bounds = array<i64: 2, 16>, scalar_prefetch = 0 : i64, scratch_operands = 3 : i64, tpu.core_type = #tpu.core_type<sc_vector_subcore>, window_params = [{transform_indices = #map}, {transform_indices = #map1}, {transform_indices = #map}]} {
    %mul3A = arith.constant 2 : i32
    %mul3A_0 = arith.muli %arg1, %mul3A : i32
    %add3A = arith.addi %mul3A_0, %arg0 : i32
    %sub3A = arith.constant 40 : i32
    %sub3A_1 = arith.subi %sub3A, %add3A : i32
    %add3A_2 = arith.constant 32 : i32
    %add3A_3 = arith.addi %sub3A_1, %add3A_2 : i32
    %sub3A_4 = arith.constant 1 : i32
    %sub3A_5 = arith.subi %add3A_3, %sub3A_4 : i32
    %jit3A = arith.constant 32 : i32
    %div3A = arith.divsi %sub3A_5, %jit3A : i32
    %sign3A = arith.constant 0 : i32
    %sign3A_6 = arith.cmpi sgt, %sub3A_5, %sign3A : i32
    %sign3A_7 = arith.extui %sign3A_6 : i1 to i32
    %sign3A_8 = arith.constant 0 : i32
    %sign3A_9 = arith.cmpi slt, %sub3A_5, %sign3A_8 : i32
    %sign3A_10 = arith.extui %sign3A_9 : i1 to i32
    %sign3A_11 = arith.subi %sign3A_7, %sign3A_10 : i32
    %sign3A_12 = arith.constant 0 : i32
    %sign3A_13 = arith.cmpi sgt, %jit3A, %sign3A_12 : i32
    %sign3A_14 = arith.extui %sign3A_13 : i1 to i32
    %sign3A_15 = arith.constant 0 : i32
    %sign3A_16 = arith.cmpi slt, %jit3A, %sign3A_15 : i32
    %sign3A_17 = arith.extui %sign3A_16 : i1 to i32
    %sign3A_18 = arith.subi %sign3A_14, %sign3A_17 : i32
    %ne3A = arith.cmpi ne, %sign3A_11, %sign3A_18 : i32
    %rem3A = arith.remsi %sub3A_5, %jit3A : i32
    %ne3A_19 = arith.constant 0 : i32
    %ne3A_20 = arith.cmpi ne, %rem3A, %ne3A_19 : i32
    %and3A = arith.andi %ne3A, %ne3A_20 : i1
    %sub3A_21 = arith.constant 1 : i32
    %sub3A_22 = arith.subi %div3A, %sub3A_21 : i32
    %select_n3A = arith.select %and3A, %sub3A_22, %div3A : i32
    %while3A = arith.constant 0 : i32
    %while3A_23 = arith.constant 0 : i32
    %while3A_24 = arith.subi %select_n3A, %while3A_23 : i32
    %while3A_25 = arith.addi %while3A_23, %while3A_24 : i32
    %while3A_26 = arith.constant 1 : i32
    %while3A_27 = arith.divsi %while3A_24, %while3A_26 : i32
    %while3A_28 = arith.muli %while3A_27, %while3A_26 : i32
    %while3A_29 = arith.addi %while3A_23, %while3A_28 : i32
    %while3A_30 = arith.constant 1 : i32
    scf.for %while3A_32 = %while3A_23 to %while3A_29 step %while3A_30  : i32 {
      %mul3A_33 = arith.constant 32 : i32
      %mul3A_34 = arith.muli %while3A_32, %mul3A_33 : i32
      %add3A_35 = arith.addi %add3A, %mul3A_34 : i32
      %mul3A_36 = arith.constant 2000 : i32
      %mul3A_37 = arith.muli %add3A_35, %mul3A_36 : i32
      %multiple_of3A = tpu.assume_multiple %mul3A_37, 8 : i32
      "tpu.region"() ({
        %run_scoped3A = tpu.sem_alloc : memref<!tpu.dma_semaphore, #tpu.memory_space<semaphore_mem>>
        %dma_start3A = tpu.memref_slice %arg3[%multiple_of3A] : memref<80000xi32, #tpu.memory_space<hbm>> -> memref<2000xi32, #tpu.memory_space<hbm>>
        %dma_start3A_42 = tpu.memref_slice %arg3[%multiple_of3A] : memref<80000xi32, #tpu.memory_space<hbm>> -> memref<2000xi32, #tpu.memory_space<hbm>>
        tpu.enqueue_dma source(%dma_start3A_42 : memref<2000xi32, #tpu.memory_space<hbm>>) target(%arg5 : memref<2000xi32, #tpu.memory_space<vmem>>) target_semaphore(%run_scoped3A : memref<!tpu.dma_semaphore, #tpu.memory_space<semaphore_mem>>)
        %dma_wait3A = tpu.memref_slice %arg3[%multiple_of3A] : memref<80000xi32, #tpu.memory_space<hbm>> -> memref<2000xi32, #tpu.memory_space<hbm>>
        %dma_wait3A_43 = tpu.memref_slice %arg3[%multiple_of3A] : memref<80000xi32, #tpu.memory_space<hbm>> -> memref<2000xi32, #tpu.memory_space<hbm>>
        tpu.wait_dma2 semaphore(%run_scoped3A : memref<!tpu.dma_semaphore, #tpu.memory_space<semaphore_mem>>) src(%dma_wait3A_43 : memref<2000xi32, #tpu.memory_space<hbm>>) dst(%arg5 : memref<2000xi32, #tpu.memory_space<vmem>>)
        tpu.yield
      }) : () -> ()
      %scan3A = arith.constant 0 : i32
      %scan3A_38 = arith.constant 2 : i32
      %scan3A_39 = arith.addi %scan3A, %scan3A_38 : i32
      %scan3A_40 = arith.constant 1 : i32
      scf.for %scan3A_42 = %scan3A to %scan3A_39 step %scan3A_40  : i32 {
        %mul3A_43 = arith.constant 1000 : i32
        %mul3A_44 = arith.muli %scan3A_42, %mul3A_43 : i32
        %multiple_of3A_45 = tpu.assume_multiple %mul3A_44, 8 : i32
        %dma_start3A = tpu.memref_slice %arg5[%multiple_of3A_45] : memref<2000xi32, #tpu.memory_space<vmem>> -> memref<1000xi32, #tpu.memory_space<vmem>>
        %dma_start3A_46 = arith.constant 0 : i32
        %dma_start3A_47 = arith.constant 0 : i32
        %dma_start3A_48 = tpu.memref_slice %arg2[%dma_start3A_46, %dma_start3A_47] : memref<30000x64xf32, #tpu.memory_space<hbm>> -> memref<30000x64xf32, #tpu.memory_space<hbm>>
        tpu.enqueue_indirect_dma source(%dma_start3A_48 : memref<30000x64xf32, #tpu.memory_space<hbm>>) target(%arg6 : memref<1000x64xf32, #tpu.memory_space<vmem>>) offsets(%dma_start3A : memref<1000xi32, #tpu.memory_space<vmem>>) semaphore(%arg7 : memref<!tpu.dma_semaphore, #tpu.memory_space<semaphore_mem>>)
        %dma_wait3A = tpu.memref_slice %arg5[%multiple_of3A_45] : memref<2000xi32, #tpu.memory_space<vmem>> -> memref<1000xi32, #tpu.memory_space<vmem>>
        %dma_wait3A_49 = arith.constant 0 : i32
        %dma_wait3A_50 = arith.constant 0 : i32
        %dma_wait3A_51 = tpu.memref_slice %arg2[%dma_wait3A_49, %dma_wait3A_50] : memref<30000x64xf32, #tpu.memory_space<hbm>> -> memref<30000x64xf32, #tpu.memory_space<hbm>>
        tpu.wait_indirect_dma semaphore(%arg7 : memref<!tpu.dma_semaphore, #tpu.memory_space<semaphore_mem>>) src(%dma_wait3A_51 : memref<30000x64xf32, #tpu.memory_space<hbm>>) dst(%arg6 : memref<1000x64xf32, #tpu.memory_space<vmem>>)
        %mul3A_52 = arith.constant 1000 : i32
        %mul3A_53 = arith.muli %scan3A_42, %mul3A_52 : i32
        %add3A_54 = arith.addi %multiple_of3A, %mul3A_53 : i32
        "tpu.region"() ({
          %run_scoped3A = tpu.sem_alloc : memref<!tpu.dma_semaphore, #tpu.memory_space<semaphore_mem>>
          %dma_start3A_55 = arith.constant 0 : i32
          %dma_start3A_56 = tpu.memref_slice %arg4[%add3A_54, %dma_start3A_55] : memref<80000x64xf32, #tpu.memory_space<hbm>> -> memref<1000x64xf32, #tpu.memory_space<hbm>>
          %dma_start3A_57 = arith.constant 0 : i32
          %dma_start3A_58 = tpu.memref_slice %arg4[%add3A_54, %dma_start3A_57] : memref<80000x64xf32, #tpu.memory_space<hbm>> -> memref<1000x64xf32, #tpu.memory_space<hbm>>
          tpu.enqueue_dma source(%arg6 : memref<1000x64xf32, #tpu.memory_space<vmem>>) target(%dma_start3A_58 : memref<1000x64xf32, #tpu.memory_space<hbm>>) target_semaphore(%run_scoped3A : memref<!tpu.dma_semaphore, #tpu.memory_space<semaphore_mem>>)
          %dma_wait3A_59 = arith.constant 0 : i32
          %dma_wait3A_60 = tpu.memref_slice %arg4[%add3A_54, %dma_wait3A_59] : memref<80000x64xf32, #tpu.memory_space<hbm>> -> memref<1000x64xf32, #tpu.memory_space<hbm>>
          %dma_wait3A_61 = arith.constant 0 : i32
          %dma_wait3A_62 = tpu.memref_slice %arg4[%add3A_54, %dma_wait3A_61] : memref<80000x64xf32, #tpu.memory_space<hbm>> -> memref<1000x64xf32, #tpu.memory_space<hbm>>
          tpu.wait_dma2 semaphore(%run_scoped3A : memref<!tpu.dma_semaphore, #tpu.memory_space<semaphore_mem>>) src(%arg6 : memref<1000x64xf32, #tpu.memory_space<vmem>>) dst(%dma_wait3A_62 : memref<1000x64xf32, #tpu.memory_space<hbm>>)
          tpu.yield
        }) : () -> ()
      }
      %scan3A_41 = arith.constant 2 : i32
    }
    %while3A_31 = arith.constant 1 : i32
    scf.for %while3A_32 = %while3A_29 to %while3A_25 step %while3A_31  : i32 {
      %mul3A_33 = arith.constant 32 : i32
      %mul3A_34 = arith.muli %while3A_32, %mul3A_33 : i32
      %add3A_35 = arith.addi %add3A, %mul3A_34 : i32
      %mul3A_36 = arith.constant 2000 : i32
      %mul3A_37 = arith.muli %add3A_35, %mul3A_36 : i32
      %multiple_of3A = tpu.assume_multiple %mul3A_37, 8 : i32
      "tpu.region"() ({
        %run_scoped3A = tpu.sem_alloc : memref<!tpu.dma_semaphore, #tpu.memory_space<semaphore_mem>>
        %dma_start3A = tpu.memref_slice %arg3[%multiple_of3A] : memref<80000xi32, #tpu.memory_space<hbm>> -> memref<2000xi32, #tpu.memory_space<hbm>>
        %dma_start3A_42 = tpu.memref_slice %arg3[%multiple_of3A] : memref<80000xi32, #tpu.memory_space<hbm>> -> memref<2000xi32, #tpu.memory_space<hbm>>
        tpu.enqueue_dma source(%dma_start3A_42 : memref<2000xi32, #tpu.memory_space<hbm>>) target(%arg5 : memref<2000xi32, #tpu.memory_space<vmem>>) target_semaphore(%run_scoped3A : memref<!tpu.dma_semaphore, #tpu.memory_space<semaphore_mem>>)
        %dma_wait3A = tpu.memref_slice %arg3[%multiple_of3A] : memref<80000xi32, #tpu.memory_space<hbm>> -> memref<2000xi32, #tpu.memory_space<hbm>>
        %dma_wait3A_43 = tpu.memref_slice %arg3[%multiple_of3A] : memref<80000xi32, #tpu.memory_space<hbm>> -> memref<2000xi32, #tpu.memory_space<hbm>>
        tpu.wait_dma2 semaphore(%run_scoped3A : memref<!tpu.dma_semaphore, #tpu.memory_space<semaphore_mem>>) src(%dma_wait3A_43 : memref<2000xi32, #tpu.memory_space<hbm>>) dst(%arg5 : memref<2000xi32, #tpu.memory_space<vmem>>)
        tpu.yield
      }) : () -> ()
      %scan3A = arith.constant 0 : i32
      %scan3A_38 = arith.constant 2 : i32
      %scan3A_39 = arith.addi %scan3A, %scan3A_38 : i32
      %scan3A_40 = arith.constant 1 : i32
      scf.for %scan3A_42 = %scan3A to %scan3A_39 step %scan3A_40  : i32 {
        %mul3A_43 = arith.constant 1000 : i32
        %mul3A_44 = arith.muli %scan3A_42, %mul3A_43 : i32
        %multiple_of3A_45 = tpu.assume_multiple %mul3A_44, 8 : i32
        %dma_start3A = tpu.memref_slice %arg5[%multiple_of3A_45] : memref<2000xi32, #tpu.memory_space<vmem>> -> memref<1000xi32, #tpu.memory_space<vmem>>
        %dma_start3A_46 = arith.constant 0 : i32
        %dma_start3A_47 = arith.constant 0 : i32
        %dma_start3A_48 = tpu.memref_slice %arg2[%dma_start3A_46, %dma_start3A_47] : memref<30000x64xf32, #tpu.memory_space<hbm>> -> memref<30000x64xf32, #tpu.memory_space<hbm>>
        tpu.enqueue_indirect_dma source(%dma_start3A_48 : memref<30000x64xf32, #tpu.memory_space<hbm>>) target(%arg6 : memref<1000x64xf32, #tpu.memory_space<vmem>>) offsets(%dma_start3A : memref<1000xi32, #tpu.memory_space<vmem>>) semaphore(%arg7 : memref<!tpu.dma_semaphore, #tpu.memory_space<semaphore_mem>>)
        %dma_wait3A = tpu.memref_slice %arg5[%multiple_of3A_45] : memref<2000xi32, #tpu.memory_space<vmem>> -> memref<1000xi32, #tpu.memory_space<vmem>>
        %dma_wait3A_49 = arith.constant 0 : i32
        %dma_wait3A_50 = arith.constant 0 : i32
        %dma_wait3A_51 = tpu.memref_slice %arg2[%dma_wait3A_49, %dma_wait3A_50] : memref<30000x64xf32, #tpu.memory_space<hbm>> -> memref<30000x64xf32, #tpu.memory_space<hbm>>
        tpu.wait_indirect_dma semaphore(%arg7 : memref<!tpu.dma_semaphore, #tpu.memory_space<semaphore_mem>>) src(%dma_wait3A_51 : memref<30000x64xf32, #tpu.memory_space<hbm>>) dst(%arg6 : memref<1000x64xf32, #tpu.memory_space<vmem>>)
        %mul3A_52 = arith.constant 1000 : i32
        %mul3A_53 = arith.muli %scan3A_42, %mul3A_52 : i32
        %add3A_54 = arith.addi %multiple_of3A, %mul3A_53 : i32
        "tpu.region"() ({
          %run_scoped3A = tpu.sem_alloc : memref<!tpu.dma_semaphore, #tpu.memory_space<semaphore_mem>>
          %dma_start3A_55 = arith.constant 0 : i32
          %dma_start3A_56 = tpu.memref_slice %arg4[%add3A_54, %dma_start3A_55] : memref<80000x64xf32, #tpu.memory_space<hbm>> -> memref<1000x64xf32, #tpu.memory_space<hbm>>
          %dma_start3A_57 = arith.constant 0 : i32
          %dma_start3A_58 = tpu.memref_slice %arg4[%add3A_54, %dma_start3A_57] : memref<80000x64xf32, #tpu.memory_space<hbm>> -> memref<1000x64xf32, #tpu.memory_space<hbm>>
          tpu.enqueue_dma source(%arg6 : memref<1000x64xf32, #tpu.memory_space<vmem>>) target(%dma_start3A_58 : memref<1000x64xf32, #tpu.memory_space<hbm>>) target_semaphore(%run_scoped3A : memref<!tpu.dma_semaphore, #tpu.memory_space<semaphore_mem>>)
          %dma_wait3A_59 = arith.constant 0 : i32
          %dma_wait3A_60 = tpu.memref_slice %arg4[%add3A_54, %dma_wait3A_59] : memref<80000x64xf32, #tpu.memory_space<hbm>> -> memref<1000x64xf32, #tpu.memory_space<hbm>>
          %dma_wait3A_61 = arith.constant 0 : i32
          %dma_wait3A_62 = tpu.memref_slice %arg4[%add3A_54, %dma_wait3A_61] : memref<80000x64xf32, #tpu.memory_space<hbm>> -> memref<1000x64xf32, #tpu.memory_space<hbm>>
          tpu.wait_dma2 semaphore(%run_scoped3A : memref<!tpu.dma_semaphore, #tpu.memory_space<semaphore_mem>>) src(%arg6 : memref<1000x64xf32, #tpu.memory_space<vmem>>) dst(%dma_wait3A_62 : memref<1000x64xf32, #tpu.memory_space<hbm>>)
          tpu.yield
        }) : () -> ()
      }
      %scan3A_41 = arith.constant 2 : i32
    }
    return
  }
}

#map = affine_map<(d0, d1) -> (0, 0)>
#map1 = affine_map<(d0, d1) -> (0)>
module attributes {stable_mosaic.version = 14 : i64} {
  func.func @k(%arg0: i32, %arg1: i32, %arg2: memref<80000x64xf32, #tpu.memory_space<hbm>>, %arg3: memref<200000xi32, #tpu.memory_space<hbm>>, %arg4: memref<200000x64xf32, #tpu.memory_space<hbm>>, %arg5: memref<2000xi32, #tpu.memory_space<vmem>>, %arg6: memref<1000x64xf32, #tpu.memory_space<vmem>>, %arg7: memref<!tpu.dma_semaphore, #tpu.memory_space<semaphore_mem>>) attributes {dimension_semantics = [#tpu.dimension_semantics<core_parallel>, #tpu.dimension_semantics<subcore_parallel>], iteration_bounds = array<i64: 2, 16>, scalar_prefetch = 0 : i64, scratch_operands = 3 : i64, tpu.core_type = #tpu.core_type<sc_vector_subcore>, window_params = [{transform_indices = #map}, {transform_indices = #map1}, {transform_indices = #map}]} {
    %mul3A = arith.constant 2 : i32
    %mul3A_0 = arith.muli %arg1, %mul3A : i32
    %add3A = arith.addi %mul3A_0, %arg0 : i32
    %sub3A = arith.constant 100 : i32
    %sub3A_1 = arith.subi %sub3A, %add3A : i32
    %add3A_2 = arith.constant 32 : i32
    %add3A_3 = arith.addi %sub3A_1, %add3A_2 : i32
    %sub3A_4 = arith.constant 1 : i32
    %sub3A_5 = arith.subi %add3A_3, %sub3A_4 : i32
    %jit3A = arith.constant 32 : i32
    %div3A = arith.divsi %sub3A_5, %jit3A : i32
    %sign3A = arith.constant 0 : i32
    %sign3A_6 = arith.cmpi sgt, %sub3A_5, %sign3A : i32
    %sign3A_7 = arith.extui %sign3A_6 : i1 to i32
    %sign3A_8 = arith.constant 0 : i32
    %sign3A_9 = arith.cmpi slt, %sub3A_5, %sign3A_8 : i32
    %sign3A_10 = arith.extui %sign3A_9 : i1 to i32
    %sign3A_11 = arith.subi %sign3A_7, %sign3A_10 : i32
    %sign3A_12 = arith.constant 0 : i32
    %sign3A_13 = arith.cmpi sgt, %jit3A, %sign3A_12 : i32
    %sign3A_14 = arith.extui %sign3A_13 : i1 to i32
    %sign3A_15 = arith.constant 0 : i32
    %sign3A_16 = arith.cmpi slt, %jit3A, %sign3A_15 : i32
    %sign3A_17 = arith.extui %sign3A_16 : i1 to i32
    %sign3A_18 = arith.subi %sign3A_14, %sign3A_17 : i32
    %ne3A = arith.cmpi ne, %sign3A_11, %sign3A_18 : i32
    %rem3A = arith.remsi %sub3A_5, %jit3A : i32
    %ne3A_19 = arith.constant 0 : i32
    %ne3A_20 = arith.cmpi ne, %rem3A, %ne3A_19 : i32
    %and3A = arith.andi %ne3A, %ne3A_20 : i1
    %sub3A_21 = arith.constant 1 : i32
    %sub3A_22 = arith.subi %div3A, %sub3A_21 : i32
    %select_n3A = arith.select %and3A, %sub3A_22, %div3A : i32
    %while3A = arith.constant 0 : i32
    %while3A_23 = arith.constant 0 : i32
    %while3A_24 = arith.subi %select_n3A, %while3A_23 : i32
    %while3A_25 = arith.addi %while3A_23, %while3A_24 : i32
    %while3A_26 = arith.constant 1 : i32
    %while3A_27 = arith.divsi %while3A_24, %while3A_26 : i32
    %while3A_28 = arith.muli %while3A_27, %while3A_26 : i32
    %while3A_29 = arith.addi %while3A_23, %while3A_28 : i32
    %while3A_30 = arith.constant 1 : i32
    scf.for %while3A_32 = %while3A_23 to %while3A_29 step %while3A_30  : i32 {
      %mul3A_33 = arith.constant 32 : i32
      %mul3A_34 = arith.muli %while3A_32, %mul3A_33 : i32
      %add3A_35 = arith.addi %add3A, %mul3A_34 : i32
      %mul3A_36 = arith.constant 2000 : i32
      %mul3A_37 = arith.muli %add3A_35, %mul3A_36 : i32
      %multiple_of3A = tpu.assume_multiple %mul3A_37, 8 : i32
      "tpu.region"() ({
        %run_scoped3A = tpu.sem_alloc : memref<!tpu.dma_semaphore, #tpu.memory_space<semaphore_mem>>
        %dma_start3A = tpu.memref_slice %arg3[%multiple_of3A] : memref<200000xi32, #tpu.memory_space<hbm>> -> memref<2000xi32, #tpu.memory_space<hbm>>
        %dma_start3A_42 = tpu.memref_slice %arg3[%multiple_of3A] : memref<200000xi32, #tpu.memory_space<hbm>> -> memref<2000xi32, #tpu.memory_space<hbm>>
        tpu.enqueue_dma source(%dma_start3A_42 : memref<2000xi32, #tpu.memory_space<hbm>>) target(%arg5 : memref<2000xi32, #tpu.memory_space<vmem>>) target_semaphore(%run_scoped3A : memref<!tpu.dma_semaphore, #tpu.memory_space<semaphore_mem>>)
        %dma_wait3A = tpu.memref_slice %arg3[%multiple_of3A] : memref<200000xi32, #tpu.memory_space<hbm>> -> memref<2000xi32, #tpu.memory_space<hbm>>
        %dma_wait3A_43 = tpu.memref_slice %arg3[%multiple_of3A] : memref<200000xi32, #tpu.memory_space<hbm>> -> memref<2000xi32, #tpu.memory_space<hbm>>
        tpu.wait_dma2 semaphore(%run_scoped3A : memref<!tpu.dma_semaphore, #tpu.memory_space<semaphore_mem>>) src(%dma_wait3A_43 : memref<2000xi32, #tpu.memory_space<hbm>>) dst(%arg5 : memref<2000xi32, #tpu.memory_space<vmem>>)
        tpu.yield
      }) : () -> ()
      %scan3A = arith.constant 0 : i32
      %scan3A_38 = arith.constant 2 : i32
      %scan3A_39 = arith.addi %scan3A, %scan3A_38 : i32
      %scan3A_40 = arith.constant 1 : i32
      scf.for %scan3A_42 = %scan3A to %scan3A_39 step %scan3A_40  : i32 {
        %mul3A_43 = arith.constant 1000 : i32
        %mul3A_44 = arith.muli %scan3A_42, %mul3A_43 : i32
        %multiple_of3A_45 = tpu.assume_multiple %mul3A_44, 8 : i32
        %dma_start3A = tpu.memref_slice %arg5[%multiple_of3A_45] : memref<2000xi32, #tpu.memory_space<vmem>> -> memref<1000xi32, #tpu.memory_space<vmem>>
        %dma_start3A_46 = arith.constant 0 : i32
        %dma_start3A_47 = arith.constant 0 : i32
        %dma_start3A_48 = tpu.memref_slice %arg2[%dma_start3A_46, %dma_start3A_47] : memref<80000x64xf32, #tpu.memory_space<hbm>> -> memref<80000x64xf32, #tpu.memory_space<hbm>>
        tpu.enqueue_indirect_dma source(%dma_start3A_48 : memref<80000x64xf32, #tpu.memory_space<hbm>>) target(%arg6 : memref<1000x64xf32, #tpu.memory_space<vmem>>) offsets(%dma_start3A : memref<1000xi32, #tpu.memory_space<vmem>>) semaphore(%arg7 : memref<!tpu.dma_semaphore, #tpu.memory_space<semaphore_mem>>)
        %dma_wait3A = tpu.memref_slice %arg5[%multiple_of3A_45] : memref<2000xi32, #tpu.memory_space<vmem>> -> memref<1000xi32, #tpu.memory_space<vmem>>
        %dma_wait3A_49 = arith.constant 0 : i32
        %dma_wait3A_50 = arith.constant 0 : i32
        %dma_wait3A_51 = tpu.memref_slice %arg2[%dma_wait3A_49, %dma_wait3A_50] : memref<80000x64xf32, #tpu.memory_space<hbm>> -> memref<80000x64xf32, #tpu.memory_space<hbm>>
        tpu.wait_indirect_dma semaphore(%arg7 : memref<!tpu.dma_semaphore, #tpu.memory_space<semaphore_mem>>) src(%dma_wait3A_51 : memref<80000x64xf32, #tpu.memory_space<hbm>>) dst(%arg6 : memref<1000x64xf32, #tpu.memory_space<vmem>>)
        %mul3A_52 = arith.constant 1000 : i32
        %mul3A_53 = arith.muli %scan3A_42, %mul3A_52 : i32
        %add3A_54 = arith.addi %multiple_of3A, %mul3A_53 : i32
        "tpu.region"() ({
          %run_scoped3A = tpu.sem_alloc : memref<!tpu.dma_semaphore, #tpu.memory_space<semaphore_mem>>
          %dma_start3A_55 = arith.constant 0 : i32
          %dma_start3A_56 = tpu.memref_slice %arg4[%add3A_54, %dma_start3A_55] : memref<200000x64xf32, #tpu.memory_space<hbm>> -> memref<1000x64xf32, #tpu.memory_space<hbm>>
          %dma_start3A_57 = arith.constant 0 : i32
          %dma_start3A_58 = tpu.memref_slice %arg4[%add3A_54, %dma_start3A_57] : memref<200000x64xf32, #tpu.memory_space<hbm>> -> memref<1000x64xf32, #tpu.memory_space<hbm>>
          tpu.enqueue_dma source(%arg6 : memref<1000x64xf32, #tpu.memory_space<vmem>>) target(%dma_start3A_58 : memref<1000x64xf32, #tpu.memory_space<hbm>>) target_semaphore(%run_scoped3A : memref<!tpu.dma_semaphore, #tpu.memory_space<semaphore_mem>>)
          %dma_wait3A_59 = arith.constant 0 : i32
          %dma_wait3A_60 = tpu.memref_slice %arg4[%add3A_54, %dma_wait3A_59] : memref<200000x64xf32, #tpu.memory_space<hbm>> -> memref<1000x64xf32, #tpu.memory_space<hbm>>
          %dma_wait3A_61 = arith.constant 0 : i32
          %dma_wait3A_62 = tpu.memref_slice %arg4[%add3A_54, %dma_wait3A_61] : memref<200000x64xf32, #tpu.memory_space<hbm>> -> memref<1000x64xf32, #tpu.memory_space<hbm>>
          tpu.wait_dma2 semaphore(%run_scoped3A : memref<!tpu.dma_semaphore, #tpu.memory_space<semaphore_mem>>) src(%arg6 : memref<1000x64xf32, #tpu.memory_space<vmem>>) dst(%dma_wait3A_62 : memref<1000x64xf32, #tpu.memory_space<hbm>>)
          tpu.yield
        }) : () -> ()
      }
      %scan3A_41 = arith.constant 2 : i32
    }
    %while3A_31 = arith.constant 1 : i32
    scf.for %while3A_32 = %while3A_29 to %while3A_25 step %while3A_31  : i32 {
      %mul3A_33 = arith.constant 32 : i32
      %mul3A_34 = arith.muli %while3A_32, %mul3A_33 : i32
      %add3A_35 = arith.addi %add3A, %mul3A_34 : i32
      %mul3A_36 = arith.constant 2000 : i32
      %mul3A_37 = arith.muli %add3A_35, %mul3A_36 : i32
      %multiple_of3A = tpu.assume_multiple %mul3A_37, 8 : i32
      "tpu.region"() ({
        %run_scoped3A = tpu.sem_alloc : memref<!tpu.dma_semaphore, #tpu.memory_space<semaphore_mem>>
        %dma_start3A = tpu.memref_slice %arg3[%multiple_of3A] : memref<200000xi32, #tpu.memory_space<hbm>> -> memref<2000xi32, #tpu.memory_space<hbm>>
        %dma_start3A_42 = tpu.memref_slice %arg3[%multiple_of3A] : memref<200000xi32, #tpu.memory_space<hbm>> -> memref<2000xi32, #tpu.memory_space<hbm>>
        tpu.enqueue_dma source(%dma_start3A_42 : memref<2000xi32, #tpu.memory_space<hbm>>) target(%arg5 : memref<2000xi32, #tpu.memory_space<vmem>>) target_semaphore(%run_scoped3A : memref<!tpu.dma_semaphore, #tpu.memory_space<semaphore_mem>>)
        %dma_wait3A = tpu.memref_slice %arg3[%multiple_of3A] : memref<200000xi32, #tpu.memory_space<hbm>> -> memref<2000xi32, #tpu.memory_space<hbm>>
        %dma_wait3A_43 = tpu.memref_slice %arg3[%multiple_of3A] : memref<200000xi32, #tpu.memory_space<hbm>> -> memref<2000xi32, #tpu.memory_space<hbm>>
        tpu.wait_dma2 semaphore(%run_scoped3A : memref<!tpu.dma_semaphore, #tpu.memory_space<semaphore_mem>>) src(%dma_wait3A_43 : memref<2000xi32, #tpu.memory_space<hbm>>) dst(%arg5 : memref<2000xi32, #tpu.memory_space<vmem>>)
        tpu.yield
      }) : () -> ()
      %scan3A = arith.constant 0 : i32
      %scan3A_38 = arith.constant 2 : i32
      %scan3A_39 = arith.addi %scan3A, %scan3A_38 : i32
      %scan3A_40 = arith.constant 1 : i32
      scf.for %scan3A_42 = %scan3A to %scan3A_39 step %scan3A_40  : i32 {
        %mul3A_43 = arith.constant 1000 : i32
        %mul3A_44 = arith.muli %scan3A_42, %mul3A_43 : i32
        %multiple_of3A_45 = tpu.assume_multiple %mul3A_44, 8 : i32
        %dma_start3A = tpu.memref_slice %arg5[%multiple_of3A_45] : memref<2000xi32, #tpu.memory_space<vmem>> -> memref<1000xi32, #tpu.memory_space<vmem>>
        %dma_start3A_46 = arith.constant 0 : i32
        %dma_start3A_47 = arith.constant 0 : i32
        %dma_start3A_48 = tpu.memref_slice %arg2[%dma_start3A_46, %dma_start3A_47] : memref<80000x64xf32, #tpu.memory_space<hbm>> -> memref<80000x64xf32, #tpu.memory_space<hbm>>
        tpu.enqueue_indirect_dma source(%dma_start3A_48 : memref<80000x64xf32, #tpu.memory_space<hbm>>) target(%arg6 : memref<1000x64xf32, #tpu.memory_space<vmem>>) offsets(%dma_start3A : memref<1000xi32, #tpu.memory_space<vmem>>) semaphore(%arg7 : memref<!tpu.dma_semaphore, #tpu.memory_space<semaphore_mem>>)
        %dma_wait3A = tpu.memref_slice %arg5[%multiple_of3A_45] : memref<2000xi32, #tpu.memory_space<vmem>> -> memref<1000xi32, #tpu.memory_space<vmem>>
        %dma_wait3A_49 = arith.constant 0 : i32
        %dma_wait3A_50 = arith.constant 0 : i32
        %dma_wait3A_51 = tpu.memref_slice %arg2[%dma_wait3A_49, %dma_wait3A_50] : memref<80000x64xf32, #tpu.memory_space<hbm>> -> memref<80000x64xf32, #tpu.memory_space<hbm>>
        tpu.wait_indirect_dma semaphore(%arg7 : memref<!tpu.dma_semaphore, #tpu.memory_space<semaphore_mem>>) src(%dma_wait3A_51 : memref<80000x64xf32, #tpu.memory_space<hbm>>) dst(%arg6 : memref<1000x64xf32, #tpu.memory_space<vmem>>)
        %mul3A_52 = arith.constant 1000 : i32
        %mul3A_53 = arith.muli %scan3A_42, %mul3A_52 : i32
        %add3A_54 = arith.addi %multiple_of3A, %mul3A_53 : i32
        "tpu.region"() ({
          %run_scoped3A = tpu.sem_alloc : memref<!tpu.dma_semaphore, #tpu.memory_space<semaphore_mem>>
          %dma_start3A_55 = arith.constant 0 : i32
          %dma_start3A_56 = tpu.memref_slice %arg4[%add3A_54, %dma_start3A_55] : memref<200000x64xf32, #tpu.memory_space<hbm>> -> memref<1000x64xf32, #tpu.memory_space<hbm>>
          %dma_start3A_57 = arith.constant 0 : i32
          %dma_start3A_58 = tpu.memref_slice %arg4[%add3A_54, %dma_start3A_57] : memref<200000x64xf32, #tpu.memory_space<hbm>> -> memref<1000x64xf32, #tpu.memory_space<hbm>>
          tpu.enqueue_dma source(%arg6 : memref<1000x64xf32, #tpu.memory_space<vmem>>) target(%dma_start3A_58 : memref<1000x64xf32, #tpu.memory_space<hbm>>) target_semaphore(%run_scoped3A : memref<!tpu.dma_semaphore, #tpu.memory_space<semaphore_mem>>)
          %dma_wait3A_59 = arith.constant 0 : i32
          %dma_wait3A_60 = tpu.memref_slice %arg4[%add3A_54, %dma_wait3A_59] : memref<200000x64xf32, #tpu.memory_space<hbm>> -> memref<1000x64xf32, #tpu.memory_space<hbm>>
          %dma_wait3A_61 = arith.constant 0 : i32
          %dma_wait3A_62 = tpu.memref_slice %arg4[%add3A_54, %dma_wait3A_61] : memref<200000x64xf32, #tpu.memory_space<hbm>> -> memref<1000x64xf32, #tpu.memory_space<hbm>>
          tpu.wait_dma2 semaphore(%run_scoped3A : memref<!tpu.dma_semaphore, #tpu.memory_space<semaphore_mem>>) src(%arg6 : memref<1000x64xf32, #tpu.memory_space<vmem>>) dst(%dma_wait3A_62 : memref<1000x64xf32, #tpu.memory_space<hbm>>)
          tpu.yield
        }) : () -> ()
      }
      %scan3A_41 = arith.constant 2 : i32
    }
    return
  }
}

#map = affine_map<(d0, d1) -> (0, 0)>
#map1 = affine_map<(d0, d1) -> (0)>
module attributes {stable_mosaic.version = 14 : i64} {
  func.func @k(%arg0: i32, %arg1: i32, %arg2: memref<200000x64xf32, #tpu.memory_space<hbm>>, %arg3: memref<500000xi32, #tpu.memory_space<hbm>>, %arg4: memref<500000x64xf32, #tpu.memory_space<hbm>>, %arg5: memref<2000xi32, #tpu.memory_space<vmem>>, %arg6: memref<1000x64xf32, #tpu.memory_space<vmem>>, %arg7: memref<!tpu.dma_semaphore, #tpu.memory_space<semaphore_mem>>) attributes {dimension_semantics = [#tpu.dimension_semantics<core_parallel>, #tpu.dimension_semantics<subcore_parallel>], iteration_bounds = array<i64: 2, 16>, scalar_prefetch = 0 : i64, scratch_operands = 3 : i64, tpu.core_type = #tpu.core_type<sc_vector_subcore>, window_params = [{transform_indices = #map}, {transform_indices = #map1}, {transform_indices = #map}]} {
    %mul3A = arith.constant 2 : i32
    %mul3A_0 = arith.muli %arg1, %mul3A : i32
    %add3A = arith.addi %mul3A_0, %arg0 : i32
    %sub3A = arith.constant 250 : i32
    %sub3A_1 = arith.subi %sub3A, %add3A : i32
    %add3A_2 = arith.constant 32 : i32
    %add3A_3 = arith.addi %sub3A_1, %add3A_2 : i32
    %sub3A_4 = arith.constant 1 : i32
    %sub3A_5 = arith.subi %add3A_3, %sub3A_4 : i32
    %jit3A = arith.constant 32 : i32
    %div3A = arith.divsi %sub3A_5, %jit3A : i32
    %sign3A = arith.constant 0 : i32
    %sign3A_6 = arith.cmpi sgt, %sub3A_5, %sign3A : i32
    %sign3A_7 = arith.extui %sign3A_6 : i1 to i32
    %sign3A_8 = arith.constant 0 : i32
    %sign3A_9 = arith.cmpi slt, %sub3A_5, %sign3A_8 : i32
    %sign3A_10 = arith.extui %sign3A_9 : i1 to i32
    %sign3A_11 = arith.subi %sign3A_7, %sign3A_10 : i32
    %sign3A_12 = arith.constant 0 : i32
    %sign3A_13 = arith.cmpi sgt, %jit3A, %sign3A_12 : i32
    %sign3A_14 = arith.extui %sign3A_13 : i1 to i32
    %sign3A_15 = arith.constant 0 : i32
    %sign3A_16 = arith.cmpi slt, %jit3A, %sign3A_15 : i32
    %sign3A_17 = arith.extui %sign3A_16 : i1 to i32
    %sign3A_18 = arith.subi %sign3A_14, %sign3A_17 : i32
    %ne3A = arith.cmpi ne, %sign3A_11, %sign3A_18 : i32
    %rem3A = arith.remsi %sub3A_5, %jit3A : i32
    %ne3A_19 = arith.constant 0 : i32
    %ne3A_20 = arith.cmpi ne, %rem3A, %ne3A_19 : i32
    %and3A = arith.andi %ne3A, %ne3A_20 : i1
    %sub3A_21 = arith.constant 1 : i32
    %sub3A_22 = arith.subi %div3A, %sub3A_21 : i32
    %select_n3A = arith.select %and3A, %sub3A_22, %div3A : i32
    %while3A = arith.constant 0 : i32
    %while3A_23 = arith.constant 0 : i32
    %while3A_24 = arith.subi %select_n3A, %while3A_23 : i32
    %while3A_25 = arith.addi %while3A_23, %while3A_24 : i32
    %while3A_26 = arith.constant 1 : i32
    %while3A_27 = arith.divsi %while3A_24, %while3A_26 : i32
    %while3A_28 = arith.muli %while3A_27, %while3A_26 : i32
    %while3A_29 = arith.addi %while3A_23, %while3A_28 : i32
    %while3A_30 = arith.constant 1 : i32
    scf.for %while3A_32 = %while3A_23 to %while3A_29 step %while3A_30  : i32 {
      %mul3A_33 = arith.constant 32 : i32
      %mul3A_34 = arith.muli %while3A_32, %mul3A_33 : i32
      %add3A_35 = arith.addi %add3A, %mul3A_34 : i32
      %mul3A_36 = arith.constant 2000 : i32
      %mul3A_37 = arith.muli %add3A_35, %mul3A_36 : i32
      %multiple_of3A = tpu.assume_multiple %mul3A_37, 8 : i32
      "tpu.region"() ({
        %run_scoped3A = tpu.sem_alloc : memref<!tpu.dma_semaphore, #tpu.memory_space<semaphore_mem>>
        %dma_start3A = tpu.memref_slice %arg3[%multiple_of3A] : memref<500000xi32, #tpu.memory_space<hbm>> -> memref<2000xi32, #tpu.memory_space<hbm>>
        %dma_start3A_42 = tpu.memref_slice %arg3[%multiple_of3A] : memref<500000xi32, #tpu.memory_space<hbm>> -> memref<2000xi32, #tpu.memory_space<hbm>>
        tpu.enqueue_dma source(%dma_start3A_42 : memref<2000xi32, #tpu.memory_space<hbm>>) target(%arg5 : memref<2000xi32, #tpu.memory_space<vmem>>) target_semaphore(%run_scoped3A : memref<!tpu.dma_semaphore, #tpu.memory_space<semaphore_mem>>)
        %dma_wait3A = tpu.memref_slice %arg3[%multiple_of3A] : memref<500000xi32, #tpu.memory_space<hbm>> -> memref<2000xi32, #tpu.memory_space<hbm>>
        %dma_wait3A_43 = tpu.memref_slice %arg3[%multiple_of3A] : memref<500000xi32, #tpu.memory_space<hbm>> -> memref<2000xi32, #tpu.memory_space<hbm>>
        tpu.wait_dma2 semaphore(%run_scoped3A : memref<!tpu.dma_semaphore, #tpu.memory_space<semaphore_mem>>) src(%dma_wait3A_43 : memref<2000xi32, #tpu.memory_space<hbm>>) dst(%arg5 : memref<2000xi32, #tpu.memory_space<vmem>>)
        tpu.yield
      }) : () -> ()
      %scan3A = arith.constant 0 : i32
      %scan3A_38 = arith.constant 2 : i32
      %scan3A_39 = arith.addi %scan3A, %scan3A_38 : i32
      %scan3A_40 = arith.constant 1 : i32
      scf.for %scan3A_42 = %scan3A to %scan3A_39 step %scan3A_40  : i32 {
        %mul3A_43 = arith.constant 1000 : i32
        %mul3A_44 = arith.muli %scan3A_42, %mul3A_43 : i32
        %multiple_of3A_45 = tpu.assume_multiple %mul3A_44, 8 : i32
        %dma_start3A = tpu.memref_slice %arg5[%multiple_of3A_45] : memref<2000xi32, #tpu.memory_space<vmem>> -> memref<1000xi32, #tpu.memory_space<vmem>>
        %dma_start3A_46 = arith.constant 0 : i32
        %dma_start3A_47 = arith.constant 0 : i32
        %dma_start3A_48 = tpu.memref_slice %arg2[%dma_start3A_46, %dma_start3A_47] : memref<200000x64xf32, #tpu.memory_space<hbm>> -> memref<200000x64xf32, #tpu.memory_space<hbm>>
        tpu.enqueue_indirect_dma source(%dma_start3A_48 : memref<200000x64xf32, #tpu.memory_space<hbm>>) target(%arg6 : memref<1000x64xf32, #tpu.memory_space<vmem>>) offsets(%dma_start3A : memref<1000xi32, #tpu.memory_space<vmem>>) semaphore(%arg7 : memref<!tpu.dma_semaphore, #tpu.memory_space<semaphore_mem>>)
        %dma_wait3A = tpu.memref_slice %arg5[%multiple_of3A_45] : memref<2000xi32, #tpu.memory_space<vmem>> -> memref<1000xi32, #tpu.memory_space<vmem>>
        %dma_wait3A_49 = arith.constant 0 : i32
        %dma_wait3A_50 = arith.constant 0 : i32
        %dma_wait3A_51 = tpu.memref_slice %arg2[%dma_wait3A_49, %dma_wait3A_50] : memref<200000x64xf32, #tpu.memory_space<hbm>> -> memref<200000x64xf32, #tpu.memory_space<hbm>>
        tpu.wait_indirect_dma semaphore(%arg7 : memref<!tpu.dma_semaphore, #tpu.memory_space<semaphore_mem>>) src(%dma_wait3A_51 : memref<200000x64xf32, #tpu.memory_space<hbm>>) dst(%arg6 : memref<1000x64xf32, #tpu.memory_space<vmem>>)
        %mul3A_52 = arith.constant 1000 : i32
        %mul3A_53 = arith.muli %scan3A_42, %mul3A_52 : i32
        %add3A_54 = arith.addi %multiple_of3A, %mul3A_53 : i32
        "tpu.region"() ({
          %run_scoped3A = tpu.sem_alloc : memref<!tpu.dma_semaphore, #tpu.memory_space<semaphore_mem>>
          %dma_start3A_55 = arith.constant 0 : i32
          %dma_start3A_56 = tpu.memref_slice %arg4[%add3A_54, %dma_start3A_55] : memref<500000x64xf32, #tpu.memory_space<hbm>> -> memref<1000x64xf32, #tpu.memory_space<hbm>>
          %dma_start3A_57 = arith.constant 0 : i32
          %dma_start3A_58 = tpu.memref_slice %arg4[%add3A_54, %dma_start3A_57] : memref<500000x64xf32, #tpu.memory_space<hbm>> -> memref<1000x64xf32, #tpu.memory_space<hbm>>
          tpu.enqueue_dma source(%arg6 : memref<1000x64xf32, #tpu.memory_space<vmem>>) target(%dma_start3A_58 : memref<1000x64xf32, #tpu.memory_space<hbm>>) target_semaphore(%run_scoped3A : memref<!tpu.dma_semaphore, #tpu.memory_space<semaphore_mem>>)
          %dma_wait3A_59 = arith.constant 0 : i32
          %dma_wait3A_60 = tpu.memref_slice %arg4[%add3A_54, %dma_wait3A_59] : memref<500000x64xf32, #tpu.memory_space<hbm>> -> memref<1000x64xf32, #tpu.memory_space<hbm>>
          %dma_wait3A_61 = arith.constant 0 : i32
          %dma_wait3A_62 = tpu.memref_slice %arg4[%add3A_54, %dma_wait3A_61] : memref<500000x64xf32, #tpu.memory_space<hbm>> -> memref<1000x64xf32, #tpu.memory_space<hbm>>
          tpu.wait_dma2 semaphore(%run_scoped3A : memref<!tpu.dma_semaphore, #tpu.memory_space<semaphore_mem>>) src(%arg6 : memref<1000x64xf32, #tpu.memory_space<vmem>>) dst(%dma_wait3A_62 : memref<1000x64xf32, #tpu.memory_space<hbm>>)
          tpu.yield
        }) : () -> ()
      }
      %scan3A_41 = arith.constant 2 : i32
    }
    %while3A_31 = arith.constant 1 : i32
    scf.for %while3A_32 = %while3A_29 to %while3A_25 step %while3A_31  : i32 {
      %mul3A_33 = arith.constant 32 : i32
      %mul3A_34 = arith.muli %while3A_32, %mul3A_33 : i32
      %add3A_35 = arith.addi %add3A, %mul3A_34 : i32
      %mul3A_36 = arith.constant 2000 : i32
      %mul3A_37 = arith.muli %add3A_35, %mul3A_36 : i32
      %multiple_of3A = tpu.assume_multiple %mul3A_37, 8 : i32
      "tpu.region"() ({
        %run_scoped3A = tpu.sem_alloc : memref<!tpu.dma_semaphore, #tpu.memory_space<semaphore_mem>>
        %dma_start3A = tpu.memref_slice %arg3[%multiple_of3A] : memref<500000xi32, #tpu.memory_space<hbm>> -> memref<2000xi32, #tpu.memory_space<hbm>>
        %dma_start3A_42 = tpu.memref_slice %arg3[%multiple_of3A] : memref<500000xi32, #tpu.memory_space<hbm>> -> memref<2000xi32, #tpu.memory_space<hbm>>
        tpu.enqueue_dma source(%dma_start3A_42 : memref<2000xi32, #tpu.memory_space<hbm>>) target(%arg5 : memref<2000xi32, #tpu.memory_space<vmem>>) target_semaphore(%run_scoped3A : memref<!tpu.dma_semaphore, #tpu.memory_space<semaphore_mem>>)
        %dma_wait3A = tpu.memref_slice %arg3[%multiple_of3A] : memref<500000xi32, #tpu.memory_space<hbm>> -> memref<2000xi32, #tpu.memory_space<hbm>>
        %dma_wait3A_43 = tpu.memref_slice %arg3[%multiple_of3A] : memref<500000xi32, #tpu.memory_space<hbm>> -> memref<2000xi32, #tpu.memory_space<hbm>>
        tpu.wait_dma2 semaphore(%run_scoped3A : memref<!tpu.dma_semaphore, #tpu.memory_space<semaphore_mem>>) src(%dma_wait3A_43 : memref<2000xi32, #tpu.memory_space<hbm>>) dst(%arg5 : memref<2000xi32, #tpu.memory_space<vmem>>)
        tpu.yield
      }) : () -> ()
      %scan3A = arith.constant 0 : i32
      %scan3A_38 = arith.constant 2 : i32
      %scan3A_39 = arith.addi %scan3A, %scan3A_38 : i32
      %scan3A_40 = arith.constant 1 : i32
      scf.for %scan3A_42 = %scan3A to %scan3A_39 step %scan3A_40  : i32 {
        %mul3A_43 = arith.constant 1000 : i32
        %mul3A_44 = arith.muli %scan3A_42, %mul3A_43 : i32
        %multiple_of3A_45 = tpu.assume_multiple %mul3A_44, 8 : i32
        %dma_start3A = tpu.memref_slice %arg5[%multiple_of3A_45] : memref<2000xi32, #tpu.memory_space<vmem>> -> memref<1000xi32, #tpu.memory_space<vmem>>
        %dma_start3A_46 = arith.constant 0 : i32
        %dma_start3A_47 = arith.constant 0 : i32
        %dma_start3A_48 = tpu.memref_slice %arg2[%dma_start3A_46, %dma_start3A_47] : memref<200000x64xf32, #tpu.memory_space<hbm>> -> memref<200000x64xf32, #tpu.memory_space<hbm>>
        tpu.enqueue_indirect_dma source(%dma_start3A_48 : memref<200000x64xf32, #tpu.memory_space<hbm>>) target(%arg6 : memref<1000x64xf32, #tpu.memory_space<vmem>>) offsets(%dma_start3A : memref<1000xi32, #tpu.memory_space<vmem>>) semaphore(%arg7 : memref<!tpu.dma_semaphore, #tpu.memory_space<semaphore_mem>>)
        %dma_wait3A = tpu.memref_slice %arg5[%multiple_of3A_45] : memref<2000xi32, #tpu.memory_space<vmem>> -> memref<1000xi32, #tpu.memory_space<vmem>>
        %dma_wait3A_49 = arith.constant 0 : i32
        %dma_wait3A_50 = arith.constant 0 : i32
        %dma_wait3A_51 = tpu.memref_slice %arg2[%dma_wait3A_49, %dma_wait3A_50] : memref<200000x64xf32, #tpu.memory_space<hbm>> -> memref<200000x64xf32, #tpu.memory_space<hbm>>
        tpu.wait_indirect_dma semaphore(%arg7 : memref<!tpu.dma_semaphore, #tpu.memory_space<semaphore_mem>>) src(%dma_wait3A_51 : memref<200000x64xf32, #tpu.memory_space<hbm>>) dst(%arg6 : memref<1000x64xf32, #tpu.memory_space<vmem>>)
        %mul3A_52 = arith.constant 1000 : i32
        %mul3A_53 = arith.muli %scan3A_42, %mul3A_52 : i32
        %add3A_54 = arith.addi %multiple_of3A, %mul3A_53 : i32
        "tpu.region"() ({
          %run_scoped3A = tpu.sem_alloc : memref<!tpu.dma_semaphore, #tpu.memory_space<semaphore_mem>>
          %dma_start3A_55 = arith.constant 0 : i32
          %dma_start3A_56 = tpu.memref_slice %arg4[%add3A_54, %dma_start3A_55] : memref<500000x64xf32, #tpu.memory_space<hbm>> -> memref<1000x64xf32, #tpu.memory_space<hbm>>
          %dma_start3A_57 = arith.constant 0 : i32
          %dma_start3A_58 = tpu.memref_slice %arg4[%add3A_54, %dma_start3A_57] : memref<500000x64xf32, #tpu.memory_space<hbm>> -> memref<1000x64xf32, #tpu.memory_space<hbm>>
          tpu.enqueue_dma source(%arg6 : memref<1000x64xf32, #tpu.memory_space<vmem>>) target(%dma_start3A_58 : memref<1000x64xf32, #tpu.memory_space<hbm>>) target_semaphore(%run_scoped3A : memref<!tpu.dma_semaphore, #tpu.memory_space<semaphore_mem>>)
          %dma_wait3A_59 = arith.constant 0 : i32
          %dma_wait3A_60 = tpu.memref_slice %arg4[%add3A_54, %dma_wait3A_59] : memref<500000x64xf32, #tpu.memory_space<hbm>> -> memref<1000x64xf32, #tpu.memory_space<hbm>>
          %dma_wait3A_61 = arith.constant 0 : i32
          %dma_wait3A_62 = tpu.memref_slice %arg4[%add3A_54, %dma_wait3A_61] : memref<500000x64xf32, #tpu.memory_space<hbm>> -> memref<1000x64xf32, #tpu.memory_space<hbm>>
          tpu.wait_dma2 semaphore(%run_scoped3A : memref<!tpu.dma_semaphore, #tpu.memory_space<semaphore_mem>>) src(%arg6 : memref<1000x64xf32, #tpu.memory_space<vmem>>) dst(%dma_wait3A_62 : memref<1000x64xf32, #tpu.memory_space<hbm>>)
          tpu.yield
        }) : () -> ()
      }
      %scan3A_41 = arith.constant 2 : i32
    }
    return
  }
}

</mosaic_0001>

<sc_bundles>
// kernel: kernel.12.cloned.1.call-start
scs
__scs_entry_jumppad:
0x0: {  	(pc) =	sbr.rel $0x88, $3  }
0x1: {  	(tag) =	ssettag $0x0;
	lr =	simm.s32 $0x1  }
0x2: {  	[smem:$0x3F8F] =	sst lr;
	_ =	strace $0xD0000000  }
0x3: {  	_ = 	snop  }
0x4: {  	_ = 	snop  }
0x5: {  	_ = 	snop  }
0x6: {  	_ = 	snop  }
0x7: {  	_ = 	snop  }
__scs_overlays_trampoline_lowered:
0x8: {  	[smem:$0x3F9E] =	sst s0  }
0x9: {  	[smem:$0x3F9F] =	sst s1  }
0xa: {  	[smem:$0x3FA0] =	sst s2  }
0xb: {  	[smem:$0x3FA1] =	sst s3  }
0xc: {  	[smem:$0x3FA2] =	sst s4  }
0xd: {  	[smem:$0x3FA3] =	sst s5  }
0xe: {  	[smem:$0x3FA4] =	sst s6  }
0xf: {  	[smem:$0x3FA5] =	sst s7  }
0x10: {  	[smem:$0x3FA6] =	sst s8  }
0x11: {  	[smem:$0x3FA7] =	sst s9;
	s0 =	simm.s32 @!p0 $0x0  }
0x12: {  	s1 =	sld [smem:$0x3F8D];
	s0 =	simm.s32 @p0 $0x1  }
0x13: {  	[smem:$0x3FA8] =	sst s0;
	s0 =	simm.s32 @!p1 $0x0  }
0x14: {  	s2 =	sld [smem:$0x3F8C];
	s0 =	simm.s32 @p1 $0x1  }
0x15: {  	[smem:$0x3FA9] =	sst s0;
	s0 =	simm.s32 @!p2 $0x0  }
0x16: {  	s3 =	sld [smem:$0x3FDB];
	s0 =	simm.s32 @p2 $0x1  }
0x17: {  	s4 =	simm.s32 $0x1BF5;
	[smem:$0x3FAB] =	sst s0  }
0x18: {  	s0 =	sld [smem:$0x3F8E];
	_ =	swait.ge [sflag:s4], $0x0  }
0x19: {  	s7 =	sld [smem:$0x3F8F]  }
0x1a: {  	s8 =	sadd.s32 $0xFFFFE003, lr  }
0x1b: {  	s9 =	sadd.s32 $0xFFFFFEF7, lr;
	s5 =	simm.s32 $0xFFFFFFFF;
	p2 =	slt.u32 s8, $0xFFFFF086  }
0x1c: {  	p1 =	slt.u32 s9, $0xF7A;
	s5 =	simm.s32 @!p2 $0x0  }
0x1d: {  	s5 =	simm.s32 @p1 $0x1;
	p0 =	seq.s32 s7, s2  }
0x1e: {  	s7 =	smul.u32 @!p0 $0xF7A, s2;
	p2 =	seq.s32 @!p0 s5, $0x0  }
0x1f: {  	s9 =	smul.u32 $0xF7A, s1;
	s8 =	simm.s32 @!p0 $0x1BF5;
	p2 =	por !p2, p0  }
0x20: {  	[sflag:s8] =	ssyncset.s32 @!p0 $0xFFFFF086;
	s6 =	sadd.s32 @!p0 s3, s7;
	s7 =	simm.s32 @!p0 $0x108  }
0x21: {  	s3 =	sadd.s32 s3, s9;
	s6 =	sadd.s32 @!p0 $0x88, s6;
	s7 =	simm.s32 @p2 $0x1082  }
0x22: {  	[simem:s7], [sflag:s8] =	dma.local @!p0 [hbm:s6], $0xF7A  }
0x23: {  	s9 =	sor.u32 $0xD0000000, s2;
	s6 =	simm.s32 $0x108;
	_ =	swait.ge @!p0 [sflag:s8], $0x0  }
0x24: {  	s3 =	sadd.s32 $0x88, s3;
	s6 =	simm.s32 @!p1 $0x1082;
	[sflag:s4] =	ssyncset.s32 $0xFFFFF086  }
0x25: {  	[simem:s6], [sflag:s4] =	dma.local [hbm:s3], $0xF7A  }
0x26: {  	[smem:$0x3F8F] =	sst s1;
	(tag) =	ssettag s2;
	_ =	strace s9  }
0x27: {  	s1 =	sld [smem:$0x3F9F]  }
0x28: {  	s2 =	sld [smem:$0x3FA0]  }
0x29: {  	s4 =	sld [smem:$0x3FA2]  }
0x2a: {  	p0 =	seq.s32 s5, $0x0;
	s5 =	sld [smem:$0x3FA3]  }
0x2b: {  	s6 =	sld [smem:$0x3FA4]  }
0x2c: {  	s7 =	sld [smem:$0x3FA5]  }
0x2d: {  	s3 =	simm.s32 $0x108;
	s8 =	sld [smem:$0x3FA6]  }
0x2e: {  	s3 =	simm.s32 @!p0 $0x1082;
	s9 =	sld [smem:$0x3FA7]  }
0x2f: {  	lr =	sadd.s32 s0, s3;
	s0 =	sld [smem:$0x3F9E]  }
0x30: {  	s3 =	sld [smem:$0x3FA1]  }
0x31: {  	[smem:$0x3FAA] =	sst s10  }
0x32: {  	s10 =	sld [smem:$0x3FA8];
	_ =	sdelay $0x3  }
0x33: {  	p0 =	seq.s32 s10, $0x1;
	s10 =	sld [smem:$0x3FAA];
	_ =	sdelay $0x3  }
0x34: {  	[smem:$0x3FAA] =	sst s10  }
0x35: {  	s10 =	sld [smem:$0x3FA9];
	_ =	sdelay $0x3  }
0x36: {  	p1 =	seq.s32 s10, $0x1;
	s10 =	sld [smem:$0x3FAA];
	_ =	sdelay $0x3  }
0x37: {  	[smem:$0x3FAA] =	sst s10  }
0x38: {  	s10 =	sld [smem:$0x3FAB]  }
0x39: {  	_ = 	snop;
	(pc) =	sbr.ind lr, $3  }
0x3a: {  	_ = 	snop  }
0x3b: {  	_ = 	snop  }
0x3c: {  	p2 =	seq.s32 s10, $0x1;
	s10 =	sld [smem:$0x3FAA]  }
0x3d: {  	_ =	shalt  }
0x3e: {  	_ =	shalt  }
0x3f: {  	_ =	shalt  }
0x40: {  	_ =	shalt  }
0x41: {  	_ =	shalt  }
0x42: {  	_ =	shalt  }
0x43: {  	_ =	shalt  }
0x44: {  	_ =	shalt  }
0x45: {  	_ =	shalt  }
0x46: {  	_ =	shalt  }
0x47: {  	_ =	shalt  }
0x48: {  	_ =	shalt  }
0x49: {  	_ =	shalt  }
0x4a: {  	_ =	shalt  }
0x4b: {  	_ =	shalt  }
0x4c: {  	_ =	shalt  }
0x4d: {  	_ =	shalt  }
0x4e: {  	_ =	shalt  }
0x4f: {  	_ =	shalt  }
0x50: {  	_ =	shalt  }
0x51: {  	_ =	shalt  }
0x52: {  	_ =	shalt  }
0x53: {  	_ =	shalt  }
0x54: {  	_ =	shalt  }
0x55: {  	_ =	shalt  }
0x56: {  	_ =	shalt  }
0x57: {  	_ =	shalt  }
0x58: {  	_ =	shalt  }
0x59: {  	_ =	shalt  }
0x5a: {  	_ =	shalt  }
0x5b: {  	_ =	shalt  }
0x5c: {  	_ =	shalt  }
0x5d: {  	_ =	shalt  }
0x5e: {  	_ =	shalt  }
0x5f: {  	_ =	shalt  }
0x60: {  	_ =	shalt  }
0x61: {  	_ =	shalt  }
0x62: {  	_ =	shalt  }
0x63: {  	_ =	shalt  }
0x64: {  	_ =	shalt  }
0x65: {  	_ =	shalt  }
0x66: {  	_ =	shalt  }
0x67: {  	_ =	shalt  }
0x68: {  	_ =	shalt  }
0x69: {  	_ =	shalt  }
0x6a: {  	_ =	shalt  }
0x6b: {  	_ =	shalt  }
0x6c: {  	_ =	shalt  }
0x6d: {  	_ =	shalt  }
0x6e: {  	_ =	shalt  }
0x6f: {  	_ =	shalt  }
0x70: {  	_ =	shalt  }
0x71: {  	_ =	shalt  }
0x72: {  	_ =	shalt  }
0x73: {  	_ =	shalt  }
0x74: {  	_ =	shalt  }
0x75: {  	_ =	shalt  }
0x76: {  	_ =	shalt  }
0x77: {  	_ =	shalt  }
0x78: {  	_ =	shalt  }
0x79: {  	_ =	shalt  }
0x7a: {  	_ =	shalt  }
0x7b: {  	_ =	shalt  }
0x7c: {  	_ =	shalt  }
0x7d: {  	_ =	shalt  }
0x7e: {  	_ =	shalt  }
0x7f: {  	_ =	shalt  }
0x80: {  	_ =	shalt  }
0x81: {  	_ =	shalt  }
0x82: {  	_ =	shalt  }
0x83: {  	_ =	shalt  }
0x84: {  	_ =	shalt  }
0x85: {  	_ =	shalt  }
0x86: {  	_ =	shalt  }
0x87: {  	_ =	shalt  }
.Lfunc_end0:
.L_simem_size_0:
called_computation.8_lowered:
.L_overlay_start_0:
0x88: {  	s2 =	sld [smem:$0x3FD9]  }
0x89: {  	s3 =	sld [smem:$0x3FFE];
	_ =	sdelay $0x1  }
0x8a: {  	s1 =	srdreg.scid  }
0x8b: {  	s0 =	sand.u32 $0x1, s1  }
0x8c: {  	s14 =	sshll.u32 s0, $0xA;
	s2 =	sadd.s32 s3, s2  }
0x8d: {  	s2 =	sadd.s32 s2, s14  }
0x8e: {  	[smem:$0x3FB6] =	sst s2  }
0x8f: {  	_ = 	snop  }
0x90: {  	s2 =	sld [smem:$0x3FD0];
	_ =	sdelay $0x2  }
0x91: {  	s4 =	simm.s32 $0xB;
	s5 =	simm.s32 $0x10;
	s15 =	sld [smem:$0x3FC7]  }
0x92: {  	[smem:s5], [sflag:s4] =	dma.local [hbm:s2], $0x1  }
0x93: {  	_ =	swait.eq [sflag:s4], $0x1  }
0x94: {  	[sflag:s4] =	ssyncset.done $0x0  }
0x95: {  	[sflag:s4] =	ssyncadd.s32 $0xFFFFFFFF  }
0x96: {  	s16 =	sld [smem:$0x12];
	(tm) =	ssettm $0x1  }
0x97: {  	s17 =	sld [smem:$0x3FFB];
	_ =	sdelay $0x3  }
0x98: {  	_ =	strace s17  }
0x99: {  	s4 =	sld [smem:$0x3FFC];
	_ =	sdelay $0x3  }
0x9a: {  	_ =	strace s4  }
0x9b: {  	s4 =	sld [smem:$0x3FFD];
	_ =	sdelay $0x3  }
0x9c: {  	_ =	strace s4  }
0x9d: {  	_ =	strace $0x8FFFFFFF  }
0x9e: {  	s18 =	sld [smem:$0x3FDB];
	_ =	sdelay $0x1  }
0x9f: {  	s19 =	simm.s32 $_scs_section_size  }
0xa0: {  	s6 =	simm.s32 $_size__tile_overlayer_lowered;
	s7 =	simm.s32 $_tile_overlayer_lowered  }
0xa1: {  	s22 =	simm.s32 $0x1BFF;
	s21 =	sshll.u32 s7, $0x1;
	s4 =	sadd.s32 s19, s18  }
0xa2: {  	s8 =	simm.s32 $0x0;
	s20 =	sshll.u32 s6, $0x1;
	s6 =	sadd.s32 s21, s4  }
0xa3: {  	[timem:s8], [sflag:s22] =	dma.local [hbm:s6], s20  }
0xa4: {  	_ =	swait.ge [sflag:s22], s20  }
0xa5: {  	s5 =	ssub.s32 $0x0, s20;
	[sflag:s22] =	ssyncset.done $0x0  }
0xa6: {  	[sflag:s22] =	ssyncadd.s32 s5;
	_ =	sdelay $0x1  }
0xa7: {  	s23 =	simm.s32 $0x1B8B  }
0xa8: {  	_ =	swait.ge [sflag:s23], $0x1  }
0xa9: {  	[sflag:s23] =	ssyncset.done $0x0  }
0xaa: {  	s25 =	simm.s32 $0x1B8E;
	s24 =	sld [smem:$0x3FFE];
	[sflag:s23] =	ssyncadd.s32 $0xFFFFFFFF  }
0xab: {  	s26 =	simm.s32 $execute0_lowered;
	[smem:$0x3FD2] =	sst s25  }
0xac: {  	s6 =	sshll.u32 s26, $0x1;
	_ =	strace $0x80000058;
	[dreg:$0x1] =	wrdreg $0xFFFFFFFF  }
0xad: {  	s28 =	simm.s32 $_size_execute0_lowered;
	s4 =	sadd.s32 s4, s6;
	[dreg:$0x0] =	wrdreg $0x0  }
0xae: {  	s6 =	sshll.u32 s28, $0x1;
	[dreg:$0x2] =	wrdreg s4  }
0xaf: {  	[dreg:$0x3] =	wrdreg s6  }
0xb0: {  	[dreg:$0x4] =	wrdreg $0xC0  }
0xb1: {  	_ =	task [dreg:s8], $0x5FFFF  }
0xb2: {  	[dreg:$0x1] =	wrdreg $0xFFFFFFFF  }
0xb3: {  	[dreg:$0x0] =	wrdreg $0x60  }
0xb4: {  	[dreg:$0x2] =	wrdreg s16  }
0xb5: {  	[dreg:$0x3] =	wrdreg s15  }
0xb6: {  	[dreg:$0x4] =	wrdreg s24  }
0xb7: {  	[dreg:$0x5] =	wrdreg $0x9  }
0xb8: {  	_ =	task.clear_ibuf [dreg:s8], $0x6FFFF;
	_ =	strace $0x90000058  }
0xb9: {  	s29 =	simm.s32 $0x9;
	_ =	strace $0x8000005A  }
0xba: {  	_ =	swait.ge [sflag:s29], $0x1  }
0xbb: {  	[sflag:s29] =	ssyncadd.s32 $0xFFFFFFFF  }
0xbc: {  	_ =	strace $0x9000005A  }
0xbd: {  	_ =	sfence  }
0xbe: {  	s30 =	sld [smem:$0x0];
	_ =	sdelay $0x2  }
0xbf: {  	s31 =	sshll.u32 s1, $0xD;
	s1 =	sshrl.u32 s1, $0x2  }
0xc0: {  	s3 =	sand.u32 $0x4000, s31;
	s1 =	sadd.s32 s1, s30  }
0xc1: {  	s0 =	sor.u32 s3, s0;
	s1 =	sshll.u32 s1, $0x11  }
0xc2: {  	s0 =	sor.u32 s1, s0  }
0xc3: {  	s0 =	sadd.s32 $0x8F2B, s0  }
0xc4: {  	[sflag:s0] =	ssyncadd.remote.s32 $0x1  }
0xc5: {  	_ =	sfence.sel $0xFFFF  }
0xc6: {  	[dreg:$0x0] =	wrdreg $0xFFFFFFFF;
	(pc) =	sbr.abs _section_cstart, $3  }
0xc7: {  	[dreg:$0x1] =	wrdreg $0xFFFFFFFF  }
0xc8: {  	_ =	task.clear_ibuf [dreg:s8], $0x2FFFF;
	_ =	strace $0x9FFFFFFF  }
0xc9: {  	(tm) =	ssettm $0x7FFFFFFF  }
tec
execute0_lowered:
.L_overlay_start_1:
0x0: {  	(tag) =	ssettag $0x1  }
0x1: {  	s1 =	rddreg [dreg:$0x0]  }
0x2: {  	s2 =	rddreg [dreg:$0x1]  }
0x3: {  	s5 =	rddreg [dreg:$0x2]  }
0x4: {  	s0 =	rddreg [dreg:$0x3]  }
0x5: {  	s3 =	simm.s32 $0x0;
	s4 =	srdreg.scid;
	s12 =	simm.s32 $0x7D0  }
0x6: {  	s13 =	simm.s32 $0x1;
	s6 =	sand.u32 $0x1, s4;
	s4 =	stileid.u32  }
0x7: {  	[smem:$0x7FF] =	sst s3;
	s5 =	sadd.s32 $0x977E00, s5;
	s8 =	smul.u32 $0x7D00, s4  }
0x8: {  	s14 =	simm.s32 $0x0;
	_ =	strace $0x80000059;
	s11 =	smul.u32 $0x3E80, s6  }
0x9: {  	s7 =	ssub.s32 $0x2, s6;
	s10 =	sshll.u32 s4, $0x1;
	s30 =	smul.u32 $0xFA0, s4  }
0xa: {  	s31 =	smul.u32 $0x7D0, s6;
	s9 =	sshrl.u32 s7, $0x1;
	s29 =	sor.u32 s10, s6  }
0xb: {  	s10 =	simm.s32 $0x2;
	s7 =	ssub.s32 s7, s9;
	s9 =	ssub.s32 $0x83, s29  }
0xc: {  	s8 =	sadd.s32 s11, s8;
	s11 =	simm.s32 $0x3E8;
	s6 =	smax.u32 s7, $0x1  }
0xd: {  	s7 =	sshrl.u32 s9, $0x5;
	s8 =	sadd.s32 $0x1F40, s8;
	s9 =	sadd.s32 s31, s30  }
.LBB2_1:
0xe: {  	p1 =	sne.s32 s7, $0x1  }
.Ltmp0:
0xf: {  	_ = 	snop;
	(pc) =	sbr.rel @!p1 .LBB2_2-.Ltmp0, $2  }
0x10: {  	_ =	sdelay $0x2  }
0x11: {  	s15 =	sadd.s32 $0xFFFFFFFF, s7;
	s18 =	sshrl.u32 s9, $0x3;
	p0 =	por $0x0, $0x0  }
0x12: {  	s16 =	sadd.s32 s2, s18  }
0x13: {  	[tilespmem:s3], [sflag:$0x2] =	stream.linear.gather [hbm4b:s16+s3], $0x7D0, $0x38;
	[tilespmem:$0x101D0] =	vst v63  }
0x14: {  	_ =	swait.ge [sflag:s10], $0x7D0  }
0x15: {  	[sflag:s10] =	ssyncset.done $0x0  }
0x16: {  	[sflag:s10] =	ssyncadd.s32 $0xFFFFF830  }
0x17: {  	[tilespmem:s12], [sflag:$0x1] =	stream.indirect.gather [hbm4b:s1+s11], $0x40, s3, s11, $0xb8;
	[tilespmem:$0x101D0] =	vst v63  }
0x18: {  	s30 =	sadd.s32 $0xFFFFE0C0, s8;
	_ =	swait.ge [sflag:s13], $0xFA00  }
0x19: {  	s16 =	sand.u32 $0x1FFFFF80, s30;
	[sflag:s13] =	ssyncset.done $0x0  }
0x1a: {  	s16 =	sadd.s32 s5, s16;
	[sflag:s13] =	ssyncadd.s32 $0xFFFF0600  }
0x1b: {  	[hbm4b:s16+s3] =	stream.linear.scatter [tilespmem:s12], [sflag:$0x2], $0xFA00, $0x38;
	[tilespmem:$0x101D0] =	vst v63  }
0x1c: {  	_ =	swait.ge [sflag:s10], $0xFA00  }
0x1d: {  	[sflag:s10] =	ssyncset.done $0x0  }
0x1e: {  	[sflag:s10] =	ssyncadd.s32 $0xFFFF0600  }
0x1f: {  	[tilespmem:s12], [sflag:$0x1] =	stream.indirect.gather [hbm4b:s1+s11], $0x40, s11, s11, $0xb8;
	[tilespmem:$0x101D0] =	vst v63  }
0x20: {  	p1 =	sne.s32 s15, $0x1;
	_ =	swait.ge [sflag:s13], $0xFA00  }
.Ltmp1:
0x21: {  	s31 =	sand.u32 $0x1FFFFFC0, s8;
	[sflag:s13] =	ssyncset.done $0x0;
	(pc) =	sbr.rel @!p1 .LBB2_4-.Ltmp1, $4  }
0x22: {  	s17 =	sadd.s32 $0xFA00, s9;
	s16 =	sadd.s32 s5, s31;
	[sflag:s13] =	ssyncadd.s32 $0xFFFF0600  }
0x23: {  	[hbm4b:s16+s3] =	stream.linear.scatter [tilespmem:s12], [sflag:$0x2], $0xFA00, $0x38;
	[tilespmem:$0x101D0] =	vst v63  }
0x24: {  	p0 =	por $0x1, $0x1;
	s18 =	sshrl.u32 s17, $0x3;
	_ =	swait.ge [sflag:s10], $0xFA00  }
0x25: {  	s16 =	sadd.s32 $0xFFFFFFFF, s15;
	s15 =	smov.u32 s8;
	[sflag:s10] =	ssyncset.done $0x0  }
.LBB2_5:
0x26: {  	s18 =	sadd.s32 s2, s18;
	[sflag:s10] =	ssyncadd.s32 $0xFFFF0600;
	s15 =	sadd.s32 $0x7D000, s15  }
0x27: {  	[tilespmem:s3], [sflag:$0x2] =	stream.linear.gather [hbm4b:s18+s3], $0x7D0, $0x38;
	[tilespmem:$0x101D0] =	vst v63  }
0x28: {  	p1 =	sne.s32 s16, $0x1;
	s16 =	sadd.s32 $0xFFFFFFFF, s16;
	_ =	swait.ge [sflag:s10], $0x7D0  }
0x29: {  	[sflag:s10] =	ssyncset.done $0x0  }
0x2a: {  	[sflag:s10] =	ssyncadd.s32 $0xFFFFF830  }
0x2b: {  	[tilespmem:s12], [sflag:$0x1] =	stream.indirect.gather [hbm4b:s1+s11], $0x40, s3, s11, $0xb8;
	[tilespmem:$0x101D0] =	vst v63  }
0x2c: {  	s18 =	sadd.s32 $0xFFFFE0C0, s15;
	_ =	swait.ge [sflag:s13], $0xFA00  }
0x2d: {  	s18 =	sand.u32 $0x1FFFFF80, s18;
	[sflag:s13] =	ssyncset.done $0x0  }
0x2e: {  	s18 =	sadd.s32 s5, s18;
	[sflag:s13] =	ssyncadd.s32 $0xFFFF0600  }
0x2f: {  	[hbm4b:s18+s3] =	stream.linear.scatter [tilespmem:s12], [sflag:$0x2], $0xFA00, $0x38;
	[tilespmem:$0x101D0] =	vst v63  }
0x30: {  	_ =	swait.ge [sflag:s10], $0xFA00  }
0x31: {  	[sflag:s10] =	ssyncset.done $0x0  }
0x32: {  	[sflag:s10] =	ssyncadd.s32 $0xFFFF0600  }
0x33: {  	[tilespmem:s12], [sflag:$0x1] =	stream.indirect.gather [hbm4b:s1+s11], $0x40, s11, s11, $0xb8;
	[tilespmem:$0x101D0] =	vst v63  }
0x34: {  	_ =	swait.ge [sflag:s13], $0xFA00  }
.Ltmp2:
0x35: {  	s18 =	sand.u32 $0x1FFFFFC0, s15;
	[sflag:s13] =	ssyncset.done $0x0;
	(pc) =	sbr.rel @p1 .LBB2_5-.Ltmp2, $4  }
0x36: {  	s18 =	sadd.s32 s5, s18;
	[sflag:s13] =	ssyncadd.s32 $0xFFFF0600  }
0x37: {  	[hbm4b:s18+s3] =	stream.linear.scatter [tilespmem:s12], [sflag:$0x2], $0xFA00, $0x38;
	[tilespmem:$0x101D0] =	vst v63  }
0x38: {  	s17 =	sadd.s32 $0xFA00, s17;
	_ =	swait.ge [sflag:s10], $0xFA00  }
0x39: {  	s18 =	sshrl.u32 s17, $0x3;
	[sflag:s10] =	ssyncset.done $0x0  }
.LBB2_6:
0x3a: {  	s16 =	sadd.s32 s2, s18;
	[sflag:s10] =	ssyncadd.s32 @p0 $0xFFFF0600  }
0x3b: {  	[tilespmem:s3], [sflag:$0x2] =	stream.linear.gather [hbm4b:s16+s3], $0x7D0, $0x38;
	[tilespmem:$0x101D0] =	vst v63  }
0x3c: {  	_ =	swait.ge [sflag:s10], $0x7D0  }
0x3d: {  	s15 =	sadd.s32 @p0 $0x7D000, s15;
	s16 =	smov.u32 s8;
	[sflag:s10] =	ssyncset.done $0x0  }
0x3e: {  	s16 =	smov.u32 @p0 s15;
	[sflag:s10] =	ssyncadd.s32 $0xFFFFF830  }
0x3f: {  	[tilespmem:s12], [sflag:$0x1] =	stream.indirect.gather [hbm4b:s1+s11], $0x40, s3, s11, $0xb8;
	[tilespmem:$0x101D0] =	vst v63  }
0x40: {  	s15 =	sadd.s32 $0xFFFFE0C0, s16;
	_ =	swait.ge [sflag:s13], $0xFA00  }
0x41: {  	s15 =	sand.u32 $0x1FFFFF80, s15;
	[sflag:s13] =	ssyncset.done $0x0  }
0x42: {  	s15 =	sadd.s32 s5, s15;
	[sflag:s13] =	ssyncadd.s32 $0xFFFF0600  }
0x43: {  	[hbm4b:s15+s3] =	stream.linear.scatter [tilespmem:s12], [sflag:$0x2], $0xFA00, $0x38;
	[tilespmem:$0x101D0] =	vst v63  }
0x44: {  	_ =	swait.ge [sflag:s10], $0xFA00  }
0x45: {  	[sflag:s10] =	ssyncset.done $0x0  }
0x46: {  	[sflag:s10] =	ssyncadd.s32 $0xFFFF0600  }
0x47: {  	[tilespmem:s12], [sflag:$0x1] =	stream.indirect.gather [hbm4b:s1+s11], $0x40, s11, s11, $0xb8;
	[tilespmem:$0x101D0] =	vst v63  }
0x48: {  	_ =	swait.ge [sflag:s13], $0xFA00  }
0x49: {  	s14 =	sadd.s32 $0x1, s14;
	s31 =	sand.u32 $0x1FFFFFC0, s16;
	[sflag:s13] =	ssyncset.done $0x0  }
0x4a: {  	p0 =	sne.s32 s14, s6;
	s15 =	sadd.s32 s5, s31;
	[sflag:s13] =	ssyncadd.s32 $0xFFFF0600  }
0x4b: {  	[hbm4b:s15+s3] =	stream.linear.scatter [tilespmem:s12], [sflag:$0x2], $0xFA00, $0x38;
	[tilespmem:$0x101D0] =	vst v63  }
.Ltmp3:
0x4c: {  	_ = 	snop;
	(pc) =	sbr.rel @p0 .LBB2_1-.Ltmp3, $4  }
.Ltmp4:
0x4d: {  	_ = 	snop;
	(pc) =	sbr.rel @!p0 .LBB2_7-.Ltmp4, $4  }
0x4e: {  	_ =	swait.ge [sflag:s10], $0xFA00  }
0x4f: {  	[sflag:s10] =	ssyncset.done $0x0  }
0x50: {  	[sflag:s10] =	ssyncadd.s32 $0xFFFF0600  }
0x51: {  	_ = 	snop  }
.LBB2_2:
.Ltmp5:
0x52: {  	(pc) =	sbr.rel .LBB2_6-.Ltmp5, $2  }
0x53: {  	_ =	sdelay $0x2  }
0x54: {  	s15 =	smov.u32 s8  }
.LBB2_4:
.Ltmp6:
0x55: {  	(pc) =	sbr.rel .LBB2_6-.Ltmp6, $2  }
0x56: {  	_ =	sdelay $0x2  }
0x57: {  	s15 =	smov.u32 s8  }
.LBB2_7:
0x58: {  	_ =	sfence.sel $0x180000  }
0x59: {  	[bflag:$0x0] =	sbarrier.arrive $0xFFFF  }
0x5a: {  	p0 =	sne.s32 s4, $0x0;
	_ =	strace $0x90000059  }
0x5b: {  	s0 =	sadd.s32 @!p0 $0x100000, s0;
	[bflag:$0x2] =	sbarrier.arrive $0xFFFF  }
0x5c: {  	[sflag:s0] =	ssyncadd.tile.s32 @!p0 $0x1;
	_ =	shalt  }
.Lfunc_end2:
_tile_overlayer_lowered:
.L_overlay_start_2:
0x5d: {  	(tag) =	ssettag $0x2  }
0x5e: {  	s0 =	rddreg [dreg:$0x0];
	s2 =	stileid.u32  }
0x5f: {  	s1 =	rddreg [dreg:$0x1];
	p0 =	sne.s32 s2, $0x0  }
0x60: {  	s3 =	rddreg [dreg:$0x2];
	[bflag:$0x3] =	sbarrier.arrive $0xFFFF;
	s2 =	simm.s32 @!p0 $0x1C02  }
0x61: {  	[timem:s3], [sflag:s2] =	dma.local @!p0 [hbm:s0], s1  }
0x62: {  	s0 =	simm.s32 @!p0 $0x2  }
0x63: {  	_ =	swait.ge @!p0 [sflag:s0], s1  }
0x64: {  	s1 =	ssub.s32 @!p0 $0x0, s1;
	[sflag:s0] =	ssyncset.done @!p0 $0x0  }
0x65: {  	[sflag:s0] =	ssyncadd.s32 @!p0 s1  }
0x66: {  	[bflag:$0x3] =	sbarrier.arrive $0xFFFF  }
0x67: {  	_ =	shalt  }

// kernel: kernel.15.cloned.1.call-start
scs
__scs_entry_jumppad:
0x0: {  	(pc) =	sbr.rel $0x88, $3  }
0x1: {  	(tag) =	ssettag $0x0;
	lr =	simm.s32 $0x1  }
0x2: {  	[smem:$0x3F8F] =	sst lr;
	_ =	strace $0xD0000000  }
0x3: {  	_ = 	snop  }
0x4: {  	_ = 	snop  }
0x5: {  	_ = 	snop  }
0x6: {  	_ = 	snop  }
0x7: {  	_ = 	snop  }
__scs_overlays_trampoline_lowered:
0x8: {  	[smem:$0x3F9E] =	sst s0  }
0x9: {  	[smem:$0x3F9F] =	sst s1  }
0xa: {  	[smem:$0x3FA0] =	sst s2  }
0xb: {  	[smem:$0x3FA1] =	sst s3  }
0xc: {  	[smem:$0x3FA2] =	sst s4  }
0xd: {  	[smem:$0x3FA3] =	sst s5  }
0xe: {  	[smem:$0x3FA4] =	sst s6  }
0xf: {  	[smem:$0x3FA5] =	sst s7  }
0x10: {  	[smem:$0x3FA6] =	sst s8  }
0x11: {  	[smem:$0x3FA7] =	sst s9;
	s0 =	simm.s32 @!p0 $0x0  }
0x12: {  	s1 =	sld [smem:$0x3F8D];
	s0 =	simm.s32 @p0 $0x1  }
0x13: {  	[smem:$0x3FA8] =	sst s0;
	s0 =	simm.s32 @!p1 $0x0  }
0x14: {  	s2 =	sld [smem:$0x3F8C];
	s0 =	simm.s32 @p1 $0x1  }
0x15: {  	[smem:$0x3FA9] =	sst s0;
	s0 =	simm.s32 @!p2 $0x0  }
0x16: {  	s3 =	sld [smem:$0x3FDB];
	s0 =	simm.s32 @p2 $0x1  }
0x17: {  	s4 =	simm.s32 $0x1BF5;
	[smem:$0x3FAB] =	sst s0  }
0x18: {  	s0 =	sld [smem:$0x3F8E];
	_ =	swait.ge [sflag:s4], $0x0  }
0x19: {  	s7 =	sld [smem:$0x3F8F]  }
0x1a: {  	s8 =	sadd.s32 $0xFFFFE003, lr  }
0x1b: {  	s9 =	sadd.s32 $0xFFFFFEF7, lr;
	s5 =	simm.s32 $0xFFFFFFFF;
	p2 =	slt.u32 s8, $0xFFFFF086  }
0x1c: {  	p1 =	slt.u32 s9, $0xF7A;
	s5 =	simm.s32 @!p2 $0x0  }
0x1d: {  	s5 =	simm.s32 @p1 $0x1;
	p0 =	seq.s32 s7, s2  }
0x1e: {  	s7 =	smul.u32 @!p0 $0xF7A, s2;
	p2 =	seq.s32 @!p0 s5, $0x0  }
0x1f: {  	s9 =	smul.u32 $0xF7A, s1;
	s8 =	simm.s32 @!p0 $0x1BF5;
	p2 =	por !p2, p0  }
0x20: {  	[sflag:s8] =	ssyncset.s32 @!p0 $0xFFFFF086;
	s6 =	sadd.s32 @!p0 s3, s7;
	s7 =	simm.s32 @!p0 $0x108  }
0x21: {  	s3 =	sadd.s32 s3, s9;
	s6 =	sadd.s32 @!p0 $0x88, s6;
	s7 =	simm.s32 @p2 $0x1082  }
0x22: {  	[simem:s7], [sflag:s8] =	dma.local @!p0 [hbm:s6], $0xF7A  }
0x23: {  	s9 =	sor.u32 $0xD0000000, s2;
	s6 =	simm.s32 $0x108;
	_ =	swait.ge @!p0 [sflag:s8], $0x0  }
0x24: {  	s3 =	sadd.s32 $0x88, s3;
	s6 =	simm.s32 @!p1 $0x1082;
	[sflag:s4] =	ssyncset.s32 $0xFFFFF086  }
0x25: {  	[simem:s6], [sflag:s4] =	dma.local [hbm:s3], $0xF7A  }
0x26: {  	[smem:$0x3F8F] =	sst s1;
	(tag) =	ssettag s2;
	_ =	strace s9  }
0x27: {  	s1 =	sld [smem:$0x3F9F]  }
0x28: {  	s2 =	sld [smem:$0x3FA0]  }
0x29: {  	s4 =	sld [smem:$0x3FA2]  }
0x2a: {  	p0 =	seq.s32 s5, $0x0;
	s5 =	sld [smem:$0x3FA3]  }
0x2b: {  	s6 =	sld [smem:$0x3FA4]  }
0x2c: {  	s7 =	sld [smem:$0x3FA5]  }
0x2d: {  	s3 =	simm.s32 $0x108;
	s8 =	sld [smem:$0x3FA6]  }
0x2e: {  	s3 =	simm.s32 @!p0 $0x1082;
	s9 =	sld [smem:$0x3FA7]  }
0x2f: {  	lr =	sadd.s32 s0, s3;
	s0 =	sld [smem:$0x3F9E]  }
0x30: {  	s3 =	sld [smem:$0x3FA1]  }
0x31: {  	[smem:$0x3FAA] =	sst s10  }
0x32: {  	s10 =	sld [smem:$0x3FA8];
	_ =	sdelay $0x3  }
0x33: {  	p0 =	seq.s32 s10, $0x1;
	s10 =	sld [smem:$0x3FAA];
	_ =	sdelay $0x3  }
0x34: {  	[smem:$0x3FAA] =	sst s10  }
0x35: {  	s10 =	sld [smem:$0x3FA9];
	_ =	sdelay $0x3  }
0x36: {  	p1 =	seq.s32 s10, $0x1;
	s10 =	sld [smem:$0x3FAA];
	_ =	sdelay $0x3  }
0x37: {  	[smem:$0x3FAA] =	sst s10  }
0x38: {  	s10 =	sld [smem:$0x3FAB]  }
0x39: {  	_ = 	snop;
	(pc) =	sbr.ind lr, $3  }
0x3a: {  	_ = 	snop  }
0x3b: {  	_ = 	snop  }
0x3c: {  	p2 =	seq.s32 s10, $0x1;
	s10 =	sld [smem:$0x3FAA]  }
0x3d: {  	_ =	shalt  }
0x3e: {  	_ =	shalt  }
0x3f: {  	_ =	shalt  }
0x40: {  	_ =	shalt  }
0x41: {  	_ =	shalt  }
0x42: {  	_ =	shalt  }
0x43: {  	_ =	shalt  }
0x44: {  	_ =	shalt  }
0x45: {  	_ =	shalt  }
0x46: {  	_ =	shalt  }
0x47: {  	_ =	shalt  }
0x48: {  	_ =	shalt  }
0x49: {  	_ =	shalt  }
0x4a: {  	_ =	shalt  }
0x4b: {  	_ =	shalt  }
0x4c: {  	_ =	shalt  }
0x4d: {  	_ =	shalt  }
0x4e: {  	_ =	shalt  }
0x4f: {  	_ =	shalt  }
0x50: {  	_ =	shalt  }
0x51: {  	_ =	shalt  }
0x52: {  	_ =	shalt  }
0x53: {  	_ =	shalt  }
0x54: {  	_ =	shalt  }
0x55: {  	_ =	shalt  }
0x56: {  	_ =	shalt  }
0x57: {  	_ =	shalt  }
0x58: {  	_ =	shalt  }
0x59: {  	_ =	shalt  }
0x5a: {  	_ =	shalt  }
0x5b: {  	_ =	shalt  }
0x5c: {  	_ =	shalt  }
0x5d: {  	_ =	shalt  }
0x5e: {  	_ =	shalt  }
0x5f: {  	_ =	shalt  }
0x60: {  	_ =	shalt  }
0x61: {  	_ =	shalt  }
0x62: {  	_ =	shalt  }
0x63: {  	_ =	shalt  }
0x64: {  	_ =	shalt  }
0x65: {  	_ =	shalt  }
0x66: {  	_ =	shalt  }
0x67: {  	_ =	shalt  }
0x68: {  	_ =	shalt  }
0x69: {  	_ =	shalt  }
0x6a: {  	_ =	shalt  }
0x6b: {  	_ =	shalt  }
0x6c: {  	_ =	shalt  }
0x6d: {  	_ =	shalt  }
0x6e: {  	_ =	shalt  }
0x6f: {  	_ =	shalt  }
0x70: {  	_ =	shalt  }
0x71: {  	_ =	shalt  }
0x72: {  	_ =	shalt  }
0x73: {  	_ =	shalt  }
0x74: {  	_ =	shalt  }
0x75: {  	_ =	shalt  }
0x76: {  	_ =	shalt  }
0x77: {  	_ =	shalt  }
0x78: {  	_ =	shalt  }
0x79: {  	_ =	shalt  }
0x7a: {  	_ =	shalt  }
0x7b: {  	_ =	shalt  }
0x7c: {  	_ =	shalt  }
0x7d: {  	_ =	shalt  }
0x7e: {  	_ =	shalt  }
0x7f: {  	_ =	shalt  }
0x80: {  	_ =	shalt  }
0x81: {  	_ =	shalt  }
0x82: {  	_ =	shalt  }
0x83: {  	_ =	shalt  }
0x84: {  	_ =	shalt  }
0x85: {  	_ =	shalt  }
0x86: {  	_ =	shalt  }
0x87: {  	_ =	shalt  }
.Lfunc_end0:
.L_simem_size_0:
called_computation.9_lowered:
.L_overlay_start_0:
0x88: {  	s2 =	sld [smem:$0x3FD9]  }
0x89: {  	s3 =	sld [smem:$0x3FFE];
	_ =	sdelay $0x1  }
0x8a: {  	s1 =	srdreg.scid  }
0x8b: {  	s0 =	sand.u32 $0x1, s1  }
0x8c: {  	s14 =	sshll.u32 s0, $0xA;
	s2 =	sadd.s32 s3, s2  }
0x8d: {  	s2 =	sadd.s32 s2, s14  }
0x8e: {  	[smem:$0x3FB6] =	sst s2  }
0x8f: {  	_ = 	snop  }
0x90: {  	s2 =	sld [smem:$0x3FD0];
	_ =	sdelay $0x2  }
0x91: {  	s4 =	simm.s32 $0xB;
	s5 =	simm.s32 $0x10;
	s15 =	sld [smem:$0x3FC8]  }
0x92: {  	[smem:s5], [sflag:s4] =	dma.local [hbm:s2], $0x1  }
0x93: {  	_ =	swait.eq [sflag:s4], $0x1  }
0x94: {  	[sflag:s4] =	ssyncset.done $0x0  }
0x95: {  	[sflag:s4] =	ssyncadd.s32 $0xFFFFFFFF  }
0x96: {  	s16 =	sld [smem:$0x10];
	(tm) =	ssettm $0x1  }
0x97: {  	s17 =	sld [smem:$0x3FFB];
	_ =	sdelay $0x3  }
0x98: {  	_ =	strace s17  }
0x99: {  	s4 =	sld [smem:$0x3FFC];
	_ =	sdelay $0x3  }
0x9a: {  	_ =	strace s4  }
0x9b: {  	s4 =	sld [smem:$0x3FFD];
	_ =	sdelay $0x3  }
0x9c: {  	_ =	strace s4  }
0x9d: {  	_ =	strace $0x8FFFFFFF  }
0x9e: {  	s18 =	sld [smem:$0x3FDB];
	_ =	sdelay $0x1  }
0x9f: {  	s19 =	simm.s32 $_scs_section_size  }
0xa0: {  	s6 =	simm.s32 $_size__tile_overlayer_lowered;
	s7 =	simm.s32 $_tile_overlayer_lowered  }
0xa1: {  	s22 =	simm.s32 $0x1BFF;
	s21 =	sshll.u32 s7, $0x1;
	s4 =	sadd.s32 s19, s18  }
0xa2: {  	s8 =	simm.s32 $0x0;
	s20 =	sshll.u32 s6, $0x1;
	s6 =	sadd.s32 s21, s4  }
0xa3: {  	[timem:s8], [sflag:s22] =	dma.local [hbm:s6], s20  }
0xa4: {  	_ =	swait.ge [sflag:s22], s20  }
0xa5: {  	s5 =	ssub.s32 $0x0, s20;
	[sflag:s22] =	ssyncset.done $0x0  }
0xa6: {  	[sflag:s22] =	ssyncadd.s32 s5;
	_ =	sdelay $0x1  }
0xa7: {  	s23 =	simm.s32 $0x1B8B  }
0xa8: {  	_ =	swait.ge [sflag:s23], $0x1  }
0xa9: {  	[sflag:s23] =	ssyncset.done $0x0  }
0xaa: {  	s25 =	simm.s32 $0x1B8E;
	s24 =	sld [smem:$0x3FFE];
	[sflag:s23] =	ssyncadd.s32 $0xFFFFFFFF  }
0xab: {  	s26 =	simm.s32 $execute0_lowered;
	[smem:$0x3FD2] =	sst s25  }
0xac: {  	s6 =	sshll.u32 s26, $0x1;
	_ =	strace $0x8000005B;
	[dreg:$0x1] =	wrdreg $0xFFFFFFFF  }
0xad: {  	s28 =	simm.s32 $_size_execute0_lowered;
	s4 =	sadd.s32 s4, s6;
	[dreg:$0x0] =	wrdreg $0x0  }
0xae: {  	s6 =	sshll.u32 s28, $0x1;
	[dreg:$0x2] =	wrdreg s4  }
0xaf: {  	[dreg:$0x3] =	wrdreg s6  }
0xb0: {  	[dreg:$0x4] =	wrdreg $0xC0  }
0xb1: {  	_ =	task [dreg:s8], $0x5FFFF  }
0xb2: {  	[dreg:$0x1] =	wrdreg $0xFFFFFFFF  }
0xb3: {  	[dreg:$0x0] =	wrdreg $0x60  }
0xb4: {  	[dreg:$0x2] =	wrdreg s16  }
0xb5: {  	[dreg:$0x3] =	wrdreg s15  }
0xb6: {  	[dreg:$0x4] =	wrdreg s24  }
0xb7: {  	[dreg:$0x5] =	wrdreg $0xA  }
0xb8: {  	_ =	task.clear_ibuf [dreg:s8], $0x6FFFF;
	_ =	strace $0x9000005B  }
0xb9: {  	s29 =	simm.s32 $0xA;
	_ =	strace $0x8000005D  }
0xba: {  	_ =	swait.ge [sflag:s29], $0x1  }
0xbb: {  	[sflag:s29] =	ssyncadd.s32 $0xFFFFFFFF  }
0xbc: {  	_ =	strace $0x9000005D  }
0xbd: {  	_ =	sfence  }
0xbe: {  	s30 =	sld [smem:$0x0];
	_ =	sdelay $0x2  }
0xbf: {  	s31 =	sshll.u32 s1, $0xD;
	s1 =	sshrl.u32 s1, $0x2  }
0xc0: {  	s3 =	sand.u32 $0x4000, s31;
	s1 =	sadd.s32 s1, s30  }
0xc1: {  	s0 =	sor.u32 s3, s0;
	s1 =	sshll.u32 s1, $0x11  }
0xc2: {  	s0 =	sor.u32 s1, s0  }
0xc3: {  	s0 =	sadd.s32 $0x8F2B, s0  }
0xc4: {  	[sflag:s0] =	ssyncadd.remote.s32 $0x1  }
0xc5: {  	_ =	sfence.sel $0xFFFF  }
0xc6: {  	[dreg:$0x0] =	wrdreg $0xFFFFFFFF;
	(pc) =	sbr.abs _section_cstart, $3  }
0xc7: {  	[dreg:$0x1] =	wrdreg $0xFFFFFFFF  }
0xc8: {  	_ =	task.clear_ibuf [dreg:s8], $0x2FFFF;
	_ =	strace $0x9FFFFFFF  }
0xc9: {  	(tm) =	ssettm $0x7FFFFFFF  }
tec
execute0_lowered:
.L_overlay_start_1:
0x0: {  	(tag) =	ssettag $0x1  }
0x1: {  	s1 =	rddreg [dreg:$0x0]  }
0x2: {  	s2 =	rddreg [dreg:$0x1]  }
0x3: {  	s5 =	rddreg [dreg:$0x2]  }
0x4: {  	s0 =	rddreg [dreg:$0x3]  }
0x5: {  	s3 =	simm.s32 $0x0;
	s4 =	srdreg.scid;
	s12 =	simm.s32 $0x7D0  }
0x6: {  	s13 =	simm.s32 $0x1;
	s6 =	sand.u32 $0x1, s4;
	s4 =	stileid.u32  }
0x7: {  	[smem:$0x7FF] =	sst s3;
	s5 =	sadd.s32 $0xC85200, s5;
	s8 =	smul.u32 $0x7D00, s4  }
0x8: {  	s14 =	simm.s32 $0x0;
	_ =	strace $0x8000005C;
	s11 =	smul.u32 $0x3E80, s6  }
0x9: {  	s7 =	ssub.s32 $0x2, s6;
	s10 =	sshll.u32 s4, $0x1;
	s30 =	smul.u32 $0xFA0, s4  }
0xa: {  	s31 =	smul.u32 $0x7D0, s6;
	s9 =	sshrl.u32 s7, $0x1;
	s29 =	sor.u32 s10, s6  }
0xb: {  	s10 =	simm.s32 $0x2;
	s7 =	ssub.s32 s7, s9;
	s9 =	ssub.s32 $0x119, s29  }
0xc: {  	s8 =	sadd.s32 s11, s8;
	s11 =	simm.s32 $0x3E8;
	s6 =	smax.u32 s7, $0x1  }
0xd: {  	s7 =	sshrl.u32 s9, $0x5;
	s8 =	sadd.s32 $0x1F40, s8;
	s9 =	sadd.s32 s31, s30  }
.LBB2_1:
0xe: {  	p1 =	sne.s32 s7, $0x1  }
.Ltmp0:
0xf: {  	_ = 	snop;
	(pc) =	sbr.rel @!p1 .LBB2_2-.Ltmp0, $2  }
0x10: {  	_ =	sdelay $0x2  }
0x11: {  	s15 =	sadd.s32 $0xFFFFFFFF, s7;
	s18 =	sshrl.u32 s9, $0x3;
	p0 =	por $0x0, $0x0  }
0x12: {  	s16 =	sadd.s32 s2, s18  }
0x13: {  	[tilespmem:s3], [sflag:$0x2] =	stream.linear.gather [hbm4b:s16+s3], $0x7D0, $0x38;
	[tilespmem:$0x101D0] =	vst v63  }
0x14: {  	_ =	swait.ge [sflag:s10], $0x7D0  }
0x15: {  	[sflag:s10] =	ssyncset.done $0x0  }
0x16: {  	[sflag:s10] =	ssyncadd.s32 $0xFFFFF830  }
0x17: {  	[tilespmem:s12], [sflag:$0x1] =	stream.indirect.gather [hbm4b:s1+s11], $0x40, s3, s11, $0xb8;
	[tilespmem:$0x101D0] =	vst v63  }
0x18: {  	s30 =	sadd.s32 $0xFFFFE0C0, s8;
	_ =	swait.ge [sflag:s13], $0xFA00  }
0x19: {  	s16 =	sand.u32 $0x1FFFFF80, s30;
	[sflag:s13] =	ssyncset.done $0x0  }
0x1a: {  	s16 =	sadd.s32 s5, s16;
	[sflag:s13] =	ssyncadd.s32 $0xFFFF0600  }
0x1b: {  	[hbm4b:s16+s3] =	stream.linear.scatter [tilespmem:s12], [sflag:$0x2], $0xFA00, $0x38;
	[tilespmem:$0x101D0] =	vst v63  }
0x1c: {  	_ =	swait.ge [sflag:s10], $0xFA00  }
0x1d: {  	[sflag:s10] =	ssyncset.done $0x0  }
0x1e: {  	[sflag:s10] =	ssyncadd.s32 $0xFFFF0600  }
0x1f: {  	[tilespmem:s12], [sflag:$0x1] =	stream.indirect.gather [hbm4b:s1+s11], $0x40, s11, s11, $0xb8;
	[tilespmem:$0x101D0] =	vst v63  }
0x20: {  	p1 =	sne.s32 s15, $0x1;
	_ =	swait.ge [sflag:s13], $0xFA00  }
.Ltmp1:
0x21: {  	s31 =	sand.u32 $0x1FFFFFC0, s8;
	[sflag:s13] =	ssyncset.done $0x0;
	(pc) =	sbr.rel @!p1 .LBB2_4-.Ltmp1, $4  }
0x22: {  	s17 =	sadd.s32 $0xFA00, s9;
	s16 =	sadd.s32 s5, s31;
	[sflag:s13] =	ssyncadd.s32 $0xFFFF0600  }
0x23: {  	[hbm4b:s16+s3] =	stream.linear.scatter [tilespmem:s12], [sflag:$0x2], $0xFA00, $0x38;
	[tilespmem:$0x101D0] =	vst v63  }
0x24: {  	p0 =	por $0x1, $0x1;
	s18 =	sshrl.u32 s17, $0x3;
	_ =	swait.ge [sflag:s10], $0xFA00  }
0x25: {  	s16 =	sadd.s32 $0xFFFFFFFF, s15;
	s15 =	smov.u32 s8;
	[sflag:s10] =	ssyncset.done $0x0  }
.LBB2_5:
0x26: {  	s18 =	sadd.s32 s2, s18;
	[sflag:s10] =	ssyncadd.s32 $0xFFFF0600;
	s15 =	sadd.s32 $0x7D000, s15  }
0x27: {  	[tilespmem:s3], [sflag:$0x2] =	stream.linear.gather [hbm4b:s18+s3], $0x7D0, $0x38;
	[tilespmem:$0x101D0] =	vst v63  }
0x28: {  	p1 =	sne.s32 s16, $0x1;
	s16 =	sadd.s32 $0xFFFFFFFF, s16;
	_ =	swait.ge [sflag:s10], $0x7D0  }
0x29: {  	[sflag:s10] =	ssyncset.done $0x0  }
0x2a: {  	[sflag:s10] =	ssyncadd.s32 $0xFFFFF830  }
0x2b: {  	[tilespmem:s12], [sflag:$0x1] =	stream.indirect.gather [hbm4b:s1+s11], $0x40, s3, s11, $0xb8;
	[tilespmem:$0x101D0] =	vst v63  }
0x2c: {  	s18 =	sadd.s32 $0xFFFFE0C0, s15;
	_ =	swait.ge [sflag:s13], $0xFA00  }
0x2d: {  	s18 =	sand.u32 $0x1FFFFF80, s18;
	[sflag:s13] =	ssyncset.done $0x0  }
0x2e: {  	s18 =	sadd.s32 s5, s18;
	[sflag:s13] =	ssyncadd.s32 $0xFFFF0600  }
0x2f: {  	[hbm4b:s18+s3] =	stream.linear.scatter [tilespmem:s12], [sflag:$0x2], $0xFA00, $0x38;
	[tilespmem:$0x101D0] =	vst v63  }
0x30: {  	_ =	swait.ge [sflag:s10], $0xFA00  }
0x31: {  	[sflag:s10] =	ssyncset.done $0x0  }
0x32: {  	[sflag:s10] =	ssyncadd.s32 $0xFFFF0600  }
0x33: {  	[tilespmem:s12], [sflag:$0x1] =	stream.indirect.gather [hbm4b:s1+s11], $0x40, s11, s11, $0xb8;
	[tilespmem:$0x101D0] =	vst v63  }
0x34: {  	_ =	swait.ge [sflag:s13], $0xFA00  }
.Ltmp2:
0x35: {  	s18 =	sand.u32 $0x1FFFFFC0, s15;
	[sflag:s13] =	ssyncset.done $0x0;
	(pc) =	sbr.rel @p1 .LBB2_5-.Ltmp2, $4  }
0x36: {  	s18 =	sadd.s32 s5, s18;
	[sflag:s13] =	ssyncadd.s32 $0xFFFF0600  }
0x37: {  	[hbm4b:s18+s3] =	stream.linear.scatter [tilespmem:s12], [sflag:$0x2], $0xFA00, $0x38;
	[tilespmem:$0x101D0] =	vst v63  }
0x38: {  	s17 =	sadd.s32 $0xFA00, s17;
	_ =	swait.ge [sflag:s10], $0xFA00  }
0x39: {  	s18 =	sshrl.u32 s17, $0x3;
	[sflag:s10] =	ssyncset.done $0x0  }
.LBB2_6:
0x3a: {  	s16 =	sadd.s32 s2, s18;
	[sflag:s10] =	ssyncadd.s32 @p0 $0xFFFF0600  }
0x3b: {  	[tilespmem:s3], [sflag:$0x2] =	stream.linear.gather [hbm4b:s16+s3], $0x7D0, $0x38;
	[tilespmem:$0x101D0] =	vst v63  }
0x3c: {  	_ =	swait.ge [sflag:s10], $0x7D0  }
0x3d: {  	s15 =	sadd.s32 @p0 $0x7D000, s15;
	s16 =	smov.u32 s8;
	[sflag:s10] =	ssyncset.done $0x0  }
0x3e: {  	s16 =	smov.u32 @p0 s15;
	[sflag:s10] =	ssyncadd.s32 $0xFFFFF830  }
0x3f: {  	[tilespmem:s12], [sflag:$0x1] =	stream.indirect.gather [hbm4b:s1+s11], $0x40, s3, s11, $0xb8;
	[tilespmem:$0x101D0] =	vst v63  }
0x40: {  	s15 =	sadd.s32 $0xFFFFE0C0, s16;
	_ =	swait.ge [sflag:s13], $0xFA00  }
0x41: {  	s15 =	sand.u32 $0x1FFFFF80, s15;
	[sflag:s13] =	ssyncset.done $0x0  }
0x42: {  	s15 =	sadd.s32 s5, s15;
	[sflag:s13] =	ssyncadd.s32 $0xFFFF0600  }
0x43: {  	[hbm4b:s15+s3] =	stream.linear.scatter [tilespmem:s12], [sflag:$0x2], $0xFA00, $0x38;
	[tilespmem:$0x101D0] =	vst v63  }
0x44: {  	_ =	swait.ge [sflag:s10], $0xFA00  }
0x45: {  	[sflag:s10] =	ssyncset.done $0x0  }
0x46: {  	[sflag:s10] =	ssyncadd.s32 $0xFFFF0600  }
0x47: {  	[tilespmem:s12], [sflag:$0x1] =	stream.indirect.gather [hbm4b:s1+s11], $0x40, s11, s11, $0xb8;
	[tilespmem:$0x101D0] =	vst v63  }
0x48: {  	_ =	swait.ge [sflag:s13], $0xFA00  }
0x49: {  	s14 =	sadd.s32 $0x1, s14;
	s31 =	sand.u32 $0x1FFFFFC0, s16;
	[sflag:s13] =	ssyncset.done $0x0  }
0x4a: {  	p0 =	sne.s32 s14, s6;
	s15 =	sadd.s32 s5, s31;
	[sflag:s13] =	ssyncadd.s32 $0xFFFF0600  }
0x4b: {  	[hbm4b:s15+s3] =	stream.linear.scatter [tilespmem:s12], [sflag:$0x2], $0xFA00, $0x38;
	[tilespmem:$0x101D0] =	vst v63  }
.Ltmp3:
0x4c: {  	_ = 	snop;
	(pc) =	sbr.rel @p0 .LBB2_1-.Ltmp3, $4  }
.Ltmp4:
0x4d: {  	_ = 	snop;
	(pc) =	sbr.rel @!p0 .LBB2_7-.Ltmp4, $4  }
0x4e: {  	_ =	swait.ge [sflag:s10], $0xFA00  }
0x4f: {  	[sflag:s10] =	ssyncset.done $0x0  }
0x50: {  	[sflag:s10] =	ssyncadd.s32 $0xFFFF0600  }
0x51: {  	_ = 	snop  }
.LBB2_2:
.Ltmp5:
0x52: {  	(pc) =	sbr.rel .LBB2_6-.Ltmp5, $2  }
0x53: {  	_ =	sdelay $0x2  }
0x54: {  	s15 =	smov.u32 s8  }
.LBB2_4:
.Ltmp6:
0x55: {  	(pc) =	sbr.rel .LBB2_6-.Ltmp6, $2  }
0x56: {  	_ =	sdelay $0x2  }
0x57: {  	s15 =	smov.u32 s8  }
.LBB2_7:
0x58: {  	_ =	sfence.sel $0x180000  }
0x59: {  	[bflag:$0x0] =	sbarrier.arrive $0xFFFF  }
0x5a: {  	p0 =	sne.s32 s4, $0x0;
	_ =	strace $0x9000005C  }
0x5b: {  	s0 =	sadd.s32 @!p0 $0x100000, s0;
	[bflag:$0x2] =	sbarrier.arrive $0xFFFF  }
0x5c: {  	[sflag:s0] =	ssyncadd.tile.s32 @!p0 $0x1;
	_ =	shalt  }
.Lfunc_end2:
_tile_overlayer_lowered:
.L_overlay_start_2:
0x5d: {  	(tag) =	ssettag $0x2  }
0x5e: {  	s0 =	rddreg [dreg:$0x0];
	s2 =	stileid.u32  }
0x5f: {  	s1 =	rddreg [dreg:$0x1];
	p0 =	sne.s32 s2, $0x0  }
0x60: {  	s3 =	rddreg [dreg:$0x2];
	[bflag:$0x3] =	sbarrier.arrive $0xFFFF;
	s2 =	simm.s32 @!p0 $0x1C02  }
0x61: {  	[timem:s3], [sflag:s2] =	dma.local @!p0 [hbm:s0], s1  }
0x62: {  	s0 =	simm.s32 @!p0 $0x2  }
0x63: {  	_ =	swait.ge @!p0 [sflag:s0], s1  }
0x64: {  	s1 =	ssub.s32 @!p0 $0x0, s1;
	[sflag:s0] =	ssyncset.done @!p0 $0x0  }
0x65: {  	[sflag:s0] =	ssyncadd.s32 @!p0 s1  }
0x66: {  	[bflag:$0x3] =	sbarrier.arrive $0xFFFF  }
0x67: {  	_ =	shalt  }

// kernel: kernel.6.cloned.1.call-start
scs
__scs_entry_jumppad:
0x0: {  	(pc) =	sbr.rel $0x88, $3  }
0x1: {  	(tag) =	ssettag $0x0;
	lr =	simm.s32 $0x1  }
0x2: {  	[smem:$0x3F8F] =	sst lr;
	_ =	strace $0xD0000000  }
0x3: {  	_ = 	snop  }
0x4: {  	_ = 	snop  }
0x5: {  	_ = 	snop  }
0x6: {  	_ = 	snop  }
0x7: {  	_ = 	snop  }
__scs_overlays_trampoline_lowered:
0x8: {  	[smem:$0x3F9E] =	sst s0  }
0x9: {  	[smem:$0x3F9F] =	sst s1  }
0xa: {  	[smem:$0x3FA0] =	sst s2  }
0xb: {  	[smem:$0x3FA1] =	sst s3  }
0xc: {  	[smem:$0x3FA2] =	sst s4  }
0xd: {  	[smem:$0x3FA3] =	sst s5  }
0xe: {  	[smem:$0x3FA4] =	sst s6  }
0xf: {  	[smem:$0x3FA5] =	sst s7  }
0x10: {  	[smem:$0x3FA6] =	sst s8  }
0x11: {  	[smem:$0x3FA7] =	sst s9;
	s0 =	simm.s32 @!p0 $0x0  }
0x12: {  	s1 =	sld [smem:$0x3F8D];
	s0 =	simm.s32 @p0 $0x1  }
0x13: {  	[smem:$0x3FA8] =	sst s0;
	s0 =	simm.s32 @!p1 $0x0  }
0x14: {  	s2 =	sld [smem:$0x3F8C];
	s0 =	simm.s32 @p1 $0x1  }
0x15: {  	[smem:$0x3FA9] =	sst s0;
	s0 =	simm.s32 @!p2 $0x0  }
0x16: {  	s3 =	sld [smem:$0x3FDB];
	s0 =	simm.s32 @p2 $0x1  }
0x17: {  	s4 =	simm.s32 $0x1BF5;
	[smem:$0x3FAB] =	sst s0  }
0x18: {  	s0 =	sld [smem:$0x3F8E];
	_ =	swait.ge [sflag:s4], $0x0  }
0x19: {  	s7 =	sld [smem:$0x3F8F]  }
0x1a: {  	s8 =	sadd.s32 $0xFFFFE003, lr  }
0x1b: {  	s9 =	sadd.s32 $0xFFFFFEF7, lr;
	s5 =	simm.s32 $0xFFFFFFFF;
	p2 =	slt.u32 s8, $0xFFFFF086  }
0x1c: {  	p1 =	slt.u32 s9, $0xF7A;
	s5 =	simm.s32 @!p2 $0x0  }
0x1d: {  	s5 =	simm.s32 @p1 $0x1;
	p0 =	seq.s32 s7, s2  }
0x1e: {  	s7 =	smul.u32 @!p0 $0xF7A, s2;
	p2 =	seq.s32 @!p0 s5, $0x0  }
0x1f: {  	s9 =	smul.u32 $0xF7A, s1;
	s8 =	simm.s32 @!p0 $0x1BF5;
	p2 =	por !p2, p0  }
0x20: {  	[sflag:s8] =	ssyncset.s32 @!p0 $0xFFFFF086;
	s6 =	sadd.s32 @!p0 s3, s7;
	s7 =	simm.s32 @!p0 $0x108  }
0x21: {  	s3 =	sadd.s32 s3, s9;
	s6 =	sadd.s32 @!p0 $0x88, s6;
	s7 =	simm.s32 @p2 $0x1082  }
0x22: {  	[simem:s7], [sflag:s8] =	dma.local @!p0 [hbm:s6], $0xF7A  }
0x23: {  	s9 =	sor.u32 $0xD0000000, s2;
	s6 =	simm.s32 $0x108;
	_ =	swait.ge @!p0 [sflag:s8], $0x0  }
0x24: {  	s3 =	sadd.s32 $0x88, s3;
	s6 =	simm.s32 @!p1 $0x1082;
	[sflag:s4] =	ssyncset.s32 $0xFFFFF086  }
0x25: {  	[simem:s6], [sflag:s4] =	dma.local [hbm:s3], $0xF7A  }
0x26: {  	[smem:$0x3F8F] =	sst s1;
	(tag) =	ssettag s2;
	_ =	strace s9  }
0x27: {  	s1 =	sld [smem:$0x3F9F]  }
0x28: {  	s2 =	sld [smem:$0x3FA0]  }
0x29: {  	s4 =	sld [smem:$0x3FA2]  }
0x2a: {  	p0 =	seq.s32 s5, $0x0;
	s5 =	sld [smem:$0x3FA3]  }
0x2b: {  	s6 =	sld [smem:$0x3FA4]  }
0x2c: {  	s7 =	sld [smem:$0x3FA5]  }
0x2d: {  	s3 =	simm.s32 $0x108;
	s8 =	sld [smem:$0x3FA6]  }
0x2e: {  	s3 =	simm.s32 @!p0 $0x1082;
	s9 =	sld [smem:$0x3FA7]  }
0x2f: {  	lr =	sadd.s32 s0, s3;
	s0 =	sld [smem:$0x3F9E]  }
0x30: {  	s3 =	sld [smem:$0x3FA1]  }
0x31: {  	[smem:$0x3FAA] =	sst s10  }
0x32: {  	s10 =	sld [smem:$0x3FA8];
	_ =	sdelay $0x3  }
0x33: {  	p0 =	seq.s32 s10, $0x1;
	s10 =	sld [smem:$0x3FAA];
	_ =	sdelay $0x3  }
0x34: {  	[smem:$0x3FAA] =	sst s10  }
0x35: {  	s10 =	sld [smem:$0x3FA9];
	_ =	sdelay $0x3  }
0x36: {  	p1 =	seq.s32 s10, $0x1;
	s10 =	sld [smem:$0x3FAA];
	_ =	sdelay $0x3  }
0x37: {  	[smem:$0x3FAA] =	sst s10  }
0x38: {  	s10 =	sld [smem:$0x3FAB]  }
0x39: {  	_ = 	snop;
	(pc) =	sbr.ind lr, $3  }
0x3a: {  	_ = 	snop  }
0x3b: {  	_ = 	snop  }
0x3c: {  	p2 =	seq.s32 s10, $0x1;
	s10 =	sld [smem:$0x3FAA]  }
0x3d: {  	_ =	shalt  }
0x3e: {  	_ =	shalt  }
0x3f: {  	_ =	shalt  }
0x40: {  	_ =	shalt  }
0x41: {  	_ =	shalt  }
0x42: {  	_ =	shalt  }
0x43: {  	_ =	shalt  }
0x44: {  	_ =	shalt  }
0x45: {  	_ =	shalt  }
0x46: {  	_ =	shalt  }
0x47: {  	_ =	shalt  }
0x48: {  	_ =	shalt  }
0x49: {  	_ =	shalt  }
0x4a: {  	_ =	shalt  }
0x4b: {  	_ =	shalt  }
0x4c: {  	_ =	shalt  }
0x4d: {  	_ =	shalt  }
0x4e: {  	_ =	shalt  }
0x4f: {  	_ =	shalt  }
0x50: {  	_ =	shalt  }
0x51: {  	_ =	shalt  }
0x52: {  	_ =	shalt  }
0x53: {  	_ =	shalt  }
0x54: {  	_ =	shalt  }
0x55: {  	_ =	shalt  }
0x56: {  	_ =	shalt  }
0x57: {  	_ =	shalt  }
0x58: {  	_ =	shalt  }
0x59: {  	_ =	shalt  }
0x5a: {  	_ =	shalt  }
0x5b: {  	_ =	shalt  }
0x5c: {  	_ =	shalt  }
0x5d: {  	_ =	shalt  }
0x5e: {  	_ =	shalt  }
0x5f: {  	_ =	shalt  }
0x60: {  	_ =	shalt  }
0x61: {  	_ =	shalt  }
0x62: {  	_ =	shalt  }
0x63: {  	_ =	shalt  }
0x64: {  	_ =	shalt  }
0x65: {  	_ =	shalt  }
0x66: {  	_ =	shalt  }
0x67: {  	_ =	shalt  }
0x68: {  	_ =	shalt  }
0x69: {  	_ =	shalt  }
0x6a: {  	_ =	shalt  }
0x6b: {  	_ =	shalt  }
0x6c: {  	_ =	shalt  }
0x6d: {  	_ =	shalt  }
0x6e: {  	_ =	shalt  }
0x6f: {  	_ =	shalt  }
0x70: {  	_ =	shalt  }
0x71: {  	_ =	shalt  }
0x72: {  	_ =	shalt  }
0x73: {  	_ =	shalt  }
0x74: {  	_ =	shalt  }
0x75: {  	_ =	shalt  }
0x76: {  	_ =	shalt  }
0x77: {  	_ =	shalt  }
0x78: {  	_ =	shalt  }
0x79: {  	_ =	shalt  }
0x7a: {  	_ =	shalt  }
0x7b: {  	_ =	shalt  }
0x7c: {  	_ =	shalt  }
0x7d: {  	_ =	shalt  }
0x7e: {  	_ =	shalt  }
0x7f: {  	_ =	shalt  }
0x80: {  	_ =	shalt  }
0x81: {  	_ =	shalt  }
0x82: {  	_ =	shalt  }
0x83: {  	_ =	shalt  }
0x84: {  	_ =	shalt  }
0x85: {  	_ =	shalt  }
0x86: {  	_ =	shalt  }
0x87: {  	_ =	shalt  }
.Lfunc_end0:
.L_simem_size_0:
called_computation.6_lowered:
.L_overlay_start_0:
0x88: {  	s2 =	sld [smem:$0x3FD9]  }
0x89: {  	s3 =	sld [smem:$0x3FFE];
	_ =	sdelay $0x1  }
0x8a: {  	s1 =	srdreg.scid  }
0x8b: {  	s0 =	sand.u32 $0x1, s1  }
0x8c: {  	s15 =	sshll.u32 s0, $0xA;
	s2 =	sadd.s32 s3, s2  }
0x8d: {  	s2 =	sadd.s32 s2, s15  }
0x8e: {  	[smem:$0x3FB6] =	sst s2  }
0x8f: {  	_ = 	snop  }
0x90: {  	s2 =	sld [smem:$0x3FD0];
	_ =	sdelay $0x2  }
0x91: {  	s4 =	simm.s32 $0xB;
	s5 =	simm.s32 $0x10;
	s16 =	sld [smem:$0x3FC5]  }
0x92: {  	[smem:s5], [sflag:s4] =	dma.local [hbm:s2], $0x1  }
0x93: {  	_ =	swait.eq [sflag:s4], $0x1  }
0x94: {  	[sflag:s4] =	ssyncset.done $0x0  }
0x95: {  	s17 =	sld [smem:$0x13];
	[sflag:s4] =	ssyncadd.s32 $0xFFFFFFFF  }
0x96: {  	s18 =	sld [smem:$0x14];
	(tm) =	ssettm $0x1  }
0x97: {  	s19 =	sld [smem:$0x3FFB];
	_ =	sdelay $0x3  }
0x98: {  	_ =	strace s19  }
0x99: {  	s5 =	sld [smem:$0x3FFC];
	_ =	sdelay $0x3  }
0x9a: {  	_ =	strace s5  }
0x9b: {  	s5 =	sld [smem:$0x3FFD];
	_ =	sdelay $0x3  }
0x9c: {  	_ =	strace s5  }
0x9d: {  	_ =	strace $0x8FFFFFFF  }
0x9e: {  	s20 =	sld [smem:$0x3FDB];
	_ =	sdelay $0x1  }
0x9f: {  	s6 =	simm.s32 $_scs_section_size  }
0xa0: {  	s7 =	simm.s32 $_size__tile_overlayer_lowered;
	s8 =	simm.s32 $_tile_overlayer_lowered  }
0xa1: {  	s23 =	simm.s32 $0x1BFF;
	s22 =	sshll.u32 s8, $0x1;
	s5 =	sadd.s32 s6, s20  }
0xa2: {  	s9 =	simm.s32 $0x0;
	s21 =	sshll.u32 s7, $0x1;
	s7 =	sadd.s32 s22, s5  }
0xa3: {  	[timem:s9], [sflag:s23] =	dma.local [hbm:s7], s21  }
0xa4: {  	_ =	swait.ge [sflag:s23], s21  }
0xa5: {  	s6 =	ssub.s32 $0x0, s21;
	[sflag:s23] =	ssyncset.done $0x0  }
0xa6: {  	[sflag:s23] =	ssyncadd.s32 s6;
	_ =	sdelay $0x1  }
0xa7: {  	s24 =	simm.s32 $0x1B8B  }
0xa8: {  	_ =	swait.ge [sflag:s24], $0x1  }
0xa9: {  	[sflag:s24] =	ssyncset.done $0x0  }
0xaa: {  	s25 =	simm.s32 $0x1B8E;
	[sflag:s24] =	ssyncadd.s32 $0xFFFFFFFF  }
0xab: {  	s26 =	simm.s32 $execute0_lowered;
	[smem:$0x3FD2] =	sst s25  }
0xac: {  	s6 =	sshll.u32 s26, $0x1;
	_ =	strace $0x80000052;
	[dreg:$0x1] =	wrdreg $0xFFFFFFFF  }
0xad: {  	s28 =	simm.s32 $_size_execute0_lowered;
	s5 =	sadd.s32 s5, s6;
	[dreg:$0x0] =	wrdreg $0x0  }
0xae: {  	s6 =	sshll.u32 s28, $0x1;
	[dreg:$0x2] =	wrdreg s5  }
0xaf: {  	[dreg:$0x3] =	wrdreg s6  }
0xb0: {  	[dreg:$0x4] =	wrdreg $0xC0  }
0xb1: {  	_ =	task [dreg:s9], $0x5FFFF  }
0xb2: {  	[dreg:$0x1] =	wrdreg $0xFFFFFFFF  }
0xb3: {  	[dreg:$0x0] =	wrdreg $0x60  }
0xb4: {  	[dreg:$0x2] =	wrdreg s18  }
0xb5: {  	[dreg:$0x3] =	wrdreg s16  }
0xb6: {  	[dreg:$0x4] =	wrdreg s17  }
0xb7: {  	[dreg:$0x5] =	wrdreg $0x9  }
0xb8: {  	_ =	task.clear_ibuf [dreg:s9], $0x6FFFF;
	_ =	strace $0x90000052  }
0xb9: {  	s29 =	simm.s32 $0x9;
	_ =	strace $0x80000054  }
0xba: {  	_ =	swait.ge [sflag:s29], $0x1  }
0xbb: {  	[sflag:s29] =	ssyncadd.s32 $0xFFFFFFFF  }
0xbc: {  	_ =	strace $0x90000054  }
0xbd: {  	_ =	sfence  }
0xbe: {  	s30 =	sld [smem:$0x0];
	_ =	sdelay $0x2  }
0xbf: {  	s31 =	sshll.u32 s1, $0xD;
	s1 =	sshrl.u32 s1, $0x2  }
0xc0: {  	s3 =	sand.u32 $0x4000, s31;
	s1 =	sadd.s32 s1, s30  }
0xc1: {  	s0 =	sor.u32 s3, s0;
	s1 =	sshll.u32 s1, $0x11  }
0xc2: {  	s0 =	sor.u32 s1, s0  }
0xc3: {  	s0 =	sadd.s32 $0x8F2B, s0  }
0xc4: {  	[sflag:s0] =	ssyncadd.remote.s32 $0x1  }
0xc5: {  	_ =	sfence.sel $0xFFFF  }
0xc6: {  	[dreg:$0x0] =	wrdreg $0xFFFFFFFF;
	(pc) =	sbr.abs _section_cstart, $3  }
0xc7: {  	[dreg:$0x1] =	wrdreg $0xFFFFFFFF  }
0xc8: {  	_ =	task.clear_ibuf [dreg:s9], $0x2FFFF;
	_ =	strace $0x9FFFFFFF  }
0xc9: {  	(tm) =	ssettm $0x7FFFFFFF  }
tec
execute0_lowered:
.L_overlay_start_1:
0x0: {  	(tag) =	ssettag $0x1  }
0x1: {  	s1 =	srdreg.scid;
	s0 =	stileid.u32  }
0x2: {  	s10 =	sand.u32 $0x1, s1;
	s5 =	sshll.u32 s0, $0x1  }
0x3: {  	s11 =	sor.u32 s10, s5  }
0x4: {  	p0 =	sgt.u32 s11, $0xE  }
.Ltmp0:
0x5: {  	s2 =	rddreg [dreg:$0x0];
	(pc) =	sbr.rel @p0 .LBB2_4-.Ltmp0, $4  }
0x6: {  	s4 =	rddreg [dreg:$0x1]  }
0x7: {  	s9 =	rddreg [dreg:$0x2];
	s3 =	simm.s32 $0x0  }
0x8: {  	[smem:$0x7FF] =	sst s3  }
0x9: {  	s1 =	rddreg [dreg:$0x3];
	_ =	strace $0x80000053  }
0xa: {  	s5 =	smul.u32 $0xFA, s11;
	_ =	sdelay $0x1  }
0xb: {  	s5 =	sadd.s32 s4, s5;
	s4 =	simm.s32 $0x2  }
0xc: {  	[tilespmem:s3], [sflag:$0x2] =	stream.linear.gather [hbm4b:s5+s3], $0x7D0, $0x38;
	[tilespmem:$0x101D0] =	vst v63  }
0xd: {  	_ =	swait.ge [sflag:s4], $0x7D0  }
0xe: {  	s6 =	simm.s32 $0x3E8;
	[sflag:s4] =	ssyncset.done $0x0  }
0xf: {  	s7 =	simm.s32 $0x7D0;
	s8 =	simm.s32 $0x1;
	[sflag:s4] =	ssyncadd.s32 $0xFFFFF830  }
0x10: {  	[tilespmem:s7], [sflag:$0x1] =	stream.indirect.gather [hbm4b:s2+s6], $0x40, s3, s6, $0xb8;
	[tilespmem:$0x101D0] =	vst v63  }
0x11: {  	s30 =	smul.u32 $0x3E80, s11;
	_ =	swait.ge [sflag:s8], $0xFA00  }
0x12: {  	[sflag:s8] =	ssyncset.done $0x0  }
0x13: {  	s10 =	ssub.s32 $0x2, s10;
	s9 =	sadd.s32 s9, s30;
	[sflag:s8] =	ssyncadd.s32 $0xFFFF0600  }
0x14: {  	[hbm4b:s9+s3] =	stream.linear.scatter [tilespmem:s7], [sflag:$0x2], $0xFA00, $0x38;
	[tilespmem:$0x101D0] =	vst v63  }
0x15: {  	s31 =	sshrl.u32 s10, $0x1;
	_ =	swait.ge [sflag:s4], $0xFA00  }
0x16: {  	s10 =	ssub.s32 s10, s31;
	[sflag:s4] =	ssyncset.done $0x0  }
0x17: {  	s11 =	smax.u32 s10, $0x1;
	[sflag:s4] =	ssyncadd.s32 $0xFFFF0600  }
0x18: {  	[tilespmem:s7], [sflag:$0x1] =	stream.indirect.gather [hbm4b:s2+s6], $0x40, s6, s6, $0xb8;
	[tilespmem:$0x101D0] =	vst v63  }
0x19: {  	p0 =	sne.s32 s11, $0x1;
	_ =	swait.ge [sflag:s8], $0xFA00  }
.Ltmp1:
0x1a: {  	[sflag:s8] =	ssyncset.done $0x0;
	(pc) =	sbr.rel @!p0 .LBB2_3-.Ltmp1, $4  }
0x1b: {  	s10 =	sadd.s32 $0x1F40, s9;
	[sflag:s8] =	ssyncadd.s32 $0xFFFF0600  }
0x1c: {  	[hbm4b:s10+s3] =	stream.linear.scatter [tilespmem:s7], [sflag:$0x2], $0xFA00, $0x38;
	[tilespmem:$0x101D0] =	vst v63  }
0x1d: {  	_ =	swait.ge [sflag:s4], $0xFA00  }
0x1e: {  	s11 =	sadd.s32 $0xFFFFFFFF, s11;
	[sflag:s4] =	ssyncset.done $0x0  }
.LBB2_2:
0x1f: {  	p0 =	sne.s32 s11, $0x1;
	s11 =	sadd.s32 $0xFFFFFFFF, s11;
	[sflag:s4] =	ssyncadd.s32 $0xFFFF0600  }
0x20: {  	[tilespmem:s3], [sflag:$0x2] =	stream.linear.gather [hbm4b:s5+s3], $0x7D0, $0x38;
	[tilespmem:$0x101D0] =	vst v63  }
0x21: {  	_ =	swait.ge [sflag:s4], $0x7D0  }
0x22: {  	[sflag:s4] =	ssyncset.done $0x0  }
0x23: {  	[sflag:s4] =	ssyncadd.s32 $0xFFFFF830  }
0x24: {  	[tilespmem:s7], [sflag:$0x1] =	stream.indirect.gather [hbm4b:s2+s6], $0x40, s3, s6, $0xb8;
	[tilespmem:$0x101D0] =	vst v63  }
0x25: {  	_ =	swait.ge [sflag:s8], $0xFA00  }
0x26: {  	[sflag:s8] =	ssyncset.done $0x0  }
0x27: {  	[sflag:s8] =	ssyncadd.s32 $0xFFFF0600  }
0x28: {  	[hbm4b:s9+s3] =	stream.linear.scatter [tilespmem:s7], [sflag:$0x2], $0xFA00, $0x38;
	[tilespmem:$0x101D0] =	vst v63  }
0x29: {  	_ =	swait.ge [sflag:s4], $0xFA00  }
0x2a: {  	[sflag:s4] =	ssyncset.done $0x0  }
0x2b: {  	[sflag:s4] =	ssyncadd.s32 $0xFFFF0600  }
0x2c: {  	[tilespmem:s7], [sflag:$0x1] =	stream.indirect.gather [hbm4b:s2+s6], $0x40, s6, s6, $0xb8;
	[tilespmem:$0x101D0] =	vst v63  }
0x2d: {  	_ =	swait.ge [sflag:s8], $0xFA00  }
.Ltmp2:
0x2e: {  	[sflag:s8] =	ssyncset.done $0x0;
	(pc) =	sbr.rel @p0 .LBB2_2-.Ltmp2, $4  }
0x2f: {  	[sflag:s8] =	ssyncadd.s32 $0xFFFF0600  }
0x30: {  	[hbm4b:s10+s3] =	stream.linear.scatter [tilespmem:s7], [sflag:$0x2], $0xFA00, $0x38;
	[tilespmem:$0x101D0] =	vst v63  }
0x31: {  	_ =	swait.ge [sflag:s4], $0xFA00  }
0x32: {  	[sflag:s4] =	ssyncset.done $0x0  }
.LBB2_3:
0x33: {  	[sflag:s4] =	ssyncadd.s32 $0xFFFF0600  }
.LBB2_4:
0x34: {  	_ =	sfence.sel $0x180000  }
0x35: {  	[bflag:$0x0] =	sbarrier.arrive $0xFFFF  }
0x36: {  	p0 =	sne.s32 s0, $0x0;
	_ =	strace $0x90000053  }
0x37: {  	s0 =	sadd.s32 @!p0 $0x100000, s1;
	[bflag:$0x2] =	sbarrier.arrive $0xFFFF  }
0x38: {  	[sflag:s0] =	ssyncadd.tile.s32 @!p0 $0x1;
	_ =	shalt  }
.Lfunc_end2:
_tile_overlayer_lowered:
.L_overlay_start_2:
0x39: {  	(tag) =	ssettag $0x2  }
0x3a: {  	s0 =	rddreg [dreg:$0x0];
	s2 =	stileid.u32  }
0x3b: {  	s1 =	rddreg [dreg:$0x1];
	p0 =	sne.s32 s2, $0x0  }
0x3c: {  	s3 =	rddreg [dreg:$0x2];
	[bflag:$0x3] =	sbarrier.arrive $0xFFFF;
	s2 =	simm.s32 @!p0 $0x1C02  }
0x3d: {  	[timem:s3], [sflag:s2] =	dma.local @!p0 [hbm:s0], s1  }
0x3e: {  	s0 =	simm.s32 @!p0 $0x2  }
0x3f: {  	_ =	swait.ge @!p0 [sflag:s0], s1  }
0x40: {  	s1 =	ssub.s32 @!p0 $0x0, s1;
	[sflag:s0] =	ssyncset.done @!p0 $0x0  }
0x41: {  	[sflag:s0] =	ssyncadd.s32 @!p0 s1  }
0x42: {  	[bflag:$0x3] =	sbarrier.arrive $0xFFFF  }
0x43: {  	_ =	shalt  }

// kernel: kernel.9.cloned.1.call-start
scs
__scs_entry_jumppad:
0x0: {  	(pc) =	sbr.rel $0x88, $3  }
0x1: {  	(tag) =	ssettag $0x0;
	lr =	simm.s32 $0x1  }
0x2: {  	[smem:$0x3F8F] =	sst lr;
	_ =	strace $0xD0000000  }
0x3: {  	_ = 	snop  }
0x4: {  	_ = 	snop  }
0x5: {  	_ = 	snop  }
0x6: {  	_ = 	snop  }
0x7: {  	_ = 	snop  }
__scs_overlays_trampoline_lowered:
0x8: {  	[smem:$0x3F9E] =	sst s0  }
0x9: {  	[smem:$0x3F9F] =	sst s1  }
0xa: {  	[smem:$0x3FA0] =	sst s2  }
0xb: {  	[smem:$0x3FA1] =	sst s3  }
0xc: {  	[smem:$0x3FA2] =	sst s4  }
0xd: {  	[smem:$0x3FA3] =	sst s5  }
0xe: {  	[smem:$0x3FA4] =	sst s6  }
0xf: {  	[smem:$0x3FA5] =	sst s7  }
0x10: {  	[smem:$0x3FA6] =	sst s8  }
0x11: {  	[smem:$0x3FA7] =	sst s9;
	s0 =	simm.s32 @!p0 $0x0  }
0x12: {  	s1 =	sld [smem:$0x3F8D];
	s0 =	simm.s32 @p0 $0x1  }
0x13: {  	[smem:$0x3FA8] =	sst s0;
	s0 =	simm.s32 @!p1 $0x0  }
0x14: {  	s2 =	sld [smem:$0x3F8C];
	s0 =	simm.s32 @p1 $0x1  }
0x15: {  	[smem:$0x3FA9] =	sst s0;
	s0 =	simm.s32 @!p2 $0x0  }
0x16: {  	s3 =	sld [smem:$0x3FDB];
	s0 =	simm.s32 @p2 $0x1  }
0x17: {  	s4 =	simm.s32 $0x1BF5;
	[smem:$0x3FAB] =	sst s0  }
0x18: {  	s0 =	sld [smem:$0x3F8E];
	_ =	swait.ge [sflag:s4], $0x0  }
0x19: {  	s7 =	sld [smem:$0x3F8F]  }
0x1a: {  	s8 =	sadd.s32 $0xFFFFE003, lr  }
0x1b: {  	s9 =	sadd.s32 $0xFFFFFEF7, lr;
	s5 =	simm.s32 $0xFFFFFFFF;
	p2 =	slt.u32 s8, $0xFFFFF086  }
0x1c: {  	p1 =	slt.u32 s9, $0xF7A;
	s5 =	simm.s32 @!p2 $0x0  }
0x1d: {  	s5 =	simm.s32 @p1 $0x1;
	p0 =	seq.s32 s7, s2  }
0x1e: {  	s7 =	smul.u32 @!p0 $0xF7A, s2;
	p2 =	seq.s32 @!p0 s5, $0x0  }
0x1f: {  	s9 =	smul.u32 $0xF7A, s1;
	s8 =	simm.s32 @!p0 $0x1BF5;
	p2 =	por !p2, p0  }
0x20: {  	[sflag:s8] =	ssyncset.s32 @!p0 $0xFFFFF086;
	s6 =	sadd.s32 @!p0 s3, s7;
	s7 =	simm.s32 @!p0 $0x108  }
0x21: {  	s3 =	sadd.s32 s3, s9;
	s6 =	sadd.s32 @!p0 $0x88, s6;
	s7 =	simm.s32 @p2 $0x1082  }
0x22: {  	[simem:s7], [sflag:s8] =	dma.local @!p0 [hbm:s6], $0xF7A  }
0x23: {  	s9 =	sor.u32 $0xD0000000, s2;
	s6 =	simm.s32 $0x108;
	_ =	swait.ge @!p0 [sflag:s8], $0x0  }
0x24: {  	s3 =	sadd.s32 $0x88, s3;
	s6 =	simm.s32 @!p1 $0x1082;
	[sflag:s4] =	ssyncset.s32 $0xFFFFF086  }
0x25: {  	[simem:s6], [sflag:s4] =	dma.local [hbm:s3], $0xF7A  }
0x26: {  	[smem:$0x3F8F] =	sst s1;
	(tag) =	ssettag s2;
	_ =	strace s9  }
0x27: {  	s1 =	sld [smem:$0x3F9F]  }
0x28: {  	s2 =	sld [smem:$0x3FA0]  }
0x29: {  	s4 =	sld [smem:$0x3FA2]  }
0x2a: {  	p0 =	seq.s32 s5, $0x0;
	s5 =	sld [smem:$0x3FA3]  }
0x2b: {  	s6 =	sld [smem:$0x3FA4]  }
0x2c: {  	s7 =	sld [smem:$0x3FA5]  }
0x2d: {  	s3 =	simm.s32 $0x108;
	s8 =	sld [smem:$0x3FA6]  }
0x2e: {  	s3 =	simm.s32 @!p0 $0x1082;
	s9 =	sld [smem:$0x3FA7]  }
0x2f: {  	lr =	sadd.s32 s0, s3;
	s0 =	sld [smem:$0x3F9E]  }
0x30: {  	s3 =	sld [smem:$0x3FA1]  }
0x31: {  	[smem:$0x3FAA] =	sst s10  }
0x32: {  	s10 =	sld [smem:$0x3FA8];
	_ =	sdelay $0x3  }
0x33: {  	p0 =	seq.s32 s10, $0x1;
	s10 =	sld [smem:$0x3FAA];
	_ =	sdelay $0x3  }
0x34: {  	[smem:$0x3FAA] =	sst s10  }
0x35: {  	s10 =	sld [smem:$0x3FA9];
	_ =	sdelay $0x3  }
0x36: {  	p1 =	seq.s32 s10, $0x1;
	s10 =	sld [smem:$0x3FAA];
	_ =	sdelay $0x3  }
0x37: {  	[smem:$0x3FAA] =	sst s10  }
0x38: {  	s10 =	sld [smem:$0x3FAB]  }
0x39: {  	_ = 	snop;
	(pc) =	sbr.ind lr, $3  }
0x3a: {  	_ = 	snop  }
0x3b: {  	_ = 	snop  }
0x3c: {  	p2 =	seq.s32 s10, $0x1;
	s10 =	sld [smem:$0x3FAA]  }
0x3d: {  	_ =	shalt  }
0x3e: {  	_ =	shalt  }
0x3f: {  	_ =	shalt  }
0x40: {  	_ =	shalt  }
0x41: {  	_ =	shalt  }
0x42: {  	_ =	shalt  }
0x43: {  	_ =	shalt  }
0x44: {  	_ =	shalt  }
0x45: {  	_ =	shalt  }
0x46: {  	_ =	shalt  }
0x47: {  	_ =	shalt  }
0x48: {  	_ =	shalt  }
0x49: {  	_ =	shalt  }
0x4a: {  	_ =	shalt  }
0x4b: {  	_ =	shalt  }
0x4c: {  	_ =	shalt  }
0x4d: {  	_ =	shalt  }
0x4e: {  	_ =	shalt  }
0x4f: {  	_ =	shalt  }
0x50: {  	_ =	shalt  }
0x51: {  	_ =	shalt  }
0x52: {  	_ =	shalt  }
0x53: {  	_ =	shalt  }
0x54: {  	_ =	shalt  }
0x55: {  	_ =	shalt  }
0x56: {  	_ =	shalt  }
0x57: {  	_ =	shalt  }
0x58: {  	_ =	shalt  }
0x59: {  	_ =	shalt  }
0x5a: {  	_ =	shalt  }
0x5b: {  	_ =	shalt  }
0x5c: {  	_ =	shalt  }
0x5d: {  	_ =	shalt  }
0x5e: {  	_ =	shalt  }
0x5f: {  	_ =	shalt  }
0x60: {  	_ =	shalt  }
0x61: {  	_ =	shalt  }
0x62: {  	_ =	shalt  }
0x63: {  	_ =	shalt  }
0x64: {  	_ =	shalt  }
0x65: {  	_ =	shalt  }
0x66: {  	_ =	shalt  }
0x67: {  	_ =	shalt  }
0x68: {  	_ =	shalt  }
0x69: {  	_ =	shalt  }
0x6a: {  	_ =	shalt  }
0x6b: {  	_ =	shalt  }
0x6c: {  	_ =	shalt  }
0x6d: {  	_ =	shalt  }
0x6e: {  	_ =	shalt  }
0x6f: {  	_ =	shalt  }
0x70: {  	_ =	shalt  }
0x71: {  	_ =	shalt  }
0x72: {  	_ =	shalt  }
0x73: {  	_ =	shalt  }
0x74: {  	_ =	shalt  }
0x75: {  	_ =	shalt  }
0x76: {  	_ =	shalt  }
0x77: {  	_ =	shalt  }
0x78: {  	_ =	shalt  }
0x79: {  	_ =	shalt  }
0x7a: {  	_ =	shalt  }
0x7b: {  	_ =	shalt  }
0x7c: {  	_ =	shalt  }
0x7d: {  	_ =	shalt  }
0x7e: {  	_ =	shalt  }
0x7f: {  	_ =	shalt  }
0x80: {  	_ =	shalt  }
0x81: {  	_ =	shalt  }
0x82: {  	_ =	shalt  }
0x83: {  	_ =	shalt  }
0x84: {  	_ =	shalt  }
0x85: {  	_ =	shalt  }
0x86: {  	_ =	shalt  }
0x87: {  	_ =	shalt  }
.Lfunc_end0:
.L_simem_size_0:
called_computation.7_lowered:
.L_overlay_start_0:
0x88: {  	s2 =	sld [smem:$0x3FD9]  }
0x89: {  	s3 =	sld [smem:$0x3FFE];
	_ =	sdelay $0x1  }
0x8a: {  	s1 =	srdreg.scid  }
0x8b: {  	s0 =	sand.u32 $0x1, s1  }
0x8c: {  	s14 =	sshll.u32 s0, $0xA;
	s2 =	sadd.s32 s3, s2  }
0x8d: {  	s2 =	sadd.s32 s2, s14  }
0x8e: {  	[smem:$0x3FB6] =	sst s2  }
0x8f: {  	_ = 	snop  }
0x90: {  	s2 =	sld [smem:$0x3FD0];
	_ =	sdelay $0x2  }
0x91: {  	s4 =	simm.s32 $0xB;
	s5 =	simm.s32 $0x10;
	s15 =	sld [smem:$0x3FC6]  }
0x92: {  	[smem:s5], [sflag:s4] =	dma.local [hbm:s2], $0x1  }
0x93: {  	_ =	swait.eq [sflag:s4], $0x1  }
0x94: {  	[sflag:s4] =	ssyncset.done $0x0  }
0x95: {  	[sflag:s4] =	ssyncadd.s32 $0xFFFFFFFF  }
0x96: {  	s16 =	sld [smem:$0x13];
	(tm) =	ssettm $0x1  }
0x97: {  	s17 =	sld [smem:$0x3FFB];
	_ =	sdelay $0x3  }
0x98: {  	_ =	strace s17  }
0x99: {  	s4 =	sld [smem:$0x3FFC];
	_ =	sdelay $0x3  }
0x9a: {  	_ =	strace s4  }
0x9b: {  	s4 =	sld [smem:$0x3FFD];
	_ =	sdelay $0x3  }
0x9c: {  	_ =	strace s4  }
0x9d: {  	_ =	strace $0x8FFFFFFF  }
0x9e: {  	s18 =	sld [smem:$0x3FDB];
	_ =	sdelay $0x1  }
0x9f: {  	s19 =	simm.s32 $_scs_section_size  }
0xa0: {  	s6 =	simm.s32 $_size__tile_overlayer_lowered;
	s7 =	simm.s32 $_tile_overlayer_lowered  }
0xa1: {  	s22 =	simm.s32 $0x1BFF;
	s21 =	sshll.u32 s7, $0x1;
	s4 =	sadd.s32 s19, s18  }
0xa2: {  	s8 =	simm.s32 $0x0;
	s20 =	sshll.u32 s6, $0x1;
	s6 =	sadd.s32 s21, s4  }
0xa3: {  	[timem:s8], [sflag:s22] =	dma.local [hbm:s6], s20  }
0xa4: {  	_ =	swait.ge [sflag:s22], s20  }
0xa5: {  	s5 =	ssub.s32 $0x0, s20;
	[sflag:s22] =	ssyncset.done $0x0  }
0xa6: {  	[sflag:s22] =	ssyncadd.s32 s5;
	_ =	sdelay $0x1  }
0xa7: {  	s23 =	simm.s32 $0x1B8B  }
0xa8: {  	_ =	swait.ge [sflag:s23], $0x1  }
0xa9: {  	[sflag:s23] =	ssyncset.done $0x0  }
0xaa: {  	s25 =	simm.s32 $0x1B8E;
	s24 =	sld [smem:$0x3FFE];
	[sflag:s23] =	ssyncadd.s32 $0xFFFFFFFF  }
0xab: {  	s26 =	simm.s32 $execute0_lowered;
	[smem:$0x3FD2] =	sst s25  }
0xac: {  	s6 =	sshll.u32 s26, $0x1;
	_ =	strace $0x80000055;
	[dreg:$0x1] =	wrdreg $0xFFFFFFFF  }
0xad: {  	s28 =	simm.s32 $_size_execute0_lowered;
	s4 =	sadd.s32 s4, s6;
	[dreg:$0x0] =	wrdreg $0x0  }
0xae: {  	s6 =	sshll.u32 s28, $0x1;
	[dreg:$0x2] =	wrdreg s4  }
0xaf: {  	[dreg:$0x3] =	wrdreg s6  }
0xb0: {  	[dreg:$0x4] =	wrdreg $0xC0  }
0xb1: {  	_ =	task [dreg:s8], $0x5FFFF  }
0xb2: {  	[dreg:$0x1] =	wrdreg $0xFFFFFFFF  }
0xb3: {  	[dreg:$0x0] =	wrdreg $0x60  }
0xb4: {  	[dreg:$0x2] =	wrdreg s16  }
0xb5: {  	[dreg:$0x3] =	wrdreg s15  }
0xb6: {  	[dreg:$0x4] =	wrdreg s24  }
0xb7: {  	[dreg:$0x5] =	wrdreg $0x9  }
0xb8: {  	_ =	task.clear_ibuf [dreg:s8], $0x6FFFF;
	_ =	strace $0x90000055  }
0xb9: {  	s29 =	simm.s32 $0x9;
	_ =	strace $0x80000057  }
0xba: {  	_ =	swait.ge [sflag:s29], $0x1  }
0xbb: {  	[sflag:s29] =	ssyncadd.s32 $0xFFFFFFFF  }
0xbc: {  	_ =	strace $0x90000057  }
0xbd: {  	_ =	sfence  }
0xbe: {  	s30 =	sld [smem:$0x0];
	_ =	sdelay $0x2  }
0xbf: {  	s31 =	sshll.u32 s1, $0xD;
	s1 =	sshrl.u32 s1, $0x2  }
0xc0: {  	s3 =	sand.u32 $0x4000, s31;
	s1 =	sadd.s32 s1, s30  }
0xc1: {  	s0 =	sor.u32 s3, s0;
	s1 =	sshll.u32 s1, $0x11  }
0xc2: {  	s0 =	sor.u32 s1, s0  }
0xc3: {  	s0 =	sadd.s32 $0x8F2B, s0  }
0xc4: {  	[sflag:s0] =	ssyncadd.remote.s32 $0x1  }
0xc5: {  	_ =	sfence.sel $0xFFFF  }
0xc6: {  	[dreg:$0x0] =	wrdreg $0xFFFFFFFF;
	(pc) =	sbr.abs _section_cstart, $3  }
0xc7: {  	[dreg:$0x1] =	wrdreg $0xFFFFFFFF  }
0xc8: {  	_ =	task.clear_ibuf [dreg:s8], $0x2FFFF;
	_ =	strace $0x9FFFFFFF  }
0xc9: {  	(tm) =	ssettm $0x7FFFFFFF  }
tec
execute0_lowered:
.L_overlay_start_1:
0x0: {  	(tag) =	ssettag $0x1  }
0x1: {  	s1 =	rddreg [dreg:$0x0]  }
0x2: {  	s6 =	rddreg [dreg:$0x1]  }
0x3: {  	s4 =	rddreg [dreg:$0x2]  }
0x4: {  	s0 =	rddreg [dreg:$0x3];
	s3 =	simm.s32 $0x0  }
0x5: {  	s5 =	srdreg.scid;
	s2 =	stileid.u32;
	s13 =	simm.s32 $0x0  }
0x6: {  	[smem:$0x7FF] =	sst s3;
	s5 =	sand.u32 $0x1, s5;
	s7 =	smul.u32 $0x1F4, s2  }
0x7: {  	s4 =	sadd.s32 $0x83F600, s4;
	s11 =	sshll.u32 s2, $0x1;
	s12 =	smul.u32 $0x7D00, s2  }
0x8: {  	_ =	strace $0x80000056;
	s8 =	ssub.s32 $0x2, s5;
	s9 =	smul.u32 $0xFA, s5  }
0x9: {  	s28 =	sor.u32 s11, s5;
	s29 =	smul.u32 $0x3E80, s5;
	s11 =	simm.s32 $0x7D0  }
0xa: {  	s10 =	sshrl.u32 s8, $0x1;
	s30 =	ssub.s32 $0x47, s28;
	s7 =	sadd.s32 s7, s6  }
0xb: {  	s8 =	ssub.s32 s8, s10;
	s6 =	sshrl.u32 s30, $0x5;
	s7 =	sadd.s32 s9, s7  }
0xc: {  	s31 =	sadd.s32 s29, s12;
	s9 =	simm.s32 $0x2;
	s10 =	simm.s32 $0x3E8  }
0xd: {  	s12 =	simm.s32 $0x1;
	s5 =	smax.u32 s8, $0x1;
	s8 =	sadd.s32 $0x1F40, s31  }
.LBB2_1:
0xe: {  	[tilespmem:s3], [sflag:$0x2] =	stream.linear.gather [hbm4b:s7+s3], $0x7D0, $0x38;
	[tilespmem:$0x101D0] =	vst v63  }
0xf: {  	_ =	swait.ge [sflag:s9], $0x7D0  }
0x10: {  	[sflag:s9] =	ssyncset.done $0x0  }
0x11: {  	[sflag:s9] =	ssyncadd.s32 $0xFFFFF830  }
0x12: {  	[tilespmem:s11], [sflag:$0x1] =	stream.indirect.gather [hbm4b:s1+s10], $0x40, s3, s10, $0xb8;
	[tilespmem:$0x101D0] =	vst v63  }
0x13: {  	s14 =	sadd.s32 $0xFFFFE0C0, s8;
	_ =	swait.ge [sflag:s12], $0xFA00  }
0x14: {  	s14 =	sand.u32 $0x1FFFFF80, s14;
	[sflag:s12] =	ssyncset.done $0x0  }
0x15: {  	s14 =	sadd.s32 s4, s14;
	[sflag:s12] =	ssyncadd.s32 $0xFFFF0600  }
0x16: {  	[hbm4b:s14+s3] =	stream.linear.scatter [tilespmem:s11], [sflag:$0x2], $0xFA00, $0x38;
	[tilespmem:$0x101D0] =	vst v63  }
0x17: {  	_ =	swait.ge [sflag:s9], $0xFA00  }
0x18: {  	[sflag:s9] =	ssyncset.done $0x0  }
0x19: {  	[sflag:s9] =	ssyncadd.s32 $0xFFFF0600  }
0x1a: {  	[tilespmem:s11], [sflag:$0x1] =	stream.indirect.gather [hbm4b:s1+s10], $0x40, s10, s10, $0xb8;
	[tilespmem:$0x101D0] =	vst v63  }
0x1b: {  	p0 =	sne.s32 s6, $0x1;
	_ =	swait.ge [sflag:s12], $0xFA00  }
.Ltmp0:
0x1c: {  	s31 =	sand.u32 $0x1FFFFFC0, s8;
	[sflag:s12] =	ssyncset.done $0x0;
	(pc) =	sbr.rel @!p0 .LBB2_3-.Ltmp0, $4  }
0x1d: {  	s14 =	sadd.s32 s4, s31;
	[sflag:s12] =	ssyncadd.s32 $0xFFFF0600  }
0x1e: {  	[hbm4b:s14+s3] =	stream.linear.scatter [tilespmem:s11], [sflag:$0x2], $0xFA00, $0x38;
	[tilespmem:$0x101D0] =	vst v63  }
0x1f: {  	s15 =	smov.u32 s7;
	_ =	swait.ge [sflag:s9], $0xFA00  }
0x20: {  	s16 =	smov.u32 s8;
	s14 =	sadd.s32 $0xFFFFFFFF, s6;
	[sflag:s9] =	ssyncset.done $0x0  }
.LBB2_2:
0x21: {  	[sflag:s9] =	ssyncadd.s32 $0xFFFF0600;
	s15 =	sadd.s32 $0x1F40, s15;
	s16 =	sadd.s32 $0x7D000, s16  }
0x22: {  	[tilespmem:s3], [sflag:$0x2] =	stream.linear.gather [hbm4b:s15+s3], $0x7D0, $0x38;
	[tilespmem:$0x101D0] =	vst v63  }
0x23: {  	p0 =	sne.s32 s14, $0x1;
	s14 =	sadd.s32 $0xFFFFFFFF, s14;
	_ =	swait.ge [sflag:s9], $0x7D0  }
0x24: {  	[sflag:s9] =	ssyncset.done $0x0  }
0x25: {  	[sflag:s9] =	ssyncadd.s32 $0xFFFFF830  }
0x26: {  	[tilespmem:s11], [sflag:$0x1] =	stream.indirect.gather [hbm4b:s1+s10], $0x40, s3, s10, $0xb8;
	[tilespmem:$0x101D0] =	vst v63  }
0x27: {  	s17 =	sadd.s32 $0xFFFFE0C0, s16;
	_ =	swait.ge [sflag:s12], $0xFA00  }
0x28: {  	s17 =	sand.u32 $0x1FFFFF80, s17;
	[sflag:s12] =	ssyncset.done $0x0  }
0x29: {  	s17 =	sadd.s32 s4, s17;
	[sflag:s12] =	ssyncadd.s32 $0xFFFF0600  }
0x2a: {  	[hbm4b:s17+s3] =	stream.linear.scatter [tilespmem:s11], [sflag:$0x2], $0xFA00, $0x38;
	[tilespmem:$0x101D0] =	vst v63  }
0x2b: {  	_ =	swait.ge [sflag:s9], $0xFA00  }
0x2c: {  	[sflag:s9] =	ssyncset.done $0x0  }
0x2d: {  	[sflag:s9] =	ssyncadd.s32 $0xFFFF0600  }
0x2e: {  	[tilespmem:s11], [sflag:$0x1] =	stream.indirect.gather [hbm4b:s1+s10], $0x40, s10, s10, $0xb8;
	[tilespmem:$0x101D0] =	vst v63  }
0x2f: {  	_ =	swait.ge [sflag:s12], $0xFA00  }
.Ltmp1:
0x30: {  	s17 =	sand.u32 $0x1FFFFFC0, s16;
	[sflag:s12] =	ssyncset.done $0x0;
	(pc) =	sbr.rel @p0 .LBB2_2-.Ltmp1, $4  }
0x31: {  	s17 =	sadd.s32 s4, s17;
	[sflag:s12] =	ssyncadd.s32 $0xFFFF0600  }
0x32: {  	[hbm4b:s17+s3] =	stream.linear.scatter [tilespmem:s11], [sflag:$0x2], $0xFA00, $0x38;
	[tilespmem:$0x101D0] =	vst v63  }
0x33: {  	_ =	swait.ge [sflag:s9], $0xFA00  }
0x34: {  	[sflag:s9] =	ssyncset.done $0x0  }
.LBB2_3:
0x35: {  	s13 =	sadd.s32 $0x1, s13  }
0x36: {  	p0 =	sne.s32 s13, s5  }
.Ltmp2:
0x37: {  	_ = 	snop;
	(pc) =	sbr.rel @p0 .LBB2_1-.Ltmp2, $2  }
0x38: {  	_ =	sdelay $0x2  }
0x39: {  	[sflag:s9] =	ssyncadd.s32 $0xFFFF0600  }
0x3a: {  	_ =	sfence.sel $0x180000  }
0x3b: {  	[bflag:$0x0] =	sbarrier.arrive $0xFFFF  }
0x3c: {  	p0 =	sne.s32 s2, $0x0;
	_ =	strace $0x90000056  }
0x3d: {  	s0 =	sadd.s32 @!p0 $0x100000, s0;
	[bflag:$0x2] =	sbarrier.arrive $0xFFFF  }
0x3e: {  	[sflag:s0] =	ssyncadd.tile.s32 @!p0 $0x1;
	_ =	shalt  }
.Lfunc_end2:
_tile_overlayer_lowered:
.L_overlay_start_2:
0x3f: {  	(tag) =	ssettag $0x2  }
0x40: {  	s0 =	rddreg [dreg:$0x0];
	s2 =	stileid.u32  }
0x41: {  	s1 =	rddreg [dreg:$0x1];
	p0 =	sne.s32 s2, $0x0  }
0x42: {  	s3 =	rddreg [dreg:$0x2];
	[bflag:$0x3] =	sbarrier.arrive $0xFFFF;
	s2 =	simm.s32 @!p0 $0x1C02  }
0x43: {  	[timem:s3], [sflag:s2] =	dma.local @!p0 [hbm:s0], s1  }
0x44: {  	s0 =	simm.s32 @!p0 $0x2  }
0x45: {  	_ =	swait.ge @!p0 [sflag:s0], s1  }
0x46: {  	s1 =	ssub.s32 @!p0 $0x0, s1;
	[sflag:s0] =	ssyncset.done @!p0 $0x0  }
0x47: {  	[sflag:s0] =	ssyncadd.s32 @!p0 s1  }
0x48: {  	[bflag:$0x3] =	sbarrier.arrive $0xFFFF  }
0x49: {  	_ =	shalt  }

// kernel: scatter_offload_async_start.1
scs
__scs_entry_jumppad:
0x0: {  	(pc) =	sbr.rel $0x88, $3  }
0x1: {  	(tag) =	ssettag $0x0;
	lr =	simm.s32 $0x1  }
0x2: {  	[smem:$0x3F8F] =	sst lr;
	_ =	strace $0xD0000000  }
0x3: {  	_ = 	snop  }
0x4: {  	_ = 	snop  }
0x5: {  	_ = 	snop  }
0x6: {  	_ = 	snop  }
0x7: {  	_ = 	snop  }
__scs_overlays_trampoline_lowered:
0x8: {  	[smem:$0x3F9E] =	sst s0  }
0x9: {  	[smem:$0x3F9F] =	sst s1  }
0xa: {  	[smem:$0x3FA0] =	sst s2  }
0xb: {  	[smem:$0x3FA1] =	sst s3  }
0xc: {  	[smem:$0x3FA2] =	sst s4  }
0xd: {  	[smem:$0x3FA3] =	sst s5  }
0xe: {  	[smem:$0x3FA4] =	sst s6  }
0xf: {  	[smem:$0x3FA5] =	sst s7  }
0x10: {  	[smem:$0x3FA6] =	sst s8  }
0x11: {  	[smem:$0x3FA7] =	sst s9;
	s0 =	simm.s32 @!p0 $0x0  }
0x12: {  	s1 =	sld [smem:$0x3F8D];
	s0 =	simm.s32 @p0 $0x1  }
0x13: {  	[smem:$0x3FA8] =	sst s0;
	s0 =	simm.s32 @!p1 $0x0  }
0x14: {  	s2 =	sld [smem:$0x3F8C];
	s0 =	simm.s32 @p1 $0x1  }
0x15: {  	[smem:$0x3FA9] =	sst s0;
	s0 =	simm.s32 @!p2 $0x0  }
0x16: {  	s3 =	sld [smem:$0x3FDB];
	s0 =	simm.s32 @p2 $0x1  }
0x17: {  	s4 =	simm.s32 $0x1BF5;
	[smem:$0x3FAB] =	sst s0  }
0x18: {  	s0 =	sld [smem:$0x3F8E];
	_ =	swait.ge [sflag:s4], $0x0  }
0x19: {  	s7 =	sld [smem:$0x3F8F]  }
0x1a: {  	s8 =	sadd.s32 $0xFFFFE003, lr  }
0x1b: {  	s9 =	sadd.s32 $0xFFFFFEF7, lr;
	s5 =	simm.s32 $0xFFFFFFFF;
	p2 =	slt.u32 s8, $0xFFFFF086  }
0x1c: {  	p1 =	slt.u32 s9, $0xF7A;
	s5 =	simm.s32 @!p2 $0x0  }
0x1d: {  	s5 =	simm.s32 @p1 $0x1;
	p0 =	seq.s32 s7, s2  }
0x1e: {  	s7 =	smul.u32 @!p0 $0xF7A, s2;
	p2 =	seq.s32 @!p0 s5, $0x0  }
0x1f: {  	s9 =	smul.u32 $0xF7A, s1;
	s8 =	simm.s32 @!p0 $0x1BF5;
	p2 =	por !p2, p0  }
0x20: {  	[sflag:s8] =	ssyncset.s32 @!p0 $0xFFFFF086;
	s6 =	sadd.s32 @!p0 s3, s7;
	s7 =	simm.s32 @!p0 $0x108  }
0x21: {  	s3 =	sadd.s32 s3, s9;
	s6 =	sadd.s32 @!p0 $0x88, s6;
	s7 =	simm.s32 @p2 $0x1082  }
0x22: {  	[simem:s7], [sflag:s8] =	dma.local @!p0 [hbm:s6], $0xF7A  }
0x23: {  	s9 =	sor.u32 $0xD0000000, s2;
	s6 =	simm.s32 $0x108;
	_ =	swait.ge @!p0 [sflag:s8], $0x0  }
0x24: {  	s3 =	sadd.s32 $0x88, s3;
	s6 =	simm.s32 @!p1 $0x1082;
	[sflag:s4] =	ssyncset.s32 $0xFFFFF086  }
0x25: {  	[simem:s6], [sflag:s4] =	dma.local [hbm:s3], $0xF7A  }
0x26: {  	[smem:$0x3F8F] =	sst s1;
	(tag) =	ssettag s2;
	_ =	strace s9  }
0x27: {  	s1 =	sld [smem:$0x3F9F]  }
0x28: {  	s2 =	sld [smem:$0x3FA0]  }
0x29: {  	s4 =	sld [smem:$0x3FA2]  }
0x2a: {  	p0 =	seq.s32 s5, $0x0;
	s5 =	sld [smem:$0x3FA3]  }
0x2b: {  	s6 =	sld [smem:$0x3FA4]  }
0x2c: {  	s7 =	sld [smem:$0x3FA5]  }
0x2d: {  	s3 =	simm.s32 $0x108;
	s8 =	sld [smem:$0x3FA6]  }
0x2e: {  	s3 =	simm.s32 @!p0 $0x1082;
	s9 =	sld [smem:$0x3FA7]  }
0x2f: {  	lr =	sadd.s32 s0, s3;
	s0 =	sld [smem:$0x3F9E]  }
0x30: {  	s3 =	sld [smem:$0x3FA1]  }
0x31: {  	[smem:$0x3FAA] =	sst s10  }
0x32: {  	s10 =	sld [smem:$0x3FA8];
	_ =	sdelay $0x3  }
0x33: {  	p0 =	seq.s32 s10, $0x1;
	s10 =	sld [smem:$0x3FAA];
	_ =	sdelay $0x3  }
0x34: {  	[smem:$0x3FAA] =	sst s10  }
0x35: {  	s10 =	sld [smem:$0x3FA9];
	_ =	sdelay $0x3  }
0x36: {  	p1 =	seq.s32 s10, $0x1;
	s10 =	sld [smem:$0x3FAA];
	_ =	sdelay $0x3  }
0x37: {  	[smem:$0x3FAA] =	sst s10  }
0x38: {  	s10 =	sld [smem:$0x3FAB]  }
0x39: {  	_ = 	snop;
	(pc) =	sbr.ind lr, $3  }
0x3a: {  	_ = 	snop  }
0x3b: {  	_ = 	snop  }
0x3c: {  	p2 =	seq.s32 s10, $0x1;
	s10 =	sld [smem:$0x3FAA]  }
0x3d: {  	_ =	shalt  }
0x3e: {  	_ =	shalt  }
0x3f: {  	_ =	shalt  }
0x40: {  	_ =	shalt  }
0x41: {  	_ =	shalt  }
0x42: {  	_ =	shalt  }
0x43: {  	_ =	shalt  }
0x44: {  	_ =	shalt  }
0x45: {  	_ =	shalt  }
0x46: {  	_ =	shalt  }
0x47: {  	_ =	shalt  }
0x48: {  	_ =	shalt  }
0x49: {  	_ =	shalt  }
0x4a: {  	_ =	shalt  }
0x4b: {  	_ =	shalt  }
0x4c: {  	_ =	shalt  }
0x4d: {  	_ =	shalt  }
0x4e: {  	_ =	shalt  }
0x4f: {  	_ =	shalt  }
0x50: {  	_ =	shalt  }
0x51: {  	_ =	shalt  }
0x52: {  	_ =	shalt  }
0x53: {  	_ =	shalt  }
0x54: {  	_ =	shalt  }
0x55: {  	_ =	shalt  }
0x56: {  	_ =	shalt  }
0x57: {  	_ =	shalt  }
0x58: {  	_ =	shalt  }
0x59: {  	_ =	shalt  }
0x5a: {  	_ =	shalt  }
0x5b: {  	_ =	shalt  }
0x5c: {  	_ =	shalt  }
0x5d: {  	_ =	shalt  }
0x5e: {  	_ =	shalt  }
0x5f: {  	_ =	shalt  }
0x60: {  	_ =	shalt  }
0x61: {  	_ =	shalt  }
0x62: {  	_ =	shalt  }
0x63: {  	_ =	shalt  }
0x64: {  	_ =	shalt  }
0x65: {  	_ =	shalt  }
0x66: {  	_ =	shalt  }
0x67: {  	_ =	shalt  }
0x68: {  	_ =	shalt  }
0x69: {  	_ =	shalt  }
0x6a: {  	_ =	shalt  }
0x6b: {  	_ =	shalt  }
0x6c: {  	_ =	shalt  }
0x6d: {  	_ =	shalt  }
0x6e: {  	_ =	shalt  }
0x6f: {  	_ =	shalt  }
0x70: {  	_ =	shalt  }
0x71: {  	_ =	shalt  }
0x72: {  	_ =	shalt  }
0x73: {  	_ =	shalt  }
0x74: {  	_ =	shalt  }
0x75: {  	_ =	shalt  }
0x76: {  	_ =	shalt  }
0x77: {  	_ =	shalt  }
0x78: {  	_ =	shalt  }
0x79: {  	_ =	shalt  }
0x7a: {  	_ =	shalt  }
0x7b: {  	_ =	shalt  }
0x7c: {  	_ =	shalt  }
0x7d: {  	_ =	shalt  }
0x7e: {  	_ =	shalt  }
0x7f: {  	_ =	shalt  }
0x80: {  	_ =	shalt  }
0x81: {  	_ =	shalt  }
0x82: {  	_ =	shalt  }
0x83: {  	_ =	shalt  }
0x84: {  	_ =	shalt  }
0x85: {  	_ =	shalt  }
0x86: {  	_ =	shalt  }
0x87: {  	_ =	shalt  }
.Lfunc_end0:
.L_simem_size_0:
called_computation.1_lowered:
.L_overlay_start_0:
0x88: {  	s2 =	sld [smem:$0x3FD9]  }
0x89: {  	s3 =	sld [smem:$0x3FFE];
	_ =	sdelay $0x1  }
0x8a: {  	s1 =	srdreg.scid  }
0x8b: {  	s0 =	sand.u32 $0x1, s1  }
0x8c: {  	s13 =	sshll.u32 s0, $0xA;
	s2 =	sadd.s32 s3, s2  }
0x8d: {  	s2 =	sadd.s32 s2, s13  }
0x8e: {  	[smem:$0x3FB6] =	sst s2  }
0x8f: {  	_ = 	snop  }
0x90: {  	s2 =	sld [smem:$0x3FD0];
	_ =	sdelay $0x2  }
0x91: {  	s14 =	simm.s32 $0xB;
	s4 =	simm.s32 $0x10  }
0x92: {  	[smem:s4], [sflag:s14] =	dma.local [hbm:s2], $0x1  }
0x93: {  	_ =	swait.eq [sflag:s14], $0x1  }
0x94: {  	s15 =	sld [smem:$0x10];
	[sflag:s14] =	ssyncset.done $0x0  }
0x95: {  	s16 =	sld [smem:$0x11];
	[sflag:s14] =	ssyncadd.s32 $0xFFFFFFFF  }
0x96: {  	s17 =	sld [smem:$0x12];
	(tm) =	ssettm $0x1  }
0x97: {  	s5 =	sld [smem:$0x3FFB];
	_ =	sdelay $0x3  }
0x98: {  	_ =	strace s5  }
0x99: {  	s5 =	sld [smem:$0x3FFC];
	_ =	sdelay $0x3  }
0x9a: {  	_ =	strace s5  }
0x9b: {  	s5 =	sld [smem:$0x3FFD];
	_ =	sdelay $0x3  }
0x9c: {  	_ =	strace s5  }
0x9d: {  	_ =	strace $0x8FFFFFFF  }
0x9e: {  	s18 =	sld [smem:$0x3FDB];
	_ =	sdelay $0x1  }
0x9f: {  	s6 =	simm.s32 $_scs_section_size  }
0xa0: {  	s7 =	simm.s32 $_size__tile_overlayer_lowered;
	s8 =	simm.s32 $_tile_overlayer_lowered  }
0xa1: {  	s21 =	simm.s32 $0x1BFF;
	s20 =	sshll.u32 s8, $0x1;
	s5 =	sadd.s32 s6, s18  }
0xa2: {  	s9 =	simm.s32 $0x0;
	s19 =	sshll.u32 s7, $0x1;
	s7 =	sadd.s32 s20, s5  }
0xa3: {  	[timem:s9], [sflag:s21] =	dma.local [hbm:s7], s19  }
0xa4: {  	_ =	swait.ge [sflag:s21], s19  }
0xa5: {  	s6 =	ssub.s32 $0x0, s19;
	[sflag:s21] =	ssyncset.done $0x0  }
0xa6: {  	[sflag:s21] =	ssyncadd.s32 s6;
	_ =	sdelay $0x1  }
0xa7: {  	s22 =	simm.s32 $0x1B8B  }
0xa8: {  	_ =	swait.ge [sflag:s22], $0x1  }
0xa9: {  	[sflag:s22] =	ssyncset.done $0x0  }
0xaa: {  	s23 =	sld [smem:$0x3FFE];
	[sflag:s22] =	ssyncadd.s32 $0xFFFFFFFF  }
0xab: {  	s25 =	simm.s32 $0x1B8E;
	s24 =	sld [smem:$0x0]  }
0xac: {  	s26 =	simm.s32 $execute0_lowered;
	[smem:$0x3FD2] =	sst s25  }
0xad: {  	s8 =	sshll.u32 s26, $0x1;
	_ =	strace $0x80000049;
	[dreg:$0x1] =	wrdreg $0xFFFFFFFF  }
0xae: {  	s28 =	simm.s32 $_size_execute0_lowered;
	s5 =	sadd.s32 s5, s8;
	[dreg:$0x0] =	wrdreg $0x0  }
0xaf: {  	s8 =	sshll.u32 s28, $0x1;
	[dreg:$0x2] =	wrdreg s5  }
0xb0: {  	[dreg:$0x3] =	wrdreg s8  }
0xb1: {  	[dreg:$0x4] =	wrdreg $0xC0  }
0xb2: {  	_ =	task [dreg:s9], $0x5FFFF  }
0xb3: {  	[dreg:$0x1] =	wrdreg $0xFFFFFFFF  }
0xb4: {  	[dreg:$0x0] =	wrdreg $0x60  }
0xb5: {  	[dreg:$0x2] =	wrdreg s16  }
0xb6: {  	[dreg:$0x3] =	wrdreg s17  }
0xb7: {  	[dreg:$0x4] =	wrdreg s15  }
0xb8: {  	[dreg:$0x5] =	wrdreg s23  }
0xb9: {  	[dreg:$0x6] =	wrdreg s1  }
0xba: {  	[dreg:$0x7] =	wrdreg s24  }
0xbb: {  	[dreg:$0x8] =	wrdreg $0x9  }
0xbc: {  	_ =	task.clear_ibuf [dreg:s9], $0x9FFFF;
	_ =	strace $0x90000049  }
0xbd: {  	s29 =	simm.s32 $0x9;
	_ =	strace $0x8000004B  }
0xbe: {  	_ =	swait.ge [sflag:s29], $0x1  }
0xbf: {  	[sflag:s29] =	ssyncadd.s32 $0xFFFFFFFF  }
0xc0: {  	_ =	strace $0x9000004B  }
0xc1: {  	_ =	sfence  }
0xc2: {  	s30 =	sld [smem:$0x0];
	_ =	sdelay $0x2  }
0xc3: {  	s31 =	sshll.u32 s1, $0xD;
	s1 =	sshrl.u32 s1, $0x2  }
0xc4: {  	s3 =	sand.u32 $0x4000, s31;
	s1 =	sadd.s32 s1, s30  }
0xc5: {  	s0 =	sor.u32 s3, s0;
	s1 =	sshll.u32 s1, $0x11  }
0xc6: {  	s0 =	sor.u32 s1, s0  }
0xc7: {  	s0 =	sadd.s32 $0x8F2B, s0  }
0xc8: {  	[sflag:s0] =	ssyncadd.remote.s32 $0x1  }
0xc9: {  	_ =	sfence.sel $0xFFFF  }
0xca: {  	[dreg:$0x0] =	wrdreg $0xFFFFFFFF;
	(pc) =	sbr.abs _section_cstart, $3  }
0xcb: {  	[dreg:$0x1] =	wrdreg $0xFFFFFFFF  }
0xcc: {  	_ =	task.clear_ibuf [dreg:s9], $0x2FFFF;
	_ =	strace $0x9FFFFFFF  }
0xcd: {  	(tm) =	ssettm $0x7FFFFFFF  }
tec
execute0_lowered:
.L_overlay_start_1:
0x0: {  	(tag) =	ssettag $0x1  }
0x1: {  	s1 =	rddreg [dreg:$0x0]  }
0x2: {  	s0 =	rddreg [dreg:$0x1]  }
0x3: {  	s6 =	rddreg [dreg:$0x2]  }
0x4: {  	s2 =	rddreg [dreg:$0x3]  }
0x5: {  	s5 =	rddreg [dreg:$0x4];
	_ =	strace $0x8000004A;
	s3 =	simm.s32 $0x1  }
0x6: {  	s4 =	simm.s32 $0x88;
	v0 =	vimm.s32 $0x0;
	[sflag:s3] =	ssyncpa.u1 $0x0  }
0x7: {  	[tilespmem:s4+$0x30] =	vst v0  }
0x8: {  	[tilespmem:s4+$0x20] =	vst v0  }
0x9: {  	s14 =	sadd.s32 $0x7A3000, s2;
	s9 =	sand.u32 $0x1, s5;
	s2 =	simm.s32 $0x40;
	[tilespmem:s4+$0x10] =	vst v0  }
.LBB2_1:
0xa: {  	s2 =	sadd.s32 $0x40, s2  }
0xb: {  	[tilespmem:s4+$0x0] =	vst v0;
	s4 =	sadd.s32 $0x40, s4;
	p0 =	slt.u32 s2, $0x5040  }
.Ltmp0:
0xc: {  	(pc) =	sbr.rel @p0 .LBB2_1-.Ltmp0, $4  }
0xd: {  	_ = 	snop  }
0xe: {  	[tilespmem:s4+$0x30] =	vst v0  }
0xf: {  	[tilespmem:s4+$0x20] =	vst v0  }
0x10: {  	[tilespmem:s4+$0x10] =	vst v0  }
0x11: {  	s10 =	stileid.u32  }
0x12: {  	s2 =	smul.u32 $0x13, s10  }
0x13: {  	s3 =	smin.u32 s10, $0x9  }
0x14: {  	s2 =	sadd.s32 s3, s2  }
0x15: {  	p0 =	slt.u32 s10, $0x9;
	s7 =	smul.u32 $0x140, s2;
	s2 =	simm.s32 $0x1900  }
0x16: {  	s2 =	simm.s32 @!p0 $0x17C0  }
0x17: {  	s2 =	sadd.s32 s2, s7  }
0x18: {  	s8 =	smin.u32 s2, $0x186A0  }
0x19: {  	s2 =	ssub.s32 s8, s7  }
0x1a: {  	s26 =	simm.s32 $0x2;
	s29 =	simm.s32 $0x9;
	p0 =	sgt.s32 s2, $0x0  }
0x1b: {  	s30 =	simm.s32 $0xA;
	s31 =	smul.u32 $0x30D4, s9;
	s2 =	simm.s32 @!p0 $0x0  }
0x1c: {  	s11 =	simm.s32 $0xB;
	[dreg:$0x7] =	wrdreg s9;
	s28 =	smulhi.u32 $0x66666667, s2  }
0x1d: {  	s12 =	simm.s32 $0x1;
	s18 =	simm.s32 $0x0;
	p1 =	por $0x0, $0x0  }
0x1e: {  	s19 =	simm.s32 $0xC;
	s23 =	simm.s32 $0x0;
	s3 =	sshrl.u32 s28, $0x7  }
0x1f: {  	s20 =	simm.s32 $0x0;
	s22 =	simm.s32 $0x0;
	s5 =	smul.u32 $0x140, s3  }
.Ltmp1:
0x20: {  	[tilespmem:s4+$0x0] =	vst v0;
	v0 =	vimm.s32 $0xFFFFFFFF;
	[sflag:s26] =	ssyncpa.u1 $0x0;
	s16 =	sshll.u32 s10, $0x7;
	(pc) =	sbr.rel .LBB2_3-.Ltmp1, $4  }
0x21: {  	[tilespmem:$0xA108] =	vst v0;
	[sflag:s29] =	ssyncpa.u1 $0x0;
	p0 =	sne.s32 s2, s5;
	s2 =	simm.s32 $0x1  }
0x22: {  	s14 =	sadd.s32 s31, s14;
	[sflag:s30] =	ssyncpa.u1 $0x0;
	s2 =	simm.s32 @!p0 $0x0  }
0x23: {  	s15 =	sadd.s32 s31, s0;
	[sflag:s11] =	ssyncpa.u1 $0x0;
	s13 =	sadd.s32 s2, s3  }
0x24: {  	v0 =	vlaneseq.u32;
	s21 =	smov.u32 s7;
	p0 =	por $0x1, $0x1;
	s17 =	sadd.s32 $0x1, s13  }
.LBB2_24:
0x25: {  	s0 =	sshrl.u32 s0, $0x2  }
.LBB2_26:
0x26: {  	_ =	swait.ge [sflag:s19], s0  }
0x27: {  	s30 =	ssub.s32 $0x0, s0;
	v1 =	vmov s25;
	vm0 =	veq.s32 v0, $0x0;
	[sflag:s19] =	ssyncset.done $0x0  }
0x28: {  	vm15 =	veq.s32 v0, $0x2;
	v1 =	vsel vm0, s31, v1;
	[sflag:s19] =	ssyncadd.s32 s30  }
0x29: {  	v1 =	vsel vm15, s23, v1;
	[sflag:s19] =	ssyncpa.u1 $0x1  }
0x2a: {  	[tilespmem:$0xA108] =	vst v1  }
.LBB2_27:
0x2b: {  	s0 =	sadd.s32 $0x140, s21  }
0x2c: {  	s2 =	smov.u32 s7;
	p2 =	slt.s32 s0, s8  }
0x2d: {  	s2 =	smov.u32 @p2 s0;
	p2 =	sne.s32 s22, s17  }
.Ltmp2:
0x2e: {  	_ = 	snop;
	(pc) =	sbr.rel @!p2 .LBB2_28-.Ltmp2, $4  }
0x2f: {  	_ = 	snop  }
0x30: {  	s23 =	smov.u32 s20  }
0x31: {  	s31 =	sadd.s32 $0x1, s22;
	s20 =	smov.u32 s21;
	p0 =	por !p0, !p0  }
0x32: {  	p1 =	por !p1, !p1;
	s22 =	smov.u32 s31;
	s21 =	smov.u32 s2  }
.LBB2_3:
0x33: {  	p2 =	sge.u32 s22, s13  }
0x34: {  	s0 =	smulhi.u32 @!p2 $0xAAAAAAAB, s22  }
0x35: {  	s2 =	smov.u32 s21;
	p3 =	sgt.s32 @!p2 s21, $0x18560  }
0x36: {  	s3 =	sshra.s32 @!p2 s21, $0x1F;
	p3 =	por !p3, p2;
	s0 =	sshrl.u32 @!p2 s0, $0x1  }
0x37: {  	s3 =	sand.u32 @!p2 s3, s21;
	s2 =	simm.s32 @p3 $0x18560;
	s0 =	smul.u32 @!p2 $0x3, s0  }
0x38: {  	s2 =	ssub.s32 @!p2 s2, s3  }
0x39: {  	s2 =	sadd.s32 @!p2 $0xFFFE7AA0, s2;
	s0 =	ssub.s32 @!p2 s22, s0  }
0x3a: {  	s3 =	sshll.u32 @!p2 s2, $0x2;
	p3 =	sgt.s32 @!p2 s2, $0x13F;
	s0 =	smul.u32 @!p2 $0x500, s0  }
0x3b: {  	s4 =	sand.u32 @!p2 $0x7, s21;
	s2 =	ssub.s32 @!p2 $0x500, s3;
	p3 =	por !p3, p2  }
0x3c: {  	s3 =	sshrl.u32 @!p2 s21, $0x3;
	s2 =	sshrl.u32 @!p2 s2, $0x2;
	s0 =	sshrl.u32 @!p2 s0, $0x2  }
0x3d: {  	s3 =	sadd.s32 @!p2 s3, s14;
	s2 =	simm.s32 @!p3 $0x0;
	s0 =	sadd.s32 @!p2 $0xA948, s0  }
0x3e: {  	[tilespmem:s0], [sflag:$0xA] =	stream.linear.gather @!p2 [hbm4b:s3+s4], s2, $0x38;
	[tilespmem:$0x1EF88] =	vst v63  }
0x3f: {  	s4 =	sadd.s32 $0xFFFFFFFF, s22  }
0x40: {  	p2 =	sge.u32 s4, s13  }
0x41: {  	p3 =	sgt.s32 @!p2 s20, $0x18560  }
0x42: {  	s0 =	smov.u32 s20;
	s2 =	sshra.s32 @!p2 s20, $0x1F;
	p3 =	por !p3, p2  }
0x43: {  	s2 =	sand.u32 @!p2 s2, s20;
	s0 =	simm.s32 @p3 $0x18560  }
0x44: {  	s0 =	ssub.s32 @!p2 s0, s2  }
0x45: {  	s0 =	sadd.s32 @!p2 $0xFFFE7AA0, s0  }
0x46: {  	s2 =	sshll.u32 @!p2 s0, $0x2  }
0x47: {  	p3 =	sgt.s32 @!p2 s0, $0x13F;
	s0 =	ssub.s32 @!p2 $0x500, s2  }
0x48: {  	p3 =	por !p3, p2;
	s0 =	sshrl.u32 @!p2 s0, $0x2  }
0x49: {  	s3 =	simm.s32 @!p2 $0xA;
	s2 =	sand.u32 @!p2 $0x1, s4;
	s0 =	simm.s32 @!p3 $0x0  }
0x4a: {  	s2 =	smul.u32 @!p2 $0x500, s2;
	_ =	swait.ge @!p2 [sflag:s3], s0  }
0x4b: {  	s5 =	ssub.s32 @!p2 $0x0, s0;
	[sflag:s3] =	ssyncset.done @!p2 $0x0  }
0x4c: {  	s2 =	sshrl.u32 @!p2 s2, $0x2;
	[sflag:s3] =	ssyncadd.s32 @!p2 s5;
	s3 =	sshrl.u32 @!p2 s20, $0x3  }
0x4d: {  	s2 =	sadd.s32 @!p2 $0xAD08, s2;
	s5 =	sand.u32 @!p2 $0x7, s20;
	s3 =	sadd.s32 @!p2 s3, s15  }
0x4e: {  	[tilespmem:s2], [sflag:$0xB] =	stream.linear.gather @!p2 [hbm4b:s3+s5], s0, $0x38;
	[tilespmem:$0x1EF88] =	vst v63  }
0x4f: {  	s0 =	ssub.s32 @!p2 $0x186A0, s20  }
0x50: {  	p3 =	slt.s32 @!p2 s0, $0x1  }
0x51: {  	p3 =	por p2, p3  }
.Ltmp3:
0x52: {  	_ = 	snop;
	(pc) =	sbr.rel @p3 .LBB2_9-.Ltmp3, $1  }
0x53: {  	_ =	sdelay $0x3  }
0x54: {  	s2 =	smulhi.u32 $0xAAAAAAAB, s4;
	_ =	sdelay $0x1  }
0x55: {  	s2 =	sshrl.u32 s2, $0x1  }
0x56: {  	s2 =	smul.u32 $0x3, s2;
	_ =	sdelay $0x1  }
0x57: {  	s2 =	ssub.s32 s4, s2  }
0x58: {  	s3 =	simm.s32 $0x1;
	s2 =	smul.u32 $0x500, s2  }
.Ltmp4:
0x59: {  	s3 =	simm.s32 @!p0 $0x0;
	(pc) =	sbr.rel .LBB2_6-.Ltmp4, $4  }
0x5a: {  	s3 =	smul.u32 $0x28000, s3  }
0x5b: {  	p3 =	slt.s32 @!p2 s0, $0x140;
	s2 =	sshrl.u32 s2, $0x2  }
0x5c: {  	p2 =	por !p3, p2;
	s3 =	sshrl.u32 s3, $0x2;
	s2 =	sadd.s32 $0xA948, s2  }
0x5d: {  	s24 =	simm.s32 $0x0;
	s0 =	simm.s32 @p2 $0x140;
	s4 =	sadd.s32 $0xAF88, s3;
	v1 =	vmov s2  }
.LBB2_5:
0x5e: {  	p2 =	sge.s32 s24, s0  }
.Ltmp5:
0x5f: {  	_ = 	snop;
	(pc) =	sbr.rel @p2 .LBB2_9-.Ltmp5, $2  }
0x60: {  	_ =	sdelay $0x2  }
0x61: {  	s4 =	sadd.s32 $0x800, s4  }
.LBB2_6:
0x62: {  	p2 =	sle.s32 s0, s24  }
.Ltmp6:
0x63: {  	_ = 	snop;
	(pc) =	sbr.rel @p2 .LBB2_5-.Ltmp6, $2  }
0x64: {  	_ =	sdelay $0x2  }
0x65: {  	s5 =	smov.u32 s24;
	s24 =	sadd.s32 $0x10, s24  }
0x66: {  	s2 =	ssub.s32 s0, s5  }
0x67: {  	p2 =	slt.s32 s2, $0x10  }
0x68: {  	s2 =	simm.s32 @!p2 $0x10  }
0x69: {  	v2 =	vmov s2  }
0x6a: {  	vm0 =	vgt.s32 v2, v0;
	_ =	sdelay $0x5  }
0x6b: {  	v2 =	vld.idx.msk [tilespmem:v1+s5+$0x0 ss:$0x1], vm0;
	_ =	sdelay $0x2  }
0x6c: {  	p2 =	slt.s32 s24, s0;
	s2 =	smov.u32 s0  }
0x6d: {  	s3 =	smov.u32 s4;
	s25 =	simm.s32 $0x0;
	s2 =	smov.u32 @p2 s24  }
.LBB2_8:
0x6e: {  	(v2sf) =	vpush v2, s25;
	_ =	sdelay $0xc  }
0x6f: {  	s25 =	sadd.s32 $0x1, s25  }
0x70: {  	s31 =	sadd.s32 s25, s5  }
0x71: {  	p2 =	slt.s32 s31, s2;
	s9 =	spop (v2sf)  }
.Ltmp7:
0x72: {  	s9 =	sshll.u32 s9, $0x4;
	(pc) =	sbr.rel @p2 .LBB2_8-.Ltmp7, $4  }
0x73: {  	s9 =	sand.u32 $0x1FFFFFF0, s9  }
0x74: {  	s9 =	sadd.s32 s6, s9  }
0x75: {  	[tilespmem:s3], [sflag:$0x9] =	stream.linear.gather [hbm4b:s9+s18], $0x40, $0x38;
	[tilespmem:$0x1EF88] =	vst v63  }
0x76: {  	s3 =	sadd.s32 $0x80, s3  }
.Ltmp8:
0x77: {  	_ = 	snop;
	(pc) =	sbr.rel .LBB2_5-.Ltmp8, $1  }
0x78: {  	_ =	sdelay $0x3  }
.LBB2_9:
0x79: {  	p2 =	slt.u32 s22, $0x2  }
.Ltmp9:
0x7a: {  	_ = 	snop;
	(pc) =	sbr.rel @p2 .LBB2_27-.Ltmp9, $1  }
0x7b: {  	_ =	sdelay $0x3  }
0x7c: {  	p2 =	sgt.s32 s23, $0x18560  }
0x7d: {  	s0 =	smov.u32 s23;
	s2 =	sshra.s32 s23, $0x1F;
	s3 =	ssub.s32 $0x186A0, s23  }
0x7e: {  	s0 =	simm.s32 @!p2 $0x18560;
	s2 =	sand.u32 s2, s23;
	p2 =	slt.s32 s3, $0x140  }
0x7f: {  	s0 =	ssub.s32 s0, s2;
	s3 =	simm.s32 @!p2 $0x140  }
0x80: {  	s0 =	sadd.s32 $0xFFFE7AA0, s0;
	s10 =	sshll.u32 s3, $0x6  }
0x81: {  	s26 =	simm.s32 $0x9;
	s24 =	sshll.u32 s0, $0x2;
	s2 =	sand.u32 $0x3FFFFFC0, s10  }
0x82: {  	p2 =	sgt.s32 s0, $0x13F;
	s25 =	ssub.s32 $0x500, s24;
	_ =	swait.ge [sflag:s26], s2  }
0x83: {  	s2 =	ssub.s32 $0x0, s2;
	[sflag:s26] =	ssyncset.done $0x0;
	s0 =	sshrl.u32 s25, $0x2  }
0x84: {  	[sflag:s26] =	ssyncadd.s32 s2;
	s0 =	simm.s32 @p2 $0x0  }
0x85: {  	_ =	swait.ge [sflag:s11], s0  }
0x86: {  	s0 =	ssub.s32 $0x0, s0;
	[sflag:s11] =	ssyncset.done $0x0  }
0x87: {  	[sflag:s11] =	ssyncadd.s32 s0  }
0x88: {  	v1 =	vld [tilespmem:$0xA108];
	_ =	sdelay $0x4  }
0x89: {  	(v2sf) =	vpush v1, $0x0  }
0x8a: {  	(v2sf) =	vpush v1, $0x1  }
0x8b: {  	(v2sf) =	vpush v1, $0x2;
	_ =	sdelay $0x3  }
0x8c: {  	s0 =	sadd.s32 $0x140, s23  }
0x8d: {  	s2 =	ssub.s32 $0x30D40, s23;
	p2 =	slt.s32 s8, s0  }
0x8e: {  	s0 =	smov.u32 @p2 s8;
	p2 =	sgt.s32 s2, $0x0  }
0x8f: {  	s0 =	ssub.s32 s0, s23;
	s2 =	simm.s32 @!p2 $0x0  }
0x90: {  	p2 =	slt.s32 s2, s0  }
0x91: {  	s0 =	smov.u32 @p2 s2  }
0x92: {  	s26 =	simm.s32 $0x1;
	p2 =	slt.s32 s0, $0x1  }
.Ltmp10:
0x93: {  	s26 =	simm.s32 @!p1 $0x0;
	(pc) =	sbr.rel @p2 .LBB2_14-.Ltmp10, $4  }
0x94: {  	s30 =	smul.u32 $0x500, s26  }
0x95: {  	s28 =	spop (v2sf)  }
0x96: {  	s31 =	sshrl.u32 s30, $0x2;
	s29 =	spop (v2sf)  }
0x97: {  	s24 =	sadd.s32 $0xAD08, s31;
	s23 =	spop (v2sf)  }
0x98: {  	s2 =	smin.u32 s0, $0x10  }
0x99: {  	v1 =	vmov s2  }
0x9a: {  	p3 =	sgt.s32 s0, $0x10;
	vm1 =	vgt.u32 v1, v0  }
.Ltmp11:
0x9b: {  	_ = 	snop;
	(pc) =	sbr.rel @!p3 .LBB2_13-.Ltmp11, $2  }
0x9c: {  	_ =	sdelay $0x2  }
0x9d: {  	s5 =	simm.s32 $0x10;
	s25 =	sadd.s32 $0xFFFFFFF0, s0;
	s4 =	smov.u32 s24;
	vm0 =	vmmov vm1  }
.LBB2_12:
0x9e: {  	s2 =	smin.u32 s25, $0x10;
	s5 =	sadd.s32 $0x10, s5;
	v1 =	vld.msk [tilespmem:s4+$0x0 ss:$0x1], vm1  }
0x9f: {  	v2 =	vmov s2;
	p3 =	slt.s32 s5, s0  }
0xa0: {  	vm1 =	vgt.u32 v2, v0  }
.Ltmp12:
0xa1: {  	(pc) =	sbr.rel @p3 .LBB2_12-.Ltmp12, $3  }
0xa2: {  	_ =	sdelay $0x1  }
0xa3: {  	v1 =	vshll.u32 v1, $0x4  }
0xa4: {  	s25 =	sadd.s32 $0xFFFFFFF0, s25;
	[tilespmem:s4+$0x0] =	vst.msk vm0, v1;
	s4 =	sadd.s32 $0x10, s4;
	vm0 =	vmmov vm1  }
.LBB2_13:
0xa5: {  	_ =	sdelay $0x4  }
0xa6: {  	v1 =	vld.msk [tilespmem:s4+$0x0 ss:$0x1], vm1;
	_ =	sdelay $0x4  }
0xa7: {  	v1 =	vshll.u32 v1, $0x4  }
0xa8: {  	[tilespmem:s4+$0x0] =	vst.msk vm0, v1  }
.LBB2_14:
0xa9: {  	s2 =	sand.u32 $0x1, s22  }
0xaa: {  	s3 =	smul.u32 $0xA000, s2  }
0xab: {  	p3 =	sne.s32 s29, $0xFFFFFFFF;
	s2 =	smul.u32 $0x140, s2  }
0xac: {  	v1 =	vld @!p3 [tilespmem:s3+$0xAF88]  }
0xad: {  	v2 =	vld.msk @!p3 [tilespmem:s2+$0xAD08], $0x1;
	_ =	sdelay $0x3  }
0xae: {  	[tilespmem:$0x88] =	vst @!p3 v1  }
0xaf: {  	(v2sf) =	vpush @!p3 v2, $0x0;
	v1 =	vld @!p3 [tilespmem:s3+$0xAF98];
	_ =	sdelay $0x4  }
0xb0: {  	[tilespmem:$0x98] =	vst @!p3 v1  }
0xb1: {  	v1 =	vld @!p3 [tilespmem:s3+$0xAFA8];
	_ =	sdelay $0x4  }
0xb2: {  	[tilespmem:$0xA8] =	vst @!p3 v1  }
0xb3: {  	v1 =	vld @!p3 [tilespmem:s3+$0xAFB8]  }
.Ltmp13:
0xb4: {  	_ = 	snop;
	(pc) =	sbr.rel @p2 .LBB2_25-.Ltmp13, $4  }
0xb5: {  	_ = 	snop  }
0xb6: {  	s30 =	spop @!p3 (v2sf)  }
0xb7: {  	s23 =	simm.s32 @!p3 $0x0;
	s25 =	smov.u32 s30  }
0xb8: {  	s30 =	smov.u32 @p3 s28;
	s25 =	smov.u32 @p3 s29;
	[tilespmem:$0xB8] =	vst @!p3 v1;
	[sflag:s19] =	ssyncpa.u1 $0x0  }
0xb9: {  	v1 =	vld.msk [tilespmem:s24+$0x0], $0x1;
	_ =	sdelay $0x4  }
0xba: {  	(v2sf) =	vpush v1, $0x0;
	_ =	sdelay $0xe  }
0xbb: {  	s2 =	smul.u32 $0x28000, s26;
	s4 =	spop (v2sf)  }
0xbc: {  	s28 =	ssub.s32 $0x0, s0;
	p2 =	seq.s32 s30, s4  }
0xbd: {  	s0 =	sadd.s32 $0x1, s28;
	s2 =	sshrl.u32 s2, $0x2;
	p3 =	sgt.s32 @!p2 s30, $0x0  }
0xbe: {  	s26 =	sadd.s32 $0xAFA8, s2;
	s2 =	smov.u32 s30;
	p3 =	por !p3, p2  }
0xbf: {  	s2 =	simm.s32 @p3 $0x0;
	p3 =	seq.s32 s0, $0x0  }
.Ltmp14:
0xc0: {  	_ = 	snop;
	(pc) =	sbr.rel @p3 .LBB2_17-.Ltmp14, $4  }
0xc1: {  	_ = 	snop  }
0xc2: {  	s29 =	simm.s32 $0x0;
	s5 =	simm.s32 @!p2 $0x1;
	s3 =	smin.u32 @!p2 s2, $0x1387F8  }
0xc3: {  	s31 =	sadd.s32 $0x1, s24;
	s5 =	smov.u32 @p2 s29;
	s9 =	sand.u32 @!p2 $0x1FFFF8, s3  }
0xc4: {  	s2 =	simm.s32 @!p2 $0x50C8;
	s3 =	sand.u32 @!p2 $0x7, s3;
	s9 =	sadd.s32 @!p2 s1, s9  }
.LBB2_16:
0xc5: {  	s10 =	smov.u32 s5  }
0xc6: {  	[tilespmem:s2], [sflag:$0x2] =	stream.linear.gather @!p2 [hbm4b:s9+s3], $0x40, $0x38;
	[tilespmem:$0x1EF88] =	vst v63  }
0xc7: {  	s0 =	sadd.s32 $0x1, s0;
	s3 =	smov.u32 s4;
	v1 =	vld.msk [tilespmem:s31+$0x0], $0x1  }
0xc8: {  	p3 =	seq.s32 s0, $0x0;
	_ =	sdelay $0x3  }
0xc9: {  	(v2sf) =	vpush v1, $0x0;
	_ =	sdelay $0xe  }
0xca: {  	s4 =	spop (v2sf)  }
0xcb: {  	p2 =	seq.s32 s3, s4  }
0xcc: {  	p4 =	sgt.s32 @!p2 s3, $0x0;
	s2 =	sshll.u32 @!p2 s5, $0x8;
	s5 =	sadd.s32 @!p2 $0x1, s5  }
.Ltmp15:
0xcd: {  	p4 =	por !p4, p2;
	s2 =	sshra.s32 @!p2 s2, $0x2;
	(pc) =	sbr.rel @!p3 .LBB2_16-.Ltmp15, $4  }
0xce: {  	s5 =	smov.u32 @p2 s10;
	s3 =	simm.s32 @p4 $0x0;
	s2 =	sadd.s32 @!p2 $0x50C8, s2  }
0xcf: {  	s3 =	smin.u32 @!p2 s3, $0x1387F8  }
0xd0: {  	s9 =	sand.u32 @!p2 $0x1FFFF8, s3;
	s3 =	sand.u32 @!p2 $0x7, s3  }
0xd1: {  	s31 =	sadd.s32 $0x1, s31;
	s9 =	sadd.s32 @!p2 s1, s9  }
.LBB2_17:
0xd2: {  	[tilespmem:s2], [sflag:$0x2] =	stream.linear.gather @!p2 [hbm4b:s9+s3], $0x40, $0x38;
	[tilespmem:$0x1EF88] =	vst v63  }
.Ltmp16:
0xd3: {  	s0 =	sshll.u32 s5, $0x6;
	(pc) =	sbr.rel .LBB2_18-.Ltmp16, $4  }
0xd4: {  	s31 =	simm.s32 $0x2;
	s0 =	sand.u32 $0x3FFFFFC0, s0  }
0xd5: {  	_ =	swait.ge [sflag:s31], s0  }
0xd6: {  	s0 =	ssub.s32 $0x0, s0;
	[sflag:s31] =	ssyncset.done $0x0  }
0xd7: {  	[sflag:s31] =	ssyncadd.s32 s0;
	s0 =	simm.s32 $0x0  }
.LBB2_19:
0xd8: {  	v1 =	vld [tilespmem:s26+$0xFFFFFFE0]  }
0xd9: {  	v2 =	vld [tilespmem:s4+$0x88];
	_ =	sdelay $0x4  }
0xda: {  	v1 =	vmax.f32 v1, v2  }
0xdb: {  	v2 =	vld [tilespmem:s4+$0x98];
	[tilespmem:s4+$0x88] =	vst v1  }
0xdc: {  	v1 =	vld [tilespmem:s26+$0xFFFFFFF0];
	_ =	sdelay $0x4  }
0xdd: {  	v1 =	vmax.f32 v1, v2  }
0xde: {  	v2 =	vld [tilespmem:s4+$0xA8];
	[tilespmem:s4+$0x98] =	vst v1  }
0xdf: {  	v1 =	vld [tilespmem:s26+$0x0];
	_ =	sdelay $0x4  }
0xe0: {  	v1 =	vmax.f32 v1, v2  }
0xe1: {  	v2 =	vld [tilespmem:s4+$0xB8];
	[tilespmem:s4+$0xA8] =	vst v1  }
0xe2: {  	v1 =	vld [tilespmem:s26+$0x10];
	_ =	sdelay $0x4  }
0xe3: {  	v1 =	vmax.f32 v1, v2  }
0xe4: {  	[tilespmem:s4+$0xB8] =	vst v1  }
.LBB2_23:
0xe5: {  	s28 =	sadd.s32 $0x1, s28  }
0xe6: {  	p2 =	seq.s32 s28, $0x0  }
.Ltmp17:
0xe7: {  	_ = 	snop;
	(pc) =	sbr.rel @p2 .LBB2_24-.Ltmp17, $2  }
0xe8: {  	_ =	sdelay $0x2  }
0xe9: {  	s26 =	sadd.s32 $0x80, s26;
	s24 =	sadd.s32 $0x1, s24;
	s30 =	smov.u32 s31  }
.LBB2_18:
0xea: {  	v1 =	vld.msk [tilespmem:s24+$0x0], $0x1;
	_ =	sdelay $0x4  }
0xeb: {  	(v2sf) =	vpush v1, $0x0;
	_ =	sdelay $0xe  }
0xec: {  	s31 =	spop (v2sf)  }
0xed: {  	p2 =	sne.s32 s30, s31  }
.Ltmp18:
0xee: {  	_ = 	snop;
	(pc) =	sbr.rel @!p2 .LBB2_19-.Ltmp18, $3  }
0xef: {  	_ =	sdelay $0x1  }
0xf0: {  	s2 =	sshll.u32 s23, $0x8  }
0xf1: {  	s4 =	sshra.s32 s2, $0x2  }
0xf2: {  	p2 =	seq.s32 s30, s25  }
.Ltmp19:
0xf3: {  	_ = 	snop;
	(pc) =	sbr.rel @!p2 .LBB2_21-.Ltmp19, $1  }
0xf4: {  	_ =	sdelay $0x3  }
.Ltmp20:
0xf5: {  	s2 =	sadd.s32 $0x88, s4;
	(pc) =	sbr.rel .LBB2_22-.Ltmp20, $4  }
0xf6: {  	[spmem:s16] =	stream.linear.scatter [tilespmem:s2], [sflag:$0x1], $0x40, $0x38;
	[tilespmem:$0x1EF88] =	vst v63  }
0xf7: {  	_ =	swait.ge [sflag:s12], $0x40  }
0xf8: {  	[sflag:s12] =	ssyncset.done $0x0  }
0xf9: {  	[sflag:s12] =	ssyncadd.s32 $0xFFFFFFC0  }
.LBB2_21:
0xfa: {  	s2 =	sshll.u32 s29, $0x8  }
0xfb: {  	v2 =	vld [tilespmem:s4+$0x88];
	s2 =	sshra.s32 s2, $0x2  }
0xfc: {  	v1 =	vld [tilespmem:s2+$0x50C8];
	_ =	sdelay $0x4  }
0xfd: {  	v1 =	vmax.f32 v1, v2  }
0xfe: {  	v2 =	vld [tilespmem:s4+$0x98];
	[tilespmem:s4+$0x88] =	vst v1  }
0xff: {  	v1 =	vld [tilespmem:s2+$0x50D8];
	_ =	sdelay $0x4  }
0x100: {  	v1 =	vmax.f32 v1, v2  }
0x101: {  	v2 =	vld [tilespmem:s4+$0xA8];
	[tilespmem:s4+$0x98] =	vst v1  }
0x102: {  	v1 =	vld [tilespmem:s2+$0x50E8];
	_ =	sdelay $0x4  }
0x103: {  	v1 =	vmax.f32 v1, v2  }
0x104: {  	v2 =	vld [tilespmem:s4+$0xB8];
	[tilespmem:s4+$0xA8] =	vst v1  }
0x105: {  	v1 =	vld [tilespmem:s2+$0x50F8];
	_ =	sdelay $0x3  }
0x106: {  	p2 =	sgt.u32 s30, $0x1387F8  }
0x107: {  	s2 =	sand.u32 @!p2 $0x1FFFF8, s30;
	v1 =	vmax.f32 v1, v2  }
0x108: {  	s3 =	sadd.s32 $0x88, s4;
	s2 =	sadd.s32 @!p2 s1, s2;
	[tilespmem:s4+$0xB8] =	vst v1;
	s4 =	sand.u32 @!p2 $0x7, s30  }
0x109: {  	[hbm4b:s2+s4] =	stream.linear.scatter @!p2 [tilespmem:s3], [sflag:$0xC], $0x40, $0x38;
	[tilespmem:$0x1EF88] =	vst v63  }
0x10a: {  	s2 =	simm.s32 $0x0  }
0x10b: {  	s2 =	simm.s32 @!p2 $0x100  }
0x10c: {  	s0 =	sadd.s32 s2, s0  }
.LBB2_22:
0x10d: {  	s2 =	sadd.s32 $0x1, s23  }
0x10e: {  	s3 =	smulhi.u32 $0xCCCCCCCD, s2;
	_ =	sdelay $0x1  }
0x10f: {  	v1 =	vld [tilespmem:s26+$0xFFFFFFE0];
	s3 =	sshrl.u32 s3, $0x8  }
0x110: {  	s3 =	smul.u32 $0x140, s3;
	_ =	sdelay $0x1  }
0x111: {  	s23 =	ssub.s32 s2, s3  }
0x112: {  	s2 =	sshll.u32 s23, $0x6  }
0x113: {  	[tilespmem:s2+$0x88] =	vst v1  }
0x114: {  	v1 =	vld [tilespmem:s26+$0xFFFFFFF0];
	_ =	sdelay $0x4  }
0x115: {  	[tilespmem:s2+$0x98] =	vst v1  }
0x116: {  	v1 =	vld [tilespmem:s26+$0x0];
	_ =	sdelay $0x4  }
0x117: {  	[tilespmem:s2+$0xA8] =	vst v1  }
0x118: {  	v1 =	vld [tilespmem:s26+$0x10]  }
.Ltmp21:
0x119: {  	_ = 	snop;
	(pc) =	sbr.rel .LBB2_23-.Ltmp21, $2  }
0x11a: {  	_ =	sdelay $0x2  }
0x11b: {  	s29 =	sadd.s32 $0x1, s29;
	[tilespmem:s2+$0xB8] =	vst v1  }
.LBB2_25:
.Ltmp22:
0x11c: {  	(pc) =	sbr.rel .LBB2_26-.Ltmp22, $4  }
0x11d: {  	_ = 	snop  }
0x11e: {  	s0 =	simm.s32 $0x2  }
0x11f: {  	_ =	swait.ge [sflag:s0], $0x0  }
0x120: {  	s31 =	smov.u32 s30;
	[sflag:s0] =	ssyncset.done $0x0;
	s0 =	simm.s32 $0x0  }
.LBB2_28:
0x121: {  	_ =	sfence.sel $0x180000  }
0x122: {  	s0 =	simm.s32 $0x9;
	[bflag:$0x0] =	sbarrier.arrive $0xFFFF  }
0x123: {  	s24 =	simm.s32 $0xA;
	[sflag:s0] =	ssyncpa.u1 $0x1  }
0x124: {  	s25 =	simm.s32 $0xB;
	[sflag:s24] =	ssyncpa.u1 $0x1  }
0x125: {  	s26 =	simm.s32 $0x2;
	[sflag:s25] =	ssyncpa.u1 $0x1  }
0x126: {  	[sflag:s26] =	ssyncpa.u1 $0x1  }
0x127: {  	v0 =	vld [tilespmem:$0xA108];
	_ =	sdelay $0x4  }
0x128: {  	(v2sf) =	vpush v0, $0x0  }
0x129: {  	(v2sf) =	vpush v0, $0x1;
	_ =	sdelay $0x1  }
0x12a: {  	(v2sf) =	vpush v0, $0x2;
	_ =	sdelay $0xb  }
0x12b: {  	s0 =	spop (v2sf)  }
0x12c: {  	s2 =	spop (v2sf)  }
0x12d: {  	s3 =	smov.u32 s0;
	p0 =	sne.s32 s0, s2  }
0x12e: {  	s4 =	spop (v2sf);
	s3 =	simm.s32 @!p0 $0xFFFFFFFF  }
0x12f: {  	v2 =	vimm.s32 $0x1;
	v3 =	vlaneseq.u32;
	p0 =	seq.s32 s4, $0xFFFFFFFF;
	v1 =	vmov s3  }
0x130: {  	s15 =	stileid.u32;
	v0 =	vperm.xlane v0, v2;
	p1 =	sne.s32 @!p0 s0, s2;
	v1 =	vperm.xlane v1, v3  }
0x131: {  	vm0 =	vcmask $0x3F04;
	s6 =	simm.s32 $0xA108;
	s0 =	simm.s32 @!p0 $0x1;
	p1 =	por !p1, p0  }
0x132: {  	s3 =	sshll.u32 s15, $0x1;
	s2 =	sshll.u32 @!p0 s4, $0x8;
	s0 =	simm.s32 @p1 $0x0;
	v0 =	vsel vm0, v1, v0  }
0x133: {  	s5 =	sor.u32 $0x800, s3;
	s2 =	sshra.s32 @!p0 s2, $0x2;
	s0 =	sor.u32 @!p0 s0, s3;
	[tilespmem:$0xA108] =	vst v0  }
0x134: {  	[spmem:s5] =	stream.linear.scatter [tilespmem:s6], [sflag:$0x1], $0x2, $0x38;
	[tilespmem:$0x1EF88] =	vst v63  }
0x135: {  	s2 =	sadd.s32 @!p0 $0x88, s2;
	s0 =	sshll.u32 @!p0 s0, $0x6  }
0x136: {  	[spmem:s0] =	stream.linear.scatter @!p0 [tilespmem:s2], [sflag:$0x1], $0x40, $0x38;
	[tilespmem:$0x1EF88] =	vst v63  }
0x137: {  	s0 =	simm.s32 @!p0 $0x42  }
0x138: {  	s28 =	simm.s32 $0x1;
	s0 =	simm.s32 @p0 $0x2  }
0x139: {  	_ =	swait.ge [sflag:s28], s0  }
0x13a: {  	s0 =	ssub.s32 $0x0, s0;
	[sflag:s28] =	ssyncset.done $0x0  }
0x13b: {  	p0 =	sne.s32 s15, $0x0;
	[sflag:s28] =	ssyncadd.s32 s0  }
.Ltmp23:
0x13c: {  	_ =	sfence.stream.spmem;
	(pc) =	sbr.rel @p0 .LBB2_45-.Ltmp23, $4  }
0x13d: {  	s29 =	simm.s32 $0x3;
	[bflag:$0x0] =	sbarrier.arrive $0xFFFF  }
0x13e: {  	s30 =	simm.s32 $0x4;
	[sflag:s29] =	ssyncpa.u1 $0x1  }
0x13f: {  	s31 =	simm.s32 $0x3C;
	[sflag:s30] =	ssyncpa.u1 $0x1  }
0x140: {  	s14 =	rddreg [dreg:$0x7];
	[sflag:s31] =	ssyncpa.u1 $0x1  }
0x141: {  	_ =	sfence.stream.spmem;
	s0 =	simm.s32 $0x5  }
0x142: {  	s2 =	simm.s32 $0x800;
	s3 =	simm.s32 $0xA118;
	[sflag:s0] =	ssyncpa.u1 $0x0  }
0x143: {  	[tilespmem:s3], [sflag:$0x5] =	stream.linear.gather [spmem:s2], $0x20, $0x38;
	[tilespmem:$0x1EF88] =	vst v63  }
0x144: {  	s26 =	simm.s32 $0x0;
	s28 =	simm.s32 $0xA138  }
0x145: {  	[tilespmem:s28], [sflag:$0x5] =	stream.linear.gather [spmem:s26], $0x800, $0x38;
	[tilespmem:$0x1EF88] =	vst v63  }
0x146: {  	_ =	swait.ge [sflag:s0], $0x820  }
0x147: {  	[sflag:s0] =	ssyncset.done $0x0  }
0x148: {  	s29 =	simm.s32 $0x0;
	[sflag:s0] =	ssyncadd.s32 $0xFFFFF7E0  }
0x149: {  	v0 =	vld.msk [tilespmem:s29+$0xA118], $0x1;
	_ =	sdelay $0x1  }
0x14a: {  	s30 =	simm.s32 $0x1  }
0x14b: {  	v1 =	vld.msk [tilespmem:s30+$0xA118], $0x1;
	_ =	sdelay $0x1  }
0x14c: {  	(v2sf) =	vpush v0, $0x0;
	_ =	sdelay $0x2  }
0x14d: {  	(v2sf) =	vpush v1, $0x0;
	_ =	sdelay $0x2  }
0x14e: {  	s31 =	simm.s32 $0x2  }
0x14f: {  	v0 =	vld.msk [tilespmem:s31+$0xA118], $0x1;
	_ =	sdelay $0x2  }
0x150: {  	s4 =	simm.s32 $0xFFFFFFFF;
	s2 =	simm.s32 $0xFFFFFFFF;
	s0 =	simm.s32 $0xC  }
.LBB2_30:
0x151: {  	s3 =	smov.u32 s4;
	s5 =	smov.u32 s2  }
0x152: {  	s2 =	sshra.s32 s0, $0x2;
	p1 =	sne.s32 s0, $0x7C;
	s0 =	sadd.s32 $0x4, s0;
	(v2sf) =	vpush v0, $0x0  }
0x153: {  	v0 =	vld.msk [tilespmem:s2+$0xA118], $0x1  }
.Ltmp24:
0x154: {  	(pc) =	sbr.rel @p1 .LBB2_30-.Ltmp24, $4  }
0x155: {  	s4 =	spop (v2sf)  }
0x156: {  	p2 =	sne.s32 s5, $0xFFFFFFFF;
	s2 =	smov.u32 s4  }
0x157: {  	p3 =	seq.s32 s4, $0xFFFFFFFF;
	s2 =	smov.u32 @p2 s5  }
0x158: {  	s4 =	smov.u32 @p3 s3;
	s2 =	smov.u32 @p3 s5  }
0x159: {  	(v2sf) =	vpush v0, $0x0;
	_ =	sdelay $0x8  }
0x15a: {  	s0 =	spop (v2sf)  }
0x15b: {  	p1 =	sne.s32 s2, $0xFFFFFFFF;
	s3 =	smov.u32 s0  }
0x15c: {  	s9 =	simm.s32 $0x6;
	p2 =	seq.s32 s0, $0xFFFFFFFF;
	s3 =	smov.u32 @p1 s2  }
0x15d: {  	s6 =	simm.s32 $0x0;
	s3 =	smov.u32 @p2 s2;
	s2 =	spop (v2sf)  }
0x15e: {  	s0 =	smov.u32 @p2 s4;
	p1 =	sne.s32 s3, $0xFFFFFFFF;
	s5 =	smov.u32 s2  }
.Ltmp25:
0x15f: {  	p2 =	seq.s32 s2, $0xFFFFFFFF;
	s5 =	smov.u32 @p1 s3;
	(pc) =	sbr.rel .LBB2_32-.Ltmp25, $4  }
0x160: {  	s10 =	simm.s32 $0xA0C8;
	s5 =	smov.u32 @p2 s3;
	s7 =	spop (v2sf)  }
0x161: {  	s11 =	simm.s32 $0x0;
	p1 =	sne.s32 s5, $0xFFFFFFFF;
	s8 =	smov.u32 s7  }
0x162: {  	s2 =	smov.u32 @p2 s0;
	p2 =	seq.s32 s7, $0xFFFFFFFF;
	s8 =	smov.u32 @p1 s5  }
0x163: {  	[sflag:s9] =	ssyncpa.u1 $0x0;
	s7 =	smov.u32 @p2 s2;
	s8 =	smov.u32 @p2 s5  }
.LBB2_38:
0x164: {  	p1 =	sgt.u32 s0, $0x1387F8  }
0x165: {  	p2 =	seq.s32 @!p1 s0, s8  }
0x166: {  	p1 =	por p1, p2  }
0x167: {  	p2 =	sne.s32 @!p1 s0, s7  }
0x168: {  	p1 =	por p1, !p2  }
0x169: {  	s0 =	sshll.u32 @p1 s11, $0x8  }
0x16a: {  	s2 =	sand.u32 @!p1 $0x1FFFF8, s0  }
0x16b: {  	s0 =	sand.u32 @!p1 $0x7, s0;
	s2 =	sadd.s32 @!p1 s1, s2  }
0x16c: {  	[tilespmem:s10], [sflag:$0x6] =	stream.linear.gather @!p1 [hbm4b:s2+s0], $0x40, $0x38;
	[tilespmem:$0x1EF88] =	vst v63  }
0x16d: {  	_ =	swait.ge @!p1 [sflag:s9], $0x40  }
0x16e: {  	[sflag:s9] =	ssyncset.done @!p1 $0x0  }
0x16f: {  	s0 =	sshll.u32 @!p1 s11, $0x8;
	[sflag:s9] =	ssyncadd.s32 @!p1 $0xFFFFFFC0  }
0x170: {  	s2 =	sshrl.u32 @!p1 s0, $0x2;
	v1 =	vld @!p1 [tilespmem:$0xA0C8]  }
0x171: {  	v2 =	vld @!p1 [tilespmem:s2+$0xA138];
	_ =	sdelay $0x4  }
0x172: {  	v1 =	vmax.f32 @!p1 v1, v2  }
0x173: {  	v2 =	vld @!p1 [tilespmem:s2+$0xA148];
	[tilespmem:s2+$0xA138] =	vst @!p1 v1  }
0x174: {  	v1 =	vld @!p1 [tilespmem:$0xA0D8];
	_ =	sdelay $0x4  }
0x175: {  	v1 =	vmax.f32 @!p1 v1, v2  }
0x176: {  	v2 =	vld @!p1 [tilespmem:s2+$0xA158];
	[tilespmem:s2+$0xA148] =	vst @!p1 v1  }
0x177: {  	v1 =	vld @!p1 [tilespmem:$0xA0E8];
	_ =	sdelay $0x4  }
0x178: {  	v1 =	vmax.f32 @!p1 v1, v2  }
0x179: {  	v2 =	vld @!p1 [tilespmem:s2+$0xA168];
	[tilespmem:s2+$0xA158] =	vst @!p1 v1  }
0x17a: {  	v1 =	vld @!p1 [tilespmem:$0xA0F8];
	_ =	sdelay $0x4  }
0x17b: {  	v1 =	vmax.f32 @!p1 v1, v2  }
0x17c: {  	[tilespmem:s2+$0xA168] =	vst @!p1 v1  }
0x17d: {  	s0 =	sshrl.u32 s0, $0x2;
	[tilespmem:s6+$0xA118] =	vst.msk $0x1, v0  }
0x17e: {  	v0 =	vld [tilespmem:s0+$0xA138];
	_ =	sdelay $0x2  }
0x17f: {  	s31 =	sshll.u32 s6, $0x8  }
0x180: {  	s2 =	sshra.s32 s31, $0x2  }
0x181: {  	[tilespmem:s2+$0xA138] =	vst v0  }
0x182: {  	v0 =	vld [tilespmem:s0+$0xA148];
	_ =	sdelay $0x4  }
0x183: {  	[tilespmem:s2+$0xA148] =	vst v0  }
0x184: {  	v0 =	vld [tilespmem:s0+$0xA158];
	_ =	sdelay $0x4  }
0x185: {  	[tilespmem:s2+$0xA158] =	vst v0  }
0x186: {  	v0 =	vld [tilespmem:s0+$0xA168];
	_ =	sdelay $0x4  }
0x187: {  	s6 =	sadd.s32 $0x1, s6;
	[tilespmem:s2+$0xA168] =	vst v0  }
.LBB2_39:
0x188: {  	s11 =	sadd.s32 $0x1, s11  }
0x189: {  	p1 =	sne.s32 s11, $0x20  }
.Ltmp26:
0x18a: {  	_ = 	snop;
	(pc) =	sbr.rel @!p1 .LBB2_40-.Ltmp26, $1  }
0x18b: {  	_ =	sdelay $0x3  }
.LBB2_32:
0x18c: {  	v0 =	vld.msk [tilespmem:s11+$0xA118], $0x1;
	_ =	sdelay $0x4  }
0x18d: {  	(v2sf) =	vpush v0, $0x0;
	_ =	sdelay $0xe  }
0x18e: {  	s0 =	spop (v2sf)  }
0x18f: {  	p1 =	seq.s32 s0, $0xFFFFFFFF  }
.Ltmp27:
0x190: {  	_ = 	snop;
	(pc) =	sbr.rel @p1 .LBB2_39-.Ltmp27, $1  }
0x191: {  	_ =	sdelay $0x3  }
0x192: {  	p1 =	slt.s32 s6, $0x1  }
.Ltmp28:
0x193: {  	_ = 	snop;
	(pc) =	sbr.rel @p1 .LBB2_38-.Ltmp28, $1  }
0x194: {  	_ =	sdelay $0x3  }
0x195: {  	s12 =	simm.s32 $0xA118;
	p1 =	por $0x0, $0x0  }
0x196: {  	v1 =	vld.msk @!p1 [tilespmem:s12+$0x0], $0x1;
	_ =	sdelay $0x4  }
0x197: {  	(v2sf) =	vpush @!p1 v1, $0x0;
	_ =	sdelay $0xd  }
0x198: {  	p3 =	sne.s32 s6, $0x1  }
.Ltmp29:
0x199: {  	s2 =	spop @!p1 (v2sf);
	(pc) =	sbr.rel @!p3 .LBB2_36-.Ltmp29, $4  }
0x19a: {  	p2 =	seq.s32 @!p1 s0, s2  }
0x19b: {  	s13 =	simm.s32 $0x0;
	p2 =	por !p2, p1  }
0x19c: {  	s2 =	simm.s32 $0xFFFFFFFF;
	s13 =	simm.s32 @p2 $0xFFFFFFFF  }
0x19d: {  	s4 =	simm.s32 $0x1;
	s13 =	smov.u32 @p1 s2  }
.LBB2_35:
0x19e: {  	s2 =	smov.u32 s13;
	p1 =	sne.s32 s13, $0xFFFFFFFF  }
0x19f: {  	s12 =	sadd.s32 $0x1, s12;
	s13 =	smov.u32 s4;
	s4 =	sadd.s32 $0x1, s4  }
0x1a0: {  	p2 =	sne.s32 s6, s4;
	v1 =	vld.msk @!p1 [tilespmem:s12+$0x0], $0x1;
	_ =	sdelay $0x4  }
0x1a1: {  	(v2sf) =	vpush @!p1 v1, $0x0;
	_ =	sdelay $0xe  }
.Ltmp30:
0x1a2: {  	s3 =	spop @!p1 (v2sf);
	(pc) =	sbr.rel @p2 .LBB2_35-.Ltmp30, $4  }
0x1a3: {  	p3 =	seq.s32 @!p1 s0, s3  }
0x1a4: {  	p3 =	por !p3, p1  }
0x1a5: {  	s13 =	simm.s32 @p3 $0xFFFFFFFF  }
0x1a6: {  	s13 =	smov.u32 @p1 s2  }
.LBB2_36:
0x1a7: {  	p1 =	seq.s32 s13, $0xFFFFFFFF  }
.Ltmp31:
0x1a8: {  	_ = 	snop;
	(pc) =	sbr.rel @p1 .LBB2_38-.Ltmp31, $1  }
0x1a9: {  	_ =	sdelay $0x3  }
0x1aa: {  	s0 =	sshll.u32 s11, $0x6  }
0x1ab: {  	s2 =	sshll.u32 s13, $0x8;
	s0 =	sand.u32 $0x3FFFFFC0, s0  }
0x1ac: {  	s2 =	sshra.s32 s2, $0x2;
	v0 =	vld [tilespmem:s0+$0xA138]  }
0x1ad: {  	v1 =	vld [tilespmem:s2+$0xA138];
	_ =	sdelay $0x4  }
0x1ae: {  	v0 =	vmax.f32 v0, v1  }
0x1af: {  	v61 =	vld [tilespmem:s2+$0xA148];
	[tilespmem:s2+$0xA138] =	vst v0  }
0x1b0: {  	v0 =	vld [tilespmem:s0+$0xA148];
	_ =	sdelay $0x4  }
0x1b1: {  	v0 =	vmax.f32 v0, v61  }
0x1b2: {  	v62 =	vld [tilespmem:s2+$0xA158];
	[tilespmem:s2+$0xA148] =	vst v0  }
0x1b3: {  	v0 =	vld [tilespmem:s0+$0xA158];
	_ =	sdelay $0x4  }
0x1b4: {  	v0 =	vmax.f32 v0, v62  }
0x1b5: {  	v63 =	vld [tilespmem:s2+$0xA168];
	[tilespmem:s2+$0xA158] =	vst v0  }
0x1b6: {  	v0 =	vld [tilespmem:s0+$0xA168];
	_ =	sdelay $0x1  }
.Ltmp32:
0x1b7: {  	_ = 	snop;
	(pc) =	sbr.rel .LBB2_39-.Ltmp32, $3  }
0x1b8: {  	_ =	sdelay $0x1  }
0x1b9: {  	v0 =	vmax.f32 v0, v63  }
0x1ba: {  	[tilespmem:s2+$0xA168] =	vst v0  }
.LBB2_40:
0x1bb: {  	s0 =	simm.s32 $0x6;
	p1 =	seq.s32 s6, $0x0  }
0x1bc: {  	[sflag:s0] =	ssyncpa.u1 $0x1;
	v0 =	vimm.s32 @p1 $0xFFFFFFFF  }
0x1bd: {  	s0 =	sadd.s32 $0xFFFFFFFF, s6;
	[tilespmem:$0xA938] =	vst @p1 v0  }
0x1be: {  	v0 =	vld.msk @!p1 [tilespmem:s0+$0xA118], $0x1;
	_ =	sdelay $0x1  }
0x1bf: {  	v1 =	vld.msk @!p1 [tilespmem:$0xA118], $0x1;
	_ =	sdelay $0x2  }
0x1c0: {  	p2 =	seq.s32 @!p1 s0, $0x0;
	v0 =	vbroadcast @!p1 v0, $0x0  }
0x1c1: {  	vm0 =	vmmov @!p1 $0x1;
	p2 =	por !p2, p1  }
0x1c2: {  	v1 =	vnsel @!p1 vm0, $0xFFFFFFFF, v1;
	vm0 =	vcmask @!p1 $0x308;
	v0 =	vpsel !p2, $0xFFFFFFFF, v0  }
0x1c3: {  	p2 =	sne.s32 @!p1 s8, s7;
	v0 =	vsel @!p1 vm0, v1, v0  }
0x1c4: {  	s2 =	simm.s32 @!p1 $0xA138;
	s3 =	simm.s32 @!p1 $0x0;
	p3 =	por !p2, p1;
	[tilespmem:$0xA938] =	vst @!p1 v0  }
0x1c5: {  	[spmem:s3] =	stream.linear.scatter @!p1 [tilespmem:s2], [sflag:$0x1], $0x40, $0x38;
	[tilespmem:$0x1EF88] =	vst v63  }
0x1c6: {  	s2 =	sshll.u32 @!p3 s0, $0x8  }
0x1c7: {  	s2 =	sshra.s32 @!p3 s2, $0x2  }
0x1c8: {  	s3 =	simm.s32 @!p3 $0x40;
	s2 =	sadd.s32 @!p3 $0xA138, s2  }
0x1c9: {  	[spmem:s3] =	stream.linear.scatter @!p3 [tilespmem:s2], [sflag:$0x1], $0x40, $0x38;
	[tilespmem:$0x1EF88] =	vst v63  }
0x1ca: {  	s2 =	simm.s32 @!p3 $0x1  }
0x1cb: {  	_ =	swait.ge @!p3 [sflag:s2], $0x80  }
0x1cc: {  	p1 =	por p2, p1;
	[sflag:s2] =	ssyncset.done @!p3 $0x0  }
0x1cd: {  	[sflag:s2] =	ssyncadd.s32 @!p3 $0xFFFFFF80;
	s2 =	simm.s32 @!p1 $0x1  }
0x1ce: {  	_ =	swait.ge @!p1 [sflag:s2], $0x40  }
0x1cf: {  	s29 =	simm.s32 $0xA938;
	[sflag:s2] =	ssyncset.done @!p1 $0x0  }
0x1d0: {  	s30 =	simm.s32 $0x800;
	s31 =	simm.s32 $0x1;
	[sflag:s2] =	ssyncadd.s32 @!p1 $0xFFFFFFC0  }
0x1d1: {  	[spmem:s30] =	stream.linear.scatter [tilespmem:s29], [sflag:$0x1], $0x10, $0x38;
	[tilespmem:$0x1EF88] =	vst v63  }
0x1d2: {  	_ =	swait.ge [sflag:s31], $0x10  }
0x1d3: {  	[sflag:s31] =	ssyncset.done $0x0  }
0x1d4: {  	p1 =	seq.s32 s14, $0x0;
	s9 =	rddreg [dreg:$0x4];
	[sflag:s31] =	ssyncadd.s32 $0xFFFFFFF0  }
0x1d5: {  	s3 =	sshll.u32 @p1 s9, $0xE;
	s8 =	rddreg [dreg:$0x5]  }
0x1d6: {  	s2 =	sadd.s32 @p1 $0x15C3C, s3;
	s3 =	sshll.u32 @p1 s8, $0x11  }
0x1d7: {  	_ =	sfence.stream.spmem;
	s2 =	sor.u32 @p1 s3, s2  }
0x1d8: {  	[sflag:s2] =	ssyncadd.remote.s32 @p1 $0x1;
	s2 =	simm.s32 @p1 $0x4  }
0x1d9: {  	s4 =	simm.s32 @!p1 $0x3C;
	s3 =	sand.u32 $0xFFFFFFFE, s9;
	_ =	swait.ge @p1 [sflag:s2], $0x12  }
0x1da: {  	s5 =	simm.s32 @!p1 $0x0;
	s3 =	sadd.s32 @!p1 $0x4, s3;
	[sflag:s2] =	ssyncset.done @p1 $0x0  }
0x1db: {  	s7 =	simm.s32 @!p1 $0x80;
	[sflag:s2] =	ssyncadd.s32 @p1 $0xFFFFFFEE;
	s2 =	sshll.u32 @!p1 s3, $0x1A  }
0x1dc: {  	s3 =	sshll.u32 @!p1 s3, $0xD;
	s2 =	sor.u32 @!p1 s2, s8;
	_ =	swait.eq @!p1 [sflag:s4], $0x1  }
0x1dd: {  	s3 =	sor.u32 @!p1 $0x1C04, s3;
	s4 =	simm.s32 @!p1 $0x1C03;
	s2 =	sor.u32 @!p1 $0x80004000, s2  }
0x1de: {  	[spmem:s7], [sflag:s3] =	dma.general @!p1 [spmem:s5], [sflag:s4], length:$0x10, [dreg:$0x0], stride_count:$0x0, ici_dest:s2, dma_misc:DstOpCode:WRITE  }
0x1df: {  	p2 =	slt.s32 s0, $0x2;
	s5 =	simm.s32 @!p1 $0x100;
	s7 =	simm.s32 @!p1 $0x102  }
0x1e0: {  	[spmem:s7], [sflag:s3] =	dma.general @!p1 [spmem:s5], [sflag:s4], length:$0x2, [dreg:$0x0], stride_count:$0x0, ici_dest:s2, dma_misc:DstOpCode:WRITE  }
.Ltmp33:
0x1e1: {  	s2 =	simm.s32 @!p1 $0x3;
	(pc) =	sbr.rel @p2 .LBB2_44-.Ltmp33, $4  }
0x1e2: {  	s3 =	sshll.u32 @!p1 s9, $0xE;
	_ =	swait.ge @!p1 [sflag:s2], $0x12  }
0x1e3: {  	s4 =	sshll.u32 @!p1 s8, $0x11;
	s3 =	sadd.s32 @!p1 $0x11C3C, s3;
	[sflag:s2] =	ssyncset.done @!p1 $0x0  }
0x1e4: {  	[sflag:s2] =	ssyncadd.s32 @!p1 $0xFFFFFFEE;
	s2 =	sor.u32 @!p1 s4, s3  }
0x1e5: {  	s0 =	simm.s32 $0x0;
	[sflag:s2] =	ssyncadd.remote.s32 @!p1 $0xFFFFFFFF  }
0x1e6: {  	s0 =	simm.s32 $0xA119  }
0x1e7: {  	v0 =	vld.msk [tilespmem:s0+$0x0], $0x1;
	_ =	sdelay $0x4  }
0x1e8: {  	(v2sf) =	vpush v0, $0x0;
	_ =	sdelay $0xd  }
0x1e9: {  	s3 =	sadd.s32 $0xFFFFFFFE, s6  }
0x1ea: {  	s4 =	sadd.s32 $0xFFFFFFFF, s3;
	s2 =	spop (v2sf)  }
0x1eb: {  	p2 =	sne.s32 s4, $0x0;
	p1 =	sgt.u32 s2, $0x1387F8  }
.Ltmp34:
0x1ec: {  	s5 =	sand.u32 @!p1 $0x1FFFF8, s2;
	(pc) =	sbr.rel @!p2 .LBB2_43-.Ltmp34, $4  }
0x1ed: {  	s0 =	simm.s32 $0xA178;
	s2 =	sand.u32 @!p1 $0x7, s2;
	s3 =	sadd.s32 @!p1 s1, s5  }
0x1ee: {  	[hbm4b:s3+s2] =	stream.linear.scatter @!p1 [tilespmem:s0], [sflag:$0x5], $0x40, $0x38;
	[tilespmem:$0x1EF88] =	vst v63  }
0x1ef: {  	s2 =	simm.s32 $0x0  }
0x1f0: {  	s6 =	simm.s32 $0xA11A;
	s5 =	simm.s32 $0x0;
	s2 =	simm.s32 @!p1 $0x100  }
.LBB2_42:
0x1f1: {  	v0 =	vld.msk [tilespmem:s6+$0x0], $0x1;
	s4 =	sadd.s32 $0xFFFFFFFF, s4;
	s5 =	sadd.s32 s5, s2  }
0x1f2: {  	p1 =	sne.s32 s4, $0x0;
	_ =	sdelay $0x3  }
0x1f3: {  	(v2sf) =	vpush v0, $0x0;
	_ =	sdelay $0xe  }
.Ltmp35:
0x1f4: {  	s3 =	spop (v2sf);
	(pc) =	sbr.rel @p1 .LBB2_42-.Ltmp35, $4  }
0x1f5: {  	s2 =	simm.s32 $0x0;
	p2 =	sgt.u32 s3, $0x1387F8  }
0x1f6: {  	s0 =	sadd.s32 $0x40, s0;
	s2 =	simm.s32 @!p2 $0x100;
	s7 =	sand.u32 @!p2 $0x1FFFF8, s3  }
0x1f7: {  	s6 =	sadd.s32 $0x1, s6;
	s3 =	sand.u32 @!p2 $0x7, s3;
	s7 =	sadd.s32 @!p2 s1, s7  }
0x1f8: {  	[hbm4b:s7+s3] =	stream.linear.scatter @!p2 [tilespmem:s0], [sflag:$0x5], $0x40, $0x38;
	[tilespmem:$0x1EF88] =	vst v63  }
.LBB2_43:
0x1f9: {  	s0 =	sadd.s32 s5, s2  }
0x1fa: {  	s0 =	sshrl.u32 s0, $0x2  }
.LBB2_44:
0x1fb: {  	s2 =	simm.s32 $0x5  }
0x1fc: {  	_ =	swait.ge [sflag:s2], s0  }
0x1fd: {  	s31 =	ssub.s32 $0x0, s0;
	[sflag:s2] =	ssyncset.done $0x0  }
0x1fe: {  	[sflag:s2] =	ssyncadd.s32 s31  }
0x1ff: {  	[sflag:s2] =	ssyncpa.u1 $0x1  }
.LBB2_45:
0x200: {  	s0 =	sor.u32 s14, s15  }
0x201: {  	p1 =	sne.s32 s0, $0x0  }
.Ltmp36:
0x202: {  	_ = 	snop;
	(pc) =	sbr.rel @p1 .LBB2_60-.Ltmp36, $3  }
0x203: {  	_ =	sdelay $0x1  }
0x204: {  	[bflag:$0x0] =	sbarrier.arrive $0xFFFF  }
0x205: {  	_ =	sfence  }
0x206: {  	s0 =	simm.s32 $0x7  }
0x207: {  	s2 =	simm.s32 $0x800;
	s3 =	simm.s32 $0xA118;
	[sflag:s0] =	ssyncpa.u1 $0x0  }
0x208: {  	[tilespmem:s3], [sflag:$0x7] =	stream.linear.gather [spmem:s2], $0x20, $0x38;
	[tilespmem:$0x1EF88] =	vst v63  }
0x209: {  	s30 =	simm.s32 $0xA138;
	s2 =	simm.s32 $0x0  }
0x20a: {  	[tilespmem:s30], [sflag:$0x7] =	stream.linear.gather [spmem:s2], $0x800, $0x38;
	[tilespmem:$0x1EF88] =	vst v63  }
.Ltmp37:
0x20b: {  	_ = 	snop;
	(pc) =	sbr.rel .LBB2_47-.Ltmp37, $4  }
0x20c: {  	_ =	swait.ge [sflag:s0], $0x820  }
0x20d: {  	[sflag:s0] =	ssyncset.done $0x0  }
0x20e: {  	s31 =	simm.s32 $0x8;
	[sflag:s0] =	ssyncadd.s32 $0xFFFFF7E0  }
0x20f: {  	s3 =	simm.s32 $0x0;
	[sflag:s31] =	ssyncpa.u1 $0x0  }
.LBB2_53:
0x210: {  	p1 =	slt.u32 s0, $0x1387F9  }
0x211: {  	s4 =	sand.u32 @p1 $0x1FFFF8, s0  }
0x212: {  	s0 =	sand.u32 @p1 $0x7, s0;
	s5 =	simm.s32 @p1 $0xA0C8;
	s4 =	sadd.s32 @p1 s1, s4  }
0x213: {  	[tilespmem:s5], [sflag:$0x8] =	stream.linear.gather @p1 [hbm4b:s4+s0], $0x40, $0x38;
	[tilespmem:$0x1EF88] =	vst v63  }
0x214: {  	s0 =	simm.s32 @p1 $0x8  }
0x215: {  	_ =	swait.ge @p1 [sflag:s0], $0x40  }
0x216: {  	[sflag:s0] =	ssyncset.done @p1 $0x0  }
0x217: {  	[sflag:s0] =	ssyncadd.s32 @p1 $0xFFFFFFC0;
	s0 =	sshll.u32 @p1 s3, $0x8  }
0x218: {  	s4 =	sshrl.u32 @p1 s0, $0x2;
	v1 =	vld @p1 [tilespmem:$0xA0C8]  }
0x219: {  	v2 =	vld @p1 [tilespmem:s4+$0xA138];
	_ =	sdelay $0x4  }
0x21a: {  	v1 =	vmax.f32 @p1 v1, v2  }
0x21b: {  	v2 =	vld @p1 [tilespmem:s4+$0xA148];
	[tilespmem:s4+$0xA138] =	vst @p1 v1  }
0x21c: {  	v1 =	vld @p1 [tilespmem:$0xA0D8];
	_ =	sdelay $0x4  }
0x21d: {  	v1 =	vmax.f32 @p1 v1, v2  }
0x21e: {  	v2 =	vld @p1 [tilespmem:s4+$0xA158];
	[tilespmem:s4+$0xA148] =	vst @p1 v1  }
0x21f: {  	v1 =	vld @p1 [tilespmem:$0xA0E8];
	_ =	sdelay $0x4  }
0x220: {  	v1 =	vmax.f32 @p1 v1, v2  }
0x221: {  	v2 =	vld @p1 [tilespmem:s4+$0xA168];
	[tilespmem:s4+$0xA158] =	vst @p1 v1  }
0x222: {  	v1 =	vld @p1 [tilespmem:$0xA0F8];
	_ =	sdelay $0x4  }
0x223: {  	s5 =	sshll.u32 @!p1 s3, $0x8;
	v1 =	vmax.f32 @p1 v1, v2  }
0x224: {  	s5 =	smov.u32 @p1 s0;
	[tilespmem:s4+$0xA168] =	vst @p1 v1  }
0x225: {  	s0 =	sshrl.u32 s5, $0x2;
	[tilespmem:s2+$0xA118] =	vst.msk $0x1, v0  }
0x226: {  	v0 =	vld [tilespmem:s0+$0xA138];
	_ =	sdelay $0x2  }
0x227: {  	s31 =	sshll.u32 s2, $0x8  }
0x228: {  	s4 =	sshra.s32 s31, $0x2  }
0x229: {  	[tilespmem:s4+$0xA138] =	vst v0  }
0x22a: {  	v0 =	vld [tilespmem:s0+$0xA148];
	_ =	sdelay $0x4  }
0x22b: {  	[tilespmem:s4+$0xA148] =	vst v0  }
0x22c: {  	v0 =	vld [tilespmem:s0+$0xA158];
	_ =	sdelay $0x4  }
0x22d: {  	[tilespmem:s4+$0xA158] =	vst v0  }
0x22e: {  	v0 =	vld [tilespmem:s0+$0xA168];
	_ =	sdelay $0x4  }
0x22f: {  	s2 =	sadd.s32 $0x1, s2;
	[tilespmem:s4+$0xA168] =	vst v0  }
.LBB2_54:
0x230: {  	s3 =	sadd.s32 $0x1, s3  }
0x231: {  	p1 =	sne.s32 s3, $0x20  }
.Ltmp38:
0x232: {  	_ = 	snop;
	(pc) =	sbr.rel @!p1 .LBB2_55-.Ltmp38, $1  }
0x233: {  	_ =	sdelay $0x3  }
.LBB2_47:
0x234: {  	v0 =	vld.msk [tilespmem:s3+$0xA118], $0x1;
	_ =	sdelay $0x4  }
0x235: {  	(v2sf) =	vpush v0, $0x0;
	_ =	sdelay $0xe  }
0x236: {  	s0 =	spop (v2sf)  }
0x237: {  	p1 =	seq.s32 s0, $0xFFFFFFFF  }
.Ltmp39:
0x238: {  	_ = 	snop;
	(pc) =	sbr.rel @p1 .LBB2_54-.Ltmp39, $1  }
0x239: {  	_ =	sdelay $0x3  }
0x23a: {  	p1 =	slt.s32 s2, $0x1  }
.Ltmp40:
0x23b: {  	_ = 	snop;
	(pc) =	sbr.rel @p1 .LBB2_53-.Ltmp40, $1  }
0x23c: {  	_ =	sdelay $0x3  }
0x23d: {  	s4 =	simm.s32 $0xA118;
	p1 =	por $0x0, $0x0  }
0x23e: {  	v1 =	vld.msk @!p1 [tilespmem:s4+$0x0], $0x1;
	_ =	sdelay $0x4  }
0x23f: {  	(v2sf) =	vpush @!p1 v1, $0x0;
	_ =	sdelay $0xd  }
0x240: {  	p3 =	sne.s32 s2, $0x1  }
.Ltmp41:
0x241: {  	s5 =	spop @!p1 (v2sf);
	(pc) =	sbr.rel @!p3 .LBB2_51-.Ltmp41, $4  }
0x242: {  	p2 =	seq.s32 @!p1 s0, s5  }
0x243: {  	s5 =	simm.s32 $0x0;
	p2 =	por !p2, p1  }
0x244: {  	s7 =	simm.s32 $0xFFFFFFFF;
	s5 =	simm.s32 @p2 $0xFFFFFFFF  }
0x245: {  	s6 =	simm.s32 $0x1;
	s5 =	smov.u32 @p1 s7  }
.LBB2_50:
0x246: {  	s7 =	smov.u32 s5;
	p1 =	sne.s32 s5, $0xFFFFFFFF  }
0x247: {  	s4 =	sadd.s32 $0x1, s4;
	s5 =	smov.u32 s6;
	s6 =	sadd.s32 $0x1, s6  }
0x248: {  	p2 =	sne.s32 s2, s6;
	v1 =	vld.msk @!p1 [tilespmem:s4+$0x0], $0x1;
	_ =	sdelay $0x4  }
0x249: {  	(v2sf) =	vpush @!p1 v1, $0x0;
	_ =	sdelay $0xe  }
.Ltmp42:
0x24a: {  	s8 =	spop @!p1 (v2sf);
	(pc) =	sbr.rel @p2 .LBB2_50-.Ltmp42, $4  }
0x24b: {  	p3 =	seq.s32 @!p1 s0, s8  }
0x24c: {  	p3 =	por !p3, p1  }
0x24d: {  	s5 =	simm.s32 @p3 $0xFFFFFFFF  }
0x24e: {  	s5 =	smov.u32 @p1 s7  }
.LBB2_51:
0x24f: {  	p1 =	seq.s32 s5, $0xFFFFFFFF  }
.Ltmp43:
0x250: {  	_ = 	snop;
	(pc) =	sbr.rel @p1 .LBB2_53-.Ltmp43, $1  }
0x251: {  	_ =	sdelay $0x3  }
0x252: {  	s0 =	sshll.u32 s3, $0x6  }
0x253: {  	s4 =	sshll.u32 s5, $0x8;
	s0 =	sand.u32 $0x3FFFFFC0, s0  }
0x254: {  	s4 =	sshra.s32 s4, $0x2;
	v0 =	vld [tilespmem:s0+$0xA138]  }
0x255: {  	v1 =	vld [tilespmem:s4+$0xA138];
	_ =	sdelay $0x4  }
0x256: {  	v0 =	vmax.f32 v0, v1  }
0x257: {  	v61 =	vld [tilespmem:s4+$0xA148];
	[tilespmem:s4+$0xA138] =	vst v0  }
0x258: {  	v0 =	vld [tilespmem:s0+$0xA148];
	_ =	sdelay $0x4  }
0x259: {  	v0 =	vmax.f32 v0, v61  }
0x25a: {  	v62 =	vld [tilespmem:s4+$0xA158];
	[tilespmem:s4+$0xA148] =	vst v0  }
0x25b: {  	v0 =	vld [tilespmem:s0+$0xA158];
	_ =	sdelay $0x4  }
0x25c: {  	v0 =	vmax.f32 v0, v62  }
0x25d: {  	v63 =	vld [tilespmem:s4+$0xA168];
	[tilespmem:s4+$0xA158] =	vst v0  }
0x25e: {  	v0 =	vld [tilespmem:s0+$0xA168];
	_ =	sdelay $0x1  }
.Ltmp44:
0x25f: {  	_ = 	snop;
	(pc) =	sbr.rel .LBB2_54-.Ltmp44, $3  }
0x260: {  	_ =	sdelay $0x1  }
0x261: {  	v0 =	vmax.f32 v0, v63  }
0x262: {  	[tilespmem:s4+$0xA168] =	vst v0  }
.LBB2_55:
0x263: {  	p1 =	slt.s32 s2, $0x1  }
.Ltmp45:
0x264: {  	_ = 	snop;
	(pc) =	sbr.rel @p1 .LBB2_59-.Ltmp45, $3  }
0x265: {  	_ =	sdelay $0x1  }
0x266: {  	s0 =	simm.s32 $0x8  }
0x267: {  	[sflag:s0] =	ssyncpa.u1 $0x1;
	s0 =	simm.s32 $0x0  }
0x268: {  	s3 =	simm.s32 $0xA118  }
0x269: {  	v0 =	vld.msk [tilespmem:s3+$0x0], $0x1;
	_ =	sdelay $0x4  }
0x26a: {  	(v2sf) =	vpush v0, $0x0;
	_ =	sdelay $0xe  }
0x26b: {  	s2 =	sadd.s32 $0xFFFFFFFF, s2;
	s4 =	spop (v2sf)  }
0x26c: {  	p2 =	sne.s32 s2, $0x0;
	p1 =	sgt.u32 s4, $0x1387F8  }
.Ltmp46:
0x26d: {  	s5 =	sand.u32 @!p1 $0x1FFFF8, s4;
	(pc) =	sbr.rel @!p2 .LBB2_58-.Ltmp46, $4  }
0x26e: {  	s3 =	simm.s32 $0xA138;
	s4 =	sand.u32 @!p1 $0x7, s4;
	s5 =	sadd.s32 @!p1 s1, s5  }
0x26f: {  	[hbm4b:s5+s4] =	stream.linear.scatter @!p1 [tilespmem:s3], [sflag:$0x7], $0x40, $0x38;
	[tilespmem:$0x1EF88] =	vst v63  }
0x270: {  	s5 =	simm.s32 $0x0  }
0x271: {  	s4 =	simm.s32 $0xA119;
	s5 =	simm.s32 @!p1 $0x100  }
.LBB2_57:
0x272: {  	v0 =	vld.msk [tilespmem:s4+$0x0], $0x1;
	s2 =	sadd.s32 $0xFFFFFFFF, s2;
	s0 =	sadd.s32 s0, s5  }
0x273: {  	p1 =	sne.s32 s2, $0x0;
	_ =	sdelay $0x3  }
0x274: {  	(v2sf) =	vpush v0, $0x0;
	_ =	sdelay $0xe  }
.Ltmp47:
0x275: {  	s6 =	spop (v2sf);
	(pc) =	sbr.rel @p1 .LBB2_57-.Ltmp47, $4  }
0x276: {  	s5 =	simm.s32 $0x0;
	p2 =	sgt.u32 s6, $0x1387F8  }
0x277: {  	s3 =	sadd.s32 $0x40, s3;
	s5 =	simm.s32 @!p2 $0x100;
	s7 =	sand.u32 @!p2 $0x1FFFF8, s6  }
0x278: {  	s4 =	sadd.s32 $0x1, s4;
	s6 =	sand.u32 @!p2 $0x7, s6;
	s7 =	sadd.s32 @!p2 s1, s7  }
0x279: {  	[hbm4b:s7+s6] =	stream.linear.scatter @!p2 [tilespmem:s3], [sflag:$0x7], $0x40, $0x38;
	[tilespmem:$0x1EF88] =	vst v63  }
.LBB2_58:
0x27a: {  	s0 =	sadd.s32 s0, s5  }
0x27b: {  	s0 =	sshrl.u32 s0, $0x2  }
.LBB2_59:
0x27c: {  	s1 =	simm.s32 $0x7  }
0x27d: {  	_ =	swait.ge [sflag:s1], s0  }
0x27e: {  	s31 =	ssub.s32 $0x0, s0;
	[sflag:s1] =	ssyncset.done $0x0  }
0x27f: {  	[sflag:s1] =	ssyncadd.s32 s31  }
0x280: {  	[sflag:s1] =	ssyncpa.u1 $0x1  }
.LBB2_60:
0x281: {  	_ =	sfence;
	s0 =	simm.s32 $0x1  }
0x282: {  	[sflag:s0] =	ssyncpa.u1 $0x1  }
0x283: {  	_ =	strace $0x9000004A  }
0x284: {  	[bflag:$0x2] =	sbarrier.arrive $0xFFFF  }
0x285: {  	s0 =	rddreg [dreg:$0x6]  }
0x286: {  	s0 =	sadd.s32 @!p0 $0x100000, s0  }
0x287: {  	[sflag:s0] =	ssyncadd.tile.s32 @!p0 $0x1;
	_ =	shalt  }
.Lfunc_end2:
_tile_overlayer_lowered:
.L_overlay_start_2:
0x288: {  	(tag) =	ssettag $0x2  }
0x289: {  	s0 =	rddreg [dreg:$0x0];
	s2 =	stileid.u32  }
0x28a: {  	s1 =	rddreg [dreg:$0x1];
	p0 =	sne.s32 s2, $0x0  }
0x28b: {  	s3 =	rddreg [dreg:$0x2];
	[bflag:$0x3] =	sbarrier.arrive $0xFFFF;
	s2 =	simm.s32 @!p0 $0x1C01  }
0x28c: {  	[timem:s3], [sflag:s2] =	dma.local @!p0 [hbm:s0], s1  }
0x28d: {  	s0 =	simm.s32 @!p0 $0x1  }
0x28e: {  	_ =	swait.ge @!p0 [sflag:s0], s1  }
0x28f: {  	s1 =	ssub.s32 @!p0 $0x0, s1;
	[sflag:s0] =	ssyncset.done @!p0 $0x0  }
0x290: {  	[sflag:s0] =	ssyncadd.s32 @!p0 s1  }
0x291: {  	[bflag:$0x3] =	sbarrier.arrive $0xFFFF  }
0x292: {  	_ =	shalt  }

// kernel: scatter_offload_async_start.2
scs
__scs_entry_jumppad:
0x0: {  	(pc) =	sbr.rel $0x88, $3  }
0x1: {  	(tag) =	ssettag $0x0;
	lr =	simm.s32 $0x1  }
0x2: {  	[smem:$0x3F8F] =	sst lr;
	_ =	strace $0xD0000000  }
0x3: {  	_ = 	snop  }
0x4: {  	_ = 	snop  }
0x5: {  	_ = 	snop  }
0x6: {  	_ = 	snop  }
0x7: {  	_ = 	snop  }
__scs_overlays_trampoline_lowered:
0x8: {  	[smem:$0x3F9E] =	sst s0  }
0x9: {  	[smem:$0x3F9F] =	sst s1  }
0xa: {  	[smem:$0x3FA0] =	sst s2  }
0xb: {  	[smem:$0x3FA1] =	sst s3  }
0xc: {  	[smem:$0x3FA2] =	sst s4  }
0xd: {  	[smem:$0x3FA3] =	sst s5  }
0xe: {  	[smem:$0x3FA4] =	sst s6  }
0xf: {  	[smem:$0x3FA5] =	sst s7  }
0x10: {  	[smem:$0x3FA6] =	sst s8  }
0x11: {  	[smem:$0x3FA7] =	sst s9;
	s0 =	simm.s32 @!p0 $0x0  }
0x12: {  	s1 =	sld [smem:$0x3F8D];
	s0 =	simm.s32 @p0 $0x1  }
0x13: {  	[smem:$0x3FA8] =	sst s0;
	s0 =	simm.s32 @!p1 $0x0  }
0x14: {  	s2 =	sld [smem:$0x3F8C];
	s0 =	simm.s32 @p1 $0x1  }
0x15: {  	[smem:$0x3FA9] =	sst s0;
	s0 =	simm.s32 @!p2 $0x0  }
0x16: {  	s3 =	sld [smem:$0x3FDB];
	s0 =	simm.s32 @p2 $0x1  }
0x17: {  	s4 =	simm.s32 $0x1BF5;
	[smem:$0x3FAB] =	sst s0  }
0x18: {  	s0 =	sld [smem:$0x3F8E];
	_ =	swait.ge [sflag:s4], $0x0  }
0x19: {  	s7 =	sld [smem:$0x3F8F]  }
0x1a: {  	s8 =	sadd.s32 $0xFFFFE003, lr  }
0x1b: {  	s9 =	sadd.s32 $0xFFFFFEF7, lr;
	s5 =	simm.s32 $0xFFFFFFFF;
	p2 =	slt.u32 s8, $0xFFFFF086  }
0x1c: {  	p1 =	slt.u32 s9, $0xF7A;
	s5 =	simm.s32 @!p2 $0x0  }
0x1d: {  	s5 =	simm.s32 @p1 $0x1;
	p0 =	seq.s32 s7, s2  }
0x1e: {  	s7 =	smul.u32 @!p0 $0xF7A, s2;
	p2 =	seq.s32 @!p0 s5, $0x0  }
0x1f: {  	s9 =	smul.u32 $0xF7A, s1;
	s8 =	simm.s32 @!p0 $0x1BF5;
	p2 =	por !p2, p0  }
0x20: {  	[sflag:s8] =	ssyncset.s32 @!p0 $0xFFFFF086;
	s6 =	sadd.s32 @!p0 s3, s7;
	s7 =	simm.s32 @!p0 $0x108  }
0x21: {  	s3 =	sadd.s32 s3, s9;
	s6 =	sadd.s32 @!p0 $0x88, s6;
	s7 =	simm.s32 @p2 $0x1082  }
0x22: {  	[simem:s7], [sflag:s8] =	dma.local @!p0 [hbm:s6], $0xF7A  }
0x23: {  	s9 =	sor.u32 $0xD0000000, s2;
	s6 =	simm.s32 $0x108;
	_ =	swait.ge @!p0 [sflag:s8], $0x0  }
0x24: {  	s3 =	sadd.s32 $0x88, s3;
	s6 =	simm.s32 @!p1 $0x1082;
	[sflag:s4] =	ssyncset.s32 $0xFFFFF086  }
0x25: {  	[simem:s6], [sflag:s4] =	dma.local [hbm:s3], $0xF7A  }
0x26: {  	[smem:$0x3F8F] =	sst s1;
	(tag) =	ssettag s2;
	_ =	strace s9  }
0x27: {  	s1 =	sld [smem:$0x3F9F]  }
0x28: {  	s2 =	sld [smem:$0x3FA0]  }
0x29: {  	s4 =	sld [smem:$0x3FA2]  }
0x2a: {  	p0 =	seq.s32 s5, $0x0;
	s5 =	sld [smem:$0x3FA3]  }
0x2b: {  	s6 =	sld [smem:$0x3FA4]  }
0x2c: {  	s7 =	sld [smem:$0x3FA5]  }
0x2d: {  	s3 =	simm.s32 $0x108;
	s8 =	sld [smem:$0x3FA6]  }
0x2e: {  	s3 =	simm.s32 @!p0 $0x1082;
	s9 =	sld [smem:$0x3FA7]  }
0x2f: {  	lr =	sadd.s32 s0, s3;
	s0 =	sld [smem:$0x3F9E]  }
0x30: {  	s3 =	sld [smem:$0x3FA1]  }
0x31: {  	[smem:$0x3FAA] =	sst s10  }
0x32: {  	s10 =	sld [smem:$0x3FA8];
	_ =	sdelay $0x3  }
0x33: {  	p0 =	seq.s32 s10, $0x1;
	s10 =	sld [smem:$0x3FAA];
	_ =	sdelay $0x3  }
0x34: {  	[smem:$0x3FAA] =	sst s10  }
0x35: {  	s10 =	sld [smem:$0x3FA9];
	_ =	sdelay $0x3  }
0x36: {  	p1 =	seq.s32 s10, $0x1;
	s10 =	sld [smem:$0x3FAA];
	_ =	sdelay $0x3  }
0x37: {  	[smem:$0x3FAA] =	sst s10  }
0x38: {  	s10 =	sld [smem:$0x3FAB]  }
0x39: {  	_ = 	snop;
	(pc) =	sbr.ind lr, $3  }
0x3a: {  	_ = 	snop  }
0x3b: {  	_ = 	snop  }
0x3c: {  	p2 =	seq.s32 s10, $0x1;
	s10 =	sld [smem:$0x3FAA]  }
0x3d: {  	_ =	shalt  }
0x3e: {  	_ =	shalt  }
0x3f: {  	_ =	shalt  }
0x40: {  	_ =	shalt  }
0x41: {  	_ =	shalt  }
0x42: {  	_ =	shalt  }
0x43: {  	_ =	shalt  }
0x44: {  	_ =	shalt  }
0x45: {  	_ =	shalt  }
0x46: {  	_ =	shalt  }
0x47: {  	_ =	shalt  }
0x48: {  	_ =	shalt  }
0x49: {  	_ =	shalt  }
0x4a: {  	_ =	shalt  }
0x4b: {  	_ =	shalt  }
0x4c: {  	_ =	shalt  }
0x4d: {  	_ =	shalt  }
0x4e: {  	_ =	shalt  }
0x4f: {  	_ =	shalt  }
0x50: {  	_ =	shalt  }
0x51: {  	_ =	shalt  }
0x52: {  	_ =	shalt  }
0x53: {  	_ =	shalt  }
0x54: {  	_ =	shalt  }
0x55: {  	_ =	shalt  }
0x56: {  	_ =	shalt  }
0x57: {  	_ =	shalt  }
0x58: {  	_ =	shalt  }
0x59: {  	_ =	shalt  }
0x5a: {  	_ =	shalt  }
0x5b: {  	_ =	shalt  }
0x5c: {  	_ =	shalt  }
0x5d: {  	_ =	shalt  }
0x5e: {  	_ =	shalt  }
0x5f: {  	_ =	shalt  }
0x60: {  	_ =	shalt  }
0x61: {  	_ =	shalt  }
0x62: {  	_ =	shalt  }
0x63: {  	_ =	shalt  }
0x64: {  	_ =	shalt  }
0x65: {  	_ =	shalt  }
0x66: {  	_ =	shalt  }
0x67: {  	_ =	shalt  }
0x68: {  	_ =	shalt  }
0x69: {  	_ =	shalt  }
0x6a: {  	_ =	shalt  }
0x6b: {  	_ =	shalt  }
0x6c: {  	_ =	shalt  }
0x6d: {  	_ =	shalt  }
0x6e: {  	_ =	shalt  }
0x6f: {  	_ =	shalt  }
0x70: {  	_ =	shalt  }
0x71: {  	_ =	shalt  }
0x72: {  	_ =	shalt  }
0x73: {  	_ =	shalt  }
0x74: {  	_ =	shalt  }
0x75: {  	_ =	shalt  }
0x76: {  	_ =	shalt  }
0x77: {  	_ =	shalt  }
0x78: {  	_ =	shalt  }
0x79: {  	_ =	shalt  }
0x7a: {  	_ =	shalt  }
0x7b: {  	_ =	shalt  }
0x7c: {  	_ =	shalt  }
0x7d: {  	_ =	shalt  }
0x7e: {  	_ =	shalt  }
0x7f: {  	_ =	shalt  }
0x80: {  	_ =	shalt  }
0x81: {  	_ =	shalt  }
0x82: {  	_ =	shalt  }
0x83: {  	_ =	shalt  }
0x84: {  	_ =	shalt  }
0x85: {  	_ =	shalt  }
0x86: {  	_ =	shalt  }
0x87: {  	_ =	shalt  }
.Lfunc_end0:
.L_simem_size_0:
called_computation.2_lowered:
.L_overlay_start_0:
0x88: {  	s2 =	sld [smem:$0x3FD9]  }
0x89: {  	s3 =	sld [smem:$0x3FFE];
	_ =	sdelay $0x1  }
0x8a: {  	s1 =	srdreg.scid  }
0x8b: {  	s0 =	sand.u32 $0x1, s1  }
0x8c: {  	s15 =	sshll.u32 s0, $0xA;
	s2 =	sadd.s32 s3, s2  }
0x8d: {  	s2 =	sadd.s32 s2, s15  }
0x8e: {  	[smem:$0x3FB6] =	sst s2  }
0x8f: {  	_ = 	snop  }
0x90: {  	s2 =	sld [smem:$0x3FD0];
	_ =	sdelay $0x2  }
0x91: {  	s16 =	simm.s32 $0xB;
	s4 =	simm.s32 $0x10  }
0x92: {  	[smem:s4], [sflag:s16] =	dma.local [hbm:s2], $0x1  }
0x93: {  	_ =	swait.eq [sflag:s16], $0x1  }
0x94: {  	s17 =	sld [smem:$0x11]  }
0x95: {  	s18 =	sld [smem:$0x12];
	[sflag:s16] =	ssyncset.done $0x0  }
0x96: {  	s5 =	sld [smem:$0x13];
	[sflag:s16] =	ssyncadd.s32 $0xFFFFFFFF  }
0x97: {  	s19 =	sld [smem:$0x14];
	(tm) =	ssettm $0x1  }
0x98: {  	s6 =	sld [smem:$0x3FFB];
	_ =	sdelay $0x3  }
0x99: {  	_ =	strace s6  }
0x9a: {  	s6 =	sld [smem:$0x3FFC];
	_ =	sdelay $0x3  }
0x9b: {  	_ =	strace s6  }
0x9c: {  	s6 =	sld [smem:$0x3FFD];
	_ =	sdelay $0x3  }
0x9d: {  	_ =	strace s6  }
0x9e: {  	_ =	strace $0x8FFFFFFF  }
0x9f: {  	s20 =	sld [smem:$0x3FDB];
	_ =	sdelay $0x1  }
0xa0: {  	s7 =	simm.s32 $_scs_section_size  }
0xa1: {  	s8 =	simm.s32 $_size__tile_overlayer_lowered;
	s9 =	simm.s32 $_tile_overlayer_lowered  }
0xa2: {  	s23 =	simm.s32 $0x1BFF;
	s22 =	sshll.u32 s9, $0x1;
	s6 =	sadd.s32 s7, s20  }
0xa3: {  	s10 =	simm.s32 $0x0;
	s21 =	sshll.u32 s8, $0x1;
	s8 =	sadd.s32 s22, s6  }
0xa4: {  	[timem:s10], [sflag:s23] =	dma.local [hbm:s8], s21  }
0xa5: {  	_ =	swait.ge [sflag:s23], s21  }
0xa6: {  	s7 =	ssub.s32 $0x0, s21;
	[sflag:s23] =	ssyncset.done $0x0  }
0xa7: {  	[sflag:s23] =	ssyncadd.s32 s7;
	_ =	sdelay $0x1  }
0xa8: {  	s24 =	simm.s32 $0x1B8B  }
0xa9: {  	_ =	swait.ge [sflag:s24], $0x1  }
0xaa: {  	[sflag:s24] =	ssyncset.done $0x0  }
0xab: {  	[sflag:s24] =	ssyncadd.s32 $0xFFFFFFFF  }
0xac: {  	s25 =	simm.s32 $0x1B8E;
	s7 =	sld [smem:$0x0]  }
0xad: {  	s26 =	simm.s32 $execute0_lowered;
	[smem:$0x3FD2] =	sst s25  }
0xae: {  	s8 =	sshll.u32 s26, $0x1;
	_ =	strace $0x8000004C;
	[dreg:$0x1] =	wrdreg $0xFFFFFFFF  }
0xaf: {  	s28 =	simm.s32 $_size_execute0_lowered;
	s6 =	sadd.s32 s6, s8;
	[dreg:$0x0] =	wrdreg $0x0  }
0xb0: {  	s8 =	sshll.u32 s28, $0x1;
	[dreg:$0x2] =	wrdreg s6  }
0xb1: {  	[dreg:$0x3] =	wrdreg s8  }
0xb2: {  	[dreg:$0x4] =	wrdreg $0xC0  }
0xb3: {  	_ =	task [dreg:s10], $0x5FFFF  }
0xb4: {  	[dreg:$0x1] =	wrdreg $0xFFFFFFFF  }
0xb5: {  	[dreg:$0x0] =	wrdreg $0x60  }
0xb6: {  	[dreg:$0x2] =	wrdreg s18  }
0xb7: {  	[dreg:$0x3] =	wrdreg s19  }
0xb8: {  	[dreg:$0x4] =	wrdreg s17  }
0xb9: {  	[dreg:$0x5] =	wrdreg s5  }
0xba: {  	[dreg:$0x6] =	wrdreg s1  }
0xbb: {  	[dreg:$0x7] =	wrdreg s7  }
0xbc: {  	[dreg:$0x8] =	wrdreg $0x9  }
0xbd: {  	_ =	task.clear_ibuf [dreg:s10], $0x9FFFF;
	_ =	strace $0x9000004C  }
0xbe: {  	s29 =	simm.s32 $0x9;
	_ =	strace $0x8000004E  }
0xbf: {  	_ =	swait.ge [sflag:s29], $0x1  }
0xc0: {  	[sflag:s29] =	ssyncadd.s32 $0xFFFFFFFF  }
0xc1: {  	_ =	strace $0x9000004E  }
0xc2: {  	_ =	sfence  }
0xc3: {  	s30 =	sld [smem:$0x0];
	_ =	sdelay $0x2  }
0xc4: {  	s31 =	sshll.u32 s1, $0xD;
	s1 =	sshrl.u32 s1, $0x2  }
0xc5: {  	s3 =	sand.u32 $0x4000, s31;
	s1 =	sadd.s32 s1, s30  }
0xc6: {  	s0 =	sor.u32 s3, s0;
	s1 =	sshll.u32 s1, $0x11  }
0xc7: {  	s0 =	sor.u32 s1, s0  }
0xc8: {  	s0 =	sadd.s32 $0x8F2B, s0  }
0xc9: {  	[sflag:s0] =	ssyncadd.remote.s32 $0x1  }
0xca: {  	_ =	sfence.sel $0xFFFF  }
0xcb: {  	[dreg:$0x0] =	wrdreg $0xFFFFFFFF;
	(pc) =	sbr.abs _section_cstart, $3  }
0xcc: {  	[dreg:$0x1] =	wrdreg $0xFFFFFFFF  }
0xcd: {  	_ =	task.clear_ibuf [dreg:s10], $0x2FFFF;
	_ =	strace $0x9FFFFFFF  }
0xce: {  	(tm) =	ssettm $0x7FFFFFFF  }
0xcf: {  	_ =	shalt  }
tec
execute0_lowered:
.L_overlay_start_1:
0x0: {  	(tag) =	ssettag $0x1  }
0x1: {  	s1 =	rddreg [dreg:$0x0]  }
0x2: {  	s0 =	rddreg [dreg:$0x1]  }
0x3: {  	s6 =	rddreg [dreg:$0x2]  }
0x4: {  	s2 =	rddreg [dreg:$0x3]  }
0x5: {  	s4 =	rddreg [dreg:$0x4];
	_ =	strace $0x8000004D;
	s3 =	simm.s32 $0x1  }
0x6: {  	v0 =	vimm.s32 $0x0;
	[sflag:s3] =	ssyncpa.u1 $0x0;
	s3 =	simm.s32 $0x88  }
0x7: {  	[tilespmem:s3+$0x30] =	vst v0  }
0x8: {  	[tilespmem:s3+$0x20] =	vst v0  }
0x9: {  	s7 =	sand.u32 $0x1, s4;
	s4 =	simm.s32 $0x40;
	[tilespmem:s3+$0x10] =	vst v0  }
.LBB2_1:
0xa: {  	s4 =	sadd.s32 $0x40, s4  }
0xb: {  	[tilespmem:s3+$0x0] =	vst v0;
	s3 =	sadd.s32 $0x40, s3;
	p0 =	slt.u32 s4, $0x5040  }
.Ltmp0:
0xc: {  	(pc) =	sbr.rel @p0 .LBB2_1-.Ltmp0, $4  }
0xd: {  	_ = 	snop  }
0xe: {  	[tilespmem:s3+$0x30] =	vst v0  }
0xf: {  	[tilespmem:s3+$0x20] =	vst v0  }
0x10: {  	[tilespmem:s3+$0x10] =	vst v0  }
0x11: {  	s8 =	stileid.u32  }
0x12: {  	s4 =	smul.u32 $0x7, s8  }
0x13: {  	s5 =	smin.u32 s8, $0xD  }
0x14: {  	s4 =	sadd.s32 s5, s4  }
0x15: {  	p0 =	slt.u32 s8, $0xD;
	s12 =	smul.u32 $0x140, s4;
	s4 =	simm.s32 $0xA00  }
0x16: {  	s4 =	simm.s32 @!p0 $0x8C0  }
0x17: {  	s25 =	simm.s32 $0x2;
	s4 =	sadd.s32 s4, s12  }
0x18: {  	s28 =	simm.s32 $0x9;
	s9 =	simm.s32 $0xA;
	s14 =	smin.u32 s4, $0x9C40  }
0x19: {  	s30 =	simm.s32 $0xB;
	[dreg:$0x7] =	wrdreg s7;
	s4 =	ssub.s32 s14, s12  }
0x1a: {  	s31 =	smul.u32 $0x1388, s7;
	s13 =	simm.s32 $0x1;
	p0 =	sgt.s32 s4, $0x0  }
0x1b: {  	s19 =	simm.s32 $0x0;
	s20 =	simm.s32 $0xA808;
	s4 =	simm.s32 @!p0 $0x0  }
0x1c: {  	s21 =	simm.s32 $0xFFFFFFFF;
	p1 =	por $0x0, $0x0;
	s26 =	smul.u32 $0xCCCD, s4  }
0x1d: {  	[tilespmem:s3+$0x0] =	vst v0;
	s23 =	simm.s32 $0x0;
	[sflag:s25] =	ssyncpa.u1 $0x0;
	s18 =	sshll.u32 s8, $0x7  }
0x1e: {  	s0 =	sadd.s32 s31, s0;
	[dreg:$0xd] =	wrdreg s18;
	s3 =	sshrl.u32 s26, $0x18  }
0x1f: {  	v0 =	vimm.s32 $0xFFFFFFFF;
	s17 =	sadd.s32 s31, s2;
	[dreg:$0xc] =	wrdreg s0;
	s29 =	smul.u32 $0x140, s3  }
0x20: {  	s25 =	simm.s32 $0x0;
	[tilespmem:$0xA108] =	vst v0;
	[sflag:s28] =	ssyncpa.u1 $0x0;
	[dreg:$0xb] =	wrdreg s17  }
.Ltmp1:
0x21: {  	p0 =	sne.s32 s4, s29;
	s4 =	simm.s32 $0x1;
	(pc) =	sbr.rel .LBB2_3-.Ltmp1, $4  }
0x22: {  	[sflag:s9] =	ssyncpa.u1 $0x0;
	[dreg:$0x8] =	wrdreg s12;
	s4 =	simm.s32 @!p0 $0x0  }
0x23: {  	[sflag:s30] =	ssyncpa.u1 $0x0;
	[dreg:$0x9] =	wrdreg s14;
	s15 =	sadd.s32 s3, s4  }
0x24: {  	s24 =	smov.u32 s12;
	s22 =	sadd.s32 $0x1, s15;
	[dreg:$0xa] =	wrdreg s15  }
0x25: {  	v0 =	vlaneseq.u32;
	s26 =	simm.s32 $0x0;
	p0 =	por $0x1, $0x1;
	[dreg:$0xe] =	wrdreg s22  }
.LBB2_22:
0x26: {  	s0 =	sshrl.u32 s2, $0x2  }
.LBB2_24:
0x27: {  	s2 =	simm.s32 $0xC  }
0x28: {  	_ =	swait.ge [sflag:s2], s0  }
0x29: {  	s31 =	ssub.s32 $0x0, s0;
	v1 =	vmov s4;
	vm0 =	veq.s32 v0, $0x0;
	[sflag:s2] =	ssyncset.done $0x0  }
0x2a: {  	vm15 =	veq.s32 v0, $0x2;
	v1 =	vsel vm0, s5, v1;
	[sflag:s2] =	ssyncadd.s32 s31  }
0x2b: {  	v1 =	vsel vm15, s26, v1;
	[sflag:s2] =	ssyncpa.u1 $0x1  }
0x2c: {  	[tilespmem:$0xA108] =	vst v1  }
.LBB2_25:
0x2d: {  	s0 =	sadd.s32 $0x140, s24  }
0x2e: {  	s2 =	smov.u32 s12;
	p2 =	slt.s32 s0, s14  }
0x2f: {  	s2 =	smov.u32 @p2 s0;
	p2 =	sne.s32 s25, s22  }
.Ltmp2:
0x30: {  	_ = 	snop;
	(pc) =	sbr.rel @!p2 .LBB2_26-.Ltmp2, $4  }
0x31: {  	_ = 	snop  }
0x32: {  	s26 =	smov.u32 s23;
	s31 =	sadd.s32 $0x1, s25;
	p0 =	por !p0, !p0  }
0x33: {  	s23 =	smov.u32 s24;
	s20 =	sadd.s32 $0x140, s20;
	s21 =	sadd.s32 $0x1, s21  }
0x34: {  	p1 =	por !p1, !p1;
	s25 =	smov.u32 s31;
	s24 =	smov.u32 s2  }
.LBB2_3:
0x35: {  	p2 =	sge.u32 s25, s15  }
0x36: {  	s0 =	smulhi.u32 @!p2 $0xAAAAAAAB, s25  }
0x37: {  	s2 =	smov.u32 s24;
	p3 =	sgt.s32 @!p2 s24, $0x9B00  }
0x38: {  	s3 =	sshra.s32 @!p2 s24, $0x1F;
	p3 =	por !p3, p2;
	s0 =	sshrl.u32 @!p2 s0, $0x1  }
0x39: {  	s3 =	sand.u32 @!p2 s3, s24;
	s2 =	simm.s32 @p3 $0x9B00;
	s0 =	smul.u32 @!p2 $0x3, s0  }
0x3a: {  	s2 =	ssub.s32 @!p2 s2, s3  }
0x3b: {  	s2 =	sadd.s32 @!p2 $0xFFFF6500, s2;
	s0 =	ssub.s32 @!p2 s25, s0  }
0x3c: {  	s3 =	sshll.u32 @!p2 s2, $0x2;
	p3 =	sgt.s32 @!p2 s2, $0x13F;
	s0 =	smul.u32 @!p2 $0x500, s0  }
0x3d: {  	s4 =	sand.u32 @!p2 $0x7, s24;
	s2 =	ssub.s32 @!p2 $0x500, s3;
	p3 =	por !p3, p2  }
0x3e: {  	s3 =	sshrl.u32 @!p2 s24, $0x3;
	s2 =	sshrl.u32 @!p2 s2, $0x2;
	s0 =	sshrl.u32 @!p2 s0, $0x2  }
0x3f: {  	s3 =	sadd.s32 @!p2 s3, s17;
	s2 =	simm.s32 @!p3 $0x0;
	s0 =	sadd.s32 @!p2 $0xA948, s0  }
0x40: {  	[tilespmem:s0], [sflag:$0xA] =	stream.linear.gather @!p2 [hbm4b:s3+s4], s2, $0x38;
	[tilespmem:$0x1EF88] =	vst v63  }
0x41: {  	s0 =	sadd.s32 $0xFFFFFFFF, s25  }
0x42: {  	p2 =	sge.u32 s0, s15  }
.Ltmp3:
0x43: {  	_ = 	snop;
	(pc) =	sbr.rel @p2 .LBB2_7-.Ltmp3, $1  }
0x44: {  	_ =	sdelay $0x3  }
0x45: {  	p2 =	sgt.s32 s23, $0x9B00;
	s2 =	smov.u32 s23;
	s3 =	sshra.s32 s23, $0x1F  }
0x46: {  	s2 =	simm.s32 @!p2 $0x9B00;
	s3 =	sand.u32 s3, s23  }
0x47: {  	s2 =	ssub.s32 s2, s3  }
0x48: {  	s17 =	smulhi.u32 $0xAAAAAAAB, s21;
	s0 =	sand.u32 $0x1, s0;
	s2 =	sadd.s32 $0xFFFF6500, s2  }
0x49: {  	s5 =	simm.s32 $0xA;
	s22 =	sshrl.u32 s23, $0x3;
	s4 =	sshll.u32 s2, $0x2  }
0x4a: {  	s0 =	smul.u32 $0x500, s0;
	s3 =	sshrl.u32 s17, $0x1;
	s4 =	ssub.s32 $0x500, s4  }
0x4b: {  	s3 =	smul.u32 $0xFFFFF100, s3;
	p2 =	sgt.s32 s2, $0x13F;
	s2 =	sshrl.u32 s4, $0x2  }
0x4c: {  	s7 =	sand.u32 $0x7, s23;
	s0 =	sshrl.u32 s0, $0x2;
	s2 =	simm.s32 @p2 $0x0  }
0x4d: {  	s0 =	sadd.s32 $0xAD08, s0;
	s3 =	sshra.s32 s3, $0x2;
	_ =	swait.ge [sflag:s5], s2  }
0x4e: {  	s18 =	ssub.s32 $0x0, s2;
	[sflag:s5] =	ssyncset.done $0x0;
	s31 =	rddreg [dreg:$0xc]  }
0x4f: {  	s4 =	sadd.s32 s3, s20;
	[sflag:s5] =	ssyncadd.s32 s18;
	s3 =	sadd.s32 s22, s31  }
0x50: {  	[tilespmem:s0], [sflag:$0xB] =	stream.linear.gather [hbm4b:s3+s7], s2, $0x38;
	[tilespmem:$0x1EF88] =	vst v63  }
0x51: {  	v1 =	vld.msk [tilespmem:s4+$0x0], $0xffff;
	_ =	sdelay $0x4  }
0x52: {  	v1 =	vshll.u32 v1, $0x4  }
0x53: {  	(v2sf) =	vpush v1, $0x0;
	_ =	sdelay $0x1  }
0x54: {  	(v2sf) =	vpush v1, $0x1  }
0x55: {  	(v2sf) =	vpush v1, $0x2;
	_ =	sdelay $0x1  }
0x56: {  	(v2sf) =	vpush v1, $0x3  }
0x57: {  	(v2sf) =	vpush v1, $0x4;
	_ =	sdelay $0x1  }
0x58: {  	(v2sf) =	vpush v1, $0x5  }
0x59: {  	s0 =	simm.s32 $0x1  }
0x5a: {  	s0 =	simm.s32 @!p0 $0x0  }
0x5b: {  	s0 =	smul.u32 $0x28000, s0  }
0x5c: {  	(v2sf) =	vpush v1, $0x6  }
0x5d: {  	s0 =	sshrl.u32 s0, $0x2  }
0x5e: {  	s28 =	sadd.s32 $0xB708, s0  }
0x5f: {  	s10 =	sadd.s32 $0xFFFFF880, s28;
	s15 =	sadd.s32 $0xFFFFF900, s28;
	s8 =	spop (v2sf)  }
0x60: {  	s16 =	sadd.s32 $0xFFFFF980, s28;
	s31 =	sadd.s32 $0xFFFFFA00, s28;
	(v2sf) =	vpush v1, $0x7;
	s9 =	sand.u32 $0x1FFFFFF0, s8  }
0x61: {  	s3 =	sadd.s32 $0xFFFFFA80, s28;
	s11 =	spop (v2sf);
	s0 =	sadd.s32 s6, s9  }
0x62: {  	(v2sf) =	vpush v1, $0x8;
	s12 =	sand.u32 $0x1FFFFFF0, s11;
	s14 =	spop (v2sf);
	s9 =	sadd.s32 $0xFFFFFB00, s28  }
0x63: {  	(v2sf) =	vpush v1, $0x9;
	[tilespmem:s10], [sflag:$0x9] =	stream.linear.gather [hbm4b:s0+s19], $0x40, $0x38;
	[tilespmem:$0x1EF88] =	vst v63  }
0x64: {  	s0 =	sadd.s32 s6, s12;
	s2 =	sand.u32 $0x1FFFFFF0, s14;
	s17 =	spop (v2sf)  }
0x65: {  	(v2sf) =	vpush v1, $0xA;
	s10 =	sadd.s32 $0xFFFFFB80, s28;
	s18 =	sand.u32 $0x1FFFFFF0, s17;
	s22 =	spop (v2sf)  }
0x66: {  	[tilespmem:s15], [sflag:$0x9] =	stream.linear.gather [hbm4b:s0+s19], $0x40, $0x38;
	[tilespmem:$0x1EF88] =	vst v63  }
0x67: {  	s2 =	sadd.s32 s6, s2;
	(v2sf) =	vpush v1, $0xB;
	s0 =	sadd.s32 s6, s18;
	s5 =	spop (v2sf)  }
0x68: {  	[tilespmem:s16], [sflag:$0x9] =	stream.linear.gather [hbm4b:s2+s19], $0x40, $0x38;
	[tilespmem:$0x1EF88] =	vst v63  }
0x69: {  	(v2sf) =	vpush v1, $0xC;
	s15 =	sadd.s32 $0xFFFFFC00, s28;
	s7 =	sand.u32 $0x1FFFFFF0, s5;
	s2 =	sand.u32 $0x1FFFFFF0, s22  }
0x6a: {  	[tilespmem:s31], [sflag:$0x9] =	stream.linear.gather [hbm4b:s0+s19], $0x40, $0x38;
	[tilespmem:$0x1EF88] =	vst v63  }
0x6b: {  	s8 =	spop (v2sf);
	(v2sf) =	vpush v1, $0xD;
	s5 =	sadd.s32 $0xFFFFFD80, s28;
	s2 =	sadd.s32 s6, s2  }
0x6c: {  	[tilespmem:s3], [sflag:$0x9] =	stream.linear.gather [hbm4b:s2+s19], $0x40, $0x38;
	[tilespmem:$0x1EF88] =	vst v63  }
0x6d: {  	s16 =	sadd.s32 $0xFFFFFC80, s28;
	s0 =	sadd.s32 s6, s7;
	s2 =	sand.u32 $0x1FFFFFF0, s8  }
0x6e: {  	[tilespmem:s9], [sflag:$0x9] =	stream.linear.gather [hbm4b:s0+s19], $0x40, $0x38;
	[tilespmem:$0x1EF88] =	vst v63  }
0x6f: {  	s31 =	sadd.s32 $0xFFFFFD00, s28;
	s2 =	sadd.s32 s6, s2;
	s11 =	spop (v2sf);
	(v2sf) =	vpush v1, $0xE  }
0x70: {  	[tilespmem:s10], [sflag:$0x9] =	stream.linear.gather [hbm4b:s2+s19], $0x40, $0x38;
	[tilespmem:$0x1EF88] =	vst v63  }
0x71: {  	s10 =	sadd.s32 $0xFFFFFE00, s28;
	s12 =	sand.u32 $0x1FFFFFF0, s11;
	s14 =	spop (v2sf);
	(v2sf) =	vpush v1, $0xF  }
0x72: {  	s0 =	sadd.s32 s6, s12;
	s2 =	sand.u32 $0x1FFFFFF0, s14;
	s17 =	spop (v2sf)  }
0x73: {  	[tilespmem:s15], [sflag:$0x9] =	stream.linear.gather [hbm4b:s0+s19], $0x40, $0x38;
	[tilespmem:$0x1EF88] =	vst v63  }
0x74: {  	s2 =	sadd.s32 s6, s2;
	s18 =	sand.u32 $0x1FFFFFF0, s17;
	s22 =	spop (v2sf)  }
0x75: {  	[tilespmem:s16], [sflag:$0x9] =	stream.linear.gather [hbm4b:s2+s19], $0x40, $0x38;
	[tilespmem:$0x1EF88] =	vst v63  }
0x76: {  	s0 =	sadd.s32 s6, s18;
	s7 =	spop (v2sf);
	s2 =	sand.u32 $0x1FFFFFF0, s22  }
0x77: {  	[tilespmem:s31], [sflag:$0x9] =	stream.linear.gather [hbm4b:s0+s19], $0x40, $0x38;
	[tilespmem:$0x1EF88] =	vst v63  }
0x78: {  	s8 =	sand.u32 $0x1FFFFFF0, s7;
	s9 =	spop (v2sf);
	s2 =	sadd.s32 s6, s2  }
0x79: {  	[tilespmem:s5], [sflag:$0x9] =	stream.linear.gather [hbm4b:s2+s19], $0x40, $0x38;
	[tilespmem:$0x1EF88] =	vst v63  }
0x7a: {  	s12 =	spop (v2sf);
	s0 =	sadd.s32 s6, s8;
	s2 =	sand.u32 $0x1FFFFFF0, s9  }
0x7b: {  	[tilespmem:s10], [sflag:$0x9] =	stream.linear.gather [hbm4b:s0+s19], $0x40, $0x38;
	[tilespmem:$0x1EF88] =	vst v63  }
0x7c: {  	s11 =	sadd.s32 $0xFFFFFE80, s28;
	s14 =	sand.u32 $0x1FFFFFF0, s12;
	s2 =	sadd.s32 s6, s2  }
0x7d: {  	[tilespmem:s11], [sflag:$0x9] =	stream.linear.gather [hbm4b:s2+s19], $0x40, $0x38;
	[tilespmem:$0x1EF88] =	vst v63  }
0x7e: {  	s16 =	sadd.s32 $0xFFFFFF00, s28;
	s0 =	sadd.s32 s6, s14;
	s15 =	spop (v2sf)  }
0x7f: {  	[tilespmem:s16], [sflag:$0x9] =	stream.linear.gather [hbm4b:s0+s19], $0x40, $0x38;
	[tilespmem:$0x1EF88] =	vst v63  }
0x80: {  	s30 =	sadd.s32 $0x10, s4;
	s2 =	sand.u32 $0x1FFFFFF0, s15;
	s17 =	spop (v2sf)  }
0x81: {  	s22 =	sadd.s32 $0xFFFFFF80, s28;
	s18 =	sadd.s32 s6, s2;
	s31 =	sand.u32 $0x1FFFFFF0, s17  }
0x82: {  	[tilespmem:s22], [sflag:$0x9] =	stream.linear.gather [hbm4b:s18+s19], $0x40, $0x38;
	[tilespmem:$0x1EF88] =	vst v63  }
0x83: {  	s29 =	sadd.s32 $0x800, s28;
	s0 =	simm.s32 $0x0;
	s2 =	sadd.s32 s6, s31  }
.LBB2_5:
0x84: {  	[tilespmem:s28], [sflag:$0x9] =	stream.linear.gather [hbm4b:s2+s19], $0x40, $0x38;
	[tilespmem:$0x1EF88] =	vst v63  }
0x85: {  	s0 =	sadd.s32 $0x10, s0;
	s28 =	smov.u32 s29  }
0x86: {  	p2 =	slt.u32 s0, $0x130;
	v1 =	vld.msk [tilespmem:s30+$0x0], $0xffff;
	_ =	sdelay $0x4  }
0x87: {  	v1 =	vshll.u32 v1, $0x4  }
0x88: {  	(v2sf) =	vpush v1, $0x0  }
0x89: {  	(v2sf) =	vpush v1, $0x1  }
0x8a: {  	(v2sf) =	vpush v1, $0x2;
	_ =	sdelay $0x1  }
0x8b: {  	(v2sf) =	vpush v1, $0x3;
	_ =	sdelay $0x1  }
0x8c: {  	(v2sf) =	vpush v1, $0x4;
	_ =	sdelay $0x1  }
0x8d: {  	(v2sf) =	vpush v1, $0x5;
	_ =	sdelay $0x1  }
0x8e: {  	(v2sf) =	vpush v1, $0x6  }
0x8f: {  	s31 =	sadd.s32 $0xFFFFFE80, s29;
	s4 =	sadd.s32 $0xFFFFFF00, s29  }
0x90: {  	s3 =	sadd.s32 $0xFFFFFD00, s29;
	s2 =	sadd.s32 $0xFFFFFD80, s29;
	s5 =	sadd.s32 $0xFFFFFE00, s29;
	(v2sf) =	vpush v1, $0x7  }
0x91: {  	s10 =	sadd.s32 $0xFFFFFB80, s29;
	s9 =	sadd.s32 $0xFFFFFC00, s29;
	s16 =	sadd.s32 $0xFFFFFC80, s29  }
0x92: {  	s11 =	sadd.s32 $0xFFFFFA00, s29;
	s12 =	sadd.s32 $0xFFFFFA80, s29;
	s15 =	sadd.s32 $0xFFFFFB00, s29;
	(v2sf) =	vpush v1, $0x8  }
0x93: {  	s18 =	sadd.s32 $0xFFFFF900, s29;
	s7 =	sadd.s32 $0xFFFFF980, s29;
	s22 =	spop (v2sf)  }
0x94: {  	s8 =	sadd.s32 $0xFFFFF880, s29;
	s22 =	sand.u32 $0x1FFFFFF0, s22;
	s14 =	spop (v2sf);
	(v2sf) =	vpush v1, $0x9  }
0x95: {  	s22 =	sadd.s32 s6, s22;
	s14 =	sand.u32 $0x1FFFFFF0, s14;
	s17 =	spop (v2sf)  }
0x96: {  	[tilespmem:s8], [sflag:$0x9] =	stream.linear.gather [hbm4b:s22+s19], $0x40, $0x38;
	(v2sf) =	vpush v1, $0xA;
	[tilespmem:$0x1EF88] =	vst v63  }
0x97: {  	s8 =	sadd.s32 s6, s14;
	s14 =	sand.u32 $0x1FFFFFF0, s17;
	s17 =	spop (v2sf)  }
0x98: {  	[tilespmem:s18], [sflag:$0x9] =	stream.linear.gather [hbm4b:s8+s19], $0x40, $0x38;
	(v2sf) =	vpush v1, $0xB;
	[tilespmem:$0x1EF88] =	vst v63  }
0x99: {  	s8 =	sadd.s32 s6, s14;
	s14 =	sand.u32 $0x1FFFFFF0, s17;
	s17 =	spop (v2sf)  }
0x9a: {  	[tilespmem:s7], [sflag:$0x9] =	stream.linear.gather [hbm4b:s8+s19], $0x40, $0x38;
	(v2sf) =	vpush v1, $0xC;
	[tilespmem:$0x1EF88] =	vst v63  }
0x9b: {  	s7 =	sadd.s32 s6, s14;
	s8 =	sand.u32 $0x1FFFFFF0, s17;
	s14 =	spop (v2sf)  }
0x9c: {  	[tilespmem:s11], [sflag:$0x9] =	stream.linear.gather [hbm4b:s7+s19], $0x40, $0x38;
	(v2sf) =	vpush v1, $0xD;
	[tilespmem:$0x1EF88] =	vst v63  }
0x9d: {  	s7 =	sadd.s32 s6, s8;
	s8 =	sand.u32 $0x1FFFFFF0, s14;
	s11 =	spop (v2sf)  }
0x9e: {  	[tilespmem:s12], [sflag:$0x9] =	stream.linear.gather [hbm4b:s7+s19], $0x40, $0x38;
	(v2sf) =	vpush v1, $0xE;
	[tilespmem:$0x1EF88] =	vst v63  }
0x9f: {  	s7 =	sadd.s32 s6, s8;
	s8 =	sand.u32 $0x1FFFFFF0, s11;
	s11 =	spop (v2sf)  }
0xa0: {  	[tilespmem:s15], [sflag:$0x9] =	stream.linear.gather [hbm4b:s7+s19], $0x40, $0x38;
	(v2sf) =	vpush v1, $0xF;
	[tilespmem:$0x1EF88] =	vst v63  }
0xa1: {  	s7 =	sadd.s32 s6, s8;
	s8 =	sand.u32 $0x1FFFFFF0, s11;
	s11 =	spop (v2sf)  }
0xa2: {  	[tilespmem:s10], [sflag:$0x9] =	stream.linear.gather [hbm4b:s7+s19], $0x40, $0x38;
	[tilespmem:$0x1EF88] =	vst v63  }
0xa3: {  	s7 =	sadd.s32 s6, s8;
	s8 =	sand.u32 $0x1FFFFFF0, s11;
	s10 =	spop (v2sf)  }
0xa4: {  	[tilespmem:s9], [sflag:$0x9] =	stream.linear.gather [hbm4b:s7+s19], $0x40, $0x38;
	[tilespmem:$0x1EF88] =	vst v63  }
0xa5: {  	s7 =	sadd.s32 s6, s8;
	s8 =	sand.u32 $0x1FFFFFF0, s10;
	s9 =	spop (v2sf)  }
0xa6: {  	[tilespmem:s16], [sflag:$0x9] =	stream.linear.gather [hbm4b:s7+s19], $0x40, $0x38;
	[tilespmem:$0x1EF88] =	vst v63  }
0xa7: {  	s7 =	sadd.s32 s6, s8;
	s8 =	sand.u32 $0x1FFFFFF0, s9;
	s9 =	spop (v2sf)  }
0xa8: {  	[tilespmem:s3], [sflag:$0x9] =	stream.linear.gather [hbm4b:s7+s19], $0x40, $0x38;
	[tilespmem:$0x1EF88] =	vst v63  }
0xa9: {  	s3 =	sadd.s32 s6, s8;
	s7 =	sand.u32 $0x1FFFFFF0, s9;
	s8 =	spop (v2sf)  }
0xaa: {  	[tilespmem:s2], [sflag:$0x9] =	stream.linear.gather [hbm4b:s3+s19], $0x40, $0x38;
	[tilespmem:$0x1EF88] =	vst v63  }
0xab: {  	s2 =	sadd.s32 s6, s7;
	s3 =	sand.u32 $0x1FFFFFF0, s8;
	s7 =	spop (v2sf)  }
0xac: {  	[tilespmem:s5], [sflag:$0x9] =	stream.linear.gather [hbm4b:s2+s19], $0x40, $0x38;
	[tilespmem:$0x1EF88] =	vst v63  }
0xad: {  	s2 =	sadd.s32 s6, s3;
	s3 =	sand.u32 $0x1FFFFFF0, s7;
	s5 =	spop (v2sf)  }
0xae: {  	[tilespmem:s31], [sflag:$0x9] =	stream.linear.gather [hbm4b:s2+s19], $0x40, $0x38;
	[tilespmem:$0x1EF88] =	vst v63  }
0xaf: {  	s2 =	sadd.s32 s6, s3  }
.Ltmp4:
0xb0: {  	s3 =	sand.u32 $0x1FFFFFF0, s5;
	s5 =	spop (v2sf);
	(pc) =	sbr.rel @p2 .LBB2_5-.Ltmp4, $4  }
0xb1: {  	[tilespmem:s4], [sflag:$0x9] =	stream.linear.gather [hbm4b:s2+s19], $0x40, $0x38;
	[tilespmem:$0x1EF88] =	vst v63  }
0xb2: {  	s2 =	sadd.s32 s6, s3;
	s3 =	sadd.s32 $0xFFFFFF80, s29;
	s4 =	sand.u32 $0x1FFFFFF0, s5  }
0xb3: {  	[tilespmem:s3], [sflag:$0x9] =	stream.linear.gather [hbm4b:s2+s19], $0x40, $0x38;
	[tilespmem:$0x1EF88] =	vst v63  }
0xb4: {  	s30 =	sadd.s32 $0x10, s30;
	s29 =	sadd.s32 $0x800, s29;
	s2 =	sadd.s32 s6, s4  }
0xb5: {  	[tilespmem:s28], [sflag:$0x9] =	stream.linear.gather [hbm4b:s2+s19], $0x40, $0x38;
	[tilespmem:$0x1EF88] =	vst v63  }
0xb6: {  	s12 =	rddreg [dreg:$0x8]  }
0xb7: {  	s14 =	rddreg [dreg:$0x9]  }
0xb8: {  	s15 =	rddreg [dreg:$0xa]  }
0xb9: {  	s17 =	rddreg [dreg:$0xb]  }
0xba: {  	s18 =	rddreg [dreg:$0xd]  }
0xbb: {  	s22 =	rddreg [dreg:$0xe]  }
.LBB2_7:
0xbc: {  	p2 =	slt.u32 s25, $0x2  }
.Ltmp5:
0xbd: {  	_ = 	snop;
	(pc) =	sbr.rel @p2 .LBB2_25-.Ltmp5, $1  }
0xbe: {  	_ =	sdelay $0x3  }
0xbf: {  	p2 =	sgt.s32 s26, $0x9B00;
	s0 =	smov.u32 s26;
	s2 =	sshra.s32 s26, $0x1F  }
0xc0: {  	s0 =	simm.s32 @!p2 $0x9B00;
	s2 =	sand.u32 s2, s26  }
0xc1: {  	s0 =	ssub.s32 s0, s2  }
0xc2: {  	s0 =	sadd.s32 $0xFFFF6500, s0  }
0xc3: {  	s3 =	simm.s32 $0x9;
	s29 =	sshll.u32 s0, $0x2  }
0xc4: {  	_ =	swait.ge [sflag:s3], $0x5000;
	s2 =	ssub.s32 $0x500, s29  }
0xc5: {  	[sflag:s3] =	ssyncset.done $0x0;
	p2 =	sgt.s32 s0, $0x13F;
	s0 =	sshrl.u32 s2, $0x2  }
0xc6: {  	s30 =	simm.s32 $0xB;
	[sflag:s3] =	ssyncadd.s32 $0xFFFFB000;
	s0 =	simm.s32 @p2 $0x0  }
0xc7: {  	_ =	swait.ge [sflag:s30], s0  }
0xc8: {  	s0 =	ssub.s32 $0x0, s0;
	[sflag:s30] =	ssyncset.done $0x0  }
0xc9: {  	[sflag:s30] =	ssyncadd.s32 s0  }
0xca: {  	v1 =	vld [tilespmem:$0xA108];
	_ =	sdelay $0x4  }
0xcb: {  	(v2sf) =	vpush v1, $0x0  }
0xcc: {  	(v2sf) =	vpush v1, $0x1  }
0xcd: {  	(v2sf) =	vpush v1, $0x2;
	_ =	sdelay $0x3  }
0xce: {  	s0 =	sadd.s32 $0x140, s26  }
0xcf: {  	s4 =	ssub.s32 $0x13880, s26;
	p2 =	slt.s32 s14, s0  }
0xd0: {  	s0 =	smov.u32 @p2 s14;
	p2 =	sgt.s32 s4, $0x0  }
0xd1: {  	s0 =	ssub.s32 s0, s26;
	s4 =	simm.s32 @!p2 $0x0  }
0xd2: {  	p2 =	slt.s32 s4, s0  }
0xd3: {  	s0 =	smov.u32 @p2 s4  }
0xd4: {  	s2 =	simm.s32 $0x1;
	p2 =	slt.s32 s0, $0x1  }
.Ltmp6:
0xd5: {  	s2 =	simm.s32 @!p1 $0x0;
	(pc) =	sbr.rel @p2 .LBB2_12-.Ltmp6, $4  }
0xd6: {  	s7 =	smul.u32 $0x500, s2  }
0xd7: {  	s3 =	spop (v2sf)  }
0xd8: {  	s31 =	sshrl.u32 s7, $0x2;
	s5 =	spop (v2sf)  }
0xd9: {  	s28 =	sadd.s32 $0xAD08, s31;
	s26 =	spop (v2sf)  }
0xda: {  	s4 =	smin.u32 s0, $0x10  }
0xdb: {  	v1 =	vmov s4  }
0xdc: {  	p3 =	sgt.s32 s0, $0x10;
	vm1 =	vgt.u32 v1, v0  }
.Ltmp7:
0xdd: {  	_ = 	snop;
	(pc) =	sbr.rel @!p3 .LBB2_11-.Ltmp7, $2  }
0xde: {  	_ =	sdelay $0x2  }
0xdf: {  	s9 =	simm.s32 $0x10;
	s10 =	sadd.s32 $0xFFFFFFF0, s0;
	s4 =	smov.u32 s28;
	vm0 =	vmmov vm1  }
.LBB2_10:
0xe0: {  	s7 =	smin.u32 s10, $0x10;
	s9 =	sadd.s32 $0x10, s9;
	v1 =	vld.msk [tilespmem:s4+$0x0 ss:$0x1], vm1  }
0xe1: {  	v2 =	vmov s7;
	p3 =	slt.s32 s9, s0  }
0xe2: {  	vm1 =	vgt.u32 v2, v0  }
.Ltmp8:
0xe3: {  	(pc) =	sbr.rel @p3 .LBB2_10-.Ltmp8, $3  }
0xe4: {  	_ =	sdelay $0x1  }
0xe5: {  	v1 =	vshll.u32 v1, $0x4  }
0xe6: {  	s10 =	sadd.s32 $0xFFFFFFF0, s10;
	[tilespmem:s4+$0x0] =	vst.msk vm0, v1;
	s4 =	sadd.s32 $0x10, s4;
	vm0 =	vmmov vm1  }
.LBB2_11:
0xe7: {  	_ =	sdelay $0x4  }
0xe8: {  	v1 =	vld.msk [tilespmem:s4+$0x0 ss:$0x1], vm1;
	_ =	sdelay $0x4  }
0xe9: {  	v1 =	vshll.u32 v1, $0x4  }
0xea: {  	[tilespmem:s4+$0x0] =	vst.msk vm0, v1  }
.LBB2_12:
0xeb: {  	s4 =	sand.u32 $0x1, s25  }
0xec: {  	s7 =	smul.u32 $0xA000, s4  }
0xed: {  	p3 =	sne.s32 s5, $0xFFFFFFFF;
	s4 =	smul.u32 $0x140, s4  }
0xee: {  	v1 =	vld @!p3 [tilespmem:s7+$0xAF88]  }
0xef: {  	v2 =	vld.msk @!p3 [tilespmem:s4+$0xAD08], $0x1;
	_ =	sdelay $0x3  }
0xf0: {  	[tilespmem:$0x88] =	vst @!p3 v1  }
0xf1: {  	(v2sf) =	vpush @!p3 v2, $0x0;
	v1 =	vld @!p3 [tilespmem:s7+$0xAF98];
	_ =	sdelay $0x4  }
0xf2: {  	[tilespmem:$0x98] =	vst @!p3 v1  }
0xf3: {  	v1 =	vld @!p3 [tilespmem:s7+$0xAFA8];
	_ =	sdelay $0x4  }
0xf4: {  	[tilespmem:$0xA8] =	vst @!p3 v1  }
0xf5: {  	v1 =	vld @!p3 [tilespmem:s7+$0xAFB8]  }
.Ltmp9:
0xf6: {  	_ = 	snop;
	(pc) =	sbr.rel @p2 .LBB2_23-.Ltmp9, $4  }
0xf7: {  	_ = 	snop  }
0xf8: {  	s29 =	spop @!p3 (v2sf)  }
0xf9: {  	s31 =	simm.s32 $0xC;
	s26 =	simm.s32 @!p3 $0x0;
	s4 =	smov.u32 s29  }
0xfa: {  	s29 =	smov.u32 @p3 s3;
	s4 =	smov.u32 @p3 s5;
	[tilespmem:$0xB8] =	vst @!p3 v1;
	[sflag:s31] =	ssyncpa.u1 $0x0  }
0xfb: {  	v1 =	vld.msk [tilespmem:s28+$0x0], $0x1;
	_ =	sdelay $0x4  }
0xfc: {  	(v2sf) =	vpush v1, $0x0;
	_ =	sdelay $0xe  }
0xfd: {  	s2 =	smul.u32 $0x28000, s2;
	s5 =	spop (v2sf)  }
0xfe: {  	s31 =	ssub.s32 $0x0, s0;
	p2 =	seq.s32 s29, s5  }
0xff: {  	s3 =	smov.u32 s29;
	s2 =	sshrl.u32 s2, $0x2;
	p3 =	sgt.s32 @!p2 s29, $0x0  }
0x100: {  	s30 =	sadd.s32 $0xAFA8, s2;
	s2 =	sadd.s32 $0x1, s31;
	p3 =	por !p3, p2  }
0x101: {  	s3 =	simm.s32 @p3 $0x0;
	p3 =	seq.s32 s2, $0x0  }
.Ltmp10:
0x102: {  	_ = 	snop;
	(pc) =	sbr.rel @p3 .LBB2_15-.Ltmp10, $4  }
0x103: {  	_ = 	snop  }
0x104: {  	s0 =	simm.s32 $0x0;
	s9 =	simm.s32 @!p2 $0x1;
	s3 =	smin.u32 @!p2 s3, $0x752F8  }
0x105: {  	s10 =	simm.s32 @!p2 $0x50C8;
	s9 =	smov.u32 @p2 s0;
	s7 =	sand.u32 @!p2 $0x7FFF8, s3  }
0x106: {  	s16 =	sand.u32 @!p2 $0x7, s3;
	s3 =	sadd.s32 $0x1, s28;
	s11 =	sadd.s32 @!p2 s1, s7  }
.LBB2_14:
0x107: {  	s7 =	smov.u32 s9  }
0x108: {  	[tilespmem:s10], [sflag:$0x2] =	stream.linear.gather @!p2 [hbm4b:s11+s16], $0x40, $0x38;
	[tilespmem:$0x1EF88] =	vst v63  }
0x109: {  	s2 =	sadd.s32 $0x1, s2;
	s8 =	smov.u32 s5;
	v1 =	vld.msk [tilespmem:s3+$0x0], $0x1  }
0x10a: {  	p3 =	seq.s32 s2, $0x0;
	_ =	sdelay $0x3  }
0x10b: {  	(v2sf) =	vpush v1, $0x0;
	_ =	sdelay $0xe  }
0x10c: {  	s5 =	spop (v2sf)  }
0x10d: {  	p2 =	seq.s32 s8, s5  }
0x10e: {  	p4 =	sgt.s32 @!p2 s8, $0x0;
	s10 =	sshll.u32 @!p2 s9, $0x8;
	s9 =	sadd.s32 @!p2 $0x1, s9  }
.Ltmp11:
0x10f: {  	p4 =	por !p4, p2;
	s10 =	sshra.s32 @!p2 s10, $0x2;
	(pc) =	sbr.rel @!p3 .LBB2_14-.Ltmp11, $4  }
0x110: {  	s9 =	smov.u32 @p2 s7;
	s8 =	simm.s32 @p4 $0x0;
	s10 =	sadd.s32 @!p2 $0x50C8, s10  }
0x111: {  	s7 =	smin.u32 @!p2 s8, $0x752F8  }
0x112: {  	s8 =	sand.u32 @!p2 $0x7FFF8, s7;
	s16 =	sand.u32 @!p2 $0x7, s7  }
0x113: {  	s3 =	sadd.s32 $0x1, s3;
	s11 =	sadd.s32 @!p2 s1, s8  }
.LBB2_15:
0x114: {  	[tilespmem:s10], [sflag:$0x2] =	stream.linear.gather @!p2 [hbm4b:s11+s16], $0x40, $0x38;
	[tilespmem:$0x1EF88] =	vst v63  }
.Ltmp12:
0x115: {  	s2 =	sshll.u32 s9, $0x6;
	(pc) =	sbr.rel .LBB2_16-.Ltmp12, $4  }
0x116: {  	s3 =	simm.s32 $0x2;
	s2 =	sand.u32 $0x3FFFFFC0, s2  }
0x117: {  	_ =	swait.ge [sflag:s3], s2  }
0x118: {  	s2 =	ssub.s32 $0x0, s2;
	[sflag:s3] =	ssyncset.done $0x0  }
0x119: {  	[sflag:s3] =	ssyncadd.s32 s2;
	s2 =	simm.s32 $0x0  }
.LBB2_17:
0x11a: {  	v1 =	vld [tilespmem:s30+$0xFFFFFFE0]  }
0x11b: {  	v2 =	vld [tilespmem:s3+$0x88];
	_ =	sdelay $0x4  }
0x11c: {  	v1 =	vmax.f32 v1, v2  }
0x11d: {  	v2 =	vld [tilespmem:s3+$0x98];
	[tilespmem:s3+$0x88] =	vst v1  }
0x11e: {  	v1 =	vld [tilespmem:s30+$0xFFFFFFF0];
	_ =	sdelay $0x4  }
0x11f: {  	v1 =	vmax.f32 v1, v2  }
0x120: {  	v2 =	vld [tilespmem:s3+$0xA8];
	[tilespmem:s3+$0x98] =	vst v1  }
0x121: {  	v1 =	vld [tilespmem:s30+$0x0];
	_ =	sdelay $0x4  }
0x122: {  	v1 =	vmax.f32 v1, v2  }
0x123: {  	v2 =	vld [tilespmem:s3+$0xB8];
	[tilespmem:s3+$0xA8] =	vst v1  }
0x124: {  	v1 =	vld [tilespmem:s30+$0x10];
	_ =	sdelay $0x4  }
0x125: {  	v1 =	vmax.f32 v1, v2  }
0x126: {  	[tilespmem:s3+$0xB8] =	vst v1  }
.LBB2_21:
0x127: {  	s31 =	sadd.s32 $0x1, s31  }
0x128: {  	p2 =	seq.s32 s31, $0x0  }
.Ltmp13:
0x129: {  	_ = 	snop;
	(pc) =	sbr.rel @p2 .LBB2_22-.Ltmp13, $2  }
0x12a: {  	_ =	sdelay $0x2  }
0x12b: {  	s30 =	sadd.s32 $0x80, s30;
	s28 =	sadd.s32 $0x1, s28;
	s29 =	smov.u32 s5  }
.LBB2_16:
0x12c: {  	v1 =	vld.msk [tilespmem:s28+$0x0], $0x1;
	_ =	sdelay $0x4  }
0x12d: {  	(v2sf) =	vpush v1, $0x0;
	_ =	sdelay $0xe  }
0x12e: {  	s5 =	spop (v2sf)  }
0x12f: {  	p2 =	sne.s32 s29, s5  }
.Ltmp14:
0x130: {  	_ = 	snop;
	(pc) =	sbr.rel @!p2 .LBB2_17-.Ltmp14, $3  }
0x131: {  	_ =	sdelay $0x1  }
0x132: {  	s3 =	sshll.u32 s26, $0x8  }
0x133: {  	s3 =	sshra.s32 s3, $0x2  }
0x134: {  	p2 =	seq.s32 s29, s4  }
.Ltmp15:
0x135: {  	_ = 	snop;
	(pc) =	sbr.rel @!p2 .LBB2_19-.Ltmp15, $1  }
0x136: {  	_ =	sdelay $0x3  }
.Ltmp16:
0x137: {  	s3 =	sadd.s32 $0x88, s3;
	(pc) =	sbr.rel .LBB2_20-.Ltmp16, $4  }
0x138: {  	[spmem:s18] =	stream.linear.scatter [tilespmem:s3], [sflag:$0x1], $0x40, $0x38;
	[tilespmem:$0x1EF88] =	vst v63  }
0x139: {  	_ =	swait.ge [sflag:s13], $0x40  }
0x13a: {  	[sflag:s13] =	ssyncset.done $0x0  }
0x13b: {  	[sflag:s13] =	ssyncadd.s32 $0xFFFFFFC0  }
.LBB2_19:
0x13c: {  	s7 =	sshll.u32 s0, $0x8  }
0x13d: {  	v2 =	vld [tilespmem:s3+$0x88];
	s7 =	sshra.s32 s7, $0x2  }
0x13e: {  	v1 =	vld [tilespmem:s7+$0x50C8];
	_ =	sdelay $0x4  }
0x13f: {  	v1 =	vmax.f32 v1, v2  }
0x140: {  	v2 =	vld [tilespmem:s3+$0x98];
	[tilespmem:s3+$0x88] =	vst v1  }
0x141: {  	v1 =	vld [tilespmem:s7+$0x50D8];
	_ =	sdelay $0x4  }
0x142: {  	v1 =	vmax.f32 v1, v2  }
0x143: {  	v2 =	vld [tilespmem:s3+$0xA8];
	[tilespmem:s3+$0x98] =	vst v1  }
0x144: {  	v1 =	vld [tilespmem:s7+$0x50E8];
	_ =	sdelay $0x4  }
0x145: {  	v1 =	vmax.f32 v1, v2  }
0x146: {  	v2 =	vld [tilespmem:s3+$0xB8];
	[tilespmem:s3+$0xA8] =	vst v1  }
0x147: {  	v1 =	vld [tilespmem:s7+$0x50F8];
	_ =	sdelay $0x3  }
0x148: {  	p2 =	sgt.u32 s29, $0x752F8  }
0x149: {  	s7 =	sand.u32 @!p2 $0x7FFF8, s29;
	v1 =	vmax.f32 v1, v2  }
0x14a: {  	s8 =	sadd.s32 $0x88, s3;
	[tilespmem:s3+$0xB8] =	vst v1;
	s3 =	sadd.s32 @!p2 s1, s7;
	s7 =	sand.u32 @!p2 $0x7, s29  }
0x14b: {  	[hbm4b:s3+s7] =	stream.linear.scatter @!p2 [tilespmem:s8], [sflag:$0xC], $0x40, $0x38;
	[tilespmem:$0x1EF88] =	vst v63  }
0x14c: {  	s3 =	simm.s32 $0x0  }
0x14d: {  	s3 =	simm.s32 @!p2 $0x100  }
0x14e: {  	s2 =	sadd.s32 s3, s2  }
.LBB2_20:
0x14f: {  	s3 =	sadd.s32 $0x1, s26  }
0x150: {  	s7 =	smulhi.u32 $0xCCCCCCCD, s3;
	_ =	sdelay $0x1  }
0x151: {  	v1 =	vld [tilespmem:s30+$0xFFFFFFE0];
	s7 =	sshrl.u32 s7, $0x8  }
0x152: {  	s7 =	smul.u32 $0x140, s7;
	_ =	sdelay $0x1  }
0x153: {  	s26 =	ssub.s32 s3, s7  }
0x154: {  	s3 =	sshll.u32 s26, $0x6  }
0x155: {  	[tilespmem:s3+$0x88] =	vst v1  }
0x156: {  	v1 =	vld [tilespmem:s30+$0xFFFFFFF0];
	_ =	sdelay $0x4  }
0x157: {  	[tilespmem:s3+$0x98] =	vst v1  }
0x158: {  	v1 =	vld [tilespmem:s30+$0x0];
	_ =	sdelay $0x4  }
0x159: {  	[tilespmem:s3+$0xA8] =	vst v1  }
0x15a: {  	v1 =	vld [tilespmem:s30+$0x10]  }
.Ltmp17:
0x15b: {  	_ = 	snop;
	(pc) =	sbr.rel .LBB2_21-.Ltmp17, $2  }
0x15c: {  	_ =	sdelay $0x2  }
0x15d: {  	s0 =	sadd.s32 $0x1, s0;
	[tilespmem:s3+$0xB8] =	vst v1  }
.LBB2_23:
.Ltmp18:
0x15e: {  	(pc) =	sbr.rel .LBB2_24-.Ltmp18, $4  }
0x15f: {  	_ = 	snop  }
0x160: {  	s0 =	simm.s32 $0x2  }
0x161: {  	_ =	swait.ge [sflag:s0], $0x0  }
0x162: {  	s5 =	smov.u32 s29;
	[sflag:s0] =	ssyncset.done $0x0;
	s0 =	simm.s32 $0x0  }
.LBB2_26:
0x163: {  	_ =	sfence.sel $0x180000  }
0x164: {  	s0 =	simm.s32 $0x9;
	[bflag:$0x0] =	sbarrier.arrive $0xFFFF  }
0x165: {  	s24 =	simm.s32 $0xA;
	[sflag:s0] =	ssyncpa.u1 $0x1  }
0x166: {  	s25 =	simm.s32 $0xB;
	[sflag:s24] =	ssyncpa.u1 $0x1  }
0x167: {  	s26 =	simm.s32 $0x2;
	[sflag:s25] =	ssyncpa.u1 $0x1  }
0x168: {  	[sflag:s26] =	ssyncpa.u1 $0x1  }
0x169: {  	v0 =	vld [tilespmem:$0xA108];
	_ =	sdelay $0x4  }
0x16a: {  	(v2sf) =	vpush v0, $0x0  }
0x16b: {  	(v2sf) =	vpush v0, $0x1;
	_ =	sdelay $0x1  }
0x16c: {  	(v2sf) =	vpush v0, $0x2;
	_ =	sdelay $0xb  }
0x16d: {  	s0 =	spop (v2sf)  }
0x16e: {  	s2 =	spop (v2sf)  }
0x16f: {  	s3 =	smov.u32 s0;
	p0 =	sne.s32 s0, s2  }
0x170: {  	s4 =	spop (v2sf);
	s3 =	simm.s32 @!p0 $0xFFFFFFFF  }
0x171: {  	v2 =	vimm.s32 $0x1;
	v3 =	vlaneseq.u32;
	p0 =	seq.s32 s4, $0xFFFFFFFF;
	v1 =	vmov s3  }
0x172: {  	s14 =	stileid.u32;
	v0 =	vperm.xlane v0, v2;
	p1 =	sne.s32 @!p0 s0, s2;
	v1 =	vperm.xlane v1, v3  }
0x173: {  	vm0 =	vcmask $0x3F04;
	s6 =	simm.s32 $0xA108;
	s0 =	simm.s32 @!p0 $0x1;
	p1 =	por !p1, p0  }
0x174: {  	s3 =	sshll.u32 s14, $0x1;
	s2 =	sshll.u32 @!p0 s4, $0x8;
	s0 =	simm.s32 @p1 $0x0;
	v0 =	vsel vm0, v1, v0  }
0x175: {  	s5 =	sor.u32 $0x800, s3;
	s2 =	sshra.s32 @!p0 s2, $0x2;
	s0 =	sor.u32 @!p0 s0, s3;
	[tilespmem:$0xA108] =	vst v0  }
0x176: {  	[spmem:s5] =	stream.linear.scatter [tilespmem:s6], [sflag:$0x1], $0x2, $0x38;
	[tilespmem:$0x1EF88] =	vst v63  }
0x177: {  	s2 =	sadd.s32 @!p0 $0x88, s2;
	s0 =	sshll.u32 @!p0 s0, $0x6  }
0x178: {  	[spmem:s0] =	stream.linear.scatter @!p0 [tilespmem:s2], [sflag:$0x1], $0x40, $0x38;
	[tilespmem:$0x1EF88] =	vst v63  }
0x179: {  	s0 =	simm.s32 @!p0 $0x42  }
0x17a: {  	s28 =	simm.s32 $0x1;
	s0 =	simm.s32 @p0 $0x2  }
0x17b: {  	_ =	swait.ge [sflag:s28], s0  }
0x17c: {  	s0 =	ssub.s32 $0x0, s0;
	[sflag:s28] =	ssyncset.done $0x0  }
0x17d: {  	p0 =	sne.s32 s14, $0x0;
	[sflag:s28] =	ssyncadd.s32 s0  }
.Ltmp19:
0x17e: {  	_ =	sfence.stream.spmem;
	(pc) =	sbr.rel @p0 .LBB2_43-.Ltmp19, $4  }
0x17f: {  	s29 =	simm.s32 $0x3;
	[bflag:$0x0] =	sbarrier.arrive $0xFFFF  }
0x180: {  	s30 =	simm.s32 $0x4;
	[sflag:s29] =	ssyncpa.u1 $0x1  }
0x181: {  	s31 =	simm.s32 $0x3C;
	[sflag:s30] =	ssyncpa.u1 $0x1  }
0x182: {  	s13 =	rddreg [dreg:$0x7];
	[sflag:s31] =	ssyncpa.u1 $0x1  }
0x183: {  	_ =	sfence.stream.spmem;
	s0 =	simm.s32 $0x5  }
0x184: {  	s2 =	simm.s32 $0x800;
	s3 =	simm.s32 $0xA118;
	[sflag:s0] =	ssyncpa.u1 $0x0  }
0x185: {  	[tilespmem:s3], [sflag:$0x5] =	stream.linear.gather [spmem:s2], $0x20, $0x38;
	[tilespmem:$0x1EF88] =	vst v63  }
0x186: {  	s26 =	simm.s32 $0x0;
	s28 =	simm.s32 $0xA138  }
0x187: {  	[tilespmem:s28], [sflag:$0x5] =	stream.linear.gather [spmem:s26], $0x800, $0x38;
	[tilespmem:$0x1EF88] =	vst v63  }
0x188: {  	_ =	swait.ge [sflag:s0], $0x820  }
0x189: {  	[sflag:s0] =	ssyncset.done $0x0  }
0x18a: {  	s29 =	simm.s32 $0x0;
	[sflag:s0] =	ssyncadd.s32 $0xFFFFF7E0  }
0x18b: {  	v0 =	vld.msk [tilespmem:s29+$0xA118], $0x1;
	_ =	sdelay $0x1  }
0x18c: {  	s30 =	simm.s32 $0x1  }
0x18d: {  	v1 =	vld.msk [tilespmem:s30+$0xA118], $0x1;
	_ =	sdelay $0x1  }
0x18e: {  	(v2sf) =	vpush v0, $0x0;
	_ =	sdelay $0x2  }
0x18f: {  	(v2sf) =	vpush v1, $0x0;
	_ =	sdelay $0x2  }
0x190: {  	s31 =	simm.s32 $0x2  }
0x191: {  	v0 =	vld.msk [tilespmem:s31+$0xA118], $0x1;
	_ =	sdelay $0x2  }
0x192: {  	s2 =	simm.s32 $0xFFFFFFFF;
	s3 =	simm.s32 $0xFFFFFFFF;
	s0 =	simm.s32 $0xC  }
.LBB2_28:
0x193: {  	s4 =	smov.u32 s3;
	s5 =	smov.u32 s2  }
0x194: {  	s2 =	sshra.s32 s0, $0x2;
	p1 =	sne.s32 s0, $0x7C;
	s0 =	sadd.s32 $0x4, s0;
	(v2sf) =	vpush v0, $0x0  }
0x195: {  	v0 =	vld.msk [tilespmem:s2+$0xA118], $0x1  }
.Ltmp20:
0x196: {  	(pc) =	sbr.rel @p1 .LBB2_28-.Ltmp20, $4  }
0x197: {  	s3 =	spop (v2sf)  }
0x198: {  	p2 =	sne.s32 s5, $0xFFFFFFFF;
	s2 =	smov.u32 s3  }
0x199: {  	p3 =	seq.s32 s3, $0xFFFFFFFF;
	s2 =	smov.u32 @p2 s5  }
0x19a: {  	s3 =	smov.u32 @p3 s4;
	s2 =	smov.u32 @p3 s5  }
0x19b: {  	(v2sf) =	vpush v0, $0x0;
	_ =	sdelay $0x8  }
0x19c: {  	s0 =	spop (v2sf)  }
0x19d: {  	p1 =	sne.s32 s2, $0xFFFFFFFF;
	s4 =	smov.u32 s0  }
0x19e: {  	s6 =	simm.s32 $0x0;
	p2 =	seq.s32 s0, $0xFFFFFFFF;
	s4 =	smov.u32 @p1 s2  }
0x19f: {  	s9 =	simm.s32 $0xA0C8;
	s4 =	smov.u32 @p2 s2;
	s2 =	spop (v2sf)  }
0x1a0: {  	s0 =	smov.u32 @p2 s3;
	p1 =	sne.s32 s4, $0xFFFFFFFF;
	s5 =	smov.u32 s2  }
.Ltmp21:
0x1a1: {  	p2 =	seq.s32 s2, $0xFFFFFFFF;
	s5 =	smov.u32 @p1 s4;
	(pc) =	sbr.rel .LBB2_30-.Ltmp21, $4  }
0x1a2: {  	s10 =	simm.s32 $0x0;
	s5 =	smov.u32 @p2 s4;
	s7 =	spop (v2sf)  }
0x1a3: {  	s2 =	smov.u32 @p2 s0;
	p1 =	sne.s32 s5, $0xFFFFFFFF;
	s8 =	smov.u32 s7  }
0x1a4: {  	s0 =	simm.s32 $0x6;
	p2 =	seq.s32 s7, $0xFFFFFFFF;
	s8 =	smov.u32 @p1 s5  }
0x1a5: {  	[sflag:s0] =	ssyncpa.u1 $0x0;
	s7 =	smov.u32 @p2 s2;
	s8 =	smov.u32 @p2 s5  }
.LBB2_36:
0x1a6: {  	p1 =	sgt.u32 s2, $0x752F8  }
0x1a7: {  	p2 =	seq.s32 @!p1 s2, s8  }
0x1a8: {  	p1 =	por p1, p2  }
0x1a9: {  	p2 =	sne.s32 @!p1 s2, s7  }
0x1aa: {  	p1 =	por p1, !p2  }
0x1ab: {  	s2 =	sshll.u32 @p1 s10, $0x8  }
0x1ac: {  	s3 =	sand.u32 @!p1 $0x7FFF8, s2  }
0x1ad: {  	s2 =	sand.u32 @!p1 $0x7, s2;
	s3 =	sadd.s32 @!p1 s1, s3  }
0x1ae: {  	[tilespmem:s9], [sflag:$0x6] =	stream.linear.gather @!p1 [hbm4b:s3+s2], $0x40, $0x38;
	[tilespmem:$0x1EF88] =	vst v63  }
0x1af: {  	_ =	swait.ge @!p1 [sflag:s0], $0x40  }
0x1b0: {  	[sflag:s0] =	ssyncset.done @!p1 $0x0  }
0x1b1: {  	s2 =	sshll.u32 @!p1 s10, $0x8;
	[sflag:s0] =	ssyncadd.s32 @!p1 $0xFFFFFFC0  }
0x1b2: {  	s3 =	sshrl.u32 @!p1 s2, $0x2;
	v1 =	vld @!p1 [tilespmem:$0xA0C8]  }
0x1b3: {  	v2 =	vld @!p1 [tilespmem:s3+$0xA138];
	_ =	sdelay $0x4  }
0x1b4: {  	v1 =	vmax.f32 @!p1 v1, v2  }
0x1b5: {  	v2 =	vld @!p1 [tilespmem:s3+$0xA148];
	[tilespmem:s3+$0xA138] =	vst @!p1 v1  }
0x1b6: {  	v1 =	vld @!p1 [tilespmem:$0xA0D8];
	_ =	sdelay $0x4  }
0x1b7: {  	v1 =	vmax.f32 @!p1 v1, v2  }
0x1b8: {  	v2 =	vld @!p1 [tilespmem:s3+$0xA158];
	[tilespmem:s3+$0xA148] =	vst @!p1 v1  }
0x1b9: {  	v1 =	vld @!p1 [tilespmem:$0xA0E8];
	_ =	sdelay $0x4  }
0x1ba: {  	v1 =	vmax.f32 @!p1 v1, v2  }
0x1bb: {  	v2 =	vld @!p1 [tilespmem:s3+$0xA168];
	[tilespmem:s3+$0xA158] =	vst @!p1 v1  }
0x1bc: {  	v1 =	vld @!p1 [tilespmem:$0xA0F8];
	_ =	sdelay $0x4  }
0x1bd: {  	v1 =	vmax.f32 @!p1 v1, v2  }
0x1be: {  	[tilespmem:s3+$0xA168] =	vst @!p1 v1  }
0x1bf: {  	s2 =	sshrl.u32 s2, $0x2;
	[tilespmem:s6+$0xA118] =	vst.msk $0x1, v0  }
0x1c0: {  	v0 =	vld [tilespmem:s2+$0xA138];
	_ =	sdelay $0x2  }
0x1c1: {  	s31 =	sshll.u32 s6, $0x8  }
0x1c2: {  	s3 =	sshra.s32 s31, $0x2  }
0x1c3: {  	[tilespmem:s3+$0xA138] =	vst v0  }
0x1c4: {  	v0 =	vld [tilespmem:s2+$0xA148];
	_ =	sdelay $0x4  }
0x1c5: {  	[tilespmem:s3+$0xA148] =	vst v0  }
0x1c6: {  	v0 =	vld [tilespmem:s2+$0xA158];
	_ =	sdelay $0x4  }
0x1c7: {  	[tilespmem:s3+$0xA158] =	vst v0  }
0x1c8: {  	v0 =	vld [tilespmem:s2+$0xA168];
	_ =	sdelay $0x4  }
0x1c9: {  	s6 =	sadd.s32 $0x1, s6;
	[tilespmem:s3+$0xA168] =	vst v0  }
.LBB2_37:
0x1ca: {  	s10 =	sadd.s32 $0x1, s10  }
0x1cb: {  	p1 =	sne.s32 s10, $0x20  }
.Ltmp22:
0x1cc: {  	_ = 	snop;
	(pc) =	sbr.rel @!p1 .LBB2_38-.Ltmp22, $1  }
0x1cd: {  	_ =	sdelay $0x3  }
.LBB2_30:
0x1ce: {  	v0 =	vld.msk [tilespmem:s10+$0xA118], $0x1;
	_ =	sdelay $0x4  }
0x1cf: {  	(v2sf) =	vpush v0, $0x0;
	_ =	sdelay $0xe  }
0x1d0: {  	s2 =	spop (v2sf)  }
0x1d1: {  	p1 =	seq.s32 s2, $0xFFFFFFFF  }
.Ltmp23:
0x1d2: {  	_ = 	snop;
	(pc) =	sbr.rel @p1 .LBB2_37-.Ltmp23, $1  }
0x1d3: {  	_ =	sdelay $0x3  }
0x1d4: {  	p1 =	slt.s32 s6, $0x1  }
.Ltmp24:
0x1d5: {  	_ = 	snop;
	(pc) =	sbr.rel @p1 .LBB2_36-.Ltmp24, $1  }
0x1d6: {  	_ =	sdelay $0x3  }
0x1d7: {  	s3 =	simm.s32 $0xA118;
	p1 =	por $0x0, $0x0  }
0x1d8: {  	v1 =	vld.msk @!p1 [tilespmem:s3+$0x0], $0x1;
	_ =	sdelay $0x4  }
0x1d9: {  	(v2sf) =	vpush @!p1 v1, $0x0;
	_ =	sdelay $0xd  }
0x1da: {  	p3 =	sne.s32 s6, $0x1  }
.Ltmp25:
0x1db: {  	s4 =	spop @!p1 (v2sf);
	(pc) =	sbr.rel @!p3 .LBB2_34-.Ltmp25, $4  }
0x1dc: {  	p2 =	seq.s32 @!p1 s2, s4  }
0x1dd: {  	s4 =	simm.s32 $0x0;
	p2 =	por !p2, p1  }
0x1de: {  	s11 =	simm.s32 $0xFFFFFFFF;
	s4 =	simm.s32 @p2 $0xFFFFFFFF  }
0x1df: {  	s5 =	simm.s32 $0x1;
	s4 =	smov.u32 @p1 s11  }
.LBB2_33:
0x1e0: {  	s11 =	smov.u32 s4;
	p1 =	sne.s32 s4, $0xFFFFFFFF  }
0x1e1: {  	s3 =	sadd.s32 $0x1, s3;
	s4 =	smov.u32 s5;
	s5 =	sadd.s32 $0x1, s5  }
0x1e2: {  	p2 =	sne.s32 s6, s5;
	v1 =	vld.msk @!p1 [tilespmem:s3+$0x0], $0x1;
	_ =	sdelay $0x4  }
0x1e3: {  	(v2sf) =	vpush @!p1 v1, $0x0;
	_ =	sdelay $0xe  }
.Ltmp26:
0x1e4: {  	s12 =	spop @!p1 (v2sf);
	(pc) =	sbr.rel @p2 .LBB2_33-.Ltmp26, $4  }
0x1e5: {  	p3 =	seq.s32 @!p1 s2, s12  }
0x1e6: {  	p3 =	por !p3, p1  }
0x1e7: {  	s4 =	simm.s32 @p3 $0xFFFFFFFF  }
0x1e8: {  	s4 =	smov.u32 @p1 s11  }
.LBB2_34:
0x1e9: {  	p1 =	seq.s32 s4, $0xFFFFFFFF  }
.Ltmp27:
0x1ea: {  	_ = 	snop;
	(pc) =	sbr.rel @p1 .LBB2_36-.Ltmp27, $1  }
0x1eb: {  	_ =	sdelay $0x3  }
0x1ec: {  	s2 =	sshll.u32 s10, $0x6  }
0x1ed: {  	s3 =	sshll.u32 s4, $0x8;
	s2 =	sand.u32 $0x3FFFFFC0, s2  }
0x1ee: {  	s3 =	sshra.s32 s3, $0x2;
	v0 =	vld [tilespmem:s2+$0xA138]  }
0x1ef: {  	v1 =	vld [tilespmem:s3+$0xA138];
	_ =	sdelay $0x4  }
0x1f0: {  	v0 =	vmax.f32 v0, v1  }
0x1f1: {  	v61 =	vld [tilespmem:s3+$0xA148];
	[tilespmem:s3+$0xA138] =	vst v0  }
0x1f2: {  	v0 =	vld [tilespmem:s2+$0xA148];
	_ =	sdelay $0x4  }
0x1f3: {  	v0 =	vmax.f32 v0, v61  }
0x1f4: {  	v62 =	vld [tilespmem:s3+$0xA158];
	[tilespmem:s3+$0xA148] =	vst v0  }
0x1f5: {  	v0 =	vld [tilespmem:s2+$0xA158];
	_ =	sdelay $0x4  }
0x1f6: {  	v0 =	vmax.f32 v0, v62  }
0x1f7: {  	v63 =	vld [tilespmem:s3+$0xA168];
	[tilespmem:s3+$0xA158] =	vst v0  }
0x1f8: {  	v0 =	vld [tilespmem:s2+$0xA168];
	_ =	sdelay $0x1  }
.Ltmp28:
0x1f9: {  	_ = 	snop;
	(pc) =	sbr.rel .LBB2_37-.Ltmp28, $3  }
0x1fa: {  	_ =	sdelay $0x1  }
0x1fb: {  	v0 =	vmax.f32 v0, v63  }
0x1fc: {  	[tilespmem:s3+$0xA168] =	vst v0  }
.LBB2_38:
0x1fd: {  	s0 =	simm.s32 $0x6;
	p1 =	seq.s32 s6, $0x0  }
0x1fe: {  	[sflag:s0] =	ssyncpa.u1 $0x1;
	v0 =	vimm.s32 @p1 $0xFFFFFFFF  }
0x1ff: {  	s0 =	sadd.s32 $0xFFFFFFFF, s6;
	[tilespmem:$0xA938] =	vst @p1 v0  }
0x200: {  	v0 =	vld.msk @!p1 [tilespmem:s0+$0xA118], $0x1;
	_ =	sdelay $0x1  }
0x201: {  	v1 =	vld.msk @!p1 [tilespmem:$0xA118], $0x1;
	_ =	sdelay $0x2  }
0x202: {  	p2 =	seq.s32 @!p1 s0, $0x0;
	v0 =	vbroadcast @!p1 v0, $0x0  }
0x203: {  	vm0 =	vmmov @!p1 $0x1;
	p2 =	por !p2, p1  }
0x204: {  	v1 =	vnsel @!p1 vm0, $0xFFFFFFFF, v1;
	vm0 =	vcmask @!p1 $0x308;
	v0 =	vpsel !p2, $0xFFFFFFFF, v0  }
0x205: {  	p2 =	sne.s32 @!p1 s8, s7;
	v0 =	vsel @!p1 vm0, v1, v0  }
0x206: {  	s2 =	simm.s32 @!p1 $0xA138;
	s3 =	simm.s32 @!p1 $0x0;
	p3 =	por !p2, p1;
	[tilespmem:$0xA938] =	vst @!p1 v0  }
0x207: {  	[spmem:s3] =	stream.linear.scatter @!p1 [tilespmem:s2], [sflag:$0x1], $0x40, $0x38;
	[tilespmem:$0x1EF88] =	vst v63  }
0x208: {  	s2 =	sshll.u32 @!p3 s0, $0x8  }
0x209: {  	s2 =	sshra.s32 @!p3 s2, $0x2  }
0x20a: {  	s3 =	simm.s32 @!p3 $0x40;
	s2 =	sadd.s32 @!p3 $0xA138, s2  }
0x20b: {  	[spmem:s3] =	stream.linear.scatter @!p3 [tilespmem:s2], [sflag:$0x1], $0x40, $0x38;
	[tilespmem:$0x1EF88] =	vst v63  }
0x20c: {  	s2 =	simm.s32 @!p3 $0x1  }
0x20d: {  	_ =	swait.ge @!p3 [sflag:s2], $0x80  }
0x20e: {  	p1 =	por p2, p1;
	[sflag:s2] =	ssyncset.done @!p3 $0x0  }
0x20f: {  	[sflag:s2] =	ssyncadd.s32 @!p3 $0xFFFFFF80;
	s2 =	simm.s32 @!p1 $0x1  }
0x210: {  	_ =	swait.ge @!p1 [sflag:s2], $0x40  }
0x211: {  	s29 =	simm.s32 $0xA938;
	[sflag:s2] =	ssyncset.done @!p1 $0x0  }
0x212: {  	s30 =	simm.s32 $0x800;
	s31 =	simm.s32 $0x1;
	[sflag:s2] =	ssyncadd.s32 @!p1 $0xFFFFFFC0  }
0x213: {  	[spmem:s30] =	stream.linear.scatter [tilespmem:s29], [sflag:$0x1], $0x10, $0x38;
	[tilespmem:$0x1EF88] =	vst v63  }
0x214: {  	_ =	swait.ge [sflag:s31], $0x10  }
0x215: {  	[sflag:s31] =	ssyncset.done $0x0  }
0x216: {  	p1 =	seq.s32 s13, $0x0;
	s9 =	rddreg [dreg:$0x4];
	[sflag:s31] =	ssyncadd.s32 $0xFFFFFFF0  }
0x217: {  	s3 =	sshll.u32 @p1 s9, $0xE;
	s8 =	rddreg [dreg:$0x5]  }
0x218: {  	s2 =	sadd.s32 @p1 $0x15C3C, s3;
	s3 =	sshll.u32 @p1 s8, $0x11  }
0x219: {  	_ =	sfence.stream.spmem;
	s2 =	sor.u32 @p1 s3, s2  }
0x21a: {  	[sflag:s2] =	ssyncadd.remote.s32 @p1 $0x1;
	s2 =	simm.s32 @p1 $0x4  }
0x21b: {  	s4 =	simm.s32 @!p1 $0x3C;
	s3 =	sand.u32 $0xFFFFFFFE, s9;
	_ =	swait.ge @p1 [sflag:s2], $0x12  }
0x21c: {  	s5 =	simm.s32 @!p1 $0x0;
	s3 =	sadd.s32 @!p1 $0x4, s3;
	[sflag:s2] =	ssyncset.done @p1 $0x0  }
0x21d: {  	s7 =	simm.s32 @!p1 $0x80;
	[sflag:s2] =	ssyncadd.s32 @p1 $0xFFFFFFEE;
	s2 =	sshll.u32 @!p1 s3, $0x1A  }
0x21e: {  	s3 =	sshll.u32 @!p1 s3, $0xD;
	s2 =	sor.u32 @!p1 s2, s8;
	_ =	swait.eq @!p1 [sflag:s4], $0x1  }
0x21f: {  	s3 =	sor.u32 @!p1 $0x1C04, s3;
	s4 =	simm.s32 @!p1 $0x1C03;
	s2 =	sor.u32 @!p1 $0x80004000, s2  }
0x220: {  	[spmem:s7], [sflag:s3] =	dma.general @!p1 [spmem:s5], [sflag:s4], length:$0x10, [dreg:$0x0], stride_count:$0x0, ici_dest:s2, dma_misc:DstOpCode:WRITE  }
0x221: {  	p2 =	slt.s32 s0, $0x2;
	s5 =	simm.s32 @!p1 $0x100;
	s7 =	simm.s32 @!p1 $0x102  }
0x222: {  	[spmem:s7], [sflag:s3] =	dma.general @!p1 [spmem:s5], [sflag:s4], length:$0x2, [dreg:$0x0], stride_count:$0x0, ici_dest:s2, dma_misc:DstOpCode:WRITE  }
.Ltmp29:
0x223: {  	s2 =	simm.s32 @!p1 $0x3;
	(pc) =	sbr.rel @p2 .LBB2_42-.Ltmp29, $4  }
0x224: {  	s3 =	sshll.u32 @!p1 s9, $0xE;
	_ =	swait.ge @!p1 [sflag:s2], $0x12  }
0x225: {  	s4 =	sshll.u32 @!p1 s8, $0x11;
	s3 =	sadd.s32 @!p1 $0x11C3C, s3;
	[sflag:s2] =	ssyncset.done @!p1 $0x0  }
0x226: {  	[sflag:s2] =	ssyncadd.s32 @!p1 $0xFFFFFFEE;
	s2 =	sor.u32 @!p1 s4, s3  }
0x227: {  	s0 =	simm.s32 $0x0;
	[sflag:s2] =	ssyncadd.remote.s32 @!p1 $0xFFFFFFFF  }
0x228: {  	s0 =	simm.s32 $0xA119  }
0x229: {  	v0 =	vld.msk [tilespmem:s0+$0x0], $0x1;
	_ =	sdelay $0x4  }
0x22a: {  	(v2sf) =	vpush v0, $0x0;
	_ =	sdelay $0xc  }
0x22b: {  	s2 =	sadd.s32 $0xFFFFFFFE, s6  }
0x22c: {  	s2 =	sadd.s32 $0xFFFFFFFF, s2  }
0x22d: {  	p2 =	sne.s32 s2, $0x0;
	s3 =	spop (v2sf)  }
.Ltmp30:
0x22e: {  	p1 =	sgt.u32 s3, $0x752F8;
	(pc) =	sbr.rel @!p2 .LBB2_41-.Ltmp30, $4  }
0x22f: {  	s5 =	simm.s32 $0x0;
	s4 =	sand.u32 @!p1 $0x7FFF8, s3  }
0x230: {  	s0 =	simm.s32 $0xA178;
	s3 =	sand.u32 @!p1 $0x7, s3;
	s4 =	sadd.s32 @!p1 s1, s4  }
0x231: {  	[hbm4b:s4+s3] =	stream.linear.scatter @!p1 [tilespmem:s0], [sflag:$0x5], $0x40, $0x38;
	[tilespmem:$0x1EF88] =	vst v63  }
0x232: {  	s5 =	simm.s32 @!p1 $0x100;
	s3 =	simm.s32 $0x0;
	s4 =	simm.s32 $0xA11A  }
.LBB2_40:
0x233: {  	v0 =	vld.msk [tilespmem:s4+$0x0], $0x1;
	s2 =	sadd.s32 $0xFFFFFFFF, s2;
	s3 =	sadd.s32 s3, s5  }
0x234: {  	p1 =	sne.s32 s2, $0x0;
	_ =	sdelay $0x3  }
0x235: {  	(v2sf) =	vpush v0, $0x0;
	_ =	sdelay $0xe  }
.Ltmp31:
0x236: {  	s6 =	spop (v2sf);
	(pc) =	sbr.rel @p1 .LBB2_40-.Ltmp31, $4  }
0x237: {  	s5 =	simm.s32 $0x0;
	p2 =	sgt.u32 s6, $0x752F8  }
0x238: {  	s0 =	sadd.s32 $0x40, s0;
	s5 =	simm.s32 @!p2 $0x100;
	s7 =	sand.u32 @!p2 $0x7FFF8, s6  }
0x239: {  	s4 =	sadd.s32 $0x1, s4;
	s6 =	sand.u32 @!p2 $0x7, s6;
	s7 =	sadd.s32 @!p2 s1, s7  }
0x23a: {  	[hbm4b:s7+s6] =	stream.linear.scatter @!p2 [tilespmem:s0], [sflag:$0x5], $0x40, $0x38;
	[tilespmem:$0x1EF88] =	vst v63  }
.LBB2_41:
0x23b: {  	s0 =	sadd.s32 s3, s5  }
0x23c: {  	s0 =	sshrl.u32 s0, $0x2  }
.LBB2_42:
0x23d: {  	s2 =	simm.s32 $0x5  }
0x23e: {  	_ =	swait.ge [sflag:s2], s0  }
0x23f: {  	s31 =	ssub.s32 $0x0, s0;
	[sflag:s2] =	ssyncset.done $0x0  }
0x240: {  	[sflag:s2] =	ssyncadd.s32 s31  }
0x241: {  	[sflag:s2] =	ssyncpa.u1 $0x1  }
.LBB2_43:
0x242: {  	s0 =	sor.u32 s13, s14  }
0x243: {  	p1 =	sne.s32 s0, $0x0  }
.Ltmp32:
0x244: {  	_ = 	snop;
	(pc) =	sbr.rel @p1 .LBB2_58-.Ltmp32, $3  }
0x245: {  	_ =	sdelay $0x1  }
0x246: {  	[bflag:$0x0] =	sbarrier.arrive $0xFFFF  }
0x247: {  	_ =	sfence  }
0x248: {  	s2 =	simm.s32 $0x7  }
0x249: {  	s0 =	simm.s32 $0x800;
	s3 =	simm.s32 $0xA118;
	[sflag:s2] =	ssyncpa.u1 $0x0  }
0x24a: {  	[tilespmem:s3], [sflag:$0x7] =	stream.linear.gather [spmem:s0], $0x20, $0x38;
	[tilespmem:$0x1EF88] =	vst v63  }
0x24b: {  	s30 =	simm.s32 $0xA138;
	s0 =	simm.s32 $0x0  }
0x24c: {  	[tilespmem:s30], [sflag:$0x7] =	stream.linear.gather [spmem:s0], $0x800, $0x38;
	[tilespmem:$0x1EF88] =	vst v63  }
.Ltmp33:
0x24d: {  	_ = 	snop;
	(pc) =	sbr.rel .LBB2_45-.Ltmp33, $4  }
0x24e: {  	_ =	swait.ge [sflag:s2], $0x820  }
0x24f: {  	[sflag:s2] =	ssyncset.done $0x0  }
0x250: {  	s31 =	simm.s32 $0x8;
	[sflag:s2] =	ssyncadd.s32 $0xFFFFF7E0  }
0x251: {  	s2 =	simm.s32 $0x0;
	[sflag:s31] =	ssyncpa.u1 $0x0  }
.LBB2_51:
0x252: {  	p1 =	slt.u32 s3, $0x752F9  }
0x253: {  	s4 =	sand.u32 @p1 $0x7FFF8, s3  }
0x254: {  	s3 =	sand.u32 @p1 $0x7, s3;
	s5 =	simm.s32 @p1 $0xA0C8;
	s4 =	sadd.s32 @p1 s1, s4  }
0x255: {  	[tilespmem:s5], [sflag:$0x8] =	stream.linear.gather @p1 [hbm4b:s4+s3], $0x40, $0x38;
	[tilespmem:$0x1EF88] =	vst v63  }
0x256: {  	s3 =	simm.s32 @p1 $0x8  }
0x257: {  	_ =	swait.ge @p1 [sflag:s3], $0x40  }
0x258: {  	[sflag:s3] =	ssyncset.done @p1 $0x0  }
0x259: {  	[sflag:s3] =	ssyncadd.s32 @p1 $0xFFFFFFC0;
	s3 =	sshll.u32 @p1 s2, $0x8  }
0x25a: {  	s4 =	sshrl.u32 @p1 s3, $0x2;
	v1 =	vld @p1 [tilespmem:$0xA0C8]  }
0x25b: {  	v2 =	vld @p1 [tilespmem:s4+$0xA138];
	_ =	sdelay $0x4  }
0x25c: {  	v1 =	vmax.f32 @p1 v1, v2  }
0x25d: {  	v2 =	vld @p1 [tilespmem:s4+$0xA148];
	[tilespmem:s4+$0xA138] =	vst @p1 v1  }
0x25e: {  	v1 =	vld @p1 [tilespmem:$0xA0D8];
	_ =	sdelay $0x4  }
0x25f: {  	v1 =	vmax.f32 @p1 v1, v2  }
0x260: {  	v2 =	vld @p1 [tilespmem:s4+$0xA158];
	[tilespmem:s4+$0xA148] =	vst @p1 v1  }
0x261: {  	v1 =	vld @p1 [tilespmem:$0xA0E8];
	_ =	sdelay $0x4  }
0x262: {  	v1 =	vmax.f32 @p1 v1, v2  }
0x263: {  	v2 =	vld @p1 [tilespmem:s4+$0xA168];
	[tilespmem:s4+$0xA158] =	vst @p1 v1  }
0x264: {  	v1 =	vld @p1 [tilespmem:$0xA0F8];
	_ =	sdelay $0x4  }
0x265: {  	s5 =	sshll.u32 @!p1 s2, $0x8;
	v1 =	vmax.f32 @p1 v1, v2  }
0x266: {  	s5 =	smov.u32 @p1 s3;
	[tilespmem:s4+$0xA168] =	vst @p1 v1  }
0x267: {  	s3 =	sshrl.u32 s5, $0x2;
	[tilespmem:s0+$0xA118] =	vst.msk $0x1, v0  }
0x268: {  	v0 =	vld [tilespmem:s3+$0xA138];
	_ =	sdelay $0x2  }
0x269: {  	s31 =	sshll.u32 s0, $0x8  }
0x26a: {  	s4 =	sshra.s32 s31, $0x2  }
0x26b: {  	[tilespmem:s4+$0xA138] =	vst v0  }
0x26c: {  	v0 =	vld [tilespmem:s3+$0xA148];
	_ =	sdelay $0x4  }
0x26d: {  	[tilespmem:s4+$0xA148] =	vst v0  }
0x26e: {  	v0 =	vld [tilespmem:s3+$0xA158];
	_ =	sdelay $0x4  }
0x26f: {  	[tilespmem:s4+$0xA158] =	vst v0  }
0x270: {  	v0 =	vld [tilespmem:s3+$0xA168];
	_ =	sdelay $0x4  }
0x271: {  	s0 =	sadd.s32 $0x1, s0;
	[tilespmem:s4+$0xA168] =	vst v0  }
.LBB2_52:
0x272: {  	s2 =	sadd.s32 $0x1, s2  }
0x273: {  	p1 =	sne.s32 s2, $0x20  }
.Ltmp34:
0x274: {  	_ = 	snop;
	(pc) =	sbr.rel @!p1 .LBB2_53-.Ltmp34, $1  }
0x275: {  	_ =	sdelay $0x3  }
.LBB2_45:
0x276: {  	v0 =	vld.msk [tilespmem:s2+$0xA118], $0x1;
	_ =	sdelay $0x4  }
0x277: {  	(v2sf) =	vpush v0, $0x0;
	_ =	sdelay $0xe  }
0x278: {  	s3 =	spop (v2sf)  }
0x279: {  	p1 =	seq.s32 s3, $0xFFFFFFFF  }
.Ltmp35:
0x27a: {  	_ = 	snop;
	(pc) =	sbr.rel @p1 .LBB2_52-.Ltmp35, $1  }
0x27b: {  	_ =	sdelay $0x3  }
0x27c: {  	p1 =	slt.s32 s0, $0x1  }
.Ltmp36:
0x27d: {  	_ = 	snop;
	(pc) =	sbr.rel @p1 .LBB2_51-.Ltmp36, $1  }
0x27e: {  	_ =	sdelay $0x3  }
0x27f: {  	s4 =	simm.s32 $0xA118;
	p1 =	por $0x0, $0x0  }
0x280: {  	v1 =	vld.msk @!p1 [tilespmem:s4+$0x0], $0x1;
	_ =	sdelay $0x4  }
0x281: {  	(v2sf) =	vpush @!p1 v1, $0x0;
	_ =	sdelay $0xd  }
0x282: {  	p3 =	sne.s32 s0, $0x1  }
.Ltmp37:
0x283: {  	s5 =	spop @!p1 (v2sf);
	(pc) =	sbr.rel @!p3 .LBB2_49-.Ltmp37, $4  }
0x284: {  	p2 =	seq.s32 @!p1 s3, s5  }
0x285: {  	s5 =	simm.s32 $0x0;
	p2 =	por !p2, p1  }
0x286: {  	s7 =	simm.s32 $0xFFFFFFFF;
	s5 =	simm.s32 @p2 $0xFFFFFFFF  }
0x287: {  	s6 =	simm.s32 $0x1;
	s5 =	smov.u32 @p1 s7  }
.LBB2_48:
0x288: {  	s7 =	smov.u32 s5;
	p1 =	sne.s32 s5, $0xFFFFFFFF  }
0x289: {  	s4 =	sadd.s32 $0x1, s4;
	s5 =	smov.u32 s6;
	s6 =	sadd.s32 $0x1, s6  }
0x28a: {  	p2 =	sne.s32 s0, s6;
	v1 =	vld.msk @!p1 [tilespmem:s4+$0x0], $0x1;
	_ =	sdelay $0x4  }
0x28b: {  	(v2sf) =	vpush @!p1 v1, $0x0;
	_ =	sdelay $0xe  }
.Ltmp38:
0x28c: {  	s8 =	spop @!p1 (v2sf);
	(pc) =	sbr.rel @p2 .LBB2_48-.Ltmp38, $4  }
0x28d: {  	p3 =	seq.s32 @!p1 s3, s8  }
0x28e: {  	p3 =	por !p3, p1  }
0x28f: {  	s5 =	simm.s32 @p3 $0xFFFFFFFF  }
0x290: {  	s5 =	smov.u32 @p1 s7  }
.LBB2_49:
0x291: {  	p1 =	seq.s32 s5, $0xFFFFFFFF  }
.Ltmp39:
0x292: {  	_ = 	snop;
	(pc) =	sbr.rel @p1 .LBB2_51-.Ltmp39, $1  }
0x293: {  	_ =	sdelay $0x3  }
0x294: {  	s3 =	sshll.u32 s2, $0x6  }
0x295: {  	s4 =	sshll.u32 s5, $0x8;
	s3 =	sand.u32 $0x3FFFFFC0, s3  }
0x296: {  	s4 =	sshra.s32 s4, $0x2;
	v0 =	vld [tilespmem:s3+$0xA138]  }
0x297: {  	v1 =	vld [tilespmem:s4+$0xA138];
	_ =	sdelay $0x4  }
0x298: {  	v0 =	vmax.f32 v0, v1  }
0x299: {  	v61 =	vld [tilespmem:s4+$0xA148];
	[tilespmem:s4+$0xA138] =	vst v0  }
0x29a: {  	v0 =	vld [tilespmem:s3+$0xA148];
	_ =	sdelay $0x4  }
0x29b: {  	v0 =	vmax.f32 v0, v61  }
0x29c: {  	v62 =	vld [tilespmem:s4+$0xA158];
	[tilespmem:s4+$0xA148] =	vst v0  }
0x29d: {  	v0 =	vld [tilespmem:s3+$0xA158];
	_ =	sdelay $0x4  }
0x29e: {  	v0 =	vmax.f32 v0, v62  }
0x29f: {  	v63 =	vld [tilespmem:s4+$0xA168];
	[tilespmem:s4+$0xA158] =	vst v0  }
0x2a0: {  	v0 =	vld [tilespmem:s3+$0xA168];
	_ =	sdelay $0x1  }
.Ltmp40:
0x2a1: {  	_ = 	snop;
	(pc) =	sbr.rel .LBB2_52-.Ltmp40, $3  }
0x2a2: {  	_ =	sdelay $0x1  }
0x2a3: {  	v0 =	vmax.f32 v0, v63  }
0x2a4: {  	[tilespmem:s4+$0xA168] =	vst v0  }
.LBB2_53:
0x2a5: {  	p1 =	slt.s32 s0, $0x1  }
.Ltmp41:
0x2a6: {  	_ = 	snop;
	(pc) =	sbr.rel @p1 .LBB2_57-.Ltmp41, $3  }
0x2a7: {  	_ =	sdelay $0x1  }
0x2a8: {  	s2 =	simm.s32 $0x8  }
0x2a9: {  	[sflag:s2] =	ssyncpa.u1 $0x1;
	s2 =	simm.s32 $0x0  }
0x2aa: {  	s3 =	simm.s32 $0xA118  }
0x2ab: {  	v0 =	vld.msk [tilespmem:s3+$0x0], $0x1;
	_ =	sdelay $0x4  }
0x2ac: {  	(v2sf) =	vpush v0, $0x0;
	_ =	sdelay $0xe  }
0x2ad: {  	s0 =	sadd.s32 $0xFFFFFFFF, s0;
	s4 =	spop (v2sf)  }
0x2ae: {  	p2 =	sne.s32 s0, $0x0;
	p1 =	sgt.u32 s4, $0x752F8  }
.Ltmp42:
0x2af: {  	s5 =	sand.u32 @!p1 $0x7FFF8, s4;
	(pc) =	sbr.rel @!p2 .LBB2_56-.Ltmp42, $4  }
0x2b0: {  	s3 =	simm.s32 $0xA138;
	s4 =	sand.u32 @!p1 $0x7, s4;
	s5 =	sadd.s32 @!p1 s1, s5  }
0x2b1: {  	[hbm4b:s5+s4] =	stream.linear.scatter @!p1 [tilespmem:s3], [sflag:$0x7], $0x40, $0x38;
	[tilespmem:$0x1EF88] =	vst v63  }
0x2b2: {  	s5 =	simm.s32 $0x0  }
0x2b3: {  	s4 =	simm.s32 $0xA119;
	s5 =	simm.s32 @!p1 $0x100  }
.LBB2_55:
0x2b4: {  	v0 =	vld.msk [tilespmem:s4+$0x0], $0x1;
	s0 =	sadd.s32 $0xFFFFFFFF, s0;
	s2 =	sadd.s32 s2, s5  }
0x2b5: {  	p1 =	sne.s32 s0, $0x0;
	_ =	sdelay $0x3  }
0x2b6: {  	(v2sf) =	vpush v0, $0x0;
	_ =	sdelay $0xe  }
.Ltmp43:
0x2b7: {  	s6 =	spop (v2sf);
	(pc) =	sbr.rel @p1 .LBB2_55-.Ltmp43, $4  }
0x2b8: {  	s5 =	simm.s32 $0x0;
	p2 =	sgt.u32 s6, $0x752F8  }
0x2b9: {  	s3 =	sadd.s32 $0x40, s3;
	s5 =	simm.s32 @!p2 $0x100;
	s7 =	sand.u32 @!p2 $0x7FFF8, s6  }
0x2ba: {  	s4 =	sadd.s32 $0x1, s4;
	s6 =	sand.u32 @!p2 $0x7, s6;
	s7 =	sadd.s32 @!p2 s1, s7  }
0x2bb: {  	[hbm4b:s7+s6] =	stream.linear.scatter @!p2 [tilespmem:s3], [sflag:$0x7], $0x40, $0x38;
	[tilespmem:$0x1EF88] =	vst v63  }
.LBB2_56:
0x2bc: {  	s0 =	sadd.s32 s2, s5  }
0x2bd: {  	s2 =	sshrl.u32 s0, $0x2  }
.LBB2_57:
0x2be: {  	s0 =	simm.s32 $0x7  }
0x2bf: {  	_ =	swait.ge [sflag:s0], s2  }
0x2c0: {  	s1 =	ssub.s32 $0x0, s2;
	[sflag:s0] =	ssyncset.done $0x0  }
0x2c1: {  	[sflag:s0] =	ssyncadd.s32 s1  }
0x2c2: {  	[sflag:s0] =	ssyncpa.u1 $0x1  }
.LBB2_58:
0x2c3: {  	_ =	sfence;
	s0 =	simm.s32 $0x1  }
0x2c4: {  	[sflag:s0] =	ssyncpa.u1 $0x1  }
0x2c5: {  	_ =	strace $0x9000004D  }
0x2c6: {  	[bflag:$0x2] =	sbarrier.arrive $0xFFFF  }
0x2c7: {  	s0 =	rddreg [dreg:$0x6]  }
0x2c8: {  	s0 =	sadd.s32 @!p0 $0x100000, s0  }
0x2c9: {  	[sflag:s0] =	ssyncadd.tile.s32 @!p0 $0x1;
	_ =	shalt  }
.Lfunc_end2:
_tile_overlayer_lowered:
.L_overlay_start_2:
0x2ca: {  	(tag) =	ssettag $0x2  }
0x2cb: {  	s0 =	rddreg [dreg:$0x0];
	s2 =	stileid.u32  }
0x2cc: {  	s1 =	rddreg [dreg:$0x1];
	p0 =	sne.s32 s2, $0x0  }
0x2cd: {  	s3 =	rddreg [dreg:$0x2];
	[bflag:$0x3] =	sbarrier.arrive $0xFFFF;
	s2 =	simm.s32 @!p0 $0x1C01  }
0x2ce: {  	[timem:s3], [sflag:s2] =	dma.local @!p0 [hbm:s0], s1  }
0x2cf: {  	s0 =	simm.s32 @!p0 $0x1  }
0x2d0: {  	_ =	swait.ge @!p0 [sflag:s0], s1  }
0x2d1: {  	s1 =	ssub.s32 @!p0 $0x0, s1;
	[sflag:s0] =	ssyncset.done @!p0 $0x0  }
0x2d2: {  	[sflag:s0] =	ssyncadd.s32 @!p0 s1  }
0x2d3: {  	[bflag:$0x3] =	sbarrier.arrive $0xFFFF  }
0x2d4: {  	_ =	shalt  }

// kernel: scatter_offload_async_start.3
scs
__scs_entry_jumppad:
0x0: {  	(pc) =	sbr.rel $0x88, $3  }
0x1: {  	(tag) =	ssettag $0x0;
	lr =	simm.s32 $0x1  }
0x2: {  	[smem:$0x3F8F] =	sst lr;
	_ =	strace $0xD0000000  }
0x3: {  	_ = 	snop  }
0x4: {  	_ = 	snop  }
0x5: {  	_ = 	snop  }
0x6: {  	_ = 	snop  }
0x7: {  	_ = 	snop  }
__scs_overlays_trampoline_lowered:
0x8: {  	[smem:$0x3F9E] =	sst s0  }
0x9: {  	[smem:$0x3F9F] =	sst s1  }
0xa: {  	[smem:$0x3FA0] =	sst s2  }
0xb: {  	[smem:$0x3FA1] =	sst s3  }
0xc: {  	[smem:$0x3FA2] =	sst s4  }
0xd: {  	[smem:$0x3FA3] =	sst s5  }
0xe: {  	[smem:$0x3FA4] =	sst s6  }
0xf: {  	[smem:$0x3FA5] =	sst s7  }
0x10: {  	[smem:$0x3FA6] =	sst s8  }
0x11: {  	[smem:$0x3FA7] =	sst s9;
	s0 =	simm.s32 @!p0 $0x0  }
0x12: {  	s1 =	sld [smem:$0x3F8D];
	s0 =	simm.s32 @p0 $0x1  }
0x13: {  	[smem:$0x3FA8] =	sst s0;
	s0 =	simm.s32 @!p1 $0x0  }
0x14: {  	s2 =	sld [smem:$0x3F8C];
	s0 =	simm.s32 @p1 $0x1  }
0x15: {  	[smem:$0x3FA9] =	sst s0;
	s0 =	simm.s32 @!p2 $0x0  }
0x16: {  	s3 =	sld [smem:$0x3FDB];
	s0 =	simm.s32 @p2 $0x1  }
0x17: {  	s4 =	simm.s32 $0x1BF5;
	[smem:$0x3FAB] =	sst s0  }
0x18: {  	s0 =	sld [smem:$0x3F8E];
	_ =	swait.ge [sflag:s4], $0x0  }
0x19: {  	s7 =	sld [smem:$0x3F8F]  }
0x1a: {  	s8 =	sadd.s32 $0xFFFFE003, lr  }
0x1b: {  	s9 =	sadd.s32 $0xFFFFFEF7, lr;
	s5 =	simm.s32 $0xFFFFFFFF;
	p2 =	slt.u32 s8, $0xFFFFF086  }
0x1c: {  	p1 =	slt.u32 s9, $0xF7A;
	s5 =	simm.s32 @!p2 $0x0  }
0x1d: {  	s5 =	simm.s32 @p1 $0x1;
	p0 =	seq.s32 s7, s2  }
0x1e: {  	s7 =	smul.u32 @!p0 $0xF7A, s2;
	p2 =	seq.s32 @!p0 s5, $0x0  }
0x1f: {  	s9 =	smul.u32 $0xF7A, s1;
	s8 =	simm.s32 @!p0 $0x1BF5;
	p2 =	por !p2, p0  }
0x20: {  	[sflag:s8] =	ssyncset.s32 @!p0 $0xFFFFF086;
	s6 =	sadd.s32 @!p0 s3, s7;
	s7 =	simm.s32 @!p0 $0x108  }
0x21: {  	s3 =	sadd.s32 s3, s9;
	s6 =	sadd.s32 @!p0 $0x88, s6;
	s7 =	simm.s32 @p2 $0x1082  }
0x22: {  	[simem:s7], [sflag:s8] =	dma.local @!p0 [hbm:s6], $0xF7A  }
0x23: {  	s9 =	sor.u32 $0xD0000000, s2;
	s6 =	simm.s32 $0x108;
	_ =	swait.ge @!p0 [sflag:s8], $0x0  }
0x24: {  	s3 =	sadd.s32 $0x88, s3;
	s6 =	simm.s32 @!p1 $0x1082;
	[sflag:s4] =	ssyncset.s32 $0xFFFFF086  }
0x25: {  	[simem:s6], [sflag:s4] =	dma.local [hbm:s3], $0xF7A  }
0x26: {  	[smem:$0x3F8F] =	sst s1;
	(tag) =	ssettag s2;
	_ =	strace s9  }
0x27: {  	s1 =	sld [smem:$0x3F9F]  }
0x28: {  	s2 =	sld [smem:$0x3FA0]  }
0x29: {  	s4 =	sld [smem:$0x3FA2]  }
0x2a: {  	p0 =	seq.s32 s5, $0x0;
	s5 =	sld [smem:$0x3FA3]  }
0x2b: {  	s6 =	sld [smem:$0x3FA4]  }
0x2c: {  	s7 =	sld [smem:$0x3FA5]  }
0x2d: {  	s3 =	simm.s32 $0x108;
	s8 =	sld [smem:$0x3FA6]  }
0x2e: {  	s3 =	simm.s32 @!p0 $0x1082;
	s9 =	sld [smem:$0x3FA7]  }
0x2f: {  	lr =	sadd.s32 s0, s3;
	s0 =	sld [smem:$0x3F9E]  }
0x30: {  	s3 =	sld [smem:$0x3FA1]  }
0x31: {  	[smem:$0x3FAA] =	sst s10  }
0x32: {  	s10 =	sld [smem:$0x3FA8];
	_ =	sdelay $0x3  }
0x33: {  	p0 =	seq.s32 s10, $0x1;
	s10 =	sld [smem:$0x3FAA];
	_ =	sdelay $0x3  }
0x34: {  	[smem:$0x3FAA] =	sst s10  }
0x35: {  	s10 =	sld [smem:$0x3FA9];
	_ =	sdelay $0x3  }
0x36: {  	p1 =	seq.s32 s10, $0x1;
	s10 =	sld [smem:$0x3FAA];
	_ =	sdelay $0x3  }
0x37: {  	[smem:$0x3FAA] =	sst s10  }
0x38: {  	s10 =	sld [smem:$0x3FAB]  }
0x39: {  	_ = 	snop;
	(pc) =	sbr.ind lr, $3  }
0x3a: {  	_ = 	snop  }
0x3b: {  	_ = 	snop  }
0x3c: {  	p2 =	seq.s32 s10, $0x1;
	s10 =	sld [smem:$0x3FAA]  }
0x3d: {  	_ =	shalt  }
0x3e: {  	_ =	shalt  }
0x3f: {  	_ =	shalt  }
0x40: {  	_ =	shalt  }
0x41: {  	_ =	shalt  }
0x42: {  	_ =	shalt  }
0x43: {  	_ =	shalt  }
0x44: {  	_ =	shalt  }
0x45: {  	_ =	shalt  }
0x46: {  	_ =	shalt  }
0x47: {  	_ =	shalt  }
0x48: {  	_ =	shalt  }
0x49: {  	_ =	shalt  }
0x4a: {  	_ =	shalt  }
0x4b: {  	_ =	shalt  }
0x4c: {  	_ =	shalt  }
0x4d: {  	_ =	shalt  }
0x4e: {  	_ =	shalt  }
0x4f: {  	_ =	shalt  }
0x50: {  	_ =	shalt  }
0x51: {  	_ =	shalt  }
0x52: {  	_ =	shalt  }
0x53: {  	_ =	shalt  }
0x54: {  	_ =	shalt  }
0x55: {  	_ =	shalt  }
0x56: {  	_ =	shalt  }
0x57: {  	_ =	shalt  }
0x58: {  	_ =	shalt  }
0x59: {  	_ =	shalt  }
0x5a: {  	_ =	shalt  }
0x5b: {  	_ =	shalt  }
0x5c: {  	_ =	shalt  }
0x5d: {  	_ =	shalt  }
0x5e: {  	_ =	shalt  }
0x5f: {  	_ =	shalt  }
0x60: {  	_ =	shalt  }
0x61: {  	_ =	shalt  }
0x62: {  	_ =	shalt  }
0x63: {  	_ =	shalt  }
0x64: {  	_ =	shalt  }
0x65: {  	_ =	shalt  }
0x66: {  	_ =	shalt  }
0x67: {  	_ =	shalt  }
0x68: {  	_ =	shalt  }
0x69: {  	_ =	shalt  }
0x6a: {  	_ =	shalt  }
0x6b: {  	_ =	shalt  }
0x6c: {  	_ =	shalt  }
0x6d: {  	_ =	shalt  }
0x6e: {  	_ =	shalt  }
0x6f: {  	_ =	shalt  }
0x70: {  	_ =	shalt  }
0x71: {  	_ =	shalt  }
0x72: {  	_ =	shalt  }
0x73: {  	_ =	shalt  }
0x74: {  	_ =	shalt  }
0x75: {  	_ =	shalt  }
0x76: {  	_ =	shalt  }
0x77: {  	_ =	shalt  }
0x78: {  	_ =	shalt  }
0x79: {  	_ =	shalt  }
0x7a: {  	_ =	shalt  }
0x7b: {  	_ =	shalt  }
0x7c: {  	_ =	shalt  }
0x7d: {  	_ =	shalt  }
0x7e: {  	_ =	shalt  }
0x7f: {  	_ =	shalt  }
0x80: {  	_ =	shalt  }
0x81: {  	_ =	shalt  }
0x82: {  	_ =	shalt  }
0x83: {  	_ =	shalt  }
0x84: {  	_ =	shalt  }
0x85: {  	_ =	shalt  }
0x86: {  	_ =	shalt  }
0x87: {  	_ =	shalt  }
.Lfunc_end0:
.L_simem_size_0:
called_computation.3_lowered:
.L_overlay_start_0:
0x88: {  	s0 =	sld [smem:$0x3FD9]  }
0x89: {  	s1 =	sld [smem:$0x3FFE];
	_ =	sdelay $0x3  }
0x8a: {  	s0 =	sadd.s32 s1, s0  }
0x8b: {  	[smem:$0x3FB6] =	sst s0  }
0x8c: {  	_ = 	snop  }
0x8d: {  	s0 =	sld [smem:$0x3FD0];
	_ =	sdelay $0x2  }
0x8e: {  	s13 =	simm.s32 $0xB;
	s2 =	simm.s32 $0x10  }
0x8f: {  	[smem:s2], [sflag:s13] =	dma.local [hbm:s0], $0x1  }
0x90: {  	_ =	swait.eq [sflag:s13], $0x1  }
0x91: {  	[sflag:s13] =	ssyncset.done $0x0  }
0x92: {  	s14 =	sld [smem:$0x12];
	[sflag:s13] =	ssyncadd.s32 $0xFFFFFFFF  }
0x93: {  	s15 =	sld [smem:$0x13];
	(tm) =	ssettm $0x1  }
0x94: {  	s16 =	sld [smem:$0x3FFB];
	_ =	sdelay $0x3  }
0x95: {  	_ =	strace s16  }
0x96: {  	s2 =	sld [smem:$0x3FFC];
	_ =	sdelay $0x3  }
0x97: {  	_ =	strace s2  }
0x98: {  	s2 =	sld [smem:$0x3FFD];
	_ =	sdelay $0x3  }
0x99: {  	_ =	strace s2  }
0x9a: {  	_ =	strace $0x8FFFFFFF  }
0x9b: {  	s17 =	sld [smem:$0x3FDB];
	_ =	sdelay $0x1  }
0x9c: {  	s3 =	simm.s32 $_scs_section_size  }
0x9d: {  	s4 =	simm.s32 $_size__tile_overlayer_lowered;
	s5 =	simm.s32 $_tile_overlayer_lowered  }
0x9e: {  	s20 =	simm.s32 $0x1BFF;
	s19 =	sshll.u32 s5, $0x1;
	s2 =	sadd.s32 s3, s17  }
0x9f: {  	s6 =	simm.s32 $0x0;
	s18 =	sshll.u32 s4, $0x1;
	s4 =	sadd.s32 s19, s2  }
0xa0: {  	[timem:s6], [sflag:s20] =	dma.local [hbm:s4], s18  }
0xa1: {  	_ =	swait.ge [sflag:s20], s18  }
0xa2: {  	s3 =	ssub.s32 $0x0, s18;
	[sflag:s20] =	ssyncset.done $0x0  }
0xa3: {  	[sflag:s20] =	ssyncadd.s32 s3;
	_ =	sdelay $0x1  }
0xa4: {  	s21 =	simm.s32 $0x1B8B  }
0xa5: {  	_ =	swait.ge [sflag:s21], $0x1  }
0xa6: {  	[sflag:s21] =	ssyncset.done $0x0  }
0xa7: {  	s23 =	simm.s32 $0x1B8E;
	s22 =	sld [smem:$0x3FFE];
	[sflag:s21] =	ssyncadd.s32 $0xFFFFFFFF  }
0xa8: {  	s24 =	simm.s32 $execute0_lowered;
	[smem:$0x3FD2] =	sst s23  }
0xa9: {  	s4 =	sshll.u32 s24, $0x1;
	_ =	strace $0x8000004F;
	[dreg:$0x1] =	wrdreg $0xFFFFFFFF  }
0xaa: {  	s25 =	simm.s32 $_size_execute0_lowered;
	s2 =	sadd.s32 s2, s4;
	[dreg:$0x0] =	wrdreg $0x0  }
0xab: {  	s4 =	sshll.u32 s25, $0x1;
	[dreg:$0x2] =	wrdreg s2  }
0xac: {  	[dreg:$0x3] =	wrdreg s4  }
0xad: {  	[dreg:$0x4] =	wrdreg $0xC0  }
0xae: {  	_ =	task [dreg:s6], $0x5FFFF  }
0xaf: {  	[dreg:$0x1] =	wrdreg $0xFFFFFFFF  }
0xb0: {  	[dreg:$0x0] =	wrdreg $0x60  }
0xb1: {  	[dreg:$0x2] =	wrdreg s15  }
0xb2: {  	[dreg:$0x3] =	wrdreg s22  }
0xb3: {  	[dreg:$0x4] =	wrdreg s14  }
0xb4: {  	[dreg:$0x5] =	wrdreg $0x9  }
0xb5: {  	_ =	task.clear_ibuf [dreg:s6], $0x6FFFF;
	_ =	strace $0x9000004F  }
0xb6: {  	s26 =	simm.s32 $0x9;
	_ =	strace $0x80000051  }
0xb7: {  	_ =	swait.ge [sflag:s26], $0x1  }
0xb8: {  	[sflag:s26] =	ssyncadd.s32 $0xFFFFFFFF  }
0xb9: {  	_ =	strace $0x90000051  }
0xba: {  	_ =	sfence  }
0xbb: {  	s28 =	sld [smem:$0x0];
	_ =	sdelay $0x1  }
0xbc: {  	s29 =	srdreg.scid  }
0xbd: {  	s30 =	sshll.u32 s29, $0xD;
	s31 =	sshrl.u32 s29, $0x2  }
0xbe: {  	s1 =	sand.u32 $0x1, s29;
	s2 =	sand.u32 $0x4000, s30;
	s0 =	sadd.s32 s31, s28  }
0xbf: {  	s1 =	sor.u32 s2, s1;
	s0 =	sshll.u32 s0, $0x11  }
0xc0: {  	s0 =	sor.u32 s0, s1  }
0xc1: {  	s0 =	sadd.s32 $0x8F2B, s0  }
0xc2: {  	[sflag:s0] =	ssyncadd.remote.s32 $0x1  }
0xc3: {  	_ =	sfence.sel $0xFFFF  }
0xc4: {  	[dreg:$0x0] =	wrdreg $0xFFFFFFFF;
	(pc) =	sbr.abs _section_cstart, $3  }
0xc5: {  	[dreg:$0x1] =	wrdreg $0xFFFFFFFF  }
0xc6: {  	_ =	task.clear_ibuf [dreg:s6], $0x2FFFF;
	_ =	strace $0x9FFFFFFF  }
0xc7: {  	(tm) =	ssettm $0x7FFFFFFF  }
tec
execute0_lowered:
.L_overlay_start_1:
0x0: {  	(tag) =	ssettag $0x1  }
0x1: {  	s1 =	rddreg [dreg:$0x0]  }
0x2: {  	s0 =	rddreg [dreg:$0x1]  }
0x3: {  	s3 =	rddreg [dreg:$0x2];
	_ =	strace $0x80000050;
	s2 =	simm.s32 $0x1  }
0x4: {  	s8 =	simm.s32 $0x88;
	v0 =	vimm.s32 $0x0;
	[sflag:s2] =	ssyncpa.u1 $0x0  }
0x5: {  	[tilespmem:s8+$0x30] =	vst v0  }
0x6: {  	[tilespmem:s8+$0x20] =	vst v0  }
0x7: {  	s4 =	sadd.s32 $0x7A3000, s0;
	s5 =	sadd.s32 $0x7A4000, s0;
	s0 =	simm.s32 $0x40;
	[tilespmem:s8+$0x10] =	vst v0  }
.LBB2_1:
0x8: {  	s0 =	sadd.s32 $0x40, s0  }
0x9: {  	[tilespmem:s8+$0x0] =	vst v0;
	s8 =	sadd.s32 $0x40, s8;
	p0 =	slt.u32 s0, $0x5040  }
.Ltmp0:
0xa: {  	(pc) =	sbr.rel @p0 .LBB2_1-.Ltmp0, $4  }
0xb: {  	_ = 	snop  }
0xc: {  	[tilespmem:s8+$0x30] =	vst v0  }
0xd: {  	[tilespmem:s8+$0x20] =	vst v0  }
0xe: {  	[tilespmem:s8+$0x10] =	vst v0  }
0xf: {  	s9 =	stileid.u32  }
0x10: {  	s0 =	smul.u32 $0x5, s9  }
0x11: {  	s2 =	smin.u32 s9, $0xE  }
0x12: {  	s0 =	sadd.s32 s2, s0  }
0x13: {  	p0 =	slt.u32 s9, $0xE;
	s6 =	smul.u32 $0x140, s0;
	s0 =	simm.s32 $0x780  }
0x14: {  	s0 =	simm.s32 @!p0 $0x640  }
0x15: {  	s0 =	sadd.s32 s0, s6  }
0x16: {  	s7 =	smin.u32 s0, $0x7530  }
0x17: {  	s0 =	ssub.s32 s7, s6  }
0x18: {  	p0 =	sgt.s32 s0, $0x0  }
0x19: {  	s0 =	simm.s32 @!p0 $0x0  }
0x1a: {  	s29 =	simm.s32 $0x2;
	s10 =	simm.s32 $0x7;
	s28 =	smul.u32 $0xCCCD, s0  }
0x1b: {  	s31 =	simm.s32 $0x8;
	s11 =	simm.s32 $0x1;
	s15 =	simm.s32 $0x0  }
0x1c: {  	p1 =	por $0x0, $0x0;
	s16 =	simm.s32 $0xA;
	s2 =	sshrl.u32 s28, $0x18  }
0x1d: {  	s20 =	simm.s32 $0x0;
	s17 =	simm.s32 $0x0;
	s30 =	smul.u32 $0x140, s2  }
.Ltmp1:
0x1e: {  	[tilespmem:s8+$0x0] =	vst v0;
	v0 =	vimm.s32 $0xFFFFFFFF;
	s19 =	simm.s32 $0x0;
	[sflag:s29] =	ssyncpa.u1 $0x0;
	(pc) =	sbr.rel .LBB2_3-.Ltmp1, $4  }
0x1f: {  	[tilespmem:$0xA108] =	vst v0;
	[sflag:s10] =	ssyncpa.u1 $0x0;
	p0 =	sne.s32 s0, s30;
	s0 =	simm.s32 $0x1  }
0x20: {  	s10 =	simm.s32 $0x9;
	[sflag:s31] =	ssyncpa.u1 $0x0;
	s0 =	simm.s32 @!p0 $0x0  }
0x21: {  	s13 =	sshll.u32 s9, $0x7;
	[sflag:s10] =	ssyncpa.u1 $0x0;
	s12 =	sadd.s32 s2, s0  }
0x22: {  	v0 =	vlaneseq.u32;
	s18 =	smov.u32 s6;
	p0 =	por $0x1, $0x1;
	s14 =	sadd.s32 $0x1, s12  }
.LBB2_24:
0x23: {  	s0 =	sshrl.u32 s29, $0x2  }
.LBB2_26:
0x24: {  	_ =	swait.ge [sflag:s16], s0  }
0x25: {  	s31 =	ssub.s32 $0x0, s0;
	v1 =	vmov s22;
	vm0 =	veq.s32 v0, $0x0;
	[sflag:s16] =	ssyncset.done $0x0  }
0x26: {  	vm15 =	veq.s32 v0, $0x2;
	v1 =	vsel vm0, s28, v1;
	[sflag:s16] =	ssyncadd.s32 s31  }
0x27: {  	v1 =	vsel vm15, s20, v1;
	[sflag:s16] =	ssyncpa.u1 $0x1  }
0x28: {  	[tilespmem:$0xA108] =	vst v1  }
.LBB2_27:
0x29: {  	s0 =	sadd.s32 $0x140, s18  }
0x2a: {  	s2 =	smov.u32 s6;
	p2 =	slt.s32 s0, s7  }
0x2b: {  	s2 =	smov.u32 @p2 s0;
	p2 =	sne.s32 s19, s14  }
.Ltmp2:
0x2c: {  	_ = 	snop;
	(pc) =	sbr.rel @!p2 .LBB2_28-.Ltmp2, $4  }
0x2d: {  	_ = 	snop  }
0x2e: {  	s20 =	smov.u32 s17  }
0x2f: {  	s31 =	sadd.s32 $0x1, s19;
	s17 =	smov.u32 s18;
	p0 =	por !p0, !p0  }
0x30: {  	p1 =	por !p1, !p1;
	s19 =	smov.u32 s31;
	s18 =	smov.u32 s2  }
.LBB2_3:
0x31: {  	p2 =	sge.u32 s19, s12  }
0x32: {  	s0 =	smulhi.u32 @!p2 $0xAAAAAAAB, s19  }
0x33: {  	s2 =	smov.u32 s18;
	p3 =	sgt.s32 @!p2 s18, $0x73F0  }
0x34: {  	s8 =	sshra.s32 @!p2 s18, $0x1F;
	p3 =	por !p3, p2;
	s0 =	sshrl.u32 @!p2 s0, $0x1  }
0x35: {  	s8 =	sand.u32 @!p2 s8, s18;
	s2 =	simm.s32 @p3 $0x73F0;
	s0 =	smul.u32 @!p2 $0x3, s0  }
0x36: {  	s2 =	ssub.s32 @!p2 s2, s8  }
0x37: {  	s22 =	sadd.s32 $0xFFFFFFFF, s19;
	s2 =	sadd.s32 @!p2 $0xFFFF8C10, s2;
	s0 =	ssub.s32 @!p2 s19, s0  }
0x38: {  	s8 =	sshll.u32 @!p2 s2, $0x2;
	p3 =	sgt.s32 @!p2 s2, $0x13F;
	s0 =	smul.u32 @!p2 $0x500, s0  }
0x39: {  	s21 =	sand.u32 @!p2 $0x7, s18;
	s2 =	ssub.s32 @!p2 $0x500, s8;
	p3 =	por !p3, p2  }
0x3a: {  	s8 =	sshrl.u32 @!p2 s18, $0x3;
	s2 =	sshrl.u32 @!p2 s2, $0x2;
	s0 =	sshrl.u32 @!p2 s0, $0x2  }
0x3b: {  	s8 =	sadd.s32 @!p2 s5, s8;
	s2 =	simm.s32 @!p3 $0x0;
	s0 =	sadd.s32 @!p2 $0xA938, s0  }
0x3c: {  	[tilespmem:s0], [sflag:$0x8] =	stream.linear.gather @!p2 [hbm4b:s8+s21], s2, $0x38;
	[tilespmem:$0x1EF78] =	vst v63  }
0x3d: {  	p2 =	sge.u32 s22, s12  }
0x3e: {  	p3 =	sgt.s32 @!p2 s17, $0x73F0  }
0x3f: {  	s0 =	smov.u32 s17;
	s2 =	sshra.s32 @!p2 s17, $0x1F;
	p3 =	por !p3, p2  }
0x40: {  	s2 =	sand.u32 @!p2 s2, s17;
	s0 =	simm.s32 @p3 $0x73F0  }
0x41: {  	s0 =	ssub.s32 @!p2 s0, s2  }
0x42: {  	s0 =	sadd.s32 @!p2 $0xFFFF8C10, s0  }
0x43: {  	s2 =	sshll.u32 @!p2 s0, $0x2  }
0x44: {  	p3 =	sgt.s32 @!p2 s0, $0x13F;
	s0 =	ssub.s32 @!p2 $0x500, s2  }
0x45: {  	p3 =	por !p3, p2;
	s0 =	sshrl.u32 @!p2 s0, $0x2  }
0x46: {  	s8 =	simm.s32 @!p2 $0x8;
	s2 =	sand.u32 @!p2 $0x1, s22;
	s0 =	simm.s32 @!p3 $0x0  }
0x47: {  	s2 =	smul.u32 @!p2 $0x500, s2;
	_ =	swait.ge @!p2 [sflag:s8], s0  }
0x48: {  	s21 =	ssub.s32 @!p2 $0x0, s0;
	[sflag:s8] =	ssyncset.done @!p2 $0x0  }
0x49: {  	s2 =	sshrl.u32 @!p2 s2, $0x2;
	[sflag:s8] =	ssyncadd.s32 @!p2 s21;
	s8 =	sshrl.u32 @!p2 s17, $0x3  }
0x4a: {  	s2 =	sadd.s32 @!p2 $0xACF8, s2;
	s21 =	sand.u32 @!p2 $0x7, s17;
	s8 =	sadd.s32 @!p2 s4, s8  }
0x4b: {  	[tilespmem:s2], [sflag:$0x9] =	stream.linear.gather @!p2 [hbm4b:s8+s21], s0, $0x38;
	[tilespmem:$0x1EF78] =	vst v63  }
0x4c: {  	s21 =	ssub.s32 @!p2 $0x7530, s17  }
0x4d: {  	p3 =	slt.s32 @!p2 s21, $0x1  }
0x4e: {  	p3 =	por p2, p3  }
.Ltmp3:
0x4f: {  	_ = 	snop;
	(pc) =	sbr.rel @p3 .LBB2_9-.Ltmp3, $1  }
0x50: {  	_ =	sdelay $0x3  }
0x51: {  	s0 =	smulhi.u32 $0xAAAAAAAB, s22;
	_ =	sdelay $0x1  }
0x52: {  	s0 =	sshrl.u32 s0, $0x1  }
0x53: {  	s0 =	smul.u32 $0x3, s0;
	_ =	sdelay $0x1  }
0x54: {  	s0 =	ssub.s32 s22, s0  }
0x55: {  	s2 =	simm.s32 $0x1;
	s0 =	smul.u32 $0x500, s0  }
.Ltmp4:
0x56: {  	s2 =	simm.s32 @!p0 $0x0;
	(pc) =	sbr.rel .LBB2_6-.Ltmp4, $4  }
0x57: {  	s2 =	smul.u32 $0x28000, s2  }
0x58: {  	p3 =	slt.s32 @!p2 s21, $0x140;
	s0 =	sshrl.u32 s0, $0x2  }
0x59: {  	p2 =	por !p3, p2;
	s2 =	sshrl.u32 s2, $0x2;
	s0 =	sadd.s32 $0xA938, s0  }
0x5a: {  	s23 =	simm.s32 $0x0;
	s21 =	simm.s32 @p2 $0x140;
	s22 =	sadd.s32 $0xAF78, s2;
	v1 =	vmov s0  }
.LBB2_5:
0x5b: {  	p2 =	sge.s32 s23, s21  }
.Ltmp5:
0x5c: {  	_ = 	snop;
	(pc) =	sbr.rel @p2 .LBB2_9-.Ltmp5, $2  }
0x5d: {  	_ =	sdelay $0x2  }
0x5e: {  	s22 =	sadd.s32 $0x800, s22  }
.LBB2_6:
0x5f: {  	p2 =	sle.s32 s21, s23  }
.Ltmp6:
0x60: {  	_ = 	snop;
	(pc) =	sbr.rel @p2 .LBB2_5-.Ltmp6, $2  }
0x61: {  	_ =	sdelay $0x2  }
0x62: {  	s24 =	smov.u32 s23;
	s23 =	sadd.s32 $0x10, s23  }
0x63: {  	s0 =	ssub.s32 s21, s24  }
0x64: {  	p2 =	slt.s32 s0, $0x10  }
0x65: {  	s0 =	simm.s32 @!p2 $0x10  }
0x66: {  	v2 =	vmov s0  }
0x67: {  	vm0 =	vgt.s32 v2, v0;
	_ =	sdelay $0x5  }
0x68: {  	v2 =	vld.idx.msk [tilespmem:v1+s24+$0x0 ss:$0x1], vm0;
	_ =	sdelay $0x2  }
0x69: {  	p2 =	slt.s32 s23, s21;
	s0 =	smov.u32 s21  }
0x6a: {  	s2 =	smov.u32 s22;
	s25 =	simm.s32 $0x0;
	s0 =	smov.u32 @p2 s23  }
.LBB2_8:
0x6b: {  	(v2sf) =	vpush v2, s25;
	_ =	sdelay $0xc  }
0x6c: {  	s25 =	sadd.s32 $0x1, s25  }
0x6d: {  	s31 =	sadd.s32 s25, s24  }
0x6e: {  	p2 =	slt.s32 s31, s0;
	s8 =	spop (v2sf)  }
.Ltmp7:
0x6f: {  	s8 =	sshll.u32 s8, $0x4;
	(pc) =	sbr.rel @p2 .LBB2_8-.Ltmp7, $4  }
0x70: {  	s8 =	sand.u32 $0x1FFFFFF0, s8  }
0x71: {  	s8 =	sadd.s32 s3, s8  }
0x72: {  	[tilespmem:s2], [sflag:$0x7] =	stream.linear.gather [hbm4b:s8+s15], $0x40, $0x38;
	[tilespmem:$0x1EF78] =	vst v63  }
0x73: {  	s2 =	sadd.s32 $0x80, s2  }
.Ltmp8:
0x74: {  	_ = 	snop;
	(pc) =	sbr.rel .LBB2_5-.Ltmp8, $1  }
0x75: {  	_ =	sdelay $0x3  }
.LBB2_9:
0x76: {  	p2 =	slt.u32 s19, $0x2  }
.Ltmp9:
0x77: {  	_ = 	snop;
	(pc) =	sbr.rel @p2 .LBB2_27-.Ltmp9, $1  }
0x78: {  	_ =	sdelay $0x3  }
0x79: {  	p2 =	sgt.s32 s20, $0x73F0;
	s0 =	smov.u32 s20  }
0x7a: {  	s2 =	sshra.s32 s20, $0x1F;
	s8 =	ssub.s32 $0x7530, s20;
	s0 =	simm.s32 @!p2 $0x73F0  }
0x7b: {  	s2 =	sand.u32 s2, s20;
	p2 =	slt.s32 s8, $0x140;
	s21 =	smov.u32 s8  }
0x7c: {  	s0 =	ssub.s32 s0, s2;
	s21 =	simm.s32 @!p2 $0x140  }
0x7d: {  	s0 =	sadd.s32 $0xFFFF8C10, s0;
	s26 =	sshll.u32 s21, $0x6  }
0x7e: {  	s9 =	simm.s32 $0x7;
	s29 =	sshll.u32 s0, $0x2;
	s2 =	sand.u32 $0x3FFFFFC0, s26  }
0x7f: {  	p2 =	sgt.s32 s0, $0x13F;
	s30 =	ssub.s32 $0x500, s29;
	_ =	swait.ge [sflag:s9], s2  }
0x80: {  	s2 =	ssub.s32 $0x0, s2;
	[sflag:s9] =	ssyncset.done $0x0;
	s0 =	sshrl.u32 s30, $0x2  }
0x81: {  	[sflag:s9] =	ssyncadd.s32 s2;
	s0 =	simm.s32 @p2 $0x0  }
0x82: {  	_ =	swait.ge [sflag:s10], s0  }
0x83: {  	s0 =	ssub.s32 $0x0, s0;
	[sflag:s10] =	ssyncset.done $0x0  }
0x84: {  	[sflag:s10] =	ssyncadd.s32 s0  }
0x85: {  	v1 =	vld [tilespmem:$0xA108];
	_ =	sdelay $0x4  }
0x86: {  	(v2sf) =	vpush v1, $0x0  }
0x87: {  	(v2sf) =	vpush v1, $0x1  }
0x88: {  	(v2sf) =	vpush v1, $0x2;
	_ =	sdelay $0x3  }
0x89: {  	s0 =	sadd.s32 $0x140, s20  }
0x8a: {  	p2 =	slt.s32 s7, s0  }
0x8b: {  	s0 =	smov.u32 @p2 s7;
	p2 =	sgt.s32 s8, $0x0  }
0x8c: {  	s24 =	ssub.s32 s0, s20;
	s8 =	simm.s32 @!p2 $0x0  }
0x8d: {  	p2 =	slt.s32 s8, s24  }
0x8e: {  	s24 =	smov.u32 @p2 s8  }
0x8f: {  	s23 =	simm.s32 $0x1;
	p2 =	slt.s32 s24, $0x1  }
.Ltmp10:
0x90: {  	s23 =	simm.s32 @!p1 $0x0;
	(pc) =	sbr.rel @p2 .LBB2_14-.Ltmp10, $4  }
0x91: {  	s31 =	smul.u32 $0x500, s23  }
0x92: {  	s25 =	spop (v2sf)  }
0x93: {  	s0 =	sshrl.u32 s31, $0x2;
	s28 =	spop (v2sf)  }
0x94: {  	s21 =	sadd.s32 $0xACF8, s0;
	s20 =	spop (v2sf)  }
0x95: {  	s0 =	smin.u32 s24, $0x10  }
0x96: {  	v1 =	vmov s0  }
0x97: {  	p3 =	sgt.s32 s24, $0x10;
	vm1 =	vgt.u32 v1, v0  }
.Ltmp11:
0x98: {  	_ = 	snop;
	(pc) =	sbr.rel @!p3 .LBB2_13-.Ltmp11, $2  }
0x99: {  	_ =	sdelay $0x2  }
0x9a: {  	s26 =	simm.s32 $0x10;
	s29 =	sadd.s32 $0xFFFFFFF0, s24;
	s22 =	smov.u32 s21;
	vm0 =	vmmov vm1  }
.LBB2_12:
0x9b: {  	s0 =	smin.u32 s29, $0x10;
	s26 =	sadd.s32 $0x10, s26;
	v1 =	vld.msk [tilespmem:s22+$0x0 ss:$0x1], vm1  }
0x9c: {  	v2 =	vmov s0;
	p3 =	slt.s32 s26, s24  }
0x9d: {  	vm1 =	vgt.u32 v2, v0  }
.Ltmp12:
0x9e: {  	(pc) =	sbr.rel @p3 .LBB2_12-.Ltmp12, $3  }
0x9f: {  	_ =	sdelay $0x1  }
0xa0: {  	v1 =	vshll.u32 v1, $0x4  }
0xa1: {  	s29 =	sadd.s32 $0xFFFFFFF0, s29;
	[tilespmem:s22+$0x0] =	vst.msk vm0, v1;
	s22 =	sadd.s32 $0x10, s22;
	vm0 =	vmmov vm1  }
.LBB2_13:
0xa2: {  	_ =	sdelay $0x4  }
0xa3: {  	v1 =	vld.msk [tilespmem:s22+$0x0 ss:$0x1], vm1;
	_ =	sdelay $0x4  }
0xa4: {  	v1 =	vshll.u32 v1, $0x4  }
0xa5: {  	[tilespmem:s22+$0x0] =	vst.msk vm0, v1  }
.LBB2_14:
0xa6: {  	s0 =	sand.u32 $0x1, s19  }
0xa7: {  	s2 =	smul.u32 $0xA000, s0  }
0xa8: {  	p3 =	sne.s32 s28, $0xFFFFFFFF;
	s0 =	smul.u32 $0x140, s0  }
0xa9: {  	v1 =	vld @!p3 [tilespmem:s2+$0xAF78]  }
0xaa: {  	v2 =	vld.msk @!p3 [tilespmem:s0+$0xACF8], $0x1;
	_ =	sdelay $0x3  }
0xab: {  	[tilespmem:$0x88] =	vst @!p3 v1  }
0xac: {  	(v2sf) =	vpush @!p3 v2, $0x0;
	v1 =	vld @!p3 [tilespmem:s2+$0xAF88];
	_ =	sdelay $0x4  }
0xad: {  	[tilespmem:$0x98] =	vst @!p3 v1  }
0xae: {  	v1 =	vld @!p3 [tilespmem:s2+$0xAF98];
	_ =	sdelay $0x4  }
0xaf: {  	[tilespmem:$0xA8] =	vst @!p3 v1  }
0xb0: {  	v1 =	vld @!p3 [tilespmem:s2+$0xAFA8]  }
.Ltmp13:
0xb1: {  	_ = 	snop;
	(pc) =	sbr.rel @p2 .LBB2_25-.Ltmp13, $4  }
0xb2: {  	_ = 	snop  }
0xb3: {  	s26 =	spop @!p3 (v2sf)  }
0xb4: {  	s20 =	simm.s32 @!p3 $0x0;
	s22 =	smov.u32 s26  }
0xb5: {  	s26 =	smov.u32 @p3 s25;
	s22 =	smov.u32 @p3 s28;
	[tilespmem:$0xB8] =	vst @!p3 v1;
	[sflag:s16] =	ssyncpa.u1 $0x0  }
0xb6: {  	v1 =	vld.msk [tilespmem:s21+$0x0], $0x1;
	_ =	sdelay $0x4  }
0xb7: {  	(v2sf) =	vpush v1, $0x0;
	_ =	sdelay $0xe  }
0xb8: {  	s0 =	smul.u32 $0x28000, s23;
	s30 =	spop (v2sf)  }
0xb9: {  	s24 =	ssub.s32 $0x0, s24;
	p2 =	seq.s32 s26, s30  }
0xba: {  	s28 =	sadd.s32 $0x1, s24;
	s0 =	sshrl.u32 s0, $0x2;
	p3 =	sgt.s32 @!p2 s26, $0x0  }
0xbb: {  	s23 =	sadd.s32 $0xAF98, s0;
	s0 =	smov.u32 s26;
	p3 =	por !p3, p2  }
0xbc: {  	s0 =	simm.s32 @p3 $0x0;
	p3 =	seq.s32 s28, $0x0  }
.Ltmp14:
0xbd: {  	_ = 	snop;
	(pc) =	sbr.rel @p3 .LBB2_17-.Ltmp14, $4  }
0xbe: {  	_ = 	snop  }
0xbf: {  	s25 =	simm.s32 $0x0;
	s31 =	simm.s32 @!p2 $0x1;
	s2 =	smin.u32 @!p2 s0, $0x270F8  }
0xc0: {  	s29 =	sadd.s32 $0x1, s21;
	s31 =	smov.u32 @p2 s25;
	s8 =	sand.u32 @!p2 $0x3FFF8, s2  }
0xc1: {  	s0 =	simm.s32 @!p2 $0x50C8;
	s2 =	sand.u32 @!p2 $0x7, s2;
	s8 =	sadd.s32 @!p2 s1, s8  }
.LBB2_16:
0xc2: {  	s9 =	smov.u32 s31  }
0xc3: {  	[tilespmem:s0], [sflag:$0x2] =	stream.linear.gather @!p2 [hbm4b:s8+s2], $0x40, $0x38;
	[tilespmem:$0x1EF78] =	vst v63  }
0xc4: {  	s28 =	sadd.s32 $0x1, s28;
	s2 =	smov.u32 s30;
	v1 =	vld.msk [tilespmem:s29+$0x0], $0x1  }
0xc5: {  	p3 =	seq.s32 s28, $0x0;
	_ =	sdelay $0x3  }
0xc6: {  	(v2sf) =	vpush v1, $0x0;
	_ =	sdelay $0xe  }
0xc7: {  	s30 =	spop (v2sf)  }
0xc8: {  	p2 =	seq.s32 s2, s30  }
0xc9: {  	p4 =	sgt.s32 @!p2 s2, $0x0;
	s0 =	sshll.u32 @!p2 s31, $0x8;
	s31 =	sadd.s32 @!p2 $0x1, s31  }
.Ltmp15:
0xca: {  	p4 =	por !p4, p2;
	s0 =	sshra.s32 @!p2 s0, $0x2;
	(pc) =	sbr.rel @!p3 .LBB2_16-.Ltmp15, $4  }
0xcb: {  	s31 =	smov.u32 @p2 s9;
	s2 =	simm.s32 @p4 $0x0;
	s0 =	sadd.s32 @!p2 $0x50C8, s0  }
0xcc: {  	s2 =	smin.u32 @!p2 s2, $0x270F8  }
0xcd: {  	s8 =	sand.u32 @!p2 $0x3FFF8, s2;
	s2 =	sand.u32 @!p2 $0x7, s2  }
0xce: {  	s29 =	sadd.s32 $0x1, s29;
	s8 =	sadd.s32 @!p2 s1, s8  }
.LBB2_17:
0xcf: {  	[tilespmem:s0], [sflag:$0x2] =	stream.linear.gather @!p2 [hbm4b:s8+s2], $0x40, $0x38;
	[tilespmem:$0x1EF78] =	vst v63  }
.Ltmp16:
0xd0: {  	s30 =	sshll.u32 s31, $0x6;
	(pc) =	sbr.rel .LBB2_18-.Ltmp16, $4  }
0xd1: {  	s31 =	simm.s32 $0x2;
	s0 =	sand.u32 $0x3FFFFFC0, s30  }
0xd2: {  	_ =	swait.ge [sflag:s31], s0  }
0xd3: {  	s0 =	ssub.s32 $0x0, s0;
	[sflag:s31] =	ssyncset.done $0x0  }
0xd4: {  	s29 =	simm.s32 $0x0;
	[sflag:s31] =	ssyncadd.s32 s0  }
.LBB2_19:
0xd5: {  	v1 =	vld [tilespmem:s23+$0xFFFFFFE0]  }
0xd6: {  	v2 =	vld [tilespmem:s30+$0x88];
	_ =	sdelay $0x4  }
0xd7: {  	v1 =	vmax.f32 v1, v2  }
0xd8: {  	v2 =	vld [tilespmem:s30+$0x98];
	[tilespmem:s30+$0x88] =	vst v1  }
0xd9: {  	v1 =	vld [tilespmem:s23+$0xFFFFFFF0];
	_ =	sdelay $0x4  }
0xda: {  	v1 =	vmax.f32 v1, v2  }
0xdb: {  	v2 =	vld [tilespmem:s30+$0xA8];
	[tilespmem:s30+$0x98] =	vst v1  }
0xdc: {  	v1 =	vld [tilespmem:s23+$0x0];
	_ =	sdelay $0x4  }
0xdd: {  	v1 =	vmax.f32 v1, v2  }
0xde: {  	v2 =	vld [tilespmem:s30+$0xB8];
	[tilespmem:s30+$0xA8] =	vst v1  }
0xdf: {  	v1 =	vld [tilespmem:s23+$0x10];
	_ =	sdelay $0x4  }
0xe0: {  	v1 =	vmax.f32 v1, v2  }
0xe1: {  	[tilespmem:s30+$0xB8] =	vst v1  }
.LBB2_23:
0xe2: {  	s24 =	sadd.s32 $0x1, s24  }
0xe3: {  	p2 =	seq.s32 s24, $0x0  }
.Ltmp17:
0xe4: {  	_ = 	snop;
	(pc) =	sbr.rel @p2 .LBB2_24-.Ltmp17, $2  }
0xe5: {  	_ =	sdelay $0x2  }
0xe6: {  	s23 =	sadd.s32 $0x80, s23;
	s21 =	sadd.s32 $0x1, s21;
	s26 =	smov.u32 s28  }
.LBB2_18:
0xe7: {  	v1 =	vld.msk [tilespmem:s21+$0x0], $0x1;
	_ =	sdelay $0x4  }
0xe8: {  	(v2sf) =	vpush v1, $0x0;
	_ =	sdelay $0xe  }
0xe9: {  	s28 =	spop (v2sf)  }
0xea: {  	p2 =	sne.s32 s26, s28  }
.Ltmp18:
0xeb: {  	_ = 	snop;
	(pc) =	sbr.rel @!p2 .LBB2_19-.Ltmp18, $3  }
0xec: {  	_ =	sdelay $0x1  }
0xed: {  	s0 =	sshll.u32 s20, $0x8  }
0xee: {  	s30 =	sshra.s32 s0, $0x2  }
0xef: {  	p2 =	seq.s32 s26, s22  }
.Ltmp19:
0xf0: {  	_ = 	snop;
	(pc) =	sbr.rel @!p2 .LBB2_21-.Ltmp19, $1  }
0xf1: {  	_ =	sdelay $0x3  }
.Ltmp20:
0xf2: {  	s0 =	sadd.s32 $0x88, s30;
	(pc) =	sbr.rel .LBB2_22-.Ltmp20, $4  }
0xf3: {  	[spmem:s13] =	stream.linear.scatter [tilespmem:s0], [sflag:$0x1], $0x40, $0x38;
	[tilespmem:$0x1EF78] =	vst v63  }
0xf4: {  	_ =	swait.ge [sflag:s11], $0x40  }
0xf5: {  	[sflag:s11] =	ssyncset.done $0x0  }
0xf6: {  	[sflag:s11] =	ssyncadd.s32 $0xFFFFFFC0  }
.LBB2_21:
0xf7: {  	s0 =	sshll.u32 s25, $0x8  }
0xf8: {  	v2 =	vld [tilespmem:s30+$0x88];
	s0 =	sshra.s32 s0, $0x2  }
0xf9: {  	v1 =	vld [tilespmem:s0+$0x50C8];
	_ =	sdelay $0x4  }
0xfa: {  	v1 =	vmax.f32 v1, v2  }
0xfb: {  	v2 =	vld [tilespmem:s30+$0x98];
	[tilespmem:s30+$0x88] =	vst v1  }
0xfc: {  	v1 =	vld [tilespmem:s0+$0x50D8];
	_ =	sdelay $0x4  }
0xfd: {  	v1 =	vmax.f32 v1, v2  }
0xfe: {  	v2 =	vld [tilespmem:s30+$0xA8];
	[tilespmem:s30+$0x98] =	vst v1  }
0xff: {  	v1 =	vld [tilespmem:s0+$0x50E8];
	_ =	sdelay $0x4  }
0x100: {  	v1 =	vmax.f32 v1, v2  }
0x101: {  	v2 =	vld [tilespmem:s30+$0xB8];
	[tilespmem:s30+$0xA8] =	vst v1  }
0x102: {  	v1 =	vld [tilespmem:s0+$0x50F8];
	_ =	sdelay $0x3  }
0x103: {  	p2 =	sgt.u32 s26, $0x270F8  }
0x104: {  	s0 =	sand.u32 @!p2 $0x3FFF8, s26;
	v1 =	vmax.f32 v1, v2  }
0x105: {  	s2 =	sadd.s32 $0x88, s30;
	s8 =	sand.u32 @!p2 $0x7, s26;
	s0 =	sadd.s32 @!p2 s1, s0;
	[tilespmem:s30+$0xB8] =	vst v1  }
0x106: {  	[hbm4b:s0+s8] =	stream.linear.scatter @!p2 [tilespmem:s2], [sflag:$0xA], $0x40, $0x38;
	[tilespmem:$0x1EF78] =	vst v63  }
0x107: {  	s0 =	simm.s32 $0x0  }
0x108: {  	s0 =	simm.s32 @!p2 $0x100  }
0x109: {  	s29 =	sadd.s32 s0, s29  }
.LBB2_22:
0x10a: {  	s0 =	sadd.s32 $0x1, s20  }
0x10b: {  	s2 =	smulhi.u32 $0xCCCCCCCD, s0;
	_ =	sdelay $0x1  }
0x10c: {  	v1 =	vld [tilespmem:s23+$0xFFFFFFE0];
	s2 =	sshrl.u32 s2, $0x8  }
0x10d: {  	s2 =	smul.u32 $0x140, s2;
	_ =	sdelay $0x1  }
0x10e: {  	s20 =	ssub.s32 s0, s2  }
0x10f: {  	s0 =	sshll.u32 s20, $0x6  }
0x110: {  	[tilespmem:s0+$0x88] =	vst v1  }
0x111: {  	v1 =	vld [tilespmem:s23+$0xFFFFFFF0];
	_ =	sdelay $0x4  }
0x112: {  	[tilespmem:s0+$0x98] =	vst v1  }
0x113: {  	v1 =	vld [tilespmem:s23+$0x0];
	_ =	sdelay $0x4  }
0x114: {  	[tilespmem:s0+$0xA8] =	vst v1  }
0x115: {  	v1 =	vld [tilespmem:s23+$0x10]  }
.Ltmp21:
0x116: {  	_ = 	snop;
	(pc) =	sbr.rel .LBB2_23-.Ltmp21, $2  }
0x117: {  	_ =	sdelay $0x2  }
0x118: {  	s25 =	sadd.s32 $0x1, s25;
	[tilespmem:s0+$0xB8] =	vst v1  }
.LBB2_25:
.Ltmp22:
0x119: {  	(pc) =	sbr.rel .LBB2_26-.Ltmp22, $4  }
0x11a: {  	_ = 	snop  }
0x11b: {  	s0 =	simm.s32 $0x2  }
0x11c: {  	_ =	swait.ge [sflag:s0], $0x0  }
0x11d: {  	s28 =	smov.u32 s26;
	[sflag:s0] =	ssyncset.done $0x0;
	s0 =	simm.s32 $0x0  }
.LBB2_28:
0x11e: {  	_ =	sfence.sel $0x180000  }
0x11f: {  	s0 =	simm.s32 $0x7;
	[bflag:$0x0] =	sbarrier.arrive $0xFFFF  }
0x120: {  	s25 =	simm.s32 $0x8;
	[sflag:s0] =	ssyncpa.u1 $0x1  }
0x121: {  	s26 =	simm.s32 $0x9;
	[sflag:s25] =	ssyncpa.u1 $0x1  }
0x122: {  	s28 =	simm.s32 $0x2;
	[sflag:s26] =	ssyncpa.u1 $0x1  }
0x123: {  	[sflag:s28] =	ssyncpa.u1 $0x1  }
0x124: {  	v0 =	vld [tilespmem:$0xA108];
	_ =	sdelay $0x4  }
0x125: {  	(v2sf) =	vpush v0, $0x0  }
0x126: {  	(v2sf) =	vpush v0, $0x1;
	_ =	sdelay $0x1  }
0x127: {  	(v2sf) =	vpush v0, $0x2;
	_ =	sdelay $0xb  }
0x128: {  	s0 =	spop (v2sf)  }
0x129: {  	s2 =	spop (v2sf)  }
0x12a: {  	s3 =	smov.u32 s0;
	p0 =	sne.s32 s0, s2  }
0x12b: {  	s4 =	spop (v2sf);
	s3 =	simm.s32 @!p0 $0xFFFFFFFF  }
0x12c: {  	v2 =	vimm.s32 $0x1;
	v3 =	vlaneseq.u32;
	p0 =	seq.s32 s4, $0xFFFFFFFF;
	v1 =	vmov s3  }
0x12d: {  	s7 =	stileid.u32;
	v0 =	vperm.xlane v0, v2;
	p1 =	sne.s32 @!p0 s0, s2;
	v1 =	vperm.xlane v1, v3  }
0x12e: {  	vm0 =	vcmask $0x3F04;
	s6 =	simm.s32 $0xA108;
	s0 =	simm.s32 @!p0 $0x1;
	p1 =	por !p1, p0  }
0x12f: {  	s3 =	sshll.u32 s7, $0x1;
	s2 =	sshll.u32 @!p0 s4, $0x8;
	s0 =	simm.s32 @p1 $0x0;
	v0 =	vsel vm0, v1, v0  }
0x130: {  	s5 =	sor.u32 $0x800, s3;
	s2 =	sshra.s32 @!p0 s2, $0x2;
	s0 =	sor.u32 @!p0 s0, s3;
	[tilespmem:$0xA108] =	vst v0  }
0x131: {  	[spmem:s5] =	stream.linear.scatter [tilespmem:s6], [sflag:$0x1], $0x2, $0x38;
	[tilespmem:$0x1EF78] =	vst v63  }
0x132: {  	s2 =	sadd.s32 @!p0 $0x88, s2;
	s0 =	sshll.u32 @!p0 s0, $0x6  }
0x133: {  	[spmem:s0] =	stream.linear.scatter @!p0 [tilespmem:s2], [sflag:$0x1], $0x40, $0x38;
	[tilespmem:$0x1EF78] =	vst v63  }
0x134: {  	s2 =	simm.s32 @!p0 $0x42  }
0x135: {  	s0 =	simm.s32 $0x1;
	s2 =	simm.s32 @p0 $0x2  }
0x136: {  	_ =	swait.ge [sflag:s0], s2  }
0x137: {  	s2 =	ssub.s32 $0x0, s2;
	[sflag:s0] =	ssyncset.done $0x0  }
0x138: {  	[sflag:s0] =	ssyncadd.s32 s2  }
0x139: {  	_ =	sfence.stream.spmem  }
0x13a: {  	s29 =	simm.s32 $0x3;
	[bflag:$0x0] =	sbarrier.arrive $0xFFFF  }
0x13b: {  	s30 =	simm.s32 $0x4;
	[sflag:s29] =	ssyncpa.u1 $0x1  }
0x13c: {  	s31 =	simm.s32 $0x3C;
	[sflag:s30] =	ssyncpa.u1 $0x1  }
0x13d: {  	p0 =	sne.s32 s7, $0x0;
	[sflag:s31] =	ssyncpa.u1 $0x1  }
0x13e: {  	_ =	sfence @p0  }
0x13f: {  	[sflag:s0] =	ssyncpa.u1 @p0 $0x1  }
0x140: {  	_ =	strace @p0 $0x90000050  }
0x141: {  	[bflag:$0x2] =	sbarrier.arrive @p0 $0xFFFF  }
0x142: {  	_ =	shalt @p0  }
.LBB2_29:
0x143: {  	_ =	sfence.stream.spmem;
	s0 =	simm.s32 $0x5  }
0x144: {  	s2 =	simm.s32 $0x800;
	s3 =	simm.s32 $0xA118;
	[sflag:s0] =	ssyncpa.u1 $0x0  }
0x145: {  	[tilespmem:s3], [sflag:$0x5] =	stream.linear.gather [spmem:s2], $0x20, $0x38;
	[tilespmem:$0x1EF78] =	vst v63  }
0x146: {  	s30 =	simm.s32 $0xA138;
	s2 =	simm.s32 $0x0  }
0x147: {  	[tilespmem:s30], [sflag:$0x5] =	stream.linear.gather [spmem:s2], $0x800, $0x38;
	[tilespmem:$0x1EF78] =	vst v63  }
.Ltmp23:
0x148: {  	_ = 	snop;
	(pc) =	sbr.rel .LBB2_30-.Ltmp23, $4  }
0x149: {  	_ =	swait.ge [sflag:s0], $0x820  }
0x14a: {  	[sflag:s0] =	ssyncset.done $0x0  }
0x14b: {  	s31 =	simm.s32 $0x6;
	[sflag:s0] =	ssyncadd.s32 $0xFFFFF7E0  }
0x14c: {  	s3 =	simm.s32 $0x0;
	[sflag:s31] =	ssyncpa.u1 $0x0  }
.LBB2_36:
0x14d: {  	p0 =	slt.u32 s4, $0x270F9  }
0x14e: {  	s0 =	sand.u32 @p0 $0x3FFF8, s4  }
0x14f: {  	s4 =	sand.u32 @p0 $0x7, s4;
	s5 =	simm.s32 @p0 $0xA0C8;
	s0 =	sadd.s32 @p0 s1, s0  }
0x150: {  	[tilespmem:s5], [sflag:$0x6] =	stream.linear.gather @p0 [hbm4b:s0+s4], $0x40, $0x38;
	[tilespmem:$0x1EF78] =	vst v63  }
0x151: {  	s0 =	simm.s32 @p0 $0x6  }
0x152: {  	_ =	swait.ge @p0 [sflag:s0], $0x40  }
0x153: {  	[sflag:s0] =	ssyncset.done @p0 $0x0  }
0x154: {  	[sflag:s0] =	ssyncadd.s32 @p0 $0xFFFFFFC0;
	s0 =	sshll.u32 @p0 s3, $0x8  }
0x155: {  	s4 =	sshrl.u32 @p0 s0, $0x2;
	v1 =	vld @p0 [tilespmem:$0xA0C8]  }
0x156: {  	v2 =	vld @p0 [tilespmem:s4+$0xA138];
	_ =	sdelay $0x4  }
0x157: {  	v1 =	vmax.f32 @p0 v1, v2  }
0x158: {  	v2 =	vld @p0 [tilespmem:s4+$0xA148];
	[tilespmem:s4+$0xA138] =	vst @p0 v1  }
0x159: {  	v1 =	vld @p0 [tilespmem:$0xA0D8];
	_ =	sdelay $0x4  }
0x15a: {  	v1 =	vmax.f32 @p0 v1, v2  }
0x15b: {  	v2 =	vld @p0 [tilespmem:s4+$0xA158];
	[tilespmem:s4+$0xA148] =	vst @p0 v1  }
0x15c: {  	v1 =	vld @p0 [tilespmem:$0xA0E8];
	_ =	sdelay $0x4  }
0x15d: {  	v1 =	vmax.f32 @p0 v1, v2  }
0x15e: {  	v2 =	vld @p0 [tilespmem:s4+$0xA168];
	[tilespmem:s4+$0xA158] =	vst @p0 v1  }
0x15f: {  	v1 =	vld @p0 [tilespmem:$0xA0F8];
	_ =	sdelay $0x4  }
0x160: {  	s5 =	sshll.u32 @!p0 s3, $0x8;
	v1 =	vmax.f32 @p0 v1, v2  }
0x161: {  	s5 =	smov.u32 @p0 s0;
	[tilespmem:s4+$0xA168] =	vst @p0 v1  }
0x162: {  	s0 =	sshrl.u32 s5, $0x2;
	[tilespmem:s2+$0xA118] =	vst.msk $0x1, v0  }
0x163: {  	v0 =	vld [tilespmem:s0+$0xA138];
	_ =	sdelay $0x2  }
0x164: {  	s31 =	sshll.u32 s2, $0x8  }
0x165: {  	s4 =	sshra.s32 s31, $0x2  }
0x166: {  	[tilespmem:s4+$0xA138] =	vst v0  }
0x167: {  	v0 =	vld [tilespmem:s0+$0xA148];
	_ =	sdelay $0x4  }
0x168: {  	[tilespmem:s4+$0xA148] =	vst v0  }
0x169: {  	v0 =	vld [tilespmem:s0+$0xA158];
	_ =	sdelay $0x4  }
0x16a: {  	[tilespmem:s4+$0xA158] =	vst v0  }
0x16b: {  	v0 =	vld [tilespmem:s0+$0xA168];
	_ =	sdelay $0x4  }
0x16c: {  	s2 =	sadd.s32 $0x1, s2;
	[tilespmem:s4+$0xA168] =	vst v0  }
.LBB2_37:
0x16d: {  	s3 =	sadd.s32 $0x1, s3  }
0x16e: {  	p0 =	sne.s32 s3, $0x20  }
.Ltmp24:
0x16f: {  	_ = 	snop;
	(pc) =	sbr.rel @!p0 .LBB2_38-.Ltmp24, $1  }
0x170: {  	_ =	sdelay $0x3  }
.LBB2_30:
0x171: {  	v0 =	vld.msk [tilespmem:s3+$0xA118], $0x1;
	_ =	sdelay $0x4  }
0x172: {  	(v2sf) =	vpush v0, $0x0;
	_ =	sdelay $0xe  }
0x173: {  	s4 =	spop (v2sf)  }
0x174: {  	p0 =	seq.s32 s4, $0xFFFFFFFF  }
.Ltmp25:
0x175: {  	_ = 	snop;
	(pc) =	sbr.rel @p0 .LBB2_37-.Ltmp25, $1  }
0x176: {  	_ =	sdelay $0x3  }
0x177: {  	p0 =	slt.s32 s2, $0x1  }
.Ltmp26:
0x178: {  	_ = 	snop;
	(pc) =	sbr.rel @p0 .LBB2_36-.Ltmp26, $1  }
0x179: {  	_ =	sdelay $0x3  }
0x17a: {  	s5 =	simm.s32 $0xA118;
	p0 =	por $0x0, $0x0  }
0x17b: {  	v1 =	vld.msk @!p0 [tilespmem:s5+$0x0], $0x1;
	_ =	sdelay $0x4  }
0x17c: {  	(v2sf) =	vpush @!p0 v1, $0x0;
	_ =	sdelay $0xd  }
0x17d: {  	p2 =	sne.s32 s2, $0x1  }
.Ltmp27:
0x17e: {  	s0 =	spop @!p0 (v2sf);
	(pc) =	sbr.rel @!p2 .LBB2_34-.Ltmp27, $4  }
0x17f: {  	p1 =	seq.s32 @!p0 s4, s0  }
0x180: {  	s6 =	simm.s32 $0x0;
	p1 =	por !p1, p0  }
0x181: {  	s0 =	simm.s32 $0xFFFFFFFF;
	s6 =	simm.s32 @p1 $0xFFFFFFFF  }
0x182: {  	s7 =	simm.s32 $0x1;
	s6 =	smov.u32 @p0 s0  }
.LBB2_33:
0x183: {  	s0 =	smov.u32 s6;
	p0 =	sne.s32 s6, $0xFFFFFFFF  }
0x184: {  	s5 =	sadd.s32 $0x1, s5;
	s6 =	smov.u32 s7;
	s7 =	sadd.s32 $0x1, s7  }
0x185: {  	p1 =	sne.s32 s2, s7;
	v1 =	vld.msk @!p0 [tilespmem:s5+$0x0], $0x1;
	_ =	sdelay $0x4  }
0x186: {  	(v2sf) =	vpush @!p0 v1, $0x0;
	_ =	sdelay $0xe  }
.Ltmp28:
0x187: {  	s8 =	spop @!p0 (v2sf);
	(pc) =	sbr.rel @p1 .LBB2_33-.Ltmp28, $4  }
0x188: {  	p2 =	seq.s32 @!p0 s4, s8  }
0x189: {  	p2 =	por !p2, p0  }
0x18a: {  	s6 =	simm.s32 @p2 $0xFFFFFFFF  }
0x18b: {  	s6 =	smov.u32 @p0 s0  }
.LBB2_34:
0x18c: {  	p0 =	seq.s32 s6, $0xFFFFFFFF  }
.Ltmp29:
0x18d: {  	_ = 	snop;
	(pc) =	sbr.rel @p0 .LBB2_36-.Ltmp29, $1  }
0x18e: {  	_ =	sdelay $0x3  }
0x18f: {  	s0 =	sshll.u32 s3, $0x6  }
0x190: {  	s4 =	sshll.u32 s6, $0x8;
	s0 =	sand.u32 $0x3FFFFFC0, s0  }
0x191: {  	s4 =	sshra.s32 s4, $0x2;
	v0 =	vld [tilespmem:s0+$0xA138]  }
0x192: {  	v1 =	vld [tilespmem:s4+$0xA138];
	_ =	sdelay $0x4  }
0x193: {  	v0 =	vmax.f32 v0, v1  }
0x194: {  	v61 =	vld [tilespmem:s4+$0xA148];
	[tilespmem:s4+$0xA138] =	vst v0  }
0x195: {  	v0 =	vld [tilespmem:s0+$0xA148];
	_ =	sdelay $0x4  }
0x196: {  	v0 =	vmax.f32 v0, v61  }
0x197: {  	v62 =	vld [tilespmem:s4+$0xA158];
	[tilespmem:s4+$0xA148] =	vst v0  }
0x198: {  	v0 =	vld [tilespmem:s0+$0xA158];
	_ =	sdelay $0x4  }
0x199: {  	v0 =	vmax.f32 v0, v62  }
0x19a: {  	v63 =	vld [tilespmem:s4+$0xA168];
	[tilespmem:s4+$0xA158] =	vst v0  }
0x19b: {  	v0 =	vld [tilespmem:s0+$0xA168];
	_ =	sdelay $0x1  }
.Ltmp30:
0x19c: {  	_ = 	snop;
	(pc) =	sbr.rel .LBB2_37-.Ltmp30, $3  }
0x19d: {  	_ =	sdelay $0x1  }
0x19e: {  	v0 =	vmax.f32 v0, v63  }
0x19f: {  	[tilespmem:s4+$0xA168] =	vst v0  }
.LBB2_38:
0x1a0: {  	p0 =	slt.s32 s2, $0x1  }
.Ltmp31:
0x1a1: {  	_ = 	snop;
	(pc) =	sbr.rel @p0 .LBB2_42-.Ltmp31, $3  }
0x1a2: {  	_ =	sdelay $0x1  }
0x1a3: {  	s0 =	simm.s32 $0x6  }
0x1a4: {  	s3 =	simm.s32 $0x0;
	[sflag:s0] =	ssyncpa.u1 $0x1  }
0x1a5: {  	s0 =	simm.s32 $0xA118  }
0x1a6: {  	v0 =	vld.msk [tilespmem:s0+$0x0], $0x1;
	_ =	sdelay $0x4  }
0x1a7: {  	(v2sf) =	vpush v0, $0x0;
	_ =	sdelay $0xe  }
0x1a8: {  	s2 =	sadd.s32 $0xFFFFFFFF, s2;
	s0 =	spop (v2sf)  }
0x1a9: {  	p1 =	sne.s32 s2, $0x0;
	p0 =	sgt.u32 s0, $0x270F8  }
.Ltmp32:
0x1aa: {  	s5 =	sand.u32 @!p0 $0x3FFF8, s0;
	(pc) =	sbr.rel @!p1 .LBB2_41-.Ltmp32, $4  }
0x1ab: {  	s4 =	simm.s32 $0xA138;
	s0 =	sand.u32 @!p0 $0x7, s0;
	s5 =	sadd.s32 @!p0 s1, s5  }
0x1ac: {  	[hbm4b:s5+s0] =	stream.linear.scatter @!p0 [tilespmem:s4], [sflag:$0x5], $0x40, $0x38;
	[tilespmem:$0x1EF78] =	vst v63  }
0x1ad: {  	s0 =	simm.s32 $0x0  }
0x1ae: {  	s5 =	simm.s32 $0xA119;
	s0 =	simm.s32 @!p0 $0x100  }
.LBB2_40:
0x1af: {  	v0 =	vld.msk [tilespmem:s5+$0x0], $0x1;
	s2 =	sadd.s32 $0xFFFFFFFF, s2;
	s3 =	sadd.s32 s3, s0  }
0x1b0: {  	p0 =	sne.s32 s2, $0x0;
	_ =	sdelay $0x3  }
0x1b1: {  	(v2sf) =	vpush v0, $0x0;
	_ =	sdelay $0xe  }
.Ltmp33:
0x1b2: {  	s6 =	spop (v2sf);
	(pc) =	sbr.rel @p0 .LBB2_40-.Ltmp33, $4  }
0x1b3: {  	s0 =	simm.s32 $0x0;
	p1 =	sgt.u32 s6, $0x270F8  }
0x1b4: {  	s4 =	sadd.s32 $0x40, s4;
	s0 =	simm.s32 @!p1 $0x100;
	s7 =	sand.u32 @!p1 $0x3FFF8, s6  }
0x1b5: {  	s5 =	sadd.s32 $0x1, s5;
	s6 =	sand.u32 @!p1 $0x7, s6;
	s7 =	sadd.s32 @!p1 s1, s7  }
0x1b6: {  	[hbm4b:s7+s6] =	stream.linear.scatter @!p1 [tilespmem:s4], [sflag:$0x5], $0x40, $0x38;
	[tilespmem:$0x1EF78] =	vst v63  }
.LBB2_41:
0x1b7: {  	s0 =	sadd.s32 s3, s0  }
0x1b8: {  	s3 =	sshrl.u32 s0, $0x2  }
.LBB2_42:
0x1b9: {  	s0 =	simm.s32 $0x5  }
0x1ba: {  	_ =	swait.ge [sflag:s0], s3  }
0x1bb: {  	s1 =	ssub.s32 $0x0, s3;
	[sflag:s0] =	ssyncset.done $0x0  }
0x1bc: {  	[sflag:s0] =	ssyncadd.s32 s1  }
0x1bd: {  	[sflag:s0] =	ssyncpa.u1 $0x1  }
0x1be: {  	s30 =	simm.s32 $0x1;
	_ =	sfence  }
0x1bf: {  	[sflag:s30] =	ssyncpa.u1 $0x1  }
0x1c0: {  	_ =	strace $0x90000050  }
0x1c1: {  	[bflag:$0x2] =	sbarrier.arrive $0xFFFF  }
0x1c2: {  	s31 =	rddreg [dreg:$0x3]  }
0x1c3: {  	s0 =	sadd.s32 $0x100000, s31  }
0x1c4: {  	[sflag:s0] =	ssyncadd.tile.s32 $0x1;
	_ =	shalt  }
.Lfunc_end2:
_tile_overlayer_lowered:
.L_overlay_start_2:
0x1c5: {  	(tag) =	ssettag $0x2  }
0x1c6: {  	s0 =	rddreg [dreg:$0x0];
	s2 =	stileid.u32  }
0x1c7: {  	s1 =	rddreg [dreg:$0x1];
	p0 =	sne.s32 s2, $0x0  }
0x1c8: {  	s3 =	rddreg [dreg:$0x2];
	[bflag:$0x3] =	sbarrier.arrive $0xFFFF;
	s2 =	simm.s32 @!p0 $0x1C01  }
0x1c9: {  	[timem:s3], [sflag:s2] =	dma.local @!p0 [hbm:s0], s1  }
0x1ca: {  	s0 =	simm.s32 @!p0 $0x1  }
0x1cb: {  	_ =	swait.ge @!p0 [sflag:s0], s1  }
0x1cc: {  	s1 =	ssub.s32 @!p0 $0x0, s1;
	[sflag:s0] =	ssyncset.done @!p0 $0x0  }
0x1cd: {  	[sflag:s0] =	ssyncadd.s32 @!p0 s1  }
0x1ce: {  	[bflag:$0x3] =	sbarrier.arrive $0xFFFF  }
0x1cf: {  	_ =	shalt  }

// kernel: scatter_offload_async_start
scs
__scs_entry_jumppad:
0x0: {  	(pc) =	sbr.rel $0x88, $3  }
0x1: {  	(tag) =	ssettag $0x0;
	lr =	simm.s32 $0x1  }
0x2: {  	[smem:$0x3F8F] =	sst lr;
	_ =	strace $0xD0000000  }
0x3: {  	_ = 	snop  }
0x4: {  	_ = 	snop  }
0x5: {  	_ = 	snop  }
0x6: {  	_ = 	snop  }
0x7: {  	_ = 	snop  }
__scs_overlays_trampoline_lowered:
0x8: {  	[smem:$0x3F9E] =	sst s0  }
0x9: {  	[smem:$0x3F9F] =	sst s1  }
0xa: {  	[smem:$0x3FA0] =	sst s2  }
0xb: {  	[smem:$0x3FA1] =	sst s3  }
0xc: {  	[smem:$0x3FA2] =	sst s4  }
0xd: {  	[smem:$0x3FA3] =	sst s5  }
0xe: {  	[smem:$0x3FA4] =	sst s6  }
0xf: {  	[smem:$0x3FA5] =	sst s7  }
0x10: {  	[smem:$0x3FA6] =	sst s8  }
0x11: {  	[smem:$0x3FA7] =	sst s9;
	s0 =	simm.s32 @!p0 $0x0  }
0x12: {  	s1 =	sld [smem:$0x3F8D];
	s0 =	simm.s32 @p0 $0x1  }
0x13: {  	[smem:$0x3FA8] =	sst s0;
	s0 =	simm.s32 @!p1 $0x0  }
0x14: {  	s2 =	sld [smem:$0x3F8C];
	s0 =	simm.s32 @p1 $0x1  }
0x15: {  	[smem:$0x3FA9] =	sst s0;
	s0 =	simm.s32 @!p2 $0x0  }
0x16: {  	s3 =	sld [smem:$0x3FDB];
	s0 =	simm.s32 @p2 $0x1  }
0x17: {  	s4 =	simm.s32 $0x1BF5;
	[smem:$0x3FAB] =	sst s0  }
0x18: {  	s0 =	sld [smem:$0x3F8E];
	_ =	swait.ge [sflag:s4], $0x0  }
0x19: {  	s7 =	sld [smem:$0x3F8F]  }
0x1a: {  	s8 =	sadd.s32 $0xFFFFE003, lr  }
0x1b: {  	s9 =	sadd.s32 $0xFFFFFEF7, lr;
	s5 =	simm.s32 $0xFFFFFFFF;
	p2 =	slt.u32 s8, $0xFFFFF086  }
0x1c: {  	p1 =	slt.u32 s9, $0xF7A;
	s5 =	simm.s32 @!p2 $0x0  }
0x1d: {  	s5 =	simm.s32 @p1 $0x1;
	p0 =	seq.s32 s7, s2  }
0x1e: {  	s7 =	smul.u32 @!p0 $0xF7A, s2;
	p2 =	seq.s32 @!p0 s5, $0x0  }
0x1f: {  	s9 =	smul.u32 $0xF7A, s1;
	s8 =	simm.s32 @!p0 $0x1BF5;
	p2 =	por !p2, p0  }
0x20: {  	[sflag:s8] =	ssyncset.s32 @!p0 $0xFFFFF086;
	s6 =	sadd.s32 @!p0 s3, s7;
	s7 =	simm.s32 @!p0 $0x108  }
0x21: {  	s3 =	sadd.s32 s3, s9;
	s6 =	sadd.s32 @!p0 $0x88, s6;
	s7 =	simm.s32 @p2 $0x1082  }
0x22: {  	[simem:s7], [sflag:s8] =	dma.local @!p0 [hbm:s6], $0xF7A  }
0x23: {  	s9 =	sor.u32 $0xD0000000, s2;
	s6 =	simm.s32 $0x108;
	_ =	swait.ge @!p0 [sflag:s8], $0x0  }
0x24: {  	s3 =	sadd.s32 $0x88, s3;
	s6 =	simm.s32 @!p1 $0x1082;
	[sflag:s4] =	ssyncset.s32 $0xFFFFF086  }
0x25: {  	[simem:s6], [sflag:s4] =	dma.local [hbm:s3], $0xF7A  }
0x26: {  	[smem:$0x3F8F] =	sst s1;
	(tag) =	ssettag s2;
	_ =	strace s9  }
0x27: {  	s1 =	sld [smem:$0x3F9F]  }
0x28: {  	s2 =	sld [smem:$0x3FA0]  }
0x29: {  	s4 =	sld [smem:$0x3FA2]  }
0x2a: {  	p0 =	seq.s32 s5, $0x0;
	s5 =	sld [smem:$0x3FA3]  }
0x2b: {  	s6 =	sld [smem:$0x3FA4]  }
0x2c: {  	s7 =	sld [smem:$0x3FA5]  }
0x2d: {  	s3 =	simm.s32 $0x108;
	s8 =	sld [smem:$0x3FA6]  }
0x2e: {  	s3 =	simm.s32 @!p0 $0x1082;
	s9 =	sld [smem:$0x3FA7]  }
0x2f: {  	lr =	sadd.s32 s0, s3;
	s0 =	sld [smem:$0x3F9E]  }
0x30: {  	s3 =	sld [smem:$0x3FA1]  }
0x31: {  	[smem:$0x3FAA] =	sst s10  }
0x32: {  	s10 =	sld [smem:$0x3FA8];
	_ =	sdelay $0x3  }
0x33: {  	p0 =	seq.s32 s10, $0x1;
	s10 =	sld [smem:$0x3FAA];
	_ =	sdelay $0x3  }
0x34: {  	[smem:$0x3FAA] =	sst s10  }
0x35: {  	s10 =	sld [smem:$0x3FA9];
	_ =	sdelay $0x3  }
0x36: {  	p1 =	seq.s32 s10, $0x1;
	s10 =	sld [smem:$0x3FAA];
	_ =	sdelay $0x3  }
0x37: {  	[smem:$0x3FAA] =	sst s10  }
0x38: {  	s10 =	sld [smem:$0x3FAB]  }
0x39: {  	_ = 	snop;
	(pc) =	sbr.ind lr, $3  }
0x3a: {  	_ = 	snop  }
0x3b: {  	_ = 	snop  }
0x3c: {  	p2 =	seq.s32 s10, $0x1;
	s10 =	sld [smem:$0x3FAA]  }
0x3d: {  	_ =	shalt  }
0x3e: {  	_ =	shalt  }
0x3f: {  	_ =	shalt  }
0x40: {  	_ =	shalt  }
0x41: {  	_ =	shalt  }
0x42: {  	_ =	shalt  }
0x43: {  	_ =	shalt  }
0x44: {  	_ =	shalt  }
0x45: {  	_ =	shalt  }
0x46: {  	_ =	shalt  }
0x47: {  	_ =	shalt  }
0x48: {  	_ =	shalt  }
0x49: {  	_ =	shalt  }
0x4a: {  	_ =	shalt  }
0x4b: {  	_ =	shalt  }
0x4c: {  	_ =	shalt  }
0x4d: {  	_ =	shalt  }
0x4e: {  	_ =	shalt  }
0x4f: {  	_ =	shalt  }
0x50: {  	_ =	shalt  }
0x51: {  	_ =	shalt  }
0x52: {  	_ =	shalt  }
0x53: {  	_ =	shalt  }
0x54: {  	_ =	shalt  }
0x55: {  	_ =	shalt  }
0x56: {  	_ =	shalt  }
0x57: {  	_ =	shalt  }
0x58: {  	_ =	shalt  }
0x59: {  	_ =	shalt  }
0x5a: {  	_ =	shalt  }
0x5b: {  	_ =	shalt  }
0x5c: {  	_ =	shalt  }
0x5d: {  	_ =	shalt  }
0x5e: {  	_ =	shalt  }
0x5f: {  	_ =	shalt  }
0x60: {  	_ =	shalt  }
0x61: {  	_ =	shalt  }
0x62: {  	_ =	shalt  }
0x63: {  	_ =	shalt  }
0x64: {  	_ =	shalt  }
0x65: {  	_ =	shalt  }
0x66: {  	_ =	shalt  }
0x67: {  	_ =	shalt  }
0x68: {  	_ =	shalt  }
0x69: {  	_ =	shalt  }
0x6a: {  	_ =	shalt  }
0x6b: {  	_ =	shalt  }
0x6c: {  	_ =	shalt  }
0x6d: {  	_ =	shalt  }
0x6e: {  	_ =	shalt  }
0x6f: {  	_ =	shalt  }
0x70: {  	_ =	shalt  }
0x71: {  	_ =	shalt  }
0x72: {  	_ =	shalt  }
0x73: {  	_ =	shalt  }
0x74: {  	_ =	shalt  }
0x75: {  	_ =	shalt  }
0x76: {  	_ =	shalt  }
0x77: {  	_ =	shalt  }
0x78: {  	_ =	shalt  }
0x79: {  	_ =	shalt  }
0x7a: {  	_ =	shalt  }
0x7b: {  	_ =	shalt  }
0x7c: {  	_ =	shalt  }
0x7d: {  	_ =	shalt  }
0x7e: {  	_ =	shalt  }
0x7f: {  	_ =	shalt  }
0x80: {  	_ =	shalt  }
0x81: {  	_ =	shalt  }
0x82: {  	_ =	shalt  }
0x83: {  	_ =	shalt  }
0x84: {  	_ =	shalt  }
0x85: {  	_ =	shalt  }
0x86: {  	_ =	shalt  }
0x87: {  	_ =	shalt  }
.Lfunc_end0:
.L_simem_size_0:
called_computation_lowered:
.L_overlay_start_0:
0x88: {  	s2 =	sld [smem:$0x3FD9]  }
0x89: {  	s3 =	sld [smem:$0x3FFE];
	_ =	sdelay $0x1  }
0x8a: {  	s1 =	srdreg.scid  }
0x8b: {  	s0 =	sand.u32 $0x1, s1  }
0x8c: {  	s13 =	sshll.u32 s0, $0xA;
	s2 =	sadd.s32 s3, s2  }
0x8d: {  	s2 =	sadd.s32 s2, s13  }
0x8e: {  	[smem:$0x3FB6] =	sst s2  }
0x8f: {  	_ = 	snop  }
0x90: {  	s2 =	sld [smem:$0x3FD0];
	_ =	sdelay $0x2  }
0x91: {  	s14 =	simm.s32 $0xB;
	s4 =	simm.s32 $0x10  }
0x92: {  	[smem:s4], [sflag:s14] =	dma.local [hbm:s2], $0x1  }
0x93: {  	_ =	swait.eq [sflag:s14], $0x1  }
0x94: {  	s15 =	sld [smem:$0x10];
	[sflag:s14] =	ssyncset.done $0x0  }
0x95: {  	s16 =	sld [smem:$0x13];
	[sflag:s14] =	ssyncadd.s32 $0xFFFFFFFF  }
0x96: {  	s17 =	sld [smem:$0x14];
	(tm) =	ssettm $0x1  }
0x97: {  	s5 =	sld [smem:$0x3FFB];
	_ =	sdelay $0x3  }
0x98: {  	_ =	strace s5  }
0x99: {  	s5 =	sld [smem:$0x3FFC];
	_ =	sdelay $0x3  }
0x9a: {  	_ =	strace s5  }
0x9b: {  	s5 =	sld [smem:$0x3FFD];
	_ =	sdelay $0x3  }
0x9c: {  	_ =	strace s5  }
0x9d: {  	_ =	strace $0x8FFFFFFF  }
0x9e: {  	s18 =	sld [smem:$0x3FDB];
	_ =	sdelay $0x1  }
0x9f: {  	s6 =	simm.s32 $_scs_section_size  }
0xa0: {  	s7 =	simm.s32 $_size__tile_overlayer_lowered;
	s8 =	simm.s32 $_tile_overlayer_lowered  }
0xa1: {  	s21 =	simm.s32 $0x1BFF;
	s20 =	sshll.u32 s8, $0x1;
	s5 =	sadd.s32 s6, s18  }
0xa2: {  	s9 =	simm.s32 $0x0;
	s19 =	sshll.u32 s7, $0x1;
	s7 =	sadd.s32 s20, s5  }
0xa3: {  	[timem:s9], [sflag:s21] =	dma.local [hbm:s7], s19  }
0xa4: {  	_ =	swait.ge [sflag:s21], s19  }
0xa5: {  	s6 =	ssub.s32 $0x0, s19;
	[sflag:s21] =	ssyncset.done $0x0  }
0xa6: {  	[sflag:s21] =	ssyncadd.s32 s6;
	_ =	sdelay $0x1  }
0xa7: {  	s22 =	simm.s32 $0x1B8B  }
0xa8: {  	_ =	swait.ge [sflag:s22], $0x1  }
0xa9: {  	[sflag:s22] =	ssyncset.done $0x0  }
0xaa: {  	s23 =	sld [smem:$0x3FFE];
	[sflag:s22] =	ssyncadd.s32 $0xFFFFFFFF  }
0xab: {  	s25 =	simm.s32 $0x1B8E;
	s24 =	sld [smem:$0x0]  }
0xac: {  	s26 =	simm.s32 $execute0_lowered;
	[smem:$0x3FD2] =	sst s25  }
0xad: {  	s8 =	sshll.u32 s26, $0x1;
	_ =	strace $0x80000046;
	[dreg:$0x1] =	wrdreg $0xFFFFFFFF  }
0xae: {  	s28 =	simm.s32 $_size_execute0_lowered;
	s5 =	sadd.s32 s5, s8;
	[dreg:$0x0] =	wrdreg $0x0  }
0xaf: {  	s8 =	sshll.u32 s28, $0x1;
	[dreg:$0x2] =	wrdreg s5  }
0xb0: {  	[dreg:$0x3] =	wrdreg s8  }
0xb1: {  	[dreg:$0x4] =	wrdreg $0xC0  }
0xb2: {  	_ =	task [dreg:s9], $0x5FFFF  }
0xb3: {  	[dreg:$0x1] =	wrdreg $0xFFFFFFFF  }
0xb4: {  	[dreg:$0x0] =	wrdreg $0x60  }
0xb5: {  	[dreg:$0x2] =	wrdreg s15  }
0xb6: {  	[dreg:$0x3] =	wrdreg s17  }
0xb7: {  	[dreg:$0x4] =	wrdreg s23  }
0xb8: {  	[dreg:$0x5] =	wrdreg s16  }
0xb9: {  	[dreg:$0x6] =	wrdreg s1  }
0xba: {  	[dreg:$0x7] =	wrdreg s24  }
0xbb: {  	[dreg:$0x8] =	wrdreg $0x9  }
0xbc: {  	_ =	task.clear_ibuf [dreg:s9], $0x9FFFF;
	_ =	strace $0x90000046  }
0xbd: {  	s29 =	simm.s32 $0x9;
	_ =	strace $0x80000048  }
0xbe: {  	_ =	swait.ge [sflag:s29], $0x1  }
0xbf: {  	[sflag:s29] =	ssyncadd.s32 $0xFFFFFFFF  }
0xc0: {  	_ =	strace $0x90000048  }
0xc1: {  	_ =	sfence  }
0xc2: {  	s30 =	sld [smem:$0x0];
	_ =	sdelay $0x2  }
0xc3: {  	s31 =	sshll.u32 s1, $0xD;
	s1 =	sshrl.u32 s1, $0x2  }
0xc4: {  	s3 =	sand.u32 $0x4000, s31;
	s1 =	sadd.s32 s1, s30  }
0xc5: {  	s0 =	sor.u32 s3, s0;
	s1 =	sshll.u32 s1, $0x11  }
0xc6: {  	s0 =	sor.u32 s1, s0  }
0xc7: {  	s0 =	sadd.s32 $0x8F2B, s0  }
0xc8: {  	[sflag:s0] =	ssyncadd.remote.s32 $0x1  }
0xc9: {  	_ =	sfence.sel $0xFFFF  }
0xca: {  	[dreg:$0x0] =	wrdreg $0xFFFFFFFF;
	(pc) =	sbr.abs _section_cstart, $3  }
0xcb: {  	[dreg:$0x1] =	wrdreg $0xFFFFFFFF  }
0xcc: {  	_ =	task.clear_ibuf [dreg:s9], $0x2FFFF;
	_ =	strace $0x9FFFFFFF  }
0xcd: {  	(tm) =	ssettm $0x7FFFFFFF  }
tec
execute0_lowered:
.L_overlay_start_1:
0x0: {  	(tag) =	ssettag $0x1  }
0x1: {  	s1 =	rddreg [dreg:$0x0]  }
0x2: {  	s0 =	rddreg [dreg:$0x1]  }
0x3: {  	s2 =	rddreg [dreg:$0x2]  }
0x4: {  	s14 =	rddreg [dreg:$0x3]  }
0x5: {  	s5 =	rddreg [dreg:$0x4];
	_ =	strace $0x80000047;
	s3 =	simm.s32 $0x1  }
0x6: {  	s4 =	simm.s32 $0x88;
	v0 =	vimm.s32 $0x0;
	[sflag:s3] =	ssyncpa.u1 $0x0  }
0x7: {  	[tilespmem:s4+$0x30] =	vst v0  }
0x8: {  	[tilespmem:s4+$0x20] =	vst v0  }
0x9: {  	s6 =	sadd.s32 $0x1E00, s2;
	s9 =	sand.u32 $0x1, s5;
	s2 =	simm.s32 $0x40;
	[tilespmem:s4+$0x10] =	vst v0  }
.LBB2_1:
0xa: {  	s2 =	sadd.s32 $0x40, s2  }
0xb: {  	[tilespmem:s4+$0x0] =	vst v0;
	s4 =	sadd.s32 $0x40, s4;
	p0 =	slt.u32 s2, $0x5040  }
.Ltmp0:
0xc: {  	(pc) =	sbr.rel @p0 .LBB2_1-.Ltmp0, $4  }
0xd: {  	_ = 	snop  }
0xe: {  	[tilespmem:s4+$0x30] =	vst v0  }
0xf: {  	[tilespmem:s4+$0x20] =	vst v0  }
0x10: {  	[tilespmem:s4+$0x10] =	vst v0  }
0x11: {  	s10 =	stileid.u32  }
0x12: {  	s2 =	smul.u32 $0x30, s10  }
0x13: {  	s3 =	smin.u32 s10, $0xE  }
0x14: {  	s2 =	sor.u32 s3, s2  }
0x15: {  	p0 =	slt.u32 s10, $0xE;
	s7 =	smul.u32 $0x140, s2;
	s2 =	simm.s32 $0x3D40  }
0x16: {  	s2 =	simm.s32 @!p0 $0x3C00  }
0x17: {  	s2 =	sadd.s32 s2, s7  }
0x18: {  	s8 =	smin.u32 s2, $0x3D090  }
0x19: {  	s2 =	ssub.s32 s8, s7  }
0x1a: {  	s26 =	simm.s32 $0x2;
	s29 =	simm.s32 $0x9;
	p0 =	sgt.s32 s2, $0x0  }
0x1b: {  	s30 =	simm.s32 $0xA;
	s31 =	smul.u32 $0x7A12, s9;
	s2 =	simm.s32 @!p0 $0x0  }
0x1c: {  	s11 =	simm.s32 $0xB;
	[dreg:$0x7] =	wrdreg s9;
	s28 =	smulhi.u32 $0x66666667, s2  }
0x1d: {  	s12 =	simm.s32 $0x1;
	s18 =	simm.s32 $0x0;
	p1 =	por $0x0, $0x0  }
0x1e: {  	s19 =	simm.s32 $0xC;
	s23 =	simm.s32 $0x0;
	s3 =	sshrl.u32 s28, $0x7  }
0x1f: {  	s20 =	simm.s32 $0x0;
	s22 =	simm.s32 $0x0;
	s5 =	smul.u32 $0x140, s3  }
.Ltmp1:
0x20: {  	[tilespmem:s4+$0x0] =	vst v0;
	v0 =	vimm.s32 $0xFFFFFFFF;
	[sflag:s26] =	ssyncpa.u1 $0x0;
	s16 =	sshll.u32 s10, $0x7;
	(pc) =	sbr.rel .LBB2_3-.Ltmp1, $4  }
0x21: {  	[tilespmem:$0xA108] =	vst v0;
	[sflag:s29] =	ssyncpa.u1 $0x0;
	p0 =	sne.s32 s2, s5;
	s2 =	simm.s32 $0x1  }
0x22: {  	s14 =	sadd.s32 s31, s14;
	[sflag:s30] =	ssyncpa.u1 $0x0;
	s2 =	simm.s32 @!p0 $0x0  }
0x23: {  	s15 =	sadd.s32 s31, s0;
	[sflag:s11] =	ssyncpa.u1 $0x0;
	s13 =	sadd.s32 s2, s3  }
0x24: {  	v0 =	vlaneseq.u32;
	s21 =	smov.u32 s7;
	p0 =	por $0x1, $0x1;
	s17 =	sadd.s32 $0x1, s13  }
.LBB2_24:
0x25: {  	s0 =	sshrl.u32 s0, $0x2  }
.LBB2_26:
0x26: {  	_ =	swait.ge [sflag:s19], s0  }
0x27: {  	s30 =	ssub.s32 $0x0, s0;
	v1 =	vmov s25;
	vm0 =	veq.s32 v0, $0x0;
	[sflag:s19] =	ssyncset.done $0x0  }
0x28: {  	vm15 =	veq.s32 v0, $0x2;
	v1 =	vsel vm0, s31, v1;
	[sflag:s19] =	ssyncadd.s32 s30  }
0x29: {  	v1 =	vsel vm15, s23, v1;
	[sflag:s19] =	ssyncpa.u1 $0x1  }
0x2a: {  	[tilespmem:$0xA108] =	vst v1  }
.LBB2_27:
0x2b: {  	s0 =	sadd.s32 $0x140, s21  }
0x2c: {  	s2 =	smov.u32 s7;
	p2 =	slt.s32 s0, s8  }
0x2d: {  	s2 =	smov.u32 @p2 s0;
	p2 =	sne.s32 s22, s17  }
.Ltmp2:
0x2e: {  	_ = 	snop;
	(pc) =	sbr.rel @!p2 .LBB2_28-.Ltmp2, $4  }
0x2f: {  	_ = 	snop  }
0x30: {  	s23 =	smov.u32 s20  }
0x31: {  	s31 =	sadd.s32 $0x1, s22;
	s20 =	smov.u32 s21;
	p0 =	por !p0, !p0  }
0x32: {  	p1 =	por !p1, !p1;
	s22 =	smov.u32 s31;
	s21 =	smov.u32 s2  }
.LBB2_3:
0x33: {  	p2 =	sge.u32 s22, s13  }
0x34: {  	s0 =	smulhi.u32 @!p2 $0xAAAAAAAB, s22  }
0x35: {  	s2 =	smov.u32 s21;
	p3 =	sgt.s32 @!p2 s21, $0x3CF50  }
0x36: {  	s3 =	sshra.s32 @!p2 s21, $0x1F;
	p3 =	por !p3, p2;
	s0 =	sshrl.u32 @!p2 s0, $0x1  }
0x37: {  	s3 =	sand.u32 @!p2 s3, s21;
	s2 =	simm.s32 @p3 $0x3CF50;
	s0 =	smul.u32 @!p2 $0x3, s0  }
0x38: {  	s2 =	ssub.s32 @!p2 s2, s3  }
0x39: {  	s2 =	sadd.s32 @!p2 $0xFFFC30B0, s2;
	s0 =	ssub.s32 @!p2 s22, s0  }
0x3a: {  	s3 =	sshll.u32 @!p2 s2, $0x2;
	p3 =	sgt.s32 @!p2 s2, $0x13F;
	s0 =	smul.u32 @!p2 $0x500, s0  }
0x3b: {  	s4 =	sand.u32 @!p2 $0x7, s21;
	s2 =	ssub.s32 @!p2 $0x500, s3;
	p3 =	por !p3, p2  }
0x3c: {  	s3 =	sshrl.u32 @!p2 s21, $0x3;
	s2 =	sshrl.u32 @!p2 s2, $0x2;
	s0 =	sshrl.u32 @!p2 s0, $0x2  }
0x3d: {  	s3 =	sadd.s32 @!p2 s3, s14;
	s2 =	simm.s32 @!p3 $0x0;
	s0 =	sadd.s32 @!p2 $0xA948, s0  }
0x3e: {  	[tilespmem:s0], [sflag:$0xA] =	stream.linear.gather @!p2 [hbm4b:s3+s4], s2, $0x38;
	[tilespmem:$0x1EF88] =	vst v63  }
0x3f: {  	s4 =	sadd.s32 $0xFFFFFFFF, s22  }
0x40: {  	p2 =	sge.u32 s4, s13  }
0x41: {  	p3 =	sgt.s32 @!p2 s20, $0x3CF50  }
0x42: {  	s0 =	smov.u32 s20;
	s2 =	sshra.s32 @!p2 s20, $0x1F;
	p3 =	por !p3, p2  }
0x43: {  	s2 =	sand.u32 @!p2 s2, s20;
	s0 =	simm.s32 @p3 $0x3CF50  }
0x44: {  	s0 =	ssub.s32 @!p2 s0, s2  }
0x45: {  	s0 =	sadd.s32 @!p2 $0xFFFC30B0, s0  }
0x46: {  	s2 =	sshll.u32 @!p2 s0, $0x2  }
0x47: {  	p3 =	sgt.s32 @!p2 s0, $0x13F;
	s0 =	ssub.s32 @!p2 $0x500, s2  }
0x48: {  	p3 =	por !p3, p2;
	s0 =	sshrl.u32 @!p2 s0, $0x2  }
0x49: {  	s3 =	simm.s32 @!p2 $0xA;
	s2 =	sand.u32 @!p2 $0x1, s4;
	s0 =	simm.s32 @!p3 $0x0  }
0x4a: {  	s2 =	smul.u32 @!p2 $0x500, s2;
	_ =	swait.ge @!p2 [sflag:s3], s0  }
0x4b: {  	s5 =	ssub.s32 @!p2 $0x0, s0;
	[sflag:s3] =	ssyncset.done @!p2 $0x0  }
0x4c: {  	s2 =	sshrl.u32 @!p2 s2, $0x2;
	[sflag:s3] =	ssyncadd.s32 @!p2 s5;
	s3 =	sshrl.u32 @!p2 s20, $0x3  }
0x4d: {  	s2 =	sadd.s32 @!p2 $0xAD08, s2;
	s5 =	sand.u32 @!p2 $0x7, s20;
	s3 =	sadd.s32 @!p2 s3, s15  }
0x4e: {  	[tilespmem:s2], [sflag:$0xB] =	stream.linear.gather @!p2 [hbm4b:s3+s5], s0, $0x38;
	[tilespmem:$0x1EF88] =	vst v63  }
0x4f: {  	s0 =	ssub.s32 @!p2 $0x3D090, s20  }
0x50: {  	p3 =	slt.s32 @!p2 s0, $0x1  }
0x51: {  	p3 =	por p2, p3  }
.Ltmp3:
0x52: {  	_ = 	snop;
	(pc) =	sbr.rel @p3 .LBB2_9-.Ltmp3, $1  }
0x53: {  	_ =	sdelay $0x3  }
0x54: {  	s2 =	smulhi.u32 $0xAAAAAAAB, s4;
	_ =	sdelay $0x1  }
0x55: {  	s2 =	sshrl.u32 s2, $0x1  }
0x56: {  	s2 =	smul.u32 $0x3, s2;
	_ =	sdelay $0x1  }
0x57: {  	s2 =	ssub.s32 s4, s2  }
0x58: {  	s3 =	simm.s32 $0x1;
	s2 =	smul.u32 $0x500, s2  }
.Ltmp4:
0x59: {  	s3 =	simm.s32 @!p0 $0x0;
	(pc) =	sbr.rel .LBB2_6-.Ltmp4, $4  }
0x5a: {  	s3 =	smul.u32 $0x28000, s3  }
0x5b: {  	p3 =	slt.s32 @!p2 s0, $0x140;
	s2 =	sshrl.u32 s2, $0x2  }
0x5c: {  	p2 =	por !p3, p2;
	s3 =	sshrl.u32 s3, $0x2;
	s2 =	sadd.s32 $0xA948, s2  }
0x5d: {  	s24 =	simm.s32 $0x0;
	s0 =	simm.s32 @p2 $0x140;
	s4 =	sadd.s32 $0xAF88, s3;
	v1 =	vmov s2  }
.LBB2_5:
0x5e: {  	p2 =	sge.s32 s24, s0  }
.Ltmp5:
0x5f: {  	_ = 	snop;
	(pc) =	sbr.rel @p2 .LBB2_9-.Ltmp5, $2  }
0x60: {  	_ =	sdelay $0x2  }
0x61: {  	s4 =	sadd.s32 $0x800, s4  }
.LBB2_6:
0x62: {  	p2 =	sle.s32 s0, s24  }
.Ltmp6:
0x63: {  	_ = 	snop;
	(pc) =	sbr.rel @p2 .LBB2_5-.Ltmp6, $2  }
0x64: {  	_ =	sdelay $0x2  }
0x65: {  	s5 =	smov.u32 s24;
	s24 =	sadd.s32 $0x10, s24  }
0x66: {  	s2 =	ssub.s32 s0, s5  }
0x67: {  	p2 =	slt.s32 s2, $0x10  }
0x68: {  	s2 =	simm.s32 @!p2 $0x10  }
0x69: {  	v2 =	vmov s2  }
0x6a: {  	vm0 =	vgt.s32 v2, v0;
	_ =	sdelay $0x5  }
0x6b: {  	v2 =	vld.idx.msk [tilespmem:v1+s5+$0x0 ss:$0x1], vm0;
	_ =	sdelay $0x2  }
0x6c: {  	p2 =	slt.s32 s24, s0;
	s2 =	smov.u32 s0  }
0x6d: {  	s3 =	smov.u32 s4;
	s25 =	simm.s32 $0x0;
	s2 =	smov.u32 @p2 s24  }
.LBB2_8:
0x6e: {  	(v2sf) =	vpush v2, s25;
	_ =	sdelay $0xc  }
0x6f: {  	s25 =	sadd.s32 $0x1, s25  }
0x70: {  	s31 =	sadd.s32 s25, s5  }
0x71: {  	p2 =	slt.s32 s31, s2;
	s9 =	spop (v2sf)  }
.Ltmp7:
0x72: {  	s9 =	sshll.u32 s9, $0x4;
	(pc) =	sbr.rel @p2 .LBB2_8-.Ltmp7, $4  }
0x73: {  	s9 =	sand.u32 $0x1FFFFFF0, s9  }
0x74: {  	s9 =	sadd.s32 s6, s9  }
0x75: {  	[tilespmem:s3], [sflag:$0x9] =	stream.linear.gather [hbm4b:s9+s18], $0x40, $0x38;
	[tilespmem:$0x1EF88] =	vst v63  }
0x76: {  	s3 =	sadd.s32 $0x80, s3  }
.Ltmp8:
0x77: {  	_ = 	snop;
	(pc) =	sbr.rel .LBB2_5-.Ltmp8, $1  }
0x78: {  	_ =	sdelay $0x3  }
.LBB2_9:
0x79: {  	p2 =	slt.u32 s22, $0x2  }
.Ltmp9:
0x7a: {  	_ = 	snop;
	(pc) =	sbr.rel @p2 .LBB2_27-.Ltmp9, $1  }
0x7b: {  	_ =	sdelay $0x3  }
0x7c: {  	p2 =	sgt.s32 s23, $0x3CF50  }
0x7d: {  	s0 =	smov.u32 s23;
	s2 =	sshra.s32 s23, $0x1F;
	s3 =	ssub.s32 $0x3D090, s23  }
0x7e: {  	s0 =	simm.s32 @!p2 $0x3CF50;
	s2 =	sand.u32 s2, s23;
	p2 =	slt.s32 s3, $0x140  }
0x7f: {  	s0 =	ssub.s32 s0, s2;
	s3 =	simm.s32 @!p2 $0x140  }
0x80: {  	s0 =	sadd.s32 $0xFFFC30B0, s0;
	s10 =	sshll.u32 s3, $0x6  }
0x81: {  	s26 =	simm.s32 $0x9;
	s24 =	sshll.u32 s0, $0x2;
	s2 =	sand.u32 $0x3FFFFFC0, s10  }
0x82: {  	p2 =	sgt.s32 s0, $0x13F;
	s25 =	ssub.s32 $0x500, s24;
	_ =	swait.ge [sflag:s26], s2  }
0x83: {  	s2 =	ssub.s32 $0x0, s2;
	[sflag:s26] =	ssyncset.done $0x0;
	s0 =	sshrl.u32 s25, $0x2  }
0x84: {  	[sflag:s26] =	ssyncadd.s32 s2;
	s0 =	simm.s32 @p2 $0x0  }
0x85: {  	_ =	swait.ge [sflag:s11], s0  }
0x86: {  	s0 =	ssub.s32 $0x0, s0;
	[sflag:s11] =	ssyncset.done $0x0  }
0x87: {  	[sflag:s11] =	ssyncadd.s32 s0  }
0x88: {  	v1 =	vld [tilespmem:$0xA108];
	_ =	sdelay $0x4  }
0x89: {  	(v2sf) =	vpush v1, $0x0  }
0x8a: {  	(v2sf) =	vpush v1, $0x1  }
0x8b: {  	(v2sf) =	vpush v1, $0x2;
	_ =	sdelay $0x3  }
0x8c: {  	s0 =	sadd.s32 $0x140, s23  }
0x8d: {  	s2 =	ssub.s32 $0x7A120, s23;
	p2 =	slt.s32 s8, s0  }
0x8e: {  	s0 =	smov.u32 @p2 s8;
	p2 =	sgt.s32 s2, $0x0  }
0x8f: {  	s0 =	ssub.s32 s0, s23;
	s2 =	simm.s32 @!p2 $0x0  }
0x90: {  	p2 =	slt.s32 s2, s0  }
0x91: {  	s0 =	smov.u32 @p2 s2  }
0x92: {  	s26 =	simm.s32 $0x1;
	p2 =	slt.s32 s0, $0x1  }
.Ltmp10:
0x93: {  	s26 =	simm.s32 @!p1 $0x0;
	(pc) =	sbr.rel @p2 .LBB2_14-.Ltmp10, $4  }
0x94: {  	s30 =	smul.u32 $0x500, s26  }
0x95: {  	s28 =	spop (v2sf)  }
0x96: {  	s31 =	sshrl.u32 s30, $0x2;
	s29 =	spop (v2sf)  }
0x97: {  	s24 =	sadd.s32 $0xAD08, s31;
	s23 =	spop (v2sf)  }
0x98: {  	s2 =	smin.u32 s0, $0x10  }
0x99: {  	v1 =	vmov s2  }
0x9a: {  	p3 =	sgt.s32 s0, $0x10;
	vm1 =	vgt.u32 v1, v0  }
.Ltmp11:
0x9b: {  	_ = 	snop;
	(pc) =	sbr.rel @!p3 .LBB2_13-.Ltmp11, $2  }
0x9c: {  	_ =	sdelay $0x2  }
0x9d: {  	s5 =	simm.s32 $0x10;
	s25 =	sadd.s32 $0xFFFFFFF0, s0;
	s4 =	smov.u32 s24;
	vm0 =	vmmov vm1  }
.LBB2_12:
0x9e: {  	s2 =	smin.u32 s25, $0x10;
	s5 =	sadd.s32 $0x10, s5;
	v1 =	vld.msk [tilespmem:s4+$0x0 ss:$0x1], vm1  }
0x9f: {  	v2 =	vmov s2;
	p3 =	slt.s32 s5, s0  }
0xa0: {  	vm1 =	vgt.u32 v2, v0  }
.Ltmp12:
0xa1: {  	(pc) =	sbr.rel @p3 .LBB2_12-.Ltmp12, $3  }
0xa2: {  	_ =	sdelay $0x1  }
0xa3: {  	v1 =	vshll.u32 v1, $0x4  }
0xa4: {  	s25 =	sadd.s32 $0xFFFFFFF0, s25;
	[tilespmem:s4+$0x0] =	vst.msk vm0, v1;
	s4 =	sadd.s32 $0x10, s4;
	vm0 =	vmmov vm1  }
.LBB2_13:
0xa5: {  	_ =	sdelay $0x4  }
0xa6: {  	v1 =	vld.msk [tilespmem:s4+$0x0 ss:$0x1], vm1;
	_ =	sdelay $0x4  }
0xa7: {  	v1 =	vshll.u32 v1, $0x4  }
0xa8: {  	[tilespmem:s4+$0x0] =	vst.msk vm0, v1  }
.LBB2_14:
0xa9: {  	s2 =	sand.u32 $0x1, s22  }
0xaa: {  	s3 =	smul.u32 $0xA000, s2  }
0xab: {  	p3 =	sne.s32 s29, $0xFFFFFFFF;
	s2 =	smul.u32 $0x140, s2  }
0xac: {  	v1 =	vld @!p3 [tilespmem:s3+$0xAF88]  }
0xad: {  	v2 =	vld.msk @!p3 [tilespmem:s2+$0xAD08], $0x1;
	_ =	sdelay $0x3  }
0xae: {  	[tilespmem:$0x88] =	vst @!p3 v1  }
0xaf: {  	(v2sf) =	vpush @!p3 v2, $0x0;
	v1 =	vld @!p3 [tilespmem:s3+$0xAF98];
	_ =	sdelay $0x4  }
0xb0: {  	[tilespmem:$0x98] =	vst @!p3 v1  }
0xb1: {  	v1 =	vld @!p3 [tilespmem:s3+$0xAFA8];
	_ =	sdelay $0x4  }
0xb2: {  	[tilespmem:$0xA8] =	vst @!p3 v1  }
0xb3: {  	v1 =	vld @!p3 [tilespmem:s3+$0xAFB8]  }
.Ltmp13:
0xb4: {  	_ = 	snop;
	(pc) =	sbr.rel @p2 .LBB2_25-.Ltmp13, $4  }
0xb5: {  	_ = 	snop  }
0xb6: {  	s30 =	spop @!p3 (v2sf)  }
0xb7: {  	s23 =	simm.s32 @!p3 $0x0;
	s25 =	smov.u32 s30  }
0xb8: {  	s30 =	smov.u32 @p3 s28;
	s25 =	smov.u32 @p3 s29;
	[tilespmem:$0xB8] =	vst @!p3 v1;
	[sflag:s19] =	ssyncpa.u1 $0x0  }
0xb9: {  	v1 =	vld.msk [tilespmem:s24+$0x0], $0x1;
	_ =	sdelay $0x4  }
0xba: {  	(v2sf) =	vpush v1, $0x0;
	_ =	sdelay $0xe  }
0xbb: {  	s2 =	smul.u32 $0x28000, s26;
	s4 =	spop (v2sf)  }
0xbc: {  	s28 =	ssub.s32 $0x0, s0;
	p2 =	seq.s32 s30, s4  }
0xbd: {  	s0 =	sadd.s32 $0x1, s28;
	s2 =	sshrl.u32 s2, $0x2;
	p3 =	sgt.s32 @!p2 s30, $0x0  }
0xbe: {  	s26 =	sadd.s32 $0xAFA8, s2;
	s2 =	smov.u32 s30;
	p3 =	por !p3, p2  }
0xbf: {  	s2 =	simm.s32 @p3 $0x0;
	p3 =	seq.s32 s0, $0x0  }
.Ltmp14:
0xc0: {  	_ = 	snop;
	(pc) =	sbr.rel @p3 .LBB2_17-.Ltmp14, $4  }
0xc1: {  	_ = 	snop  }
0xc2: {  	s29 =	simm.s32 $0x0;
	s5 =	simm.s32 @!p2 $0x1;
	s3 =	smin.u32 @!p2 s2, $0x30D3F8  }
0xc3: {  	s31 =	sadd.s32 $0x1, s24;
	s5 =	smov.u32 @p2 s29;
	s9 =	sand.u32 @!p2 $0x3FFFF8, s3  }
0xc4: {  	s2 =	simm.s32 @!p2 $0x50C8;
	s3 =	sand.u32 @!p2 $0x7, s3;
	s9 =	sadd.s32 @!p2 s1, s9  }
.LBB2_16:
0xc5: {  	s10 =	smov.u32 s5  }
0xc6: {  	[tilespmem:s2], [sflag:$0x2] =	stream.linear.gather @!p2 [hbm4b:s9+s3], $0x40, $0x38;
	[tilespmem:$0x1EF88] =	vst v63  }
0xc7: {  	s0 =	sadd.s32 $0x1, s0;
	s3 =	smov.u32 s4;
	v1 =	vld.msk [tilespmem:s31+$0x0], $0x1  }
0xc8: {  	p3 =	seq.s32 s0, $0x0;
	_ =	sdelay $0x3  }
0xc9: {  	(v2sf) =	vpush v1, $0x0;
	_ =	sdelay $0xe  }
0xca: {  	s4 =	spop (v2sf)  }
0xcb: {  	p2 =	seq.s32 s3, s4  }
0xcc: {  	p4 =	sgt.s32 @!p2 s3, $0x0;
	s2 =	sshll.u32 @!p2 s5, $0x8;
	s5 =	sadd.s32 @!p2 $0x1, s5  }
.Ltmp15:
0xcd: {  	p4 =	por !p4, p2;
	s2 =	sshra.s32 @!p2 s2, $0x2;
	(pc) =	sbr.rel @!p3 .LBB2_16-.Ltmp15, $4  }
0xce: {  	s5 =	smov.u32 @p2 s10;
	s3 =	simm.s32 @p4 $0x0;
	s2 =	sadd.s32 @!p2 $0x50C8, s2  }
0xcf: {  	s3 =	smin.u32 @!p2 s3, $0x30D3F8  }
0xd0: {  	s9 =	sand.u32 @!p2 $0x3FFFF8, s3;
	s3 =	sand.u32 @!p2 $0x7, s3  }
0xd1: {  	s31 =	sadd.s32 $0x1, s31;
	s9 =	sadd.s32 @!p2 s1, s9  }
.LBB2_17:
0xd2: {  	[tilespmem:s2], [sflag:$0x2] =	stream.linear.gather @!p2 [hbm4b:s9+s3], $0x40, $0x38;
	[tilespmem:$0x1EF88] =	vst v63  }
.Ltmp16:
0xd3: {  	s0 =	sshll.u32 s5, $0x6;
	(pc) =	sbr.rel .LBB2_18-.Ltmp16, $4  }
0xd4: {  	s31 =	simm.s32 $0x2;
	s0 =	sand.u32 $0x3FFFFFC0, s0  }
0xd5: {  	_ =	swait.ge [sflag:s31], s0  }
0xd6: {  	s0 =	ssub.s32 $0x0, s0;
	[sflag:s31] =	ssyncset.done $0x0  }
0xd7: {  	[sflag:s31] =	ssyncadd.s32 s0;
	s0 =	simm.s32 $0x0  }
.LBB2_19:
0xd8: {  	v1 =	vld [tilespmem:s26+$0xFFFFFFE0]  }
0xd9: {  	v2 =	vld [tilespmem:s4+$0x88];
	_ =	sdelay $0x4  }
0xda: {  	v1 =	vmax.f32 v1, v2  }
0xdb: {  	v2 =	vld [tilespmem:s4+$0x98];
	[tilespmem:s4+$0x88] =	vst v1  }
0xdc: {  	v1 =	vld [tilespmem:s26+$0xFFFFFFF0];
	_ =	sdelay $0x4  }
0xdd: {  	v1 =	vmax.f32 v1, v2  }
0xde: {  	v2 =	vld [tilespmem:s4+$0xA8];
	[tilespmem:s4+$0x98] =	vst v1  }
0xdf: {  	v1 =	vld [tilespmem:s26+$0x0];
	_ =	sdelay $0x4  }
0xe0: {  	v1 =	vmax.f32 v1, v2  }
0xe1: {  	v2 =	vld [tilespmem:s4+$0xB8];
	[tilespmem:s4+$0xA8] =	vst v1  }
0xe2: {  	v1 =	vld [tilespmem:s26+$0x10];
	_ =	sdelay $0x4  }
0xe3: {  	v1 =	vmax.f32 v1, v2  }
0xe4: {  	[tilespmem:s4+$0xB8] =	vst v1  }
.LBB2_23:
0xe5: {  	s28 =	sadd.s32 $0x1, s28  }
0xe6: {  	p2 =	seq.s32 s28, $0x0  }
.Ltmp17:
0xe7: {  	_ = 	snop;
	(pc) =	sbr.rel @p2 .LBB2_24-.Ltmp17, $2  }
0xe8: {  	_ =	sdelay $0x2  }
0xe9: {  	s26 =	sadd.s32 $0x80, s26;
	s24 =	sadd.s32 $0x1, s24;
	s30 =	smov.u32 s31  }
.LBB2_18:
0xea: {  	v1 =	vld.msk [tilespmem:s24+$0x0], $0x1;
	_ =	sdelay $0x4  }
0xeb: {  	(v2sf) =	vpush v1, $0x0;
	_ =	sdelay $0xe  }
0xec: {  	s31 =	spop (v2sf)  }
0xed: {  	p2 =	sne.s32 s30, s31  }
.Ltmp18:
0xee: {  	_ = 	snop;
	(pc) =	sbr.rel @!p2 .LBB2_19-.Ltmp18, $3  }
0xef: {  	_ =	sdelay $0x1  }
0xf0: {  	s2 =	sshll.u32 s23, $0x8  }
0xf1: {  	s4 =	sshra.s32 s2, $0x2  }
0xf2: {  	p2 =	seq.s32 s30, s25  }
.Ltmp19:
0xf3: {  	_ = 	snop;
	(pc) =	sbr.rel @!p2 .LBB2_21-.Ltmp19, $1  }
0xf4: {  	_ =	sdelay $0x3  }
.Ltmp20:
0xf5: {  	s2 =	sadd.s32 $0x88, s4;
	(pc) =	sbr.rel .LBB2_22-.Ltmp20, $4  }
0xf6: {  	[spmem:s16] =	stream.linear.scatter [tilespmem:s2], [sflag:$0x1], $0x40, $0x38;
	[tilespmem:$0x1EF88] =	vst v63  }
0xf7: {  	_ =	swait.ge [sflag:s12], $0x40  }
0xf8: {  	[sflag:s12] =	ssyncset.done $0x0  }
0xf9: {  	[sflag:s12] =	ssyncadd.s32 $0xFFFFFFC0  }
.LBB2_21:
0xfa: {  	s2 =	sshll.u32 s29, $0x8  }
0xfb: {  	v2 =	vld [tilespmem:s4+$0x88];
	s2 =	sshra.s32 s2, $0x2  }
0xfc: {  	v1 =	vld [tilespmem:s2+$0x50C8];
	_ =	sdelay $0x4  }
0xfd: {  	v1 =	vmax.f32 v1, v2  }
0xfe: {  	v2 =	vld [tilespmem:s4+$0x98];
	[tilespmem:s4+$0x88] =	vst v1  }
0xff: {  	v1 =	vld [tilespmem:s2+$0x50D8];
	_ =	sdelay $0x4  }
0x100: {  	v1 =	vmax.f32 v1, v2  }
0x101: {  	v2 =	vld [tilespmem:s4+$0xA8];
	[tilespmem:s4+$0x98] =	vst v1  }
0x102: {  	v1 =	vld [tilespmem:s2+$0x50E8];
	_ =	sdelay $0x4  }
0x103: {  	v1 =	vmax.f32 v1, v2  }
0x104: {  	v2 =	vld [tilespmem:s4+$0xB8];
	[tilespmem:s4+$0xA8] =	vst v1  }
0x105: {  	v1 =	vld [tilespmem:s2+$0x50F8];
	_ =	sdelay $0x3  }
0x106: {  	p2 =	sgt.u32 s30, $0x30D3F8  }
0x107: {  	s2 =	sand.u32 @!p2 $0x3FFFF8, s30;
	v1 =	vmax.f32 v1, v2  }
0x108: {  	s3 =	sadd.s32 $0x88, s4;
	s2 =	sadd.s32 @!p2 s1, s2;
	[tilespmem:s4+$0xB8] =	vst v1;
	s4 =	sand.u32 @!p2 $0x7, s30  }
0x109: {  	[hbm4b:s2+s4] =	stream.linear.scatter @!p2 [tilespmem:s3], [sflag:$0xC], $0x40, $0x38;
	[tilespmem:$0x1EF88] =	vst v63  }
0x10a: {  	s2 =	simm.s32 $0x0  }
0x10b: {  	s2 =	simm.s32 @!p2 $0x100  }
0x10c: {  	s0 =	sadd.s32 s2, s0  }
.LBB2_22:
0x10d: {  	s2 =	sadd.s32 $0x1, s23  }
0x10e: {  	s3 =	smulhi.u32 $0xCCCCCCCD, s2;
	_ =	sdelay $0x1  }
0x10f: {  	v1 =	vld [tilespmem:s26+$0xFFFFFFE0];
	s3 =	sshrl.u32 s3, $0x8  }
0x110: {  	s3 =	smul.u32 $0x140, s3;
	_ =	sdelay $0x1  }
0x111: {  	s23 =	ssub.s32 s2, s3  }
0x112: {  	s2 =	sshll.u32 s23, $0x6  }
0x113: {  	[tilespmem:s2+$0x88] =	vst v1  }
0x114: {  	v1 =	vld [tilespmem:s26+$0xFFFFFFF0];
	_ =	sdelay $0x4  }
0x115: {  	[tilespmem:s2+$0x98] =	vst v1  }
0x116: {  	v1 =	vld [tilespmem:s26+$0x0];
	_ =	sdelay $0x4  }
0x117: {  	[tilespmem:s2+$0xA8] =	vst v1  }
0x118: {  	v1 =	vld [tilespmem:s26+$0x10]  }
.Ltmp21:
0x119: {  	_ = 	snop;
	(pc) =	sbr.rel .LBB2_23-.Ltmp21, $2  }
0x11a: {  	_ =	sdelay $0x2  }
0x11b: {  	s29 =	sadd.s32 $0x1, s29;
	[tilespmem:s2+$0xB8] =	vst v1  }
.LBB2_25:
.Ltmp22:
0x11c: {  	(pc) =	sbr.rel .LBB2_26-.Ltmp22, $4  }
0x11d: {  	_ = 	snop  }
0x11e: {  	s0 =	simm.s32 $0x2  }
0x11f: {  	_ =	swait.ge [sflag:s0], $0x0  }
0x120: {  	s31 =	smov.u32 s30;
	[sflag:s0] =	ssyncset.done $0x0;
	s0 =	simm.s32 $0x0  }
.LBB2_28:
0x121: {  	_ =	sfence.sel $0x180000  }
0x122: {  	s0 =	simm.s32 $0x9;
	[bflag:$0x0] =	sbarrier.arrive $0xFFFF  }
0x123: {  	s24 =	simm.s32 $0xA;
	[sflag:s0] =	ssyncpa.u1 $0x1  }
0x124: {  	s25 =	simm.s32 $0xB;
	[sflag:s24] =	ssyncpa.u1 $0x1  }
0x125: {  	s26 =	simm.s32 $0x2;
	[sflag:s25] =	ssyncpa.u1 $0x1  }
0x126: {  	[sflag:s26] =	ssyncpa.u1 $0x1  }
0x127: {  	v0 =	vld [tilespmem:$0xA108];
	_ =	sdelay $0x4  }
0x128: {  	(v2sf) =	vpush v0, $0x0  }
0x129: {  	(v2sf) =	vpush v0, $0x1;
	_ =	sdelay $0x1  }
0x12a: {  	(v2sf) =	vpush v0, $0x2;
	_ =	sdelay $0xb  }
0x12b: {  	s0 =	spop (v2sf)  }
0x12c: {  	s2 =	spop (v2sf)  }
0x12d: {  	s3 =	smov.u32 s0;
	p0 =	sne.s32 s0, s2  }
0x12e: {  	s4 =	spop (v2sf);
	s3 =	simm.s32 @!p0 $0xFFFFFFFF  }
0x12f: {  	v2 =	vimm.s32 $0x1;
	v3 =	vlaneseq.u32;
	p0 =	seq.s32 s4, $0xFFFFFFFF;
	v1 =	vmov s3  }
0x130: {  	s15 =	stileid.u32;
	v0 =	vperm.xlane v0, v2;
	p1 =	sne.s32 @!p0 s0, s2;
	v1 =	vperm.xlane v1, v3  }
0x131: {  	vm0 =	vcmask $0x3F04;
	s6 =	simm.s32 $0xA108;
	s0 =	simm.s32 @!p0 $0x1;
	p1 =	por !p1, p0  }
0x132: {  	s3 =	sshll.u32 s15, $0x1;
	s2 =	sshll.u32 @!p0 s4, $0x8;
	s0 =	simm.s32 @p1 $0x0;
	v0 =	vsel vm0, v1, v0  }
0x133: {  	s5 =	sor.u32 $0x800, s3;
	s2 =	sshra.s32 @!p0 s2, $0x2;
	s0 =	sor.u32 @!p0 s0, s3;
	[tilespmem:$0xA108] =	vst v0  }
0x134: {  	[spmem:s5] =	stream.linear.scatter [tilespmem:s6], [sflag:$0x1], $0x2, $0x38;
	[tilespmem:$0x1EF88] =	vst v63  }
0x135: {  	s2 =	sadd.s32 @!p0 $0x88, s2;
	s0 =	sshll.u32 @!p0 s0, $0x6  }
0x136: {  	[spmem:s0] =	stream.linear.scatter @!p0 [tilespmem:s2], [sflag:$0x1], $0x40, $0x38;
	[tilespmem:$0x1EF88] =	vst v63  }
0x137: {  	s0 =	simm.s32 @!p0 $0x42  }
0x138: {  	s28 =	simm.s32 $0x1;
	s0 =	simm.s32 @p0 $0x2  }
0x139: {  	_ =	swait.ge [sflag:s28], s0  }
0x13a: {  	s0 =	ssub.s32 $0x0, s0;
	[sflag:s28] =	ssyncset.done $0x0  }
0x13b: {  	p0 =	sne.s32 s15, $0x0;
	[sflag:s28] =	ssyncadd.s32 s0  }
.Ltmp23:
0x13c: {  	_ =	sfence.stream.spmem;
	(pc) =	sbr.rel @p0 .LBB2_45-.Ltmp23, $4  }
0x13d: {  	s29 =	simm.s32 $0x3;
	[bflag:$0x0] =	sbarrier.arrive $0xFFFF  }
0x13e: {  	s30 =	simm.s32 $0x4;
	[sflag:s29] =	ssyncpa.u1 $0x1  }
0x13f: {  	s31 =	simm.s32 $0x3C;
	[sflag:s30] =	ssyncpa.u1 $0x1  }
0x140: {  	s14 =	rddreg [dreg:$0x7];
	[sflag:s31] =	ssyncpa.u1 $0x1  }
0x141: {  	_ =	sfence.stream.spmem;
	s0 =	simm.s32 $0x5  }
0x142: {  	s2 =	simm.s32 $0x800;
	s3 =	simm.s32 $0xA118;
	[sflag:s0] =	ssyncpa.u1 $0x0  }
0x143: {  	[tilespmem:s3], [sflag:$0x5] =	stream.linear.gather [spmem:s2], $0x20, $0x38;
	[tilespmem:$0x1EF88] =	vst v63  }
0x144: {  	s26 =	simm.s32 $0x0;
	s28 =	simm.s32 $0xA138  }
0x145: {  	[tilespmem:s28], [sflag:$0x5] =	stream.linear.gather [spmem:s26], $0x800, $0x38;
	[tilespmem:$0x1EF88] =	vst v63  }
0x146: {  	_ =	swait.ge [sflag:s0], $0x820  }
0x147: {  	[sflag:s0] =	ssyncset.done $0x0  }
0x148: {  	s29 =	simm.s32 $0x0;
	[sflag:s0] =	ssyncadd.s32 $0xFFFFF7E0  }
0x149: {  	v0 =	vld.msk [tilespmem:s29+$0xA118], $0x1;
	_ =	sdelay $0x1  }
0x14a: {  	s30 =	simm.s32 $0x1  }
0x14b: {  	v1 =	vld.msk [tilespmem:s30+$0xA118], $0x1;
	_ =	sdelay $0x1  }
0x14c: {  	(v2sf) =	vpush v0, $0x0;
	_ =	sdelay $0x2  }
0x14d: {  	(v2sf) =	vpush v1, $0x0;
	_ =	sdelay $0x2  }
0x14e: {  	s31 =	simm.s32 $0x2  }
0x14f: {  	v0 =	vld.msk [tilespmem:s31+$0xA118], $0x1;
	_ =	sdelay $0x2  }
0x150: {  	s4 =	simm.s32 $0xFFFFFFFF;
	s2 =	simm.s32 $0xFFFFFFFF;
	s0 =	simm.s32 $0xC  }
.LBB2_30:
0x151: {  	s3 =	smov.u32 s4;
	s5 =	smov.u32 s2  }
0x152: {  	s2 =	sshra.s32 s0, $0x2;
	p1 =	sne.s32 s0, $0x7C;
	s0 =	sadd.s32 $0x4, s0;
	(v2sf) =	vpush v0, $0x0  }
0x153: {  	v0 =	vld.msk [tilespmem:s2+$0xA118], $0x1  }
.Ltmp24:
0x154: {  	(pc) =	sbr.rel @p1 .LBB2_30-.Ltmp24, $4  }
0x155: {  	s4 =	spop (v2sf)  }
0x156: {  	p2 =	sne.s32 s5, $0xFFFFFFFF;
	s2 =	smov.u32 s4  }
0x157: {  	p3 =	seq.s32 s4, $0xFFFFFFFF;
	s2 =	smov.u32 @p2 s5  }
0x158: {  	s4 =	smov.u32 @p3 s3;
	s2 =	smov.u32 @p3 s5  }
0x159: {  	(v2sf) =	vpush v0, $0x0;
	_ =	sdelay $0x8  }
0x15a: {  	s0 =	spop (v2sf)  }
0x15b: {  	p1 =	sne.s32 s2, $0xFFFFFFFF;
	s3 =	smov.u32 s0  }
0x15c: {  	s9 =	simm.s32 $0x6;
	p2 =	seq.s32 s0, $0xFFFFFFFF;
	s3 =	smov.u32 @p1 s2  }
0x15d: {  	s6 =	simm.s32 $0x0;
	s3 =	smov.u32 @p2 s2;
	s2 =	spop (v2sf)  }
0x15e: {  	s0 =	smov.u32 @p2 s4;
	p1 =	sne.s32 s3, $0xFFFFFFFF;
	s5 =	smov.u32 s2  }
.Ltmp25:
0x15f: {  	p2 =	seq.s32 s2, $0xFFFFFFFF;
	s5 =	smov.u32 @p1 s3;
	(pc) =	sbr.rel .LBB2_32-.Ltmp25, $4  }
0x160: {  	s10 =	simm.s32 $0xA0C8;
	s5 =	smov.u32 @p2 s3;
	s7 =	spop (v2sf)  }
0x161: {  	s11 =	simm.s32 $0x0;
	p1 =	sne.s32 s5, $0xFFFFFFFF;
	s8 =	smov.u32 s7  }
0x162: {  	s2 =	smov.u32 @p2 s0;
	p2 =	seq.s32 s7, $0xFFFFFFFF;
	s8 =	smov.u32 @p1 s5  }
0x163: {  	[sflag:s9] =	ssyncpa.u1 $0x0;
	s7 =	smov.u32 @p2 s2;
	s8 =	smov.u32 @p2 s5  }
.LBB2_38:
0x164: {  	p1 =	sgt.u32 s0, $0x30D3F8  }
0x165: {  	p2 =	seq.s32 @!p1 s0, s8  }
0x166: {  	p1 =	por p1, p2  }
0x167: {  	p2 =	sne.s32 @!p1 s0, s7  }
0x168: {  	p1 =	por p1, !p2  }
0x169: {  	s0 =	sshll.u32 @p1 s11, $0x8  }
0x16a: {  	s2 =	sand.u32 @!p1 $0x3FFFF8, s0  }
0x16b: {  	s0 =	sand.u32 @!p1 $0x7, s0;
	s2 =	sadd.s32 @!p1 s1, s2  }
0x16c: {  	[tilespmem:s10], [sflag:$0x6] =	stream.linear.gather @!p1 [hbm4b:s2+s0], $0x40, $0x38;
	[tilespmem:$0x1EF88] =	vst v63  }
0x16d: {  	_ =	swait.ge @!p1 [sflag:s9], $0x40  }
0x16e: {  	[sflag:s9] =	ssyncset.done @!p1 $0x0  }
0x16f: {  	s0 =	sshll.u32 @!p1 s11, $0x8;
	[sflag:s9] =	ssyncadd.s32 @!p1 $0xFFFFFFC0  }
0x170: {  	s2 =	sshrl.u32 @!p1 s0, $0x2;
	v1 =	vld @!p1 [tilespmem:$0xA0C8]  }
0x171: {  	v2 =	vld @!p1 [tilespmem:s2+$0xA138];
	_ =	sdelay $0x4  }
0x172: {  	v1 =	vmax.f32 @!p1 v1, v2  }
0x173: {  	v2 =	vld @!p1 [tilespmem:s2+$0xA148];
	[tilespmem:s2+$0xA138] =	vst @!p1 v1  }
0x174: {  	v1 =	vld @!p1 [tilespmem:$0xA0D8];
	_ =	sdelay $0x4  }
0x175: {  	v1 =	vmax.f32 @!p1 v1, v2  }
0x176: {  	v2 =	vld @!p1 [tilespmem:s2+$0xA158];
	[tilespmem:s2+$0xA148] =	vst @!p1 v1  }
0x177: {  	v1 =	vld @!p1 [tilespmem:$0xA0E8];
	_ =	sdelay $0x4  }
0x178: {  	v1 =	vmax.f32 @!p1 v1, v2  }
0x179: {  	v2 =	vld @!p1 [tilespmem:s2+$0xA168];
	[tilespmem:s2+$0xA158] =	vst @!p1 v1  }
0x17a: {  	v1 =	vld @!p1 [tilespmem:$0xA0F8];
	_ =	sdelay $0x4  }
0x17b: {  	v1 =	vmax.f32 @!p1 v1, v2  }
0x17c: {  	[tilespmem:s2+$0xA168] =	vst @!p1 v1  }
0x17d: {  	s0 =	sshrl.u32 s0, $0x2;
	[tilespmem:s6+$0xA118] =	vst.msk $0x1, v0  }
0x17e: {  	v0 =	vld [tilespmem:s0+$0xA138];
	_ =	sdelay $0x2  }
0x17f: {  	s31 =	sshll.u32 s6, $0x8  }
0x180: {  	s2 =	sshra.s32 s31, $0x2  }
0x181: {  	[tilespmem:s2+$0xA138] =	vst v0  }
0x182: {  	v0 =	vld [tilespmem:s0+$0xA148];
	_ =	sdelay $0x4  }
0x183: {  	[tilespmem:s2+$0xA148] =	vst v0  }
0x184: {  	v0 =	vld [tilespmem:s0+$0xA158];
	_ =	sdelay $0x4  }
0x185: {  	[tilespmem:s2+$0xA158] =	vst v0  }
0x186: {  	v0 =	vld [tilespmem:s0+$0xA168];
	_ =	sdelay $0x4  }
0x187: {  	s6 =	sadd.s32 $0x1, s6;
	[tilespmem:s2+$0xA168] =	vst v0  }
.LBB2_39:
0x188: {  	s11 =	sadd.s32 $0x1, s11  }
0x189: {  	p1 =	sne.s32 s11, $0x20  }
.Ltmp26:
0x18a: {  	_ = 	snop;
	(pc) =	sbr.rel @!p1 .LBB2_40-.Ltmp26, $1  }
0x18b: {  	_ =	sdelay $0x3  }
.LBB2_32:
0x18c: {  	v0 =	vld.msk [tilespmem:s11+$0xA118], $0x1;
	_ =	sdelay $0x4  }
0x18d: {  	(v2sf) =	vpush v0, $0x0;
	_ =	sdelay $0xe  }
0x18e: {  	s0 =	spop (v2sf)  }
0x18f: {  	p1 =	seq.s32 s0, $0xFFFFFFFF  }
.Ltmp27:
0x190: {  	_ = 	snop;
	(pc) =	sbr.rel @p1 .LBB2_39-.Ltmp27, $1  }
0x191: {  	_ =	sdelay $0x3  }
0x192: {  	p1 =	slt.s32 s6, $0x1  }
.Ltmp28:
0x193: {  	_ = 	snop;
	(pc) =	sbr.rel @p1 .LBB2_38-.Ltmp28, $1  }
0x194: {  	_ =	sdelay $0x3  }
0x195: {  	s12 =	simm.s32 $0xA118;
	p1 =	por $0x0, $0x0  }
0x196: {  	v1 =	vld.msk @!p1 [tilespmem:s12+$0x0], $0x1;
	_ =	sdelay $0x4  }
0x197: {  	(v2sf) =	vpush @!p1 v1, $0x0;
	_ =	sdelay $0xd  }
0x198: {  	p3 =	sne.s32 s6, $0x1  }
.Ltmp29:
0x199: {  	s2 =	spop @!p1 (v2sf);
	(pc) =	sbr.rel @!p3 .LBB2_36-.Ltmp29, $4  }
0x19a: {  	p2 =	seq.s32 @!p1 s0, s2  }
0x19b: {  	s13 =	simm.s32 $0x0;
	p2 =	por !p2, p1  }
0x19c: {  	s2 =	simm.s32 $0xFFFFFFFF;
	s13 =	simm.s32 @p2 $0xFFFFFFFF  }
0x19d: {  	s4 =	simm.s32 $0x1;
	s13 =	smov.u32 @p1 s2  }
.LBB2_35:
0x19e: {  	s2 =	smov.u32 s13;
	p1 =	sne.s32 s13, $0xFFFFFFFF  }
0x19f: {  	s12 =	sadd.s32 $0x1, s12;
	s13 =	smov.u32 s4;
	s4 =	sadd.s32 $0x1, s4  }
0x1a0: {  	p2 =	sne.s32 s6, s4;
	v1 =	vld.msk @!p1 [tilespmem:s12+$0x0], $0x1;
	_ =	sdelay $0x4  }
0x1a1: {  	(v2sf) =	vpush @!p1 v1, $0x0;
	_ =	sdelay $0xe  }
.Ltmp30:
0x1a2: {  	s3 =	spop @!p1 (v2sf);
	(pc) =	sbr.rel @p2 .LBB2_35-.Ltmp30, $4  }
0x1a3: {  	p3 =	seq.s32 @!p1 s0, s3  }
0x1a4: {  	p3 =	por !p3, p1  }
0x1a5: {  	s13 =	simm.s32 @p3 $0xFFFFFFFF  }
0x1a6: {  	s13 =	smov.u32 @p1 s2  }
.LBB2_36:
0x1a7: {  	p1 =	seq.s32 s13, $0xFFFFFFFF  }
.Ltmp31:
0x1a8: {  	_ = 	snop;
	(pc) =	sbr.rel @p1 .LBB2_38-.Ltmp31, $1  }
0x1a9: {  	_ =	sdelay $0x3  }
0x1aa: {  	s0 =	sshll.u32 s11, $0x6  }
0x1ab: {  	s2 =	sshll.u32 s13, $0x8;
	s0 =	sand.u32 $0x3FFFFFC0, s0  }
0x1ac: {  	s2 =	sshra.s32 s2, $0x2;
	v0 =	vld [tilespmem:s0+$0xA138]  }
0x1ad: {  	v1 =	vld [tilespmem:s2+$0xA138];
	_ =	sdelay $0x4  }
0x1ae: {  	v0 =	vmax.f32 v0, v1  }
0x1af: {  	v61 =	vld [tilespmem:s2+$0xA148];
	[tilespmem:s2+$0xA138] =	vst v0  }
0x1b0: {  	v0 =	vld [tilespmem:s0+$0xA148];
	_ =	sdelay $0x4  }
0x1b1: {  	v0 =	vmax.f32 v0, v61  }
0x1b2: {  	v62 =	vld [tilespmem:s2+$0xA158];
	[tilespmem:s2+$0xA148] =	vst v0  }
0x1b3: {  	v0 =	vld [tilespmem:s0+$0xA158];
	_ =	sdelay $0x4  }
0x1b4: {  	v0 =	vmax.f32 v0, v62  }
0x1b5: {  	v63 =	vld [tilespmem:s2+$0xA168];
	[tilespmem:s2+$0xA158] =	vst v0  }
0x1b6: {  	v0 =	vld [tilespmem:s0+$0xA168];
	_ =	sdelay $0x1  }
.Ltmp32:
0x1b7: {  	_ = 	snop;
	(pc) =	sbr.rel .LBB2_39-.Ltmp32, $3  }
0x1b8: {  	_ =	sdelay $0x1  }
0x1b9: {  	v0 =	vmax.f32 v0, v63  }
0x1ba: {  	[tilespmem:s2+$0xA168] =	vst v0  }
.LBB2_40:
0x1bb: {  	s0 =	simm.s32 $0x6;
	p1 =	seq.s32 s6, $0x0  }
0x1bc: {  	[sflag:s0] =	ssyncpa.u1 $0x1;
	v0 =	vimm.s32 @p1 $0xFFFFFFFF  }
0x1bd: {  	s0 =	sadd.s32 $0xFFFFFFFF, s6;
	[tilespmem:$0xA938] =	vst @p1 v0  }
0x1be: {  	v0 =	vld.msk @!p1 [tilespmem:s0+$0xA118], $0x1;
	_ =	sdelay $0x1  }
0x1bf: {  	v1 =	vld.msk @!p1 [tilespmem:$0xA118], $0x1;
	_ =	sdelay $0x2  }
0x1c0: {  	p2 =	seq.s32 @!p1 s0, $0x0;
	v0 =	vbroadcast @!p1 v0, $0x0  }
0x1c1: {  	vm0 =	vmmov @!p1 $0x1;
	p2 =	por !p2, p1  }
0x1c2: {  	v1 =	vnsel @!p1 vm0, $0xFFFFFFFF, v1;
	vm0 =	vcmask @!p1 $0x308;
	v0 =	vpsel !p2, $0xFFFFFFFF, v0  }
0x1c3: {  	p2 =	sne.s32 @!p1 s8, s7;
	v0 =	vsel @!p1 vm0, v1, v0  }
0x1c4: {  	s2 =	simm.s32 @!p1 $0xA138;
	s3 =	simm.s32 @!p1 $0x0;
	p3 =	por !p2, p1;
	[tilespmem:$0xA938] =	vst @!p1 v0  }
0x1c5: {  	[spmem:s3] =	stream.linear.scatter @!p1 [tilespmem:s2], [sflag:$0x1], $0x40, $0x38;
	[tilespmem:$0x1EF88] =	vst v63  }
0x1c6: {  	s2 =	sshll.u32 @!p3 s0, $0x8  }
0x1c7: {  	s2 =	sshra.s32 @!p3 s2, $0x2  }
0x1c8: {  	s3 =	simm.s32 @!p3 $0x40;
	s2 =	sadd.s32 @!p3 $0xA138, s2  }
0x1c9: {  	[spmem:s3] =	stream.linear.scatter @!p3 [tilespmem:s2], [sflag:$0x1], $0x40, $0x38;
	[tilespmem:$0x1EF88] =	vst v63  }
0x1ca: {  	s2 =	simm.s32 @!p3 $0x1  }
0x1cb: {  	_ =	swait.ge @!p3 [sflag:s2], $0x80  }
0x1cc: {  	p1 =	por p2, p1;
	[sflag:s2] =	ssyncset.done @!p3 $0x0  }
0x1cd: {  	[sflag:s2] =	ssyncadd.s32 @!p3 $0xFFFFFF80;
	s2 =	simm.s32 @!p1 $0x1  }
0x1ce: {  	_ =	swait.ge @!p1 [sflag:s2], $0x40  }
0x1cf: {  	s29 =	simm.s32 $0xA938;
	[sflag:s2] =	ssyncset.done @!p1 $0x0  }
0x1d0: {  	s30 =	simm.s32 $0x800;
	s31 =	simm.s32 $0x1;
	[sflag:s2] =	ssyncadd.s32 @!p1 $0xFFFFFFC0  }
0x1d1: {  	[spmem:s30] =	stream.linear.scatter [tilespmem:s29], [sflag:$0x1], $0x10, $0x38;
	[tilespmem:$0x1EF88] =	vst v63  }
0x1d2: {  	_ =	swait.ge [sflag:s31], $0x10  }
0x1d3: {  	[sflag:s31] =	ssyncset.done $0x0  }
0x1d4: {  	p1 =	seq.s32 s14, $0x0;
	s9 =	rddreg [dreg:$0x4];
	[sflag:s31] =	ssyncadd.s32 $0xFFFFFFF0  }
0x1d5: {  	s3 =	sshll.u32 @p1 s9, $0xE;
	s8 =	rddreg [dreg:$0x5]  }
0x1d6: {  	s2 =	sadd.s32 @p1 $0x15C3C, s3;
	s3 =	sshll.u32 @p1 s8, $0x11  }
0x1d7: {  	_ =	sfence.stream.spmem;
	s2 =	sor.u32 @p1 s3, s2  }
0x1d8: {  	[sflag:s2] =	ssyncadd.remote.s32 @p1 $0x1;
	s2 =	simm.s32 @p1 $0x4  }
0x1d9: {  	s4 =	simm.s32 @!p1 $0x3C;
	s3 =	sand.u32 $0xFFFFFFFE, s9;
	_ =	swait.ge @p1 [sflag:s2], $0x12  }
0x1da: {  	s5 =	simm.s32 @!p1 $0x0;
	s3 =	sadd.s32 @!p1 $0x4, s3;
	[sflag:s2] =	ssyncset.done @p1 $0x0  }
0x1db: {  	s7 =	simm.s32 @!p1 $0x80;
	[sflag:s2] =	ssyncadd.s32 @p1 $0xFFFFFFEE;
	s2 =	sshll.u32 @!p1 s3, $0x1A  }
0x1dc: {  	s3 =	sshll.u32 @!p1 s3, $0xD;
	s2 =	sor.u32 @!p1 s2, s8;
	_ =	swait.eq @!p1 [sflag:s4], $0x1  }
0x1dd: {  	s3 =	sor.u32 @!p1 $0x1C04, s3;
	s4 =	simm.s32 @!p1 $0x1C03;
	s2 =	sor.u32 @!p1 $0x80004000, s2  }
0x1de: {  	[spmem:s7], [sflag:s3] =	dma.general @!p1 [spmem:s5], [sflag:s4], length:$0x10, [dreg:$0x0], stride_count:$0x0, ici_dest:s2, dma_misc:DstOpCode:WRITE  }
0x1df: {  	p2 =	slt.s32 s0, $0x2;
	s5 =	simm.s32 @!p1 $0x100;
	s7 =	simm.s32 @!p1 $0x102  }
0x1e0: {  	[spmem:s7], [sflag:s3] =	dma.general @!p1 [spmem:s5], [sflag:s4], length:$0x2, [dreg:$0x0], stride_count:$0x0, ici_dest:s2, dma_misc:DstOpCode:WRITE  }
.Ltmp33:
0x1e1: {  	s2 =	simm.s32 @!p1 $0x3;
	(pc) =	sbr.rel @p2 .LBB2_44-.Ltmp33, $4  }
0x1e2: {  	s3 =	sshll.u32 @!p1 s9, $0xE;
	_ =	swait.ge @!p1 [sflag:s2], $0x12  }
0x1e3: {  	s4 =	sshll.u32 @!p1 s8, $0x11;
	s3 =	sadd.s32 @!p1 $0x11C3C, s3;
	[sflag:s2] =	ssyncset.done @!p1 $0x0  }
0x1e4: {  	[sflag:s2] =	ssyncadd.s32 @!p1 $0xFFFFFFEE;
	s2 =	sor.u32 @!p1 s4, s3  }
0x1e5: {  	s0 =	simm.s32 $0x0;
	[sflag:s2] =	ssyncadd.remote.s32 @!p1 $0xFFFFFFFF  }
0x1e6: {  	s0 =	simm.s32 $0xA119  }
0x1e7: {  	v0 =	vld.msk [tilespmem:s0+$0x0], $0x1;
	_ =	sdelay $0x4  }
0x1e8: {  	(v2sf) =	vpush v0, $0x0;
	_ =	sdelay $0xd  }
0x1e9: {  	s3 =	sadd.s32 $0xFFFFFFFE, s6  }
0x1ea: {  	s4 =	sadd.s32 $0xFFFFFFFF, s3;
	s2 =	spop (v2sf)  }
0x1eb: {  	p2 =	sne.s32 s4, $0x0;
	p1 =	sgt.u32 s2, $0x30D3F8  }
.Ltmp34:
0x1ec: {  	s5 =	sand.u32 @!p1 $0x3FFFF8, s2;
	(pc) =	sbr.rel @!p2 .LBB2_43-.Ltmp34, $4  }
0x1ed: {  	s0 =	simm.s32 $0xA178;
	s2 =	sand.u32 @!p1 $0x7, s2;
	s3 =	sadd.s32 @!p1 s1, s5  }
0x1ee: {  	[hbm4b:s3+s2] =	stream.linear.scatter @!p1 [tilespmem:s0], [sflag:$0x5], $0x40, $0x38;
	[tilespmem:$0x1EF88] =	vst v63  }
0x1ef: {  	s2 =	simm.s32 $0x0  }
0x1f0: {  	s6 =	simm.s32 $0xA11A;
	s5 =	simm.s32 $0x0;
	s2 =	simm.s32 @!p1 $0x100  }
.LBB2_42:
0x1f1: {  	v0 =	vld.msk [tilespmem:s6+$0x0], $0x1;
	s4 =	sadd.s32 $0xFFFFFFFF, s4;
	s5 =	sadd.s32 s5, s2  }
0x1f2: {  	p1 =	sne.s32 s4, $0x0;
	_ =	sdelay $0x3  }
0x1f3: {  	(v2sf) =	vpush v0, $0x0;
	_ =	sdelay $0xe  }
.Ltmp35:
0x1f4: {  	s3 =	spop (v2sf);
	(pc) =	sbr.rel @p1 .LBB2_42-.Ltmp35, $4  }
0x1f5: {  	s2 =	simm.s32 $0x0;
	p2 =	sgt.u32 s3, $0x30D3F8  }
0x1f6: {  	s0 =	sadd.s32 $0x40, s0;
	s2 =	simm.s32 @!p2 $0x100;
	s7 =	sand.u32 @!p2 $0x3FFFF8, s3  }
0x1f7: {  	s6 =	sadd.s32 $0x1, s6;
	s3 =	sand.u32 @!p2 $0x7, s3;
	s7 =	sadd.s32 @!p2 s1, s7  }
0x1f8: {  	[hbm4b:s7+s3] =	stream.linear.scatter @!p2 [tilespmem:s0], [sflag:$0x5], $0x40, $0x38;
	[tilespmem:$0x1EF88] =	vst v63  }
.LBB2_43:
0x1f9: {  	s0 =	sadd.s32 s5, s2  }
0x1fa: {  	s0 =	sshrl.u32 s0, $0x2  }
.LBB2_44:
0x1fb: {  	s2 =	simm.s32 $0x5  }
0x1fc: {  	_ =	swait.ge [sflag:s2], s0  }
0x1fd: {  	s31 =	ssub.s32 $0x0, s0;
	[sflag:s2] =	ssyncset.done $0x0  }
0x1fe: {  	[sflag:s2] =	ssyncadd.s32 s31  }
0x1ff: {  	[sflag:s2] =	ssyncpa.u1 $0x1  }
.LBB2_45:
0x200: {  	s0 =	sor.u32 s14, s15  }
0x201: {  	p1 =	sne.s32 s0, $0x0  }
.Ltmp36:
0x202: {  	_ = 	snop;
	(pc) =	sbr.rel @p1 .LBB2_60-.Ltmp36, $3  }
0x203: {  	_ =	sdelay $0x1  }
0x204: {  	[bflag:$0x0] =	sbarrier.arrive $0xFFFF  }
0x205: {  	_ =	sfence  }
0x206: {  	s0 =	simm.s32 $0x7  }
0x207: {  	s2 =	simm.s32 $0x800;
	s3 =	simm.s32 $0xA118;
	[sflag:s0] =	ssyncpa.u1 $0x0  }
0x208: {  	[tilespmem:s3], [sflag:$0x7] =	stream.linear.gather [spmem:s2], $0x20, $0x38;
	[tilespmem:$0x1EF88] =	vst v63  }
0x209: {  	s30 =	simm.s32 $0xA138;
	s2 =	simm.s32 $0x0  }
0x20a: {  	[tilespmem:s30], [sflag:$0x7] =	stream.linear.gather [spmem:s2], $0x800, $0x38;
	[tilespmem:$0x1EF88] =	vst v63  }
.Ltmp37:
0x20b: {  	_ = 	snop;
	(pc) =	sbr.rel .LBB2_47-.Ltmp37, $4  }
0x20c: {  	_ =	swait.ge [sflag:s0], $0x820  }
0x20d: {  	[sflag:s0] =	ssyncset.done $0x0  }
0x20e: {  	s31 =	simm.s32 $0x8;
	[sflag:s0] =	ssyncadd.s32 $0xFFFFF7E0  }
0x20f: {  	s3 =	simm.s32 $0x0;
	[sflag:s31] =	ssyncpa.u1 $0x0  }
.LBB2_53:
0x210: {  	p1 =	slt.u32 s0, $0x30D3F9  }
0x211: {  	s4 =	sand.u32 @p1 $0x3FFFF8, s0  }
0x212: {  	s0 =	sand.u32 @p1 $0x7, s0;
	s5 =	simm.s32 @p1 $0xA0C8;
	s4 =	sadd.s32 @p1 s1, s4  }
0x213: {  	[tilespmem:s5], [sflag:$0x8] =	stream.linear.gather @p1 [hbm4b:s4+s0], $0x40, $0x38;
	[tilespmem:$0x1EF88] =	vst v63  }
0x214: {  	s0 =	simm.s32 @p1 $0x8  }
0x215: {  	_ =	swait.ge @p1 [sflag:s0], $0x40  }
0x216: {  	[sflag:s0] =	ssyncset.done @p1 $0x0  }
0x217: {  	[sflag:s0] =	ssyncadd.s32 @p1 $0xFFFFFFC0;
	s0 =	sshll.u32 @p1 s3, $0x8  }
0x218: {  	s4 =	sshrl.u32 @p1 s0, $0x2;
	v1 =	vld @p1 [tilespmem:$0xA0C8]  }
0x219: {  	v2 =	vld @p1 [tilespmem:s4+$0xA138];
	_ =	sdelay $0x4  }
0x21a: {  	v1 =	vmax.f32 @p1 v1, v2  }
0x21b: {  	v2 =	vld @p1 [tilespmem:s4+$0xA148];
	[tilespmem:s4+$0xA138] =	vst @p1 v1  }
0x21c: {  	v1 =	vld @p1 [tilespmem:$0xA0D8];
	_ =	sdelay $0x4  }
0x21d: {  	v1 =	vmax.f32 @p1 v1, v2  }
0x21e: {  	v2 =	vld @p1 [tilespmem:s4+$0xA158];
	[tilespmem:s4+$0xA148] =	vst @p1 v1  }
0x21f: {  	v1 =	vld @p1 [tilespmem:$0xA0E8];
	_ =	sdelay $0x4  }
0x220: {  	v1 =	vmax.f32 @p1 v1, v2  }
0x221: {  	v2 =	vld @p1 [tilespmem:s4+$0xA168];
	[tilespmem:s4+$0xA158] =	vst @p1 v1  }
0x222: {  	v1 =	vld @p1 [tilespmem:$0xA0F8];
	_ =	sdelay $0x4  }
0x223: {  	s5 =	sshll.u32 @!p1 s3, $0x8;
	v1 =	vmax.f32 @p1 v1, v2  }
0x224: {  	s5 =	smov.u32 @p1 s0;
	[tilespmem:s4+$0xA168] =	vst @p1 v1  }
0x225: {  	s0 =	sshrl.u32 s5, $0x2;
	[tilespmem:s2+$0xA118] =	vst.msk $0x1, v0  }
0x226: {  	v0 =	vld [tilespmem:s0+$0xA138];
	_ =	sdelay $0x2  }
0x227: {  	s31 =	sshll.u32 s2, $0x8  }
0x228: {  	s4 =	sshra.s32 s31, $0x2  }
0x229: {  	[tilespmem:s4+$0xA138] =	vst v0  }
0x22a: {  	v0 =	vld [tilespmem:s0+$0xA148];
	_ =	sdelay $0x4  }
0x22b: {  	[tilespmem:s4+$0xA148] =	vst v0  }
0x22c: {  	v0 =	vld [tilespmem:s0+$0xA158];
	_ =	sdelay $0x4  }
0x22d: {  	[tilespmem:s4+$0xA158] =	vst v0  }
0x22e: {  	v0 =	vld [tilespmem:s0+$0xA168];
	_ =	sdelay $0x4  }
0x22f: {  	s2 =	sadd.s32 $0x1, s2;
	[tilespmem:s4+$0xA168] =	vst v0  }
.LBB2_54:
0x230: {  	s3 =	sadd.s32 $0x1, s3  }
0x231: {  	p1 =	sne.s32 s3, $0x20  }
.Ltmp38:
0x232: {  	_ = 	snop;
	(pc) =	sbr.rel @!p1 .LBB2_55-.Ltmp38, $1  }
0x233: {  	_ =	sdelay $0x3  }
.LBB2_47:
0x234: {  	v0 =	vld.msk [tilespmem:s3+$0xA118], $0x1;
	_ =	sdelay $0x4  }
0x235: {  	(v2sf) =	vpush v0, $0x0;
	_ =	sdelay $0xe  }
0x236: {  	s0 =	spop (v2sf)  }
0x237: {  	p1 =	seq.s32 s0, $0xFFFFFFFF  }
.Ltmp39:
0x238: {  	_ = 	snop;
	(pc) =	sbr.rel @p1 .LBB2_54-.Ltmp39, $1  }
0x239: {  	_ =	sdelay $0x3  }
0x23a: {  	p1 =	slt.s32 s2, $0x1  }
.Ltmp40:
0x23b: {  	_ = 	snop;
	(pc) =	sbr.rel @p1 .LBB2_53-.Ltmp40, $1  }
0x23c: {  	_ =	sdelay $0x3  }
0x23d: {  	s4 =	simm.s32 $0xA118;
	p1 =	por $0x0, $0x0  }
0x23e: {  	v1 =	vld.msk @!p1 [tilespmem:s4+$0x0], $0x1;
	_ =	sdelay $0x4  }
0x23f: {  	(v2sf) =	vpush @!p1 v1, $0x0;
	_ =	sdelay $0xd  }
0x240: {  	p3 =	sne.s32 s2, $0x1  }
.Ltmp41:
0x241: {  	s5 =	spop @!p1 (v2sf);
	(pc) =	sbr.rel @!p3 .LBB2_51-.Ltmp41, $4  }
0x242: {  	p2 =	seq.s32 @!p1 s0, s5  }
0x243: {  	s5 =	simm.s32 $0x0;
	p2 =	por !p2, p1  }
0x244: {  	s7 =	simm.s32 $0xFFFFFFFF;
	s5 =	simm.s32 @p2 $0xFFFFFFFF  }
0x245: {  	s6 =	simm.s32 $0x1;
	s5 =	smov.u32 @p1 s7  }
.LBB2_50:
0x246: {  	s7 =	smov.u32 s5;
	p1 =	sne.s32 s5, $0xFFFFFFFF  }
0x247: {  	s4 =	sadd.s32 $0x1, s4;
	s5 =	smov.u32 s6;
	s6 =	sadd.s32 $0x1, s6  }
0x248: {  	p2 =	sne.s32 s2, s6;
	v1 =	vld.msk @!p1 [tilespmem:s4+$0x0], $0x1;
	_ =	sdelay $0x4  }
0x249: {  	(v2sf) =	vpush @!p1 v1, $0x0;
	_ =	sdelay $0xe  }
.Ltmp42:
0x24a: {  	s8 =	spop @!p1 (v2sf);
	(pc) =	sbr.rel @p2 .LBB2_50-.Ltmp42, $4  }
0x24b: {  	p3 =	seq.s32 @!p1 s0, s8  }
0x24c: {  	p3 =	por !p3, p1  }
0x24d: {  	s5 =	simm.s32 @p3 $0xFFFFFFFF  }
0x24e: {  	s5 =	smov.u32 @p1 s7  }
.LBB2_51:
0x24f: {  	p1 =	seq.s32 s5, $0xFFFFFFFF  }
.Ltmp43:
0x250: {  	_ = 	snop;
	(pc) =	sbr.rel @p1 .LBB2_53-.Ltmp43, $1  }
0x251: {  	_ =	sdelay $0x3  }
0x252: {  	s0 =	sshll.u32 s3, $0x6  }
0x253: {  	s4 =	sshll.u32 s5, $0x8;
	s0 =	sand.u32 $0x3FFFFFC0, s0  }
0x254: {  	s4 =	sshra.s32 s4, $0x2;
	v0 =	vld [tilespmem:s0+$0xA138]  }
0x255: {  	v1 =	vld [tilespmem:s4+$0xA138];
	_ =	sdelay $0x4  }
0x256: {  	v0 =	vmax.f32 v0, v1  }
0x257: {  	v61 =	vld [tilespmem:s4+$0xA148];
	[tilespmem:s4+$0xA138] =	vst v0  }
0x258: {  	v0 =	vld [tilespmem:s0+$0xA148];
	_ =	sdelay $0x4  }
0x259: {  	v0 =	vmax.f32 v0, v61  }
0x25a: {  	v62 =	vld [tilespmem:s4+$0xA158];
	[tilespmem:s4+$0xA148] =	vst v0  }
0x25b: {  	v0 =	vld [tilespmem:s0+$0xA158];
	_ =	sdelay $0x4  }
0x25c: {  	v0 =	vmax.f32 v0, v62  }
0x25d: {  	v63 =	vld [tilespmem:s4+$0xA168];
	[tilespmem:s4+$0xA158] =	vst v0  }
0x25e: {  	v0 =	vld [tilespmem:s0+$0xA168];
	_ =	sdelay $0x1  }
.Ltmp44:
0x25f: {  	_ = 	snop;
	(pc) =	sbr.rel .LBB2_54-.Ltmp44, $3  }
0x260: {  	_ =	sdelay $0x1  }
0x261: {  	v0 =	vmax.f32 v0, v63  }
0x262: {  	[tilespmem:s4+$0xA168] =	vst v0  }
.LBB2_55:
0x263: {  	p1 =	slt.s32 s2, $0x1  }
.Ltmp45:
0x264: {  	_ = 	snop;
	(pc) =	sbr.rel @p1 .LBB2_59-.Ltmp45, $3  }
0x265: {  	_ =	sdelay $0x1  }
0x266: {  	s0 =	simm.s32 $0x8  }
0x267: {  	[sflag:s0] =	ssyncpa.u1 $0x1;
	s0 =	simm.s32 $0x0  }
0x268: {  	s3 =	simm.s32 $0xA118  }
0x269: {  	v0 =	vld.msk [tilespmem:s3+$0x0], $0x1;
	_ =	sdelay $0x4  }
0x26a: {  	(v2sf) =	vpush v0, $0x0;
	_ =	sdelay $0xe  }
0x26b: {  	s2 =	sadd.s32 $0xFFFFFFFF, s2;
	s4 =	spop (v2sf)  }
0x26c: {  	p2 =	sne.s32 s2, $0x0;
	p1 =	sgt.u32 s4, $0x30D3F8  }
.Ltmp46:
0x26d: {  	s5 =	sand.u32 @!p1 $0x3FFFF8, s4;
	(pc) =	sbr.rel @!p2 .LBB2_58-.Ltmp46, $4  }
0x26e: {  	s3 =	simm.s32 $0xA138;
	s4 =	sand.u32 @!p1 $0x7, s4;
	s5 =	sadd.s32 @!p1 s1, s5  }
0x26f: {  	[hbm4b:s5+s4] =	stream.linear.scatter @!p1 [tilespmem:s3], [sflag:$0x7], $0x40, $0x38;
	[tilespmem:$0x1EF88] =	vst v63  }
0x270: {  	s5 =	simm.s32 $0x0  }
0x271: {  	s4 =	simm.s32 $0xA119;
	s5 =	simm.s32 @!p1 $0x100  }
.LBB2_57:
0x272: {  	v0 =	vld.msk [tilespmem:s4+$0x0], $0x1;
	s2 =	sadd.s32 $0xFFFFFFFF, s2;
	s0 =	sadd.s32 s0, s5  }
0x273: {  	p1 =	sne.s32 s2, $0x0;
	_ =	sdelay $0x3  }
0x274: {  	(v2sf) =	vpush v0, $0x0;
	_ =	sdelay $0xe  }
.Ltmp47:
0x275: {  	s6 =	spop (v2sf);
	(pc) =	sbr.rel @p1 .LBB2_57-.Ltmp47, $4  }
0x276: {  	s5 =	simm.s32 $0x0;
	p2 =	sgt.u32 s6, $0x30D3F8  }
0x277: {  	s3 =	sadd.s32 $0x40, s3;
	s5 =	simm.s32 @!p2 $0x100;
	s7 =	sand.u32 @!p2 $0x3FFFF8, s6  }
0x278: {  	s4 =	sadd.s32 $0x1, s4;
	s6 =	sand.u32 @!p2 $0x7, s6;
	s7 =	sadd.s32 @!p2 s1, s7  }
0x279: {  	[hbm4b:s7+s6] =	stream.linear.scatter @!p2 [tilespmem:s3], [sflag:$0x7], $0x40, $0x38;
	[tilespmem:$0x1EF88] =	vst v63  }
.LBB2_58:
0x27a: {  	s0 =	sadd.s32 s0, s5  }
0x27b: {  	s0 =	sshrl.u32 s0, $0x2  }
.LBB2_59:
0x27c: {  	s1 =	simm.s32 $0x7  }
0x27d: {  	_ =	swait.ge [sflag:s1], s0  }
0x27e: {  	s31 =	ssub.s32 $0x0, s0;
	[sflag:s1] =	ssyncset.done $0x0  }
0x27f: {  	[sflag:s1] =	ssyncadd.s32 s31  }
0x280: {  	[sflag:s1] =	ssyncpa.u1 $0x1  }
.LBB2_60:
0x281: {  	_ =	sfence;
	s0 =	simm.s32 $0x1  }
0x282: {  	[sflag:s0] =	ssyncpa.u1 $0x1  }
0x283: {  	_ =	strace $0x90000047  }
0x284: {  	[bflag:$0x2] =	sbarrier.arrive $0xFFFF  }
0x285: {  	s0 =	rddreg [dreg:$0x6]  }
0x286: {  	s0 =	sadd.s32 @!p0 $0x100000, s0  }
0x287: {  	[sflag:s0] =	ssyncadd.tile.s32 @!p0 $0x1;
	_ =	shalt  }
.Lfunc_end2:
_tile_overlayer_lowered:
.L_overlay_start_2:
0x288: {  	(tag) =	ssettag $0x2  }
0x289: {  	s0 =	rddreg [dreg:$0x0];
	s2 =	stileid.u32  }
0x28a: {  	s1 =	rddreg [dreg:$0x1];
	p0 =	sne.s32 s2, $0x0  }
0x28b: {  	s3 =	rddreg [dreg:$0x2];
	[bflag:$0x3] =	sbarrier.arrive $0xFFFF;
	s2 =	simm.s32 @!p0 $0x1C01  }
0x28c: {  	[timem:s3], [sflag:s2] =	dma.local @!p0 [hbm:s0], s1  }
0x28d: {  	s0 =	simm.s32 @!p0 $0x1  }
0x28e: {  	_ =	swait.ge @!p0 [sflag:s0], s1  }
0x28f: {  	s1 =	ssub.s32 @!p0 $0x0, s1;
	[sflag:s0] =	ssyncset.done @!p0 $0x0  }
0x290: {  	[sflag:s0] =	ssyncadd.s32 @!p0 s1  }
0x291: {  	[bflag:$0x3] =	sbarrier.arrive $0xFFFF  }
0x292: {  	_ =	shalt  }

// kernel: sparse-core-data-format-call.1.cloned.1.call-start
scs
called_computation.5_lowered:
.L_overlay_start_0:
0x0: {  	s2 =	sld [smem:$0x3FD9]  }
0x1: {  	s3 =	sld [smem:$0x3FFE];
	_ =	sdelay $0x1  }
0x2: {  	s1 =	srdreg.scid  }
0x3: {  	s0 =	sand.u32 $0x1, s1  }
0x4: {  	s16 =	sshll.u32 s0, $0xA;
	s2 =	sadd.s32 s3, s2  }
0x5: {  	s2 =	sadd.s32 s2, s16  }
0x6: {  	[smem:$0x3FB6] =	sst s2  }
0x7: {  	_ = 	snop  }
0x8: {  	s2 =	sld [smem:$0x3FD0];
	_ =	sdelay $0x2  }
0x9: {  	s17 =	simm.s32 $0xB;
	s4 =	simm.s32 $0x10  }
0xa: {  	[smem:s4], [sflag:s17] =	dma.local [hbm:s2], $0x1  }
0xb: {  	_ =	swait.eq [sflag:s17], $0x1  }
0xc: {  	[sflag:s17] =	ssyncset.done $0x0  }
0xd: {  	[sflag:s17] =	ssyncadd.s32 $0xFFFFFFFF  }
0xe: {  	s18 =	sld [smem:$0x10];
	(tm) =	ssettm $0x1  }
0xf: {  	s19 =	sld [smem:$0x3FFB];
	_ =	sdelay $0x3  }
0x10: {  	_ =	strace s19  }
0x11: {  	s2 =	sld [smem:$0x3FFC];
	_ =	sdelay $0x3  }
0x12: {  	_ =	strace s2  }
0x13: {  	s2 =	sld [smem:$0x3FFD];
	_ =	sdelay $0x3  }
0x14: {  	_ =	strace s2  }
0x15: {  	_ =	strace $0x8FFFFFFF  }
0x16: {  	s20 =	sld [smem:$0x3FDB];
	_ =	sdelay $0x1  }
0x17: {  	s21 =	simm.s32 $_scs_section_size  }
0x18: {  	s5 =	simm.s32 $_size__tile_overlayer_lowered;
	s6 =	simm.s32 $_tile_overlayer_lowered  }
0x19: {  	s7 =	simm.s32 $0x1BFF;
	s22 =	sshll.u32 s6, $0x1;
	s4 =	sadd.s32 s21, s20  }
0x1a: {  	s23 =	simm.s32 $0x0;
	s5 =	sshll.u32 s5, $0x1;
	s6 =	sadd.s32 s22, s4  }
0x1b: {  	[timem:s23], [sflag:s7] =	dma.local [hbm:s6], s5  }
0x1c: {  	_ =	swait.ge [sflag:s7], s5  }
0x1d: {  	s5 =	ssub.s32 $0x0, s5;
	[sflag:s7] =	ssyncset.done $0x0  }
0x1e: {  	[sflag:s7] =	ssyncadd.s32 s5;
	_ =	sdelay $0x1  }
0x1f: {  	s24 =	simm.s32 $0x1B8B  }
0x20: {  	_ =	swait.ge [sflag:s24], $0x1  }
0x21: {  	[sflag:s24] =	ssyncset.done $0x0  }
0x22: {  	[sflag:s24] =	ssyncadd.s32 $0xFFFFFFFF  }
0x23: {  	s5 =	sld [smem:$0x0]  }
0x24: {  	s6 =	sand.u32 $0xFFFFFFFE, s1  }
0x25: {  	p0 =	sne.s32 s1, s6  }
0x26: {  	s6 =	sshll.u32 @p0 s6, $0xE  }
0x27: {  	s6 =	sadd.s32 @p0 $0x11B8D, s6;
	s7 =	sshll.u32 @p0 s5, $0x11  }
0x28: {  	s6 =	sor.u32 @p0 s7, s6  }
0x29: {  	[sflag:s6] =	ssyncadd.remote.s32 @p0 $0x1;
	_ =	sdelay $0x1  }
0x2a: {  	s6 =	simm.s32 @p0 $0x1B8D  }
0x2b: {  	_ =	swait.eq @p0 [sflag:s6], $0x1  }
0x2c: {  	[sflag:s6] =	ssyncadd.s32 @p0 $0xFFFFFFFF  }
0x2d: {  	s7 =	sshll.u32 @!p0 s1, $0xE  }
0x2e: {  	s7 =	sor.u32 @!p0 $0x4000, s7;
	s6 =	simm.s32 @!p0 $0x1B8D  }
0x2f: {  	s5 =	sshll.u32 @!p0 s5, $0x11;
	s7 =	sadd.s32 @!p0 $0x11B8D, s7;
	_ =	swait.eq @!p0 [sflag:s6], $0x1  }
0x30: {  	s5 =	sor.u32 @!p0 s5, s7;
	[sflag:s6] =	ssyncadd.s32 @!p0 $0xFFFFFFFF  }
0x31: {  	s26 =	simm.s32 $0x1B8E;
	s25 =	sld [smem:$0x3FFE];
	[sflag:s5] =	ssyncadd.remote.s32 @!p0 $0x1  }
0x32: {  	s27 =	simm.s32 $execute0_lowered;
	[smem:$0x3FD2] =	sst s26  }
0x33: {  	s6 =	sshll.u32 s27, $0x1;
	_ =	strace $0x80000061;
	[dreg:$0x1] =	wrdreg $0xFFFFFFFF  }
0x34: {  	s28 =	simm.s32 $_size_execute0_lowered;
	s4 =	sadd.s32 s4, s6;
	[dreg:$0x0] =	wrdreg $0x0  }
0x35: {  	s6 =	sshll.u32 s28, $0x1;
	[dreg:$0x2] =	wrdreg s4  }
0x36: {  	[dreg:$0x3] =	wrdreg s6  }
0x37: {  	[dreg:$0x4] =	wrdreg $0xC0  }
0x38: {  	_ =	task [dreg:s23], $0x5FFFF  }
0x39: {  	[dreg:$0x1] =	wrdreg $0xFFFFFFFF  }
0x3a: {  	[dreg:$0x0] =	wrdreg $0x60  }
0x3b: {  	[dreg:$0x2] =	wrdreg s25  }
0x3c: {  	[dreg:$0x3] =	wrdreg s18  }
0x3d: {  	[dreg:$0x4] =	wrdreg $0xA  }
0x3e: {  	_ =	task.clear_ibuf [dreg:s23], $0x5FFFF;
	_ =	strace $0x90000061  }
0x3f: {  	s29 =	simm.s32 $0xA;
	_ =	strace $0x80000063  }
0x40: {  	_ =	swait.ge [sflag:s29], $0x1  }
0x41: {  	[sflag:s29] =	ssyncadd.s32 $0xFFFFFFFF  }
0x42: {  	_ =	strace $0x90000063  }
0x43: {  	_ =	sfence  }
0x44: {  	s30 =	sld [smem:$0x0];
	_ =	sdelay $0x2  }
0x45: {  	s31 =	sshll.u32 s1, $0xD;
	s1 =	sshrl.u32 s1, $0x2  }
0x46: {  	s4 =	sand.u32 $0x4000, s31;
	s1 =	sadd.s32 s1, s30  }
0x47: {  	s0 =	sor.u32 s4, s0;
	s1 =	sshll.u32 s1, $0x11  }
0x48: {  	s0 =	sor.u32 s1, s0  }
0x49: {  	s0 =	sadd.s32 $0x8F2B, s0  }
0x4a: {  	[sflag:s0] =	ssyncadd.remote.s32 $0x1  }
0x4b: {  	_ =	sfence.sel $0xFFFF  }
0x4c: {  	[dreg:$0x0] =	wrdreg $0xFFFFFFFF;
	(pc) =	sbr.abs _section_cstart, $3  }
0x4d: {  	[dreg:$0x1] =	wrdreg $0xFFFFFFFF  }
0x4e: {  	_ =	task.clear_ibuf [dreg:s23], $0x2FFFF;
	_ =	strace $0x9FFFFFFF  }
0x4f: {  	(tm) =	ssettm $0x7FFFFFFF  }
tec
execute0_lowered:
.L_overlay_start_1:
0x0: {  	(tag) =	ssettag $0x1  }
0x1: {  	s4 =	rddreg [dreg:$0x0]  }
0x2: {  	s0 =	srdreg.scid;
	s2 =	rddreg [dreg:$0x1]  }
0x3: {  	s1 =	stileid.u32;
	s5 =	simm.s32 $0x1;
	s0 =	sshll.u32 s0, $0x4  }
0x4: {  	s7 =	simm.s32 $0x2;
	s11 =	simm.s32 $0x0;
	s3 =	sand.u32 $0x10, s0  }
.Ltmp0:
0x5: {  	p0 =	por $0x0, $0x0;
	s3 =	sor.u32 s1, s3;
	(pc) =	sbr.rel .LBB1_1-.Ltmp0, $4  }
0x6: {  	s8 =	simm.s32 $0x3D0C00;
	s10 =	simm.s32 $0x0;
	s3 =	sshll.u32 s3, $0x7  }
0x7: {  	s0 =	rddreg [dreg:$0x2];
	_ =	strace $0x80000062;
	s6 =	ssub.s32 $0x7A100, s3  }
0x8: {  	s4 =	sadd.s32 $0xC85200, s4;
	[sflag:s5] =	ssyncpa.u1 $0x0;
	s6 =	sshrl.u32 s6, $0xC  }
0x9: {  	[sflag:s7] =	ssyncpa.u1 $0x0;
	s9 =	smov.u32 s3;
	s7 =	sadd.s32 $0x2, s6  }
.LBB1_5:
0xa: {  	s13 =	sadd.s32 $0x1000, s9  }
0xb: {  	p2 =	sgt.s32 s13, $0x7A11F  }
0xc: {  	s13 =	smov.u32 @p2 s3;
	p2 =	sne.s32 s10, s7  }
.Ltmp1:
0xd: {  	p1 =	slt.u32 s10, $0x2;
	(pc) =	sbr.rel @!p2 .LBB1_6-.Ltmp1, $4  }
0xe: {  	s12 =	simm.s32 @!p1 $0x2  }
0xf: {  	s14 =	sadd.s32 $0x1, s10;
	_ =	swait.ge @!p1 [sflag:s12], $0x2000  }
0x10: {  	s11 =	smov.u32 s9;
	p0 =	por !p0, !p0;
	[sflag:s12] =	ssyncset.done @!p1 $0x0  }
0x11: {  	s10 =	smov.u32 s14;
	s9 =	smov.u32 s13;
	[sflag:s12] =	ssyncadd.s32 @!p1 $0xFFFFE000  }
.LBB1_1:
0x12: {  	p1 =	sgt.u32 s10, s6  }
0x13: {  	s13 =	smov.u32 s9;
	p2 =	sgt.s32 @!p1 s9, $0x7A0A0  }
0x14: {  	s12 =	sand.u32 @!p1 $0x1FFFFFF, s9;
	s14 =	sshra.s32 @!p1 s9, $0x1F;
	p2 =	por !p2, p1  }
0x15: {  	s15 =	smulhi.u32 @!p1 $0x218DEF5, s12;
	s14 =	sand.u32 @!p1 s14, s9;
	s13 =	simm.s32 @p2 $0x7A0A0  }
0x16: {  	s13 =	ssub.s32 @!p1 s13, s14  }
0x17: {  	s14 =	sshrl.u32 @!p1 s15, $0xC;
	s13 =	sadd.s32 @!p1 $0xFFF85F60, s13  }
0x18: {  	s15 =	sxor.u32 @!p1 $0xFFFFFFFF, s10;
	s14 =	smul.u32 @!p1 $0x7A120, s14;
	s16 =	sshll.u32 @!p1 s13, $0x8  }
0x19: {  	s15 =	sshll.u32 @!p1 s15, $0xD;
	p2 =	sgt.s32 @!p1 s13, $0x7F;
	s13 =	ssub.s32 @!p1 $0x8000, s16  }
0x1a: {  	s12 =	ssub.s32 @!p1 s12, s14;
	p2 =	por !p2, p1;
	s14 =	sand.u32 @!p1 $0x2000, s15  }
0x1b: {  	s15 =	simm.s32 @!p1 $0x40;
	s13 =	sshrl.u32 @!p1 s13, $0x2;
	s12 =	sshll.u32 @!p1 s12, $0x4  }
0x1c: {  	s16 =	simm.s32 @!p1 $0x80;
	s13 =	simm.s32 @!p2 $0x0;
	s12 =	sadd.s32 @!p1 s4, s12  }
0x1d: {  	[tilespmem:s14], [sflag:$0x1] =	stream.strided.gather @!p1 [hbm4b:s12+s15], s13, s16, s15, $0x38;
	[tilespmem:$0x8080] =	vst v63  }
0x1e: {  	p1 =	seq.s32 s10, $0x0  }
0x1f: {  	p2 =	sge.u32 @!p1 s10, s7  }
0x20: {  	p1 =	por p1, p2  }
.Ltmp2:
0x21: {  	_ = 	snop;
	(pc) =	sbr.rel @p1 .LBB1_5-.Ltmp2, $1  }
0x22: {  	_ =	sdelay $0x3  }
0x23: {  	p1 =	sgt.s32 s11, $0x7A0A0;
	s12 =	smov.u32 s11;
	s13 =	sshra.s32 s11, $0x1F  }
0x24: {  	s12 =	simm.s32 @!p1 $0x7A0A0;
	s13 =	sand.u32 s13, s11  }
0x25: {  	s12 =	ssub.s32 s12, s13  }
0x26: {  	s12 =	sadd.s32 $0xFFF85F60, s12  }
0x27: {  	s28 =	sshll.u32 s12, $0x8  }
0x28: {  	s13 =	ssub.s32 $0x8000, s28  }
0x29: {  	p1 =	sgt.s32 s12, $0x7F;
	s12 =	sshrl.u32 s13, $0x2  }
0x2a: {  	s13 =	simm.s32 $0x1;
	s12 =	simm.s32 @p1 $0x0  }
0x2b: {  	s13 =	simm.s32 @!p0 $0x0;
	_ =	swait.ge [sflag:s5], s12  }
0x2c: {  	s14 =	sshll.u32 s13, $0xD;
	s12 =	ssub.s32 $0x0, s12;
	[sflag:s5] =	ssyncset.done $0x0  }
0x2d: {  	s16 =	sor.u32 $0x20, s14;
	[sflag:s5] =	ssyncadd.s32 s12  }
0x2e: {  	s29 =	smul.u32 $0x8100, s13;
	v3 =	vld [tilespmem:s16+$0x10]  }
0x2f: {  	s30 =	sand.u32 $0x1, s10;
	v2 =	vld [tilespmem:s16+$0xFFFFFFF0]  }
0x30: {  	s13 =	smul.u32 $0x8100, s30;
	s12 =	sshrl.u32 s29, $0x2;
	v0 =	vld [tilespmem:s16+$0x0]  }
0x31: {  	s14 =	sor.u32 $0x4000, s12;
	v1 =	vld [tilespmem:s16+$0xFFFFFFE0]  }
0x32: {  	s31 =	sshrl.u32 s13, $0x2;
	s13 =	sadd.s32 $0x0, s14  }
0x33: {  	s15 =	simm.s32 $0x4;
	s12 =	sor.u32 $0x4000, s31;
	s16 =	sadd.s32 $0x40, s16;
	[tilespmem:s13+$0x1830 ss:$0x81] =	vst.msk $0xffff, v3  }
.LBB1_3:
0x34: {  	v3 =	vld [tilespmem:s16+$0x10];
	p1 =	sne.s32 s15, $0x1FC;
	[tilespmem:s13+$0x810 ss:$0x81] =	vst.msk $0xffff, v2;
	s17 =	smov.u32 s15;
	s15 =	sadd.s32 $0x4, s15  }
.Ltmp3:
0x35: {  	v2 =	vld [tilespmem:s16+$0xFFFFFFF0];
	[tilespmem:s13+$0x1020 ss:$0x81] =	vst.msk $0xffff, v0;
	(pc) =	sbr.rel @p1 .LBB1_3-.Ltmp3, $4  }
0x36: {  	v0 =	vld [tilespmem:s16+$0x0];
	[tilespmem:s13+$0x0 ss:$0x81] =	vst.msk $0xffff, v1  }
0x37: {  	s13 =	sshra.s32 s17, $0x2;
	v1 =	vld [tilespmem:s16+$0xFFFFFFE0]  }
0x38: {  	s13 =	sadd.s32 s13, s14  }
0x39: {  	s16 =	sadd.s32 $0x40, s16;
	[tilespmem:s13+$0x1830 ss:$0x81] =	vst.msk $0xffff, v3  }
0x3a: {  	s14 =	sshll.u32 s11, $0x3  }
0x3b: {  	s14 =	sand.u32 $0xFFFFFC00, s14  }
0x3c: {  	s15 =	sshrl.u32 s14, $0x7  }
0x3d: {  	s15 =	smulhi.u32 $0x10C6249, s15;
	_ =	sdelay $0x1  }
0x3e: {  	s15 =	sshrl.u32 s15, $0x4  }
0x3f: {  	s28 =	sand.u32 $0x7F, s11;
	s16 =	smul.u32 $0x7A180, s15  }
0x40: {  	s11 =	sor.u32 s28, s14  }
.Ltmp4:
0x41: {  	s29 =	sand.u32 $0x3F, s15;
	s11 =	ssub.s32 s11, s16;
	(pc) =	sbr.rel .LBB1_5-.Ltmp4, $4  }
0x42: {  	[tilespmem:s13+$0x810 ss:$0x81] =	vst.msk $0xffff, v2;
	s14 =	smul.u32 $0xF430, s29;
	s30 =	sshrl.u32 s11, $0x3;
	s11 =	sand.u32 $0x7, s11  }
0x43: {  	[tilespmem:s13+$0x1020 ss:$0x81] =	vst.msk $0xffff, v0;
	s15 =	sadd.s32 s2, s30;
	s11 =	sshll.u32 s11, $0x12  }
0x44: {  	[tilespmem:s13+$0x0 ss:$0x81] =	vst.msk $0xffff, v1;
	s31 =	sadd.s32 s14, s15;
	s11 =	sor.u32 $0x400, s11  }
0x45: {  	[hbm4b:s31+s11] =	stream.strided.scatter [tilespmem:s12], [sflag:$0x2], $0x2000, s8, s11, $0x20;
	[tilespmem:$0x8080] =	vst v63  }
.LBB1_6:
0x46: {  	_ =	sfence.sel $0x180000  }
0x47: {  	s2 =	simm.s32 $0x1;
	[bflag:$0x0] =	sbarrier.arrive $0xFFFF  }
0x48: {  	s31 =	simm.s32 $0x2;
	[sflag:s2] =	ssyncpa.u1 $0x1  }
0x49: {  	[sflag:s31] =	ssyncpa.u1 $0x1  }
0x4a: {  	p0 =	sne.s32 s1, $0x0;
	_ =	strace $0x90000062  }
0x4b: {  	s0 =	sadd.s32 @!p0 $0x100000, s0;
	[bflag:$0x2] =	sbarrier.arrive $0xFFFF  }
0x4c: {  	[sflag:s0] =	ssyncadd.tile.s32 @!p0 $0x1;
	_ =	shalt  }
.Lfunc_end1:
_tile_overlayer_lowered:
.L_overlay_start_2:
0x4d: {  	(tag) =	ssettag $0x2  }
0x4e: {  	s0 =	rddreg [dreg:$0x0];
	s2 =	stileid.u32  }
0x4f: {  	s1 =	rddreg [dreg:$0x1];
	p0 =	sne.s32 s2, $0x0  }
0x50: {  	s3 =	rddreg [dreg:$0x2];
	[bflag:$0x3] =	sbarrier.arrive $0xFFFF;
	s2 =	simm.s32 @!p0 $0x1C01  }
0x51: {  	[timem:s3], [sflag:s2] =	dma.local @!p0 [hbm:s0], s1  }
0x52: {  	s0 =	simm.s32 @!p0 $0x1  }
0x53: {  	_ =	swait.ge @!p0 [sflag:s0], s1  }
0x54: {  	s1 =	ssub.s32 @!p0 $0x0, s1;
	[sflag:s0] =	ssyncset.done @!p0 $0x0  }
0x55: {  	[sflag:s0] =	ssyncadd.s32 @!p0 s1  }
0x56: {  	[bflag:$0x3] =	sbarrier.arrive $0xFFFF  }
0x57: {  	_ =	shalt  }

// kernel: sparse-core-data-format-call.cloned.1.call-start
scs
called_computation.4_lowered:
.L_overlay_start_0:
0x0: {  	s2 =	sld [smem:$0x3FD9]  }
0x1: {  	s3 =	sld [smem:$0x3FFE];
	_ =	sdelay $0x1  }
0x2: {  	s1 =	srdreg.scid  }
0x3: {  	s0 =	sand.u32 $0x1, s1  }
0x4: {  	s16 =	sshll.u32 s0, $0xA;
	s2 =	sadd.s32 s3, s2  }
0x5: {  	s2 =	sadd.s32 s2, s16  }
0x6: {  	[smem:$0x3FB6] =	sst s2  }
0x7: {  	_ = 	snop  }
0x8: {  	s2 =	sld [smem:$0x3FD0];
	_ =	sdelay $0x2  }
0x9: {  	s17 =	simm.s32 $0xB;
	s4 =	simm.s32 $0x10  }
0xa: {  	[smem:s4], [sflag:s17] =	dma.local [hbm:s2], $0x1  }
0xb: {  	_ =	swait.eq [sflag:s17], $0x1  }
0xc: {  	[sflag:s17] =	ssyncset.done $0x0  }
0xd: {  	[sflag:s17] =	ssyncadd.s32 $0xFFFFFFFF  }
0xe: {  	s18 =	sld [smem:$0x11];
	(tm) =	ssettm $0x1  }
0xf: {  	s19 =	sld [smem:$0x3FFB];
	_ =	sdelay $0x3  }
0x10: {  	_ =	strace s19  }
0x11: {  	s2 =	sld [smem:$0x3FFC];
	_ =	sdelay $0x3  }
0x12: {  	_ =	strace s2  }
0x13: {  	s2 =	sld [smem:$0x3FFD];
	_ =	sdelay $0x3  }
0x14: {  	_ =	strace s2  }
0x15: {  	_ =	strace $0x8FFFFFFF  }
0x16: {  	s20 =	sld [smem:$0x3FDB];
	_ =	sdelay $0x1  }
0x17: {  	s21 =	simm.s32 $_scs_section_size  }
0x18: {  	s5 =	simm.s32 $_size__tile_overlayer_lowered;
	s6 =	simm.s32 $_tile_overlayer_lowered  }
0x19: {  	s7 =	simm.s32 $0x1BFF;
	s22 =	sshll.u32 s6, $0x1;
	s4 =	sadd.s32 s21, s20  }
0x1a: {  	s23 =	simm.s32 $0x0;
	s5 =	sshll.u32 s5, $0x1;
	s6 =	sadd.s32 s22, s4  }
0x1b: {  	[timem:s23], [sflag:s7] =	dma.local [hbm:s6], s5  }
0x1c: {  	_ =	swait.ge [sflag:s7], s5  }
0x1d: {  	s5 =	ssub.s32 $0x0, s5;
	[sflag:s7] =	ssyncset.done $0x0  }
0x1e: {  	[sflag:s7] =	ssyncadd.s32 s5;
	_ =	sdelay $0x1  }
0x1f: {  	s24 =	simm.s32 $0x1B8B  }
0x20: {  	_ =	swait.ge [sflag:s24], $0x1  }
0x21: {  	[sflag:s24] =	ssyncset.done $0x0  }
0x22: {  	[sflag:s24] =	ssyncadd.s32 $0xFFFFFFFF  }
0x23: {  	s5 =	sld [smem:$0x0]  }
0x24: {  	s6 =	sand.u32 $0xFFFFFFFE, s1  }
0x25: {  	p0 =	sne.s32 s1, s6  }
0x26: {  	s6 =	sshll.u32 @p0 s6, $0xE  }
0x27: {  	s6 =	sadd.s32 @p0 $0x11B8D, s6;
	s7 =	sshll.u32 @p0 s5, $0x11  }
0x28: {  	s6 =	sor.u32 @p0 s7, s6  }
0x29: {  	[sflag:s6] =	ssyncadd.remote.s32 @p0 $0x1;
	_ =	sdelay $0x1  }
0x2a: {  	s6 =	simm.s32 @p0 $0x1B8D  }
0x2b: {  	_ =	swait.eq @p0 [sflag:s6], $0x1  }
0x2c: {  	[sflag:s6] =	ssyncadd.s32 @p0 $0xFFFFFFFF  }
0x2d: {  	s7 =	sshll.u32 @!p0 s1, $0xE  }
0x2e: {  	s7 =	sor.u32 @!p0 $0x4000, s7;
	s6 =	simm.s32 @!p0 $0x1B8D  }
0x2f: {  	s5 =	sshll.u32 @!p0 s5, $0x11;
	s7 =	sadd.s32 @!p0 $0x11B8D, s7;
	_ =	swait.eq @!p0 [sflag:s6], $0x1  }
0x30: {  	s5 =	sor.u32 @!p0 s5, s7;
	[sflag:s6] =	ssyncadd.s32 @!p0 $0xFFFFFFFF  }
0x31: {  	s26 =	simm.s32 $0x1B8E;
	s25 =	sld [smem:$0x3FFE];
	[sflag:s5] =	ssyncadd.remote.s32 @!p0 $0x1  }
0x32: {  	s27 =	simm.s32 $execute0_lowered;
	[smem:$0x3FD2] =	sst s26  }
0x33: {  	s6 =	sshll.u32 s27, $0x1;
	_ =	strace $0x8000005E;
	[dreg:$0x1] =	wrdreg $0xFFFFFFFF  }
0x34: {  	s28 =	simm.s32 $_size_execute0_lowered;
	s4 =	sadd.s32 s4, s6;
	[dreg:$0x0] =	wrdreg $0x0  }
0x35: {  	s6 =	sshll.u32 s28, $0x1;
	[dreg:$0x2] =	wrdreg s4  }
0x36: {  	[dreg:$0x3] =	wrdreg s6  }
0x37: {  	[dreg:$0x4] =	wrdreg $0xC0  }
0x38: {  	_ =	task [dreg:s23], $0x5FFFF  }
0x39: {  	[dreg:$0x1] =	wrdreg $0xFFFFFFFF  }
0x3a: {  	[dreg:$0x0] =	wrdreg $0x60  }
0x3b: {  	[dreg:$0x2] =	wrdreg s25  }
0x3c: {  	[dreg:$0x3] =	wrdreg s18  }
0x3d: {  	[dreg:$0x4] =	wrdreg $0x9  }
0x3e: {  	_ =	task.clear_ibuf [dreg:s23], $0x5FFFF;
	_ =	strace $0x9000005E  }
0x3f: {  	s29 =	simm.s32 $0x9;
	_ =	strace $0x80000060  }
0x40: {  	_ =	swait.ge [sflag:s29], $0x1  }
0x41: {  	[sflag:s29] =	ssyncadd.s32 $0xFFFFFFFF  }
0x42: {  	_ =	strace $0x90000060  }
0x43: {  	_ =	sfence  }
0x44: {  	s30 =	sld [smem:$0x0];
	_ =	sdelay $0x2  }
0x45: {  	s31 =	sshll.u32 s1, $0xD;
	s1 =	sshrl.u32 s1, $0x2  }
0x46: {  	s4 =	sand.u32 $0x4000, s31;
	s1 =	sadd.s32 s1, s30  }
0x47: {  	s0 =	sor.u32 s4, s0;
	s1 =	sshll.u32 s1, $0x11  }
0x48: {  	s0 =	sor.u32 s1, s0  }
0x49: {  	s0 =	sadd.s32 $0x8F2B, s0  }
0x4a: {  	[sflag:s0] =	ssyncadd.remote.s32 $0x1  }
0x4b: {  	_ =	sfence.sel $0xFFFF  }
0x4c: {  	[dreg:$0x0] =	wrdreg $0xFFFFFFFF;
	(pc) =	sbr.abs _section_cstart, $3  }
0x4d: {  	[dreg:$0x1] =	wrdreg $0xFFFFFFFF  }
0x4e: {  	_ =	task.clear_ibuf [dreg:s23], $0x2FFFF;
	_ =	strace $0x9FFFFFFF  }
0x4f: {  	(tm) =	ssettm $0x7FFFFFFF  }
tec
execute0_lowered:
.L_overlay_start_1:
0x0: {  	(tag) =	ssettag $0x1  }
0x1: {  	s4 =	rddreg [dreg:$0x0]  }
0x2: {  	s0 =	srdreg.scid;
	s2 =	rddreg [dreg:$0x1]  }
0x3: {  	s1 =	stileid.u32;
	s5 =	simm.s32 $0x1;
	s0 =	sshll.u32 s0, $0x4  }
0x4: {  	s7 =	simm.s32 $0x2;
	s11 =	simm.s32 $0x0;
	s3 =	sand.u32 $0x10, s0  }
.Ltmp0:
0x5: {  	p0 =	por $0x0, $0x0;
	s3 =	sor.u32 s1, s3;
	(pc) =	sbr.rel .LBB1_1-.Ltmp0, $4  }
0x6: {  	s8 =	simm.s32 $0x186C00;
	s10 =	simm.s32 $0x0;
	s3 =	sshll.u32 s3, $0x7  }
0x7: {  	s0 =	rddreg [dreg:$0x2];
	_ =	strace $0x8000005F;
	s6 =	ssub.s32 $0x30D00, s3  }
0x8: {  	s4 =	sadd.s32 $0x977E00, s4;
	[sflag:s5] =	ssyncpa.u1 $0x0;
	s6 =	sshrl.u32 s6, $0xC  }
0x9: {  	[sflag:s7] =	ssyncpa.u1 $0x0;
	s9 =	smov.u32 s3;
	s7 =	sadd.s32 $0x2, s6  }
.LBB1_5:
0xa: {  	s13 =	sadd.s32 $0x1000, s9  }
0xb: {  	p2 =	sgt.s32 s13, $0x30D3F  }
0xc: {  	s13 =	smov.u32 @p2 s3;
	p2 =	sne.s32 s10, s7  }
.Ltmp1:
0xd: {  	p1 =	slt.u32 s10, $0x2;
	(pc) =	sbr.rel @!p2 .LBB1_6-.Ltmp1, $4  }
0xe: {  	s12 =	simm.s32 @!p1 $0x2  }
0xf: {  	s14 =	sadd.s32 $0x1, s10;
	_ =	swait.ge @!p1 [sflag:s12], $0x2000  }
0x10: {  	s11 =	smov.u32 s9;
	p0 =	por !p0, !p0;
	[sflag:s12] =	ssyncset.done @!p1 $0x0  }
0x11: {  	s10 =	smov.u32 s14;
	s9 =	smov.u32 s13;
	[sflag:s12] =	ssyncadd.s32 @!p1 $0xFFFFE000  }
.LBB1_1:
0x12: {  	p1 =	sgt.u32 s10, s6  }
0x13: {  	s13 =	smov.u32 s9;
	p2 =	sgt.s32 @!p1 s9, $0x30CC0  }
0x14: {  	s12 =	sand.u32 @!p1 $0x1FFFFFF, s9;
	s14 =	sshra.s32 @!p1 s9, $0x1F;
	p2 =	por !p2, p1  }
0x15: {  	s15 =	smulhi.u32 @!p1 $0x14F8B59, s12;
	s14 =	sand.u32 @!p1 s14, s9;
	s13 =	simm.s32 @p2 $0x30CC0  }
0x16: {  	s13 =	ssub.s32 @!p1 s13, s14  }
0x17: {  	s14 =	sshrl.u32 @!p1 s15, $0xA;
	s13 =	sadd.s32 @!p1 $0xFFFCF340, s13  }
0x18: {  	s15 =	sxor.u32 @!p1 $0xFFFFFFFF, s10;
	s14 =	smul.u32 @!p1 $0x30D40, s14;
	s16 =	sshll.u32 @!p1 s13, $0x8  }
0x19: {  	s15 =	sshll.u32 @!p1 s15, $0xD;
	p2 =	sgt.s32 @!p1 s13, $0x7F;
	s13 =	ssub.s32 @!p1 $0x8000, s16  }
0x1a: {  	s12 =	ssub.s32 @!p1 s12, s14;
	p2 =	por !p2, p1;
	s14 =	sand.u32 @!p1 $0x2000, s15  }
0x1b: {  	s15 =	simm.s32 @!p1 $0x40;
	s13 =	sshrl.u32 @!p1 s13, $0x2;
	s12 =	sshll.u32 @!p1 s12, $0x4  }
0x1c: {  	s16 =	simm.s32 @!p1 $0x80;
	s13 =	simm.s32 @!p2 $0x0;
	s12 =	sadd.s32 @!p1 s4, s12  }
0x1d: {  	[tilespmem:s14], [sflag:$0x1] =	stream.strided.gather @!p1 [hbm4b:s12+s15], s13, s16, s15, $0x38;
	[tilespmem:$0x8080] =	vst v63  }
0x1e: {  	p1 =	seq.s32 s10, $0x0  }
0x1f: {  	p2 =	sge.u32 @!p1 s10, s7  }
0x20: {  	p1 =	por p1, p2  }
.Ltmp2:
0x21: {  	_ = 	snop;
	(pc) =	sbr.rel @p1 .LBB1_5-.Ltmp2, $1  }
0x22: {  	_ =	sdelay $0x3  }
0x23: {  	p1 =	sgt.s32 s11, $0x30CC0;
	s12 =	smov.u32 s11;
	s13 =	sshra.s32 s11, $0x1F  }
0x24: {  	s12 =	simm.s32 @!p1 $0x30CC0;
	s13 =	sand.u32 s13, s11  }
0x25: {  	s12 =	ssub.s32 s12, s13  }
0x26: {  	s12 =	sadd.s32 $0xFFFCF340, s12  }
0x27: {  	s28 =	sshll.u32 s12, $0x8  }
0x28: {  	s13 =	ssub.s32 $0x8000, s28  }
0x29: {  	p1 =	sgt.s32 s12, $0x7F;
	s12 =	sshrl.u32 s13, $0x2  }
0x2a: {  	s13 =	simm.s32 $0x1;
	s12 =	simm.s32 @p1 $0x0  }
0x2b: {  	s13 =	simm.s32 @!p0 $0x0;
	_ =	swait.ge [sflag:s5], s12  }
0x2c: {  	s14 =	sshll.u32 s13, $0xD;
	s12 =	ssub.s32 $0x0, s12;
	[sflag:s5] =	ssyncset.done $0x0  }
0x2d: {  	s16 =	sor.u32 $0x20, s14;
	[sflag:s5] =	ssyncadd.s32 s12  }
0x2e: {  	s29 =	smul.u32 $0x8100, s13;
	v3 =	vld [tilespmem:s16+$0x10]  }
0x2f: {  	s30 =	sand.u32 $0x1, s10;
	v2 =	vld [tilespmem:s16+$0xFFFFFFF0]  }
0x30: {  	s13 =	smul.u32 $0x8100, s30;
	s12 =	sshrl.u32 s29, $0x2;
	v0 =	vld [tilespmem:s16+$0x0]  }
0x31: {  	s14 =	sor.u32 $0x4000, s12;
	v1 =	vld [tilespmem:s16+$0xFFFFFFE0]  }
0x32: {  	s31 =	sshrl.u32 s13, $0x2;
	s13 =	sadd.s32 $0x0, s14  }
0x33: {  	s15 =	simm.s32 $0x4;
	s12 =	sor.u32 $0x4000, s31;
	s16 =	sadd.s32 $0x40, s16;
	[tilespmem:s13+$0x1830 ss:$0x81] =	vst.msk $0xffff, v3  }
.LBB1_3:
0x34: {  	v3 =	vld [tilespmem:s16+$0x10];
	p1 =	sne.s32 s15, $0x1FC;
	[tilespmem:s13+$0x810 ss:$0x81] =	vst.msk $0xffff, v2;
	s17 =	smov.u32 s15;
	s15 =	sadd.s32 $0x4, s15  }
.Ltmp3:
0x35: {  	v2 =	vld [tilespmem:s16+$0xFFFFFFF0];
	[tilespmem:s13+$0x1020 ss:$0x81] =	vst.msk $0xffff, v0;
	(pc) =	sbr.rel @p1 .LBB1_3-.Ltmp3, $4  }
0x36: {  	v0 =	vld [tilespmem:s16+$0x0];
	[tilespmem:s13+$0x0 ss:$0x81] =	vst.msk $0xffff, v1  }
0x37: {  	s13 =	sshra.s32 s17, $0x2;
	v1 =	vld [tilespmem:s16+$0xFFFFFFE0]  }
0x38: {  	s13 =	sadd.s32 s13, s14  }
0x39: {  	s16 =	sadd.s32 $0x40, s16;
	[tilespmem:s13+$0x1830 ss:$0x81] =	vst.msk $0xffff, v3  }
0x3a: {  	s14 =	sshll.u32 s11, $0x3  }
0x3b: {  	s14 =	sand.u32 $0xFFFFFC00, s14  }
0x3c: {  	s15 =	sshrl.u32 s14, $0x7  }
0x3d: {  	s15 =	smulhi.u32 $0xA7B7EF, s15;
	_ =	sdelay $0x1  }
0x3e: {  	s15 =	sshrl.u32 s15, $0x2  }
0x3f: {  	s28 =	sand.u32 $0x7F, s11;
	s16 =	smul.u32 $0x30D80, s15  }
0x40: {  	s11 =	sor.u32 s28, s14  }
.Ltmp4:
0x41: {  	s29 =	sand.u32 $0x3F, s15;
	s11 =	ssub.s32 s11, s16;
	(pc) =	sbr.rel .LBB1_5-.Ltmp4, $4  }
0x42: {  	[tilespmem:s13+$0x810 ss:$0x81] =	vst.msk $0xffff, v2;
	s14 =	smul.u32 $0x61B0, s29;
	s30 =	sshrl.u32 s11, $0x3;
	s11 =	sand.u32 $0x7, s11  }
0x43: {  	[tilespmem:s13+$0x1020 ss:$0x81] =	vst.msk $0xffff, v0;
	s15 =	sadd.s32 s2, s30;
	s11 =	sshll.u32 s11, $0x12  }
0x44: {  	[tilespmem:s13+$0x0 ss:$0x81] =	vst.msk $0xffff, v1;
	s31 =	sadd.s32 s14, s15;
	s11 =	sor.u32 $0x400, s11  }
0x45: {  	[hbm4b:s31+s11] =	stream.strided.scatter [tilespmem:s12], [sflag:$0x2], $0x2000, s8, s11, $0x20;
	[tilespmem:$0x8080] =	vst v63  }
.LBB1_6:
0x46: {  	_ =	sfence.sel $0x180000  }
0x47: {  	s2 =	simm.s32 $0x1;
	[bflag:$0x0] =	sbarrier.arrive $0xFFFF  }
0x48: {  	s31 =	simm.s32 $0x2;
	[sflag:s2] =	ssyncpa.u1 $0x1  }
0x49: {  	[sflag:s31] =	ssyncpa.u1 $0x1  }
0x4a: {  	p0 =	sne.s32 s1, $0x0;
	_ =	strace $0x9000005F  }
0x4b: {  	s0 =	sadd.s32 @!p0 $0x100000, s0;
	[bflag:$0x2] =	sbarrier.arrive $0xFFFF  }
0x4c: {  	[sflag:s0] =	ssyncadd.tile.s32 @!p0 $0x1;
	_ =	shalt  }
.Lfunc_end1:
_tile_overlayer_lowered:
.L_overlay_start_2:
0x4d: {  	(tag) =	ssettag $0x2  }
0x4e: {  	s0 =	rddreg [dreg:$0x0];
	s2 =	stileid.u32  }
0x4f: {  	s1 =	rddreg [dreg:$0x1];
	p0 =	sne.s32 s2, $0x0  }
0x50: {  	s3 =	rddreg [dreg:$0x2];
	[bflag:$0x3] =	sbarrier.arrive $0xFFFF;
	s2 =	simm.s32 @!p0 $0x1C01  }
0x51: {  	[timem:s3], [sflag:s2] =	dma.local @!p0 [hbm:s0], s1  }
0x52: {  	s0 =	simm.s32 @!p0 $0x1  }
0x53: {  	_ =	swait.ge @!p0 [sflag:s0], s1  }
0x54: {  	s1 =	ssub.s32 @!p0 $0x0, s1;
	[sflag:s0] =	ssyncset.done @!p0 $0x0  }
0x55: {  	[sflag:s0] =	ssyncadd.s32 @!p0 s1  }
0x56: {  	[bflag:$0x3] =	sbarrier.arrive $0xFFFF  }
0x57: {  	_ =	shalt  }

</sc_bundles>
